<compile_context>
chip_gen: v7x
topology: tpu7x:2x2x1
jax: 0.10.2.dev20260603
libtpu: 0.0.44.dev20260713+nightly
codegen_flags: <defaults>
</compile_context>

<pallas_src>
import jax
import jax.numpy as jnp
from jax import lax
from jax.experimental import pallas as pl
from jax.experimental.pallas import tpu as pltpu
from jax.experimental.pallas import tpu_sc as plsc

S, HW, B, C = 16, 256, 16, 64
DEC = 16
N_TOK = S * HW
N_ROWS = N_TOK * B
OUT_ROWS = DEC * B + N_ROWS

_info = plsc.get_sparse_core_info()
NC, NS = _info.num_cores, _info.num_subcores
NW = NC * NS
ROWS_W = N_ROWS // NW
TOK_W = N_TOK // NW
CHUNK = 256
N_CHUNK = ROWS_W // CHUNK
G = 128
N_G = CHUNK // G
TOK_CHUNK = CHUNK // B
NBUF = 2


def _body(x_hbm, emb2_hbm, dec2_hbm, pos_hbm, out_hbm,
          idx_v, pos_v, rows_bufs, dec_idx_v, dec_rows_v,
          gsems, osems, dec_sem):
    wid = lax.axis_index("s") * NC + lax.axis_index("c")
    row0 = wid * ROWS_W
    tok0 = wid * TOK_W

    pltpu.sync_copy(x_hbm.at[pl.ds(row0, ROWS_W)], idx_v)

    def dbl(j, _):
        idx_v[pl.ds(j * 16, 16)] = idx_v[pl.ds(j * 16, 16)] * 2
        return 0

    lax.fori_loop(0, ROWS_W // 16, dbl, 0)

    def fire_gather(c):
        buf = rows_bufs[c % NBUF]
        cps = []
        for g in range(N_G):
            src = emb2_hbm.at[idx_v.at[pl.ds(c * CHUNK + g * G, G)]]
            cps.append(pltpu.async_copy(src, buf.at[pl.ds(g * G, G)],
                                        gsems[c % NBUF]))
        return cps

    pending_g = {0: fire_gather(0)}

    @pl.when(wid == 0)
    def _dec():
        for i in range(DEC):
            dec_idx_v[pl.ds(i * B, B)] = jnp.full((B,), 2 * i, jnp.int32)
        dcps = [pltpu.async_copy(
            dec2_hbm.at[dec_idx_v.at[pl.ds(h * G, G)]],
            dec_rows_v.at[pl.ds(h * G, G)], dec_sem) for h in range(2)]
        for cp in dcps:
            cp.wait()
        pltpu.sync_copy(dec_rows_v, out_hbm.at[pl.ds(0, DEC * B)])

    pltpu.sync_copy(pos_hbm.at[pl.ds(tok0, TOK_W)], pos_v)

    pending_o = {}
    for c in range(N_CHUNK):
        for cp in pending_g.pop(c):
            cp.wait()
        buf = rows_bufs[c % NBUF]

        def tok_add(j, _):
            for k in range(C // 16):
                p = pos_v[c * TOK_CHUNK + j, pl.ds(k * 16, 16)]
                for b in range(B):
                    plsc.addupdate(buf.at[j * B + b, pl.ds(k * 16, 16)], p)
            return 0

        lax.fori_loop(0, TOK_CHUNK, tok_add, 0)

        pending_o[c] = pltpu.async_copy(
            buf,
            out_hbm.at[pl.ds(DEC * B + row0 + c * CHUNK, CHUNK)],
            osems[c % NBUF])
        if c + 1 < N_CHUNK:
            if c - 1 in pending_o:
                pending_o.pop(c - 1).wait()
            pending_g[c + 1] = fire_gather(c + 1)

    for c in sorted(pending_o):
        pending_o[c].wait()


@jax.jit
def _embed(x_flat, emb2, dec2, pos2d):
    mesh = plsc.VectorSubcoreMesh(core_axis_name="c", subcore_axis_name="s")
    out = pl.kernel(
        _body,
        out_type=jax.ShapeDtypeStruct((OUT_ROWS, C), jnp.float32),
        mesh=mesh,
        compiler_params=pltpu.CompilerParams(use_tc_tiling_on_sc=False,
                                             needs_layout_passes=False),
        scratch_types=[
            pltpu.VMEM((ROWS_W,), jnp.int32),
            pltpu.VMEM((TOK_W, C), jnp.float32),
            [pltpu.VMEM((CHUNK, C), jnp.float32) for _ in range(NBUF)],
            pltpu.VMEM((DEC * B,), jnp.int32),
            pltpu.VMEM((DEC * B, C), jnp.float32),
            [pltpu.SemaphoreType.DMA for _ in range(NBUF)],
            [pltpu.SemaphoreType.DMA for _ in range(NBUF)],
            pltpu.SemaphoreType.DMA,
        ],
    )(x_flat, emb2, dec2, pos2d)
    return out


def kernel(x, emb_table, dec_table, pos_encoding):
    x_flat = x.reshape(-1).astype(jnp.int32)
    emb2 = jnp.pad(emb_table, ((0, 0), (0, C))).reshape(2 * 1000000, C)
    dec2 = jnp.pad(dec_table, ((0, 0), (0, C))).reshape(2 * DEC, C)
    pos2d = pos_encoding.reshape(N_TOK, C)
    out = _embed(x_flat, emb2, dec2, pos2d)
    return out.reshape(DEC + N_TOK, B, C)

# --- scband reference (transcript-rebuilt; emitter-appended) ---
"""Pipeline reference for scband-embedding-block-20504173871561 (READ-ONLY COPY).

The authoritative reference and input builder live on the scoring server;
editing this copy changes nothing except your own understanding.
"""

import jax, jax.numpy as jnp
import numpy as np

S, HW, B, C = 16, 256, 16, 64
VOCAB, DEC = 1000000, 16

def setup_inputs(seed: int = 0) -> dict:
    key = jax.random.key(seed)
    k1, k2, k3, k4 = jax.random.split(key, 4)
    x = jax.random.randint(k1, (S, HW, B), 0, VOCAB)
    emb_table = jax.random.normal(k2, (VOCAB, C), dtype=jnp.float32)
    dec_table = jax.random.normal(k3, (DEC, C), dtype=jnp.float32)
    # learned positional encoding param (single dims): [S*HW, 1, C]
    pos_encoding = jax.random.normal(k4, (S * HW, 1, C), dtype=jnp.float32) * 0.02
    return {"x": x, "emb_table": emb_table, "dec_table": dec_table, "pos_encoding": pos_encoding}

def reference(x, emb_table, dec_table, pos_encoding):
    # embedding lookup: [S, HW, B] -> [S, HW, B, C]
    e = jnp.take(emb_table, x, axis=0)
    s, hw, b, c = e.shape
    # add positional encoding (broadcast over batch)
    e = e + pos_encoding.reshape(s, hw, 1, c)
    # flatten spatial/temporal tokens
    e = e.reshape(s * hw, b, c)
    # decoder query tokens expanded over batch
    d = jnp.broadcast_to(dec_table.reshape(DEC, 1, c), (DEC, b, c))
    # concat decoder tokens before encoder tokens (dropout p=0.0 -> identity)
    out = jnp.concatenate([d, e], axis=0)
    return out

if __name__ == "__main__":
    import jax
    _d = setup_inputs()
    print(jax.jit(kernel)(*tuple(_d.values())))

</pallas_src>

<mosaic_0001>
#map = affine_map<(d0, d1) -> (0)>
#map1 = affine_map<(d0, d1) -> (0, 0)>
module attributes {stable_mosaic.version = 14 : i64} {
  func.func @_body(%arg0: i32, %arg1: i32, %arg2: memref<65536xi32, #tpu.memory_space<hbm>>, %arg3: memref<2000000x64xf32, #tpu.memory_space<hbm>>, %arg4: memref<32x64xf32, #tpu.memory_space<hbm>>, %arg5: memref<4096x64xf32, #tpu.memory_space<hbm>>, %arg6: memref<65792x64xf32, #tpu.memory_space<hbm>>, %arg7: memref<2048xi32, #tpu.memory_space<vmem>>, %arg8: memref<128x64xf32, #tpu.memory_space<vmem>>, %arg9: memref<256x64xf32, #tpu.memory_space<vmem>>, %arg10: memref<256x64xf32, #tpu.memory_space<vmem>>, %arg11: memref<256xi32, #tpu.memory_space<vmem>>, %arg12: memref<256x64xf32, #tpu.memory_space<vmem>>, %arg13: memref<!tpu.dma_semaphore, #tpu.memory_space<semaphore_mem>>, %arg14: memref<!tpu.dma_semaphore, #tpu.memory_space<semaphore_mem>>, %arg15: memref<!tpu.dma_semaphore, #tpu.memory_space<semaphore_mem>>, %arg16: memref<!tpu.dma_semaphore, #tpu.memory_space<semaphore_mem>>, %arg17: memref<!tpu.dma_semaphore, #tpu.memory_space<semaphore_mem>>) attributes {dimension_semantics = [#tpu.dimension_semantics<core_parallel>, #tpu.dimension_semantics<subcore_parallel>], iteration_bounds = array<i64: 2, 16>, scalar_prefetch = 0 : i64, scratch_operands = 11 : i64, tpu.core_type = #tpu.core_type<sc_vector_subcore>, window_params = [{transform_indices = #map}, {transform_indices = #map1}, {transform_indices = #map1}, {transform_indices = #map1}, {transform_indices = #map1}]} {
    %mul3A = arith.constant 2 : i32
    %mul3A_0 = arith.muli %arg1, %mul3A : i32
    %add3A = arith.addi %mul3A_0, %arg0 : i32
    %mul3A_1 = arith.constant 2048 : i32
    %mul3A_2 = arith.muli %add3A, %mul3A_1 : i32
    %mul3A_3 = arith.constant 128 : i32
    %mul3A_4 = arith.muli %add3A, %mul3A_3 : i32
    "tpu.region"() ({
      %run_scoped3A = tpu.sem_alloc : memref<!tpu.dma_semaphore, #tpu.memory_space<semaphore_mem>>
      %dma_start3A_419 = tpu.memref_slice %arg2[%mul3A_2] : memref<65536xi32, #tpu.memory_space<hbm>> -> memref<2048xi32, #tpu.memory_space<hbm>>
      %dma_start3A_420 = tpu.memref_slice %arg2[%mul3A_2] : memref<65536xi32, #tpu.memory_space<hbm>> -> memref<2048xi32, #tpu.memory_space<hbm>>
      tpu.enqueue_dma source(%dma_start3A_420 : memref<2048xi32, #tpu.memory_space<hbm>>) target(%arg7 : memref<2048xi32, #tpu.memory_space<vmem>>) target_semaphore(%run_scoped3A : memref<!tpu.dma_semaphore, #tpu.memory_space<semaphore_mem>>)
      %dma_wait3A_421 = tpu.memref_slice %arg2[%mul3A_2] : memref<65536xi32, #tpu.memory_space<hbm>> -> memref<2048xi32, #tpu.memory_space<hbm>>
      %dma_wait3A_422 = tpu.memref_slice %arg2[%mul3A_2] : memref<65536xi32, #tpu.memory_space<hbm>> -> memref<2048xi32, #tpu.memory_space<hbm>>
      tpu.wait_dma2 semaphore(%run_scoped3A : memref<!tpu.dma_semaphore, #tpu.memory_space<semaphore_mem>>) src(%dma_wait3A_422 : memref<2048xi32, #tpu.memory_space<hbm>>) dst(%arg7 : memref<2048xi32, #tpu.memory_space<vmem>>)
      tpu.yield
    }) : () -> ()
    %scan3A = arith.constant 0 : i32
    %scan3A_5 = arith.constant 0 : i32
    %scan3A_6 = arith.constant 128 : i32
    %scan3A_7 = arith.addi %scan3A_5, %scan3A_6 : i32
    %scan3A_8 = arith.constant 1 : i32
    %scan3A_9 = scf.for %scan3A_419 = %scan3A_5 to %scan3A_7 step %scan3A_8 iter_args(%scan3A_420 = %scan3A) -> (i32)  : i32 {
      %mul3A_421 = arith.constant 16 : i32
      %mul3A_422 = arith.muli %scan3A_419, %mul3A_421 : i32
      %get3A = arith.index_cast %mul3A_422 : i32 to index
      %get3A_423 = tpu.vector_load %arg7[%get3A] {strides = array<i32>} : memref<2048xi32, #tpu.memory_space<vmem>>, vector<16xi32>,
      %mul3A_424 = arith.constant 2 : i32
      %mul3A_425 = vector.broadcast %mul3A_424 : i32 to vector<16xi32>
      %mul3A_426 = arith.muli %get3A_423, %mul3A_425 : vector<16xi32>
      %mul3A_427 = arith.constant 16 : i32
      %mul3A_428 = arith.muli %scan3A_419, %mul3A_427 : i32
      %swap3A = arith.index_cast %mul3A_428 : i32 to index
      %swap3A_429 = tpu.vector_load %arg7[%swap3A] {strides = array<i32>} : memref<2048xi32, #tpu.memory_space<vmem>>, vector<16xi32>,
      tpu.vector_store %arg7[%swap3A], %mul3A_426 {strides = array<i32>} : memref<2048xi32, #tpu.memory_space<vmem>>, vector<16xi32>,
      %scan3A_430 = arith.constant 0 : i32
      scf.yield %scan3A_430 : i32
    }
    %scan3A_10 = arith.constant 128 : i32
    %dma_start3A = arith.constant 0 : i32
    %dma_start3A_11 = arith.constant 0 : i32
    %dma_start3A_12 = tpu.memref_slice %arg9[%dma_start3A, %dma_start3A_11] : memref<256x64xf32, #tpu.memory_space<vmem>> -> memref<128x64xf32, #tpu.memory_space<vmem>>
    %dma_start3A_13 = arith.constant 0 : i32
    %dma_start3A_14 = tpu.memref_slice %arg7[%dma_start3A_13] : memref<2048xi32, #tpu.memory_space<vmem>> -> memref<128xi32, #tpu.memory_space<vmem>>
    %dma_start3A_15 = arith.constant 0 : i32
    %dma_start3A_16 = arith.constant 0 : i32
    %dma_start3A_17 = tpu.memref_slice %arg3[%dma_start3A_15, %dma_start3A_16] : memref<2000000x64xf32, #tpu.memory_space<hbm>> -> memref<2000000x64xf32, #tpu.memory_space<hbm>>
    tpu.enqueue_indirect_dma source(%dma_start3A_17 : memref<2000000x64xf32, #tpu.memory_space<hbm>>) target(%dma_start3A_12 : memref<128x64xf32, #tpu.memory_space<vmem>>) offsets(%dma_start3A_14 : memref<128xi32, #tpu.memory_space<vmem>>) semaphore(%arg13 : memref<!tpu.dma_semaphore, #tpu.memory_space<semaphore_mem>>)
    %dma_start3A_18 = arith.constant 128 : i32
    %dma_start3A_19 = arith.constant 0 : i32
    %dma_start3A_20 = tpu.memref_slice %arg9[%dma_start3A_18, %dma_start3A_19] : memref<256x64xf32, #tpu.memory_space<vmem>> -> memref<128x64xf32, #tpu.memory_space<vmem>>
    %dma_start3A_21 = arith.constant 128 : i32
    %dma_start3A_22 = tpu.memref_slice %arg7[%dma_start3A_21] : memref<2048xi32, #tpu.memory_space<vmem>> -> memref<128xi32, #tpu.memory_space<vmem>>
    %dma_start3A_23 = arith.constant 0 : i32
    %dma_start3A_24 = arith.constant 0 : i32
    %dma_start3A_25 = tpu.memref_slice %arg3[%dma_start3A_23, %dma_start3A_24] : memref<2000000x64xf32, #tpu.memory_space<hbm>> -> memref<2000000x64xf32, #tpu.memory_space<hbm>>
    tpu.enqueue_indirect_dma source(%dma_start3A_25 : memref<2000000x64xf32, #tpu.memory_space<hbm>>) target(%dma_start3A_20 : memref<128x64xf32, #tpu.memory_space<vmem>>) offsets(%dma_start3A_22 : memref<128xi32, #tpu.memory_space<vmem>>) semaphore(%arg13 : memref<!tpu.dma_semaphore, #tpu.memory_space<semaphore_mem>>)
    %eq3A = arith.constant 0 : i32
    %eq3A_26 = arith.cmpi eq, %add3A, %eq3A : i32
    %convert_element_type3A = arith.extui %eq3A_26 : i1 to i32
    %cond3A = arith.constant 0 : i32
    %cond3A_27 = arith.cmpi ne, %convert_element_type3A, %cond3A : i32
    scf.if %cond3A_27 {
      %broadcast_in_dim3A = arith.constant 0 : i32
      %broadcast_in_dim3A_419 = vector.broadcast %broadcast_in_dim3A : i32 to vector<16xi32>
      %swap3A = arith.constant 0 : index
      %swap3A_420 = tpu.vector_load %arg11[%swap3A] {strides = array<i32>} : memref<256xi32, #tpu.memory_space<vmem>>, vector<16xi32>,
      tpu.vector_store %arg11[%swap3A], %broadcast_in_dim3A_419 {strides = array<i32>} : memref<256xi32, #tpu.memory_space<vmem>>, vector<16xi32>,
      %broadcast_in_dim3A_421 = arith.constant 2 : i32
      %broadcast_in_dim3A_422 = vector.broadcast %broadcast_in_dim3A_421 : i32 to vector<16xi32>
      %swap3A_423 = arith.constant 16 : index
      %swap3A_424 = tpu.vector_load %arg11[%swap3A_423] {strides = array<i32>} : memref<256xi32, #tpu.memory_space<vmem>>, vector<16xi32>,
      tpu.vector_store %arg11[%swap3A_423], %broadcast_in_dim3A_422 {strides = array<i32>} : memref<256xi32, #tpu.memory_space<vmem>>, vector<16xi32>,
      %broadcast_in_dim3A_425 = arith.constant 4 : i32
      %broadcast_in_dim3A_426 = vector.broadcast %broadcast_in_dim3A_425 : i32 to vector<16xi32>
      %swap3A_427 = arith.constant 32 : index
      %swap3A_428 = tpu.vector_load %arg11[%swap3A_427] {strides = array<i32>} : memref<256xi32, #tpu.memory_space<vmem>>, vector<16xi32>,
      tpu.vector_store %arg11[%swap3A_427], %broadcast_in_dim3A_426 {strides = array<i32>} : memref<256xi32, #tpu.memory_space<vmem>>, vector<16xi32>,
      %broadcast_in_dim3A_429 = arith.constant 6 : i32
      %broadcast_in_dim3A_430 = vector.broadcast %broadcast_in_dim3A_429 : i32 to vector<16xi32>
      %swap3A_431 = arith.constant 48 : index
      %swap3A_432 = tpu.vector_load %arg11[%swap3A_431] {strides = array<i32>} : memref<256xi32, #tpu.memory_space<vmem>>, vector<16xi32>,
      tpu.vector_store %arg11[%swap3A_431], %broadcast_in_dim3A_430 {strides = array<i32>} : memref<256xi32, #tpu.memory_space<vmem>>, vector<16xi32>,
      %broadcast_in_dim3A_433 = arith.constant 8 : i32
      %broadcast_in_dim3A_434 = vector.broadcast %broadcast_in_dim3A_433 : i32 to vector<16xi32>
      %swap3A_435 = arith.constant 64 : index
      %swap3A_436 = tpu.vector_load %arg11[%swap3A_435] {strides = array<i32>} : memref<256xi32, #tpu.memory_space<vmem>>, vector<16xi32>,
      tpu.vector_store %arg11[%swap3A_435], %broadcast_in_dim3A_434 {strides = array<i32>} : memref<256xi32, #tpu.memory_space<vmem>>, vector<16xi32>,
      %broadcast_in_dim3A_437 = arith.constant 10 : i32
      %broadcast_in_dim3A_438 = vector.broadcast %broadcast_in_dim3A_437 : i32 to vector<16xi32>
      %swap3A_439 = arith.constant 80 : index
      %swap3A_440 = tpu.vector_load %arg11[%swap3A_439] {strides = array<i32>} : memref<256xi32, #tpu.memory_space<vmem>>, vector<16xi32>,
      tpu.vector_store %arg11[%swap3A_439], %broadcast_in_dim3A_438 {strides = array<i32>} : memref<256xi32, #tpu.memory_space<vmem>>, vector<16xi32>,
      %broadcast_in_dim3A_441 = arith.constant 12 : i32
      %broadcast_in_dim3A_442 = vector.broadcast %broadcast_in_dim3A_441 : i32 to vector<16xi32>
      %swap3A_443 = arith.constant 96 : index
      %swap3A_444 = tpu.vector_load %arg11[%swap3A_443] {strides = array<i32>} : memref<256xi32, #tpu.memory_space<vmem>>, vector<16xi32>,
      tpu.vector_store %arg11[%swap3A_443], %broadcast_in_dim3A_442 {strides = array<i32>} : memref<256xi32, #tpu.memory_space<vmem>>, vector<16xi32>,
      %broadcast_in_dim3A_445 = arith.constant 14 : i32
      %broadcast_in_dim3A_446 = vector.broadcast %broadcast_in_dim3A_445 : i32 to vector<16xi32>
      %swap3A_447 = arith.constant 112 : index
      %swap3A_448 = tpu.vector_load %arg11[%swap3A_447] {strides = array<i32>} : memref<256xi32, #tpu.memory_space<vmem>>, vector<16xi32>,
      tpu.vector_store %arg11[%swap3A_447], %broadcast_in_dim3A_446 {strides = array<i32>} : memref<256xi32, #tpu.memory_space<vmem>>, vector<16xi32>,
      %broadcast_in_dim3A_449 = arith.constant 16 : i32
      %broadcast_in_dim3A_450 = vector.broadcast %broadcast_in_dim3A_449 : i32 to vector<16xi32>
      %swap3A_451 = arith.constant 128 : index
      %swap3A_452 = tpu.vector_load %arg11[%swap3A_451] {strides = array<i32>} : memref<256xi32, #tpu.memory_space<vmem>>, vector<16xi32>,
      tpu.vector_store %arg11[%swap3A_451], %broadcast_in_dim3A_450 {strides = array<i32>} : memref<256xi32, #tpu.memory_space<vmem>>, vector<16xi32>,
      %broadcast_in_dim3A_453 = arith.constant 18 : i32
      %broadcast_in_dim3A_454 = vector.broadcast %broadcast_in_dim3A_453 : i32 to vector<16xi32>
      %swap3A_455 = arith.constant 144 : index
      %swap3A_456 = tpu.vector_load %arg11[%swap3A_455] {strides = array<i32>} : memref<256xi32, #tpu.memory_space<vmem>>, vector<16xi32>,
      tpu.vector_store %arg11[%swap3A_455], %broadcast_in_dim3A_454 {strides = array<i32>} : memref<256xi32, #tpu.memory_space<vmem>>, vector<16xi32>,
      %broadcast_in_dim3A_457 = arith.constant 20 : i32
      %broadcast_in_dim3A_458 = vector.broadcast %broadcast_in_dim3A_457 : i32 to vector<16xi32>
      %swap3A_459 = arith.constant 160 : index
      %swap3A_460 = tpu.vector_load %arg11[%swap3A_459] {strides = array<i32>} : memref<256xi32, #tpu.memory_space<vmem>>, vector<16xi32>,
      tpu.vector_store %arg11[%swap3A_459], %broadcast_in_dim3A_458 {strides = array<i32>} : memref<256xi32, #tpu.memory_space<vmem>>, vector<16xi32>,
      %broadcast_in_dim3A_461 = arith.constant 22 : i32
      %broadcast_in_dim3A_462 = vector.broadcast %broadcast_in_dim3A_461 : i32 to vector<16xi32>
      %swap3A_463 = arith.constant 176 : index
      %swap3A_464 = tpu.vector_load %arg11[%swap3A_463] {strides = array<i32>} : memref<256xi32, #tpu.memory_space<vmem>>, vector<16xi32>,
      tpu.vector_store %arg11[%swap3A_463], %broadcast_in_dim3A_462 {strides = array<i32>} : memref<256xi32, #tpu.memory_space<vmem>>, vector<16xi32>,
      %broadcast_in_dim3A_465 = arith.constant 24 : i32
      %broadcast_in_dim3A_466 = vector.broadcast %broadcast_in_dim3A_465 : i32 to vector<16xi32>
      %swap3A_467 = arith.constant 192 : index
      %swap3A_468 = tpu.vector_load %arg11[%swap3A_467] {strides = array<i32>} : memref<256xi32, #tpu.memory_space<vmem>>, vector<16xi32>,
      tpu.vector_store %arg11[%swap3A_467], %broadcast_in_dim3A_466 {strides = array<i32>} : memref<256xi32, #tpu.memory_space<vmem>>, vector<16xi32>,
      %broadcast_in_dim3A_469 = arith.constant 26 : i32
      %broadcast_in_dim3A_470 = vector.broadcast %broadcast_in_dim3A_469 : i32 to vector<16xi32>
      %swap3A_471 = arith.constant 208 : index
      %swap3A_472 = tpu.vector_load %arg11[%swap3A_471] {strides = array<i32>} : memref<256xi32, #tpu.memory_space<vmem>>, vector<16xi32>,
      tpu.vector_store %arg11[%swap3A_471], %broadcast_in_dim3A_470 {strides = array<i32>} : memref<256xi32, #tpu.memory_space<vmem>>, vector<16xi32>,
      %broadcast_in_dim3A_473 = arith.constant 28 : i32
      %broadcast_in_dim3A_474 = vector.broadcast %broadcast_in_dim3A_473 : i32 to vector<16xi32>
      %swap3A_475 = arith.constant 224 : index
      %swap3A_476 = tpu.vector_load %arg11[%swap3A_475] {strides = array<i32>} : memref<256xi32, #tpu.memory_space<vmem>>, vector<16xi32>,
      tpu.vector_store %arg11[%swap3A_475], %broadcast_in_dim3A_474 {strides = array<i32>} : memref<256xi32, #tpu.memory_space<vmem>>, vector<16xi32>,
      %broadcast_in_dim3A_477 = arith.constant 30 : i32
      %broadcast_in_dim3A_478 = vector.broadcast %broadcast_in_dim3A_477 : i32 to vector<16xi32>
      %swap3A_479 = arith.constant 240 : index
      %swap3A_480 = tpu.vector_load %arg11[%swap3A_479] {strides = array<i32>} : memref<256xi32, #tpu.memory_space<vmem>>, vector<16xi32>,
      tpu.vector_store %arg11[%swap3A_479], %broadcast_in_dim3A_478 {strides = array<i32>} : memref<256xi32, #tpu.memory_space<vmem>>, vector<16xi32>,
      %dma_start3A_481 = arith.constant 0 : i32
      %dma_start3A_482 = arith.constant 0 : i32
      %dma_start3A_483 = tpu.memref_slice %arg12[%dma_start3A_481, %dma_start3A_482] : memref<256x64xf32, #tpu.memory_space<vmem>> -> memref<128x64xf32, #tpu.memory_space<vmem>>
      %dma_start3A_484 = arith.constant 0 : i32
      %dma_start3A_485 = tpu.memref_slice %arg11[%dma_start3A_484] : memref<256xi32, #tpu.memory_space<vmem>> -> memref<128xi32, #tpu.memory_space<vmem>>
      %dma_start3A_486 = arith.constant 0 : i32
      %dma_start3A_487 = arith.constant 0 : i32
      %dma_start3A_488 = tpu.memref_slice %arg4[%dma_start3A_486, %dma_start3A_487] : memref<32x64xf32, #tpu.memory_space<hbm>> -> memref<32x64xf32, #tpu.memory_space<hbm>>
      tpu.enqueue_indirect_dma source(%dma_start3A_488 : memref<32x64xf32, #tpu.memory_space<hbm>>) target(%dma_start3A_483 : memref<128x64xf32, #tpu.memory_space<vmem>>) offsets(%dma_start3A_485 : memref<128xi32, #tpu.memory_space<vmem>>) semaphore(%arg17 : memref<!tpu.dma_semaphore, #tpu.memory_space<semaphore_mem>>)
      %dma_start3A_489 = arith.constant 128 : i32
      %dma_start3A_490 = arith.constant 0 : i32
      %dma_start3A_491 = tpu.memref_slice %arg12[%dma_start3A_489, %dma_start3A_490] : memref<256x64xf32, #tpu.memory_space<vmem>> -> memref<128x64xf32, #tpu.memory_space<vmem>>
      %dma_start3A_492 = arith.constant 128 : i32
      %dma_start3A_493 = tpu.memref_slice %arg11[%dma_start3A_492] : memref<256xi32, #tpu.memory_space<vmem>> -> memref<128xi32, #tpu.memory_space<vmem>>
      %dma_start3A_494 = arith.constant 0 : i32
      %dma_start3A_495 = arith.constant 0 : i32
      %dma_start3A_496 = tpu.memref_slice %arg4[%dma_start3A_494, %dma_start3A_495] : memref<32x64xf32, #tpu.memory_space<hbm>> -> memref<32x64xf32, #tpu.memory_space<hbm>>
      tpu.enqueue_indirect_dma source(%dma_start3A_496 : memref<32x64xf32, #tpu.memory_space<hbm>>) target(%dma_start3A_491 : memref<128x64xf32, #tpu.memory_space<vmem>>) offsets(%dma_start3A_493 : memref<128xi32, #tpu.memory_space<vmem>>) semaphore(%arg17 : memref<!tpu.dma_semaphore, #tpu.memory_space<semaphore_mem>>)
      %dma_wait3A_497 = arith.constant 0 : i32
      %dma_wait3A_498 = arith.constant 0 : i32
      %dma_wait3A_499 = tpu.memref_slice %arg12[%dma_wait3A_497, %dma_wait3A_498] : memref<256x64xf32, #tpu.memory_space<vmem>> -> memref<128x64xf32, #tpu.memory_space<vmem>>
      %dma_wait3A_500 = arith.constant 0 : i32
      %dma_wait3A_501 = tpu.memref_slice %arg11[%dma_wait3A_500] : memref<256xi32, #tpu.memory_space<vmem>> -> memref<128xi32, #tpu.memory_space<vmem>>
      %dma_wait3A_502 = arith.constant 0 : i32
      %dma_wait3A_503 = arith.constant 0 : i32
      %dma_wait3A_504 = tpu.memref_slice %arg4[%dma_wait3A_502, %dma_wait3A_503] : memref<32x64xf32, #tpu.memory_space<hbm>> -> memref<32x64xf32, #tpu.memory_space<hbm>>
      tpu.wait_indirect_dma semaphore(%arg17 : memref<!tpu.dma_semaphore, #tpu.memory_space<semaphore_mem>>) src(%dma_wait3A_504 : memref<32x64xf32, #tpu.memory_space<hbm>>) dst(%dma_wait3A_499 : memref<128x64xf32, #tpu.memory_space<vmem>>)
      %dma_wait3A_505 = arith.constant 128 : i32
      %dma_wait3A_506 = arith.constant 0 : i32
      %dma_wait3A_507 = tpu.memref_slice %arg12[%dma_wait3A_505, %dma_wait3A_506] : memref<256x64xf32, #tpu.memory_space<vmem>> -> memref<128x64xf32, #tpu.memory_space<vmem>>
      %dma_wait3A_508 = arith.constant 128 : i32
      %dma_wait3A_509 = tpu.memref_slice %arg11[%dma_wait3A_508] : memref<256xi32, #tpu.memory_space<vmem>> -> memref<128xi32, #tpu.memory_space<vmem>>
      %dma_wait3A_510 = arith.constant 0 : i32
      %dma_wait3A_511 = arith.constant 0 : i32
      %dma_wait3A_512 = tpu.memref_slice %arg4[%dma_wait3A_510, %dma_wait3A_511] : memref<32x64xf32, #tpu.memory_space<hbm>> -> memref<32x64xf32, #tpu.memory_space<hbm>>
      tpu.wait_indirect_dma semaphore(%arg17 : memref<!tpu.dma_semaphore, #tpu.memory_space<semaphore_mem>>) src(%dma_wait3A_512 : memref<32x64xf32, #tpu.memory_space<hbm>>) dst(%dma_wait3A_507 : memref<128x64xf32, #tpu.memory_space<vmem>>)
      "tpu.region"() ({
        %run_scoped3A = tpu.sem_alloc : memref<!tpu.dma_semaphore, #tpu.memory_space<semaphore_mem>>
        %dma_start3A_513 = arith.constant 0 : i32
        %dma_start3A_514 = arith.constant 0 : i32
        %dma_start3A_515 = tpu.memref_slice %arg6[%dma_start3A_513, %dma_start3A_514] : memref<65792x64xf32, #tpu.memory_space<hbm>> -> memref<256x64xf32, #tpu.memory_space<hbm>>
        %dma_start3A_516 = arith.constant 0 : i32
        %dma_start3A_517 = arith.constant 0 : i32
        %dma_start3A_518 = tpu.memref_slice %arg6[%dma_start3A_516, %dma_start3A_517] : memref<65792x64xf32, #tpu.memory_space<hbm>> -> memref<256x64xf32, #tpu.memory_space<hbm>>
        tpu.enqueue_dma source(%arg12 : memref<256x64xf32, #tpu.memory_space<vmem>>) target(%dma_start3A_518 : memref<256x64xf32, #tpu.memory_space<hbm>>) target_semaphore(%run_scoped3A : memref<!tpu.dma_semaphore, #tpu.memory_space<semaphore_mem>>)
        %dma_wait3A_519 = arith.constant 0 : i32
        %dma_wait3A_520 = arith.constant 0 : i32
        %dma_wait3A_521 = tpu.memref_slice %arg6[%dma_wait3A_519, %dma_wait3A_520] : memref<65792x64xf32, #tpu.memory_space<hbm>> -> memref<256x64xf32, #tpu.memory_space<hbm>>
        %dma_wait3A_522 = arith.constant 0 : i32
        %dma_wait3A_523 = arith.constant 0 : i32
        %dma_wait3A_524 = tpu.memref_slice %arg6[%dma_wait3A_522, %dma_wait3A_523] : memref<65792x64xf32, #tpu.memory_space<hbm>> -> memref<256x64xf32, #tpu.memory_space<hbm>>
        tpu.wait_dma2 semaphore(%run_scoped3A : memref<!tpu.dma_semaphore, #tpu.memory_space<semaphore_mem>>) src(%arg12 : memref<256x64xf32, #tpu.memory_space<vmem>>) dst(%dma_wait3A_524 : memref<256x64xf32, #tpu.memory_space<hbm>>)
        tpu.yield
      }) : () -> ()
    } else {
    }
    "tpu.region"() ({
      %run_scoped3A = tpu.sem_alloc : memref<!tpu.dma_semaphore, #tpu.memory_space<semaphore_mem>>
      %dma_start3A_419 = arith.constant 0 : i32
      %dma_start3A_420 = tpu.memref_slice %arg5[%mul3A_4, %dma_start3A_419] : memref<4096x64xf32, #tpu.memory_space<hbm>> -> memref<128x64xf32, #tpu.memory_space<hbm>>
      %dma_start3A_421 = arith.constant 0 : i32
      %dma_start3A_422 = tpu.memref_slice %arg5[%mul3A_4, %dma_start3A_421] : memref<4096x64xf32, #tpu.memory_space<hbm>> -> memref<128x64xf32, #tpu.memory_space<hbm>>
      tpu.enqueue_dma source(%dma_start3A_422 : memref<128x64xf32, #tpu.memory_space<hbm>>) target(%arg8 : memref<128x64xf32, #tpu.memory_space<vmem>>) target_semaphore(%run_scoped3A : memref<!tpu.dma_semaphore, #tpu.memory_space<semaphore_mem>>)
      %dma_wait3A_423 = arith.constant 0 : i32
      %dma_wait3A_424 = tpu.memref_slice %arg5[%mul3A_4, %dma_wait3A_423] : memref<4096x64xf32, #tpu.memory_space<hbm>> -> memref<128x64xf32, #tpu.memory_space<hbm>>
      %dma_wait3A_425 = arith.constant 0 : i32
      %dma_wait3A_426 = tpu.memref_slice %arg5[%mul3A_4, %dma_wait3A_425] : memref<4096x64xf32, #tpu.memory_space<hbm>> -> memref<128x64xf32, #tpu.memory_space<hbm>>
      tpu.wait_dma2 semaphore(%run_scoped3A : memref<!tpu.dma_semaphore, #tpu.memory_space<semaphore_mem>>) src(%dma_wait3A_426 : memref<128x64xf32, #tpu.memory_space<hbm>>) dst(%arg8 : memref<128x64xf32, #tpu.memory_space<vmem>>)
      tpu.yield
    }) : () -> ()
    %dma_wait3A = arith.constant 0 : i32
    %dma_wait3A_28 = arith.constant 0 : i32
    %dma_wait3A_29 = tpu.memref_slice %arg9[%dma_wait3A, %dma_wait3A_28] : memref<256x64xf32, #tpu.memory_space<vmem>> -> memref<128x64xf32, #tpu.memory_space<vmem>>
    %dma_wait3A_30 = arith.constant 0 : i32
    %dma_wait3A_31 = tpu.memref_slice %arg7[%dma_wait3A_30] : memref<2048xi32, #tpu.memory_space<vmem>> -> memref<128xi32, #tpu.memory_space<vmem>>
    %dma_wait3A_32 = arith.constant 0 : i32
    %dma_wait3A_33 = arith.constant 0 : i32
    %dma_wait3A_34 = tpu.memref_slice %arg3[%dma_wait3A_32, %dma_wait3A_33] : memref<2000000x64xf32, #tpu.memory_space<hbm>> -> memref<2000000x64xf32, #tpu.memory_space<hbm>>
    tpu.wait_indirect_dma semaphore(%arg13 : memref<!tpu.dma_semaphore, #tpu.memory_space<semaphore_mem>>) src(%dma_wait3A_34 : memref<2000000x64xf32, #tpu.memory_space<hbm>>) dst(%dma_wait3A_29 : memref<128x64xf32, #tpu.memory_space<vmem>>)
    %dma_wait3A_35 = arith.constant 128 : i32
    %dma_wait3A_36 = arith.constant 0 : i32
    %dma_wait3A_37 = tpu.memref_slice %arg9[%dma_wait3A_35, %dma_wait3A_36] : memref<256x64xf32, #tpu.memory_space<vmem>> -> memref<128x64xf32, #tpu.memory_space<vmem>>
    %dma_wait3A_38 = arith.constant 128 : i32
    %dma_wait3A_39 = tpu.memref_slice %arg7[%dma_wait3A_38] : memref<2048xi32, #tpu.memory_space<vmem>> -> memref<128xi32, #tpu.memory_space<vmem>>
    %dma_wait3A_40 = arith.constant 0 : i32
    %dma_wait3A_41 = arith.constant 0 : i32
    %dma_wait3A_42 = tpu.memref_slice %arg3[%dma_wait3A_40, %dma_wait3A_41] : memref<2000000x64xf32, #tpu.memory_space<hbm>> -> memref<2000000x64xf32, #tpu.memory_space<hbm>>
    tpu.wait_indirect_dma semaphore(%arg13 : memref<!tpu.dma_semaphore, #tpu.memory_space<semaphore_mem>>) src(%dma_wait3A_42 : memref<2000000x64xf32, #tpu.memory_space<hbm>>) dst(%dma_wait3A_37 : memref<128x64xf32, #tpu.memory_space<vmem>>)
    %scan3A_43 = arith.constant 0 : i32
    %scan3A_44 = arith.constant 0 : i32
    %scan3A_45 = arith.constant 16 : i32
    %scan3A_46 = arith.addi %scan3A_44, %scan3A_45 : i32
    %scan3A_47 = arith.constant 1 : i32
    %scan3A_48 = scf.for %scan3A_419 = %scan3A_44 to %scan3A_46 step %scan3A_47 iter_args(%scan3A_420 = %scan3A_43) -> (i32)  : i32 {
      %add3A_421 = arith.constant 0 : i32
      %add3A_422 = arith.addi %add3A_421, %scan3A_419 : i32
      %get3A = arith.index_cast %add3A_422 : i32 to index
      %get3A_423 = arith.constant 0 : index
      %get3A_424 = tpu.vector_load %arg8[%get3A, %get3A_423] {strides = array<i32>} : memref<128x64xf32, #tpu.memory_space<vmem>>, vector<16xf32>,
      %mul3A_425 = arith.constant 16 : i32
      %mul3A_426 = arith.muli %scan3A_419, %mul3A_425 : i32
      %add3A_427 = arith.constant 0 : i32
      %add3A_428 = arith.addi %mul3A_426, %add3A_427 : i32
      %swap3A = arith.index_cast %add3A_428 : i32 to index
      %swap3A_429 = arith.constant 0 : index
      %swap3A_430 = tpu.vector_load %arg9[%swap3A, %swap3A_429] {strides = array<i32>} : memref<256x64xf32, #tpu.memory_space<vmem>>, vector<16xf32>,
      tpu.vector_store %arg9[%swap3A, %swap3A_429], %get3A_424 {add = true, strides = array<i32>} : memref<256x64xf32, #tpu.memory_space<vmem>>, vector<16xf32>,
      %mul3A_431 = arith.constant 16 : i32
      %mul3A_432 = arith.muli %scan3A_419, %mul3A_431 : i32
      %add3A_433 = arith.constant 1 : i32
      %add3A_434 = arith.addi %mul3A_432, %add3A_433 : i32
      %swap3A_435 = arith.index_cast %add3A_434 : i32 to index
      %swap3A_436 = arith.constant 0 : index
      %swap3A_437 = tpu.vector_load %arg9[%swap3A_435, %swap3A_436] {strides = array<i32>} : memref<256x64xf32, #tpu.memory_space<vmem>>, vector<16xf32>,
      tpu.vector_store %arg9[%swap3A_435, %swap3A_436], %get3A_424 {add = true, strides = array<i32>} : memref<256x64xf32, #tpu.memory_space<vmem>>, vector<16xf32>,
      %mul3A_438 = arith.constant 16 : i32
      %mul3A_439 = arith.muli %scan3A_419, %mul3A_438 : i32
      %add3A_440 = arith.constant 2 : i32
      %add3A_441 = arith.addi %mul3A_439, %add3A_440 : i32
      %swap3A_442 = arith.index_cast %add3A_441 : i32 to index
      %swap3A_443 = arith.constant 0 : index
      %swap3A_444 = tpu.vector_load %arg9[%swap3A_442, %swap3A_443] {strides = array<i32>} : memref<256x64xf32, #tpu.memory_space<vmem>>, vector<16xf32>,
      tpu.vector_store %arg9[%swap3A_442, %swap3A_443], %get3A_424 {add = true, strides = array<i32>} : memref<256x64xf32, #tpu.memory_space<vmem>>, vector<16xf32>,
      %mul3A_445 = arith.constant 16 : i32
      %mul3A_446 = arith.muli %scan3A_419, %mul3A_445 : i32
      %add3A_447 = arith.constant 3 : i32
      %add3A_448 = arith.addi %mul3A_446, %add3A_447 : i32
      %swap3A_449 = arith.index_cast %add3A_448 : i32 to index
      %swap3A_450 = arith.constant 0 : index
      %swap3A_451 = tpu.vector_load %arg9[%swap3A_449, %swap3A_450] {strides = array<i32>} : memref<256x64xf32, #tpu.memory_space<vmem>>, vector<16xf32>,
      tpu.vector_store %arg9[%swap3A_449, %swap3A_450], %get3A_424 {add = true, strides = array<i32>} : memref<256x64xf32, #tpu.memory_space<vmem>>, vector<16xf32>,
      %mul3A_452 = arith.constant 16 : i32
      %mul3A_453 = arith.muli %scan3A_419, %mul3A_452 : i32
      %add3A_454 = arith.constant 4 : i32
      %add3A_455 = arith.addi %mul3A_453, %add3A_454 : i32
      %swap3A_456 = arith.index_cast %add3A_455 : i32 to index
      %swap3A_457 = arith.constant 0 : index
      %swap3A_458 = tpu.vector_load %arg9[%swap3A_456, %swap3A_457] {strides = array<i32>} : memref<256x64xf32, #tpu.memory_space<vmem>>, vector<16xf32>,
      tpu.vector_store %arg9[%swap3A_456, %swap3A_457], %get3A_424 {add = true, strides = array<i32>} : memref<256x64xf32, #tpu.memory_space<vmem>>, vector<16xf32>,
      %mul3A_459 = arith.constant 16 : i32
      %mul3A_460 = arith.muli %scan3A_419, %mul3A_459 : i32
      %add3A_461 = arith.constant 5 : i32
      %add3A_462 = arith.addi %mul3A_460, %add3A_461 : i32
      %swap3A_463 = arith.index_cast %add3A_462 : i32 to index
      %swap3A_464 = arith.constant 0 : index
      %swap3A_465 = tpu.vector_load %arg9[%swap3A_463, %swap3A_464] {strides = array<i32>} : memref<256x64xf32, #tpu.memory_space<vmem>>, vector<16xf32>,
      tpu.vector_store %arg9[%swap3A_463, %swap3A_464], %get3A_424 {add = true, strides = array<i32>} : memref<256x64xf32, #tpu.memory_space<vmem>>, vector<16xf32>,
      %mul3A_466 = arith.constant 16 : i32
      %mul3A_467 = arith.muli %scan3A_419, %mul3A_466 : i32
      %add3A_468 = arith.constant 6 : i32
      %add3A_469 = arith.addi %mul3A_467, %add3A_468 : i32
      %swap3A_470 = arith.index_cast %add3A_469 : i32 to index
      %swap3A_471 = arith.constant 0 : index
      %swap3A_472 = tpu.vector_load %arg9[%swap3A_470, %swap3A_471] {strides = array<i32>} : memref<256x64xf32, #tpu.memory_space<vmem>>, vector<16xf32>,
      tpu.vector_store %arg9[%swap3A_470, %swap3A_471], %get3A_424 {add = true, strides = array<i32>} : memref<256x64xf32, #tpu.memory_space<vmem>>, vector<16xf32>,
      %mul3A_473 = arith.constant 16 : i32
      %mul3A_474 = arith.muli %scan3A_419, %mul3A_473 : i32
      %add3A_475 = arith.constant 7 : i32
      %add3A_476 = arith.addi %mul3A_474, %add3A_475 : i32
      %swap3A_477 = arith.index_cast %add3A_476 : i32 to index
      %swap3A_478 = arith.constant 0 : index
      %swap3A_479 = tpu.vector_load %arg9[%swap3A_477, %swap3A_478] {strides = array<i32>} : memref<256x64xf32, #tpu.memory_space<vmem>>, vector<16xf32>,
      tpu.vector_store %arg9[%swap3A_477, %swap3A_478], %get3A_424 {add = true, strides = array<i32>} : memref<256x64xf32, #tpu.memory_space<vmem>>, vector<16xf32>,
      %mul3A_480 = arith.constant 16 : i32
      %mul3A_481 = arith.muli %scan3A_419, %mul3A_480 : i32
      %add3A_482 = arith.constant 8 : i32
      %add3A_483 = arith.addi %mul3A_481, %add3A_482 : i32
      %swap3A_484 = arith.index_cast %add3A_483 : i32 to index
      %swap3A_485 = arith.constant 0 : index
      %swap3A_486 = tpu.vector_load %arg9[%swap3A_484, %swap3A_485] {strides = array<i32>} : memref<256x64xf32, #tpu.memory_space<vmem>>, vector<16xf32>,
      tpu.vector_store %arg9[%swap3A_484, %swap3A_485], %get3A_424 {add = true, strides = array<i32>} : memref<256x64xf32, #tpu.memory_space<vmem>>, vector<16xf32>,
      %mul3A_487 = arith.constant 16 : i32
      %mul3A_488 = arith.muli %scan3A_419, %mul3A_487 : i32
      %add3A_489 = arith.constant 9 : i32
      %add3A_490 = arith.addi %mul3A_488, %add3A_489 : i32
      %swap3A_491 = arith.index_cast %add3A_490 : i32 to index
      %swap3A_492 = arith.constant 0 : index
      %swap3A_493 = tpu.vector_load %arg9[%swap3A_491, %swap3A_492] {strides = array<i32>} : memref<256x64xf32, #tpu.memory_space<vmem>>, vector<16xf32>,
      tpu.vector_store %arg9[%swap3A_491, %swap3A_492], %get3A_424 {add = true, strides = array<i32>} : memref<256x64xf32, #tpu.memory_space<vmem>>, vector<16xf32>,
      %mul3A_494 = arith.constant 16 : i32
      %mul3A_495 = arith.muli %scan3A_419, %mul3A_494 : i32
      %add3A_496 = arith.constant 10 : i32
      %add3A_497 = arith.addi %mul3A_495, %add3A_496 : i32
      %swap3A_498 = arith.index_cast %add3A_497 : i32 to index
      %swap3A_499 = arith.constant 0 : index
      %swap3A_500 = tpu.vector_load %arg9[%swap3A_498, %swap3A_499] {strides = array<i32>} : memref<256x64xf32, #tpu.memory_space<vmem>>, vector<16xf32>,
      tpu.vector_store %arg9[%swap3A_498, %swap3A_499], %get3A_424 {add = true, strides = array<i32>} : memref<256x64xf32, #tpu.memory_space<vmem>>, vector<16xf32>,
      %mul3A_501 = arith.constant 16 : i32
      %mul3A_502 = arith.muli %scan3A_419, %mul3A_501 : i32
      %add3A_503 = arith.constant 11 : i32
      %add3A_504 = arith.addi %mul3A_502, %add3A_503 : i32
      %swap3A_505 = arith.index_cast %add3A_504 : i32 to index
      %swap3A_506 = arith.constant 0 : index
      %swap3A_507 = tpu.vector_load %arg9[%swap3A_505, %swap3A_506] {strides = array<i32>} : memref<256x64xf32, #tpu.memory_space<vmem>>, vector<16xf32>,
      tpu.vector_store %arg9[%swap3A_505, %swap3A_506], %get3A_424 {add = true, strides = array<i32>} : memref<256x64xf32, #tpu.memory_space<vmem>>, vector<16xf32>,
      %mul3A_508 = arith.constant 16 : i32
      %mul3A_509 = arith.muli %scan3A_419, %mul3A_508 : i32
      %add3A_510 = arith.constant 12 : i32
      %add3A_511 = arith.addi %mul3A_509, %add3A_510 : i32
      %swap3A_512 = arith.index_cast %add3A_511 : i32 to index
      %swap3A_513 = arith.constant 0 : index
      %swap3A_514 = tpu.vector_load %arg9[%swap3A_512, %swap3A_513] {strides = array<i32>} : memref<256x64xf32, #tpu.memory_space<vmem>>, vector<16xf32>,
      tpu.vector_store %arg9[%swap3A_512, %swap3A_513], %get3A_424 {add = true, strides = array<i32>} : memref<256x64xf32, #tpu.memory_space<vmem>>, vector<16xf32>,
      %mul3A_515 = arith.constant 16 : i32
      %mul3A_516 = arith.muli %scan3A_419, %mul3A_515 : i32
      %add3A_517 = arith.constant 13 : i32
      %add3A_518 = arith.addi %mul3A_516, %add3A_517 : i32
      %swap3A_519 = arith.index_cast %add3A_518 : i32 to index
      %swap3A_520 = arith.constant 0 : index
      %swap3A_521 = tpu.vector_load %arg9[%swap3A_519, %swap3A_520] {strides = array<i32>} : memref<256x64xf32, #tpu.memory_space<vmem>>, vector<16xf32>,
      tpu.vector_store %arg9[%swap3A_519, %swap3A_520], %get3A_424 {add = true, strides = array<i32>} : memref<256x64xf32, #tpu.memory_space<vmem>>, vector<16xf32>,
      %mul3A_522 = arith.constant 16 : i32
      %mul3A_523 = arith.muli %scan3A_419, %mul3A_522 : i32
      %add3A_524 = arith.constant 14 : i32
      %add3A_525 = arith.addi %mul3A_523, %add3A_524 : i32
      %swap3A_526 = arith.index_cast %add3A_525 : i32 to index
      %swap3A_527 = arith.constant 0 : index
      %swap3A_528 = tpu.vector_load %arg9[%swap3A_526, %swap3A_527] {strides = array<i32>} : memref<256x64xf32, #tpu.memory_space<vmem>>, vector<16xf32>,
      tpu.vector_store %arg9[%swap3A_526, %swap3A_527], %get3A_424 {add = true, strides = array<i32>} : memref<256x64xf32, #tpu.memory_space<vmem>>, vector<16xf32>,
      %mul3A_529 = arith.constant 16 : i32
      %mul3A_530 = arith.muli %scan3A_419, %mul3A_529 : i32
      %add3A_531 = arith.constant 15 : i32
      %add3A_532 = arith.addi %mul3A_530, %add3A_531 : i32
      %swap3A_533 = arith.index_cast %add3A_532 : i32 to index
      %swap3A_534 = arith.constant 0 : index
      %swap3A_535 = tpu.vector_load %arg9[%swap3A_533, %swap3A_534] {strides = array<i32>} : memref<256x64xf32, #tpu.memory_space<vmem>>, vector<16xf32>,
      tpu.vector_store %arg9[%swap3A_533, %swap3A_534], %get3A_424 {add = true, strides = array<i32>} : memref<256x64xf32, #tpu.memory_space<vmem>>, vector<16xf32>,
      %add3A_536 = arith.constant 0 : i32
      %add3A_537 = arith.addi %add3A_536, %scan3A_419 : i32
      %get3A_538 = arith.index_cast %add3A_537 : i32 to index
      %get3A_539 = arith.constant 16 : index
      %get3A_540 = tpu.vector_load %arg8[%get3A_538, %get3A_539] {strides = array<i32>} : memref<128x64xf32, #tpu.memory_space<vmem>>, vector<16xf32>,
      %mul3A_541 = arith.constant 16 : i32
      %mul3A_542 = arith.muli %scan3A_419, %mul3A_541 : i32
      %add3A_543 = arith.constant 0 : i32
      %add3A_544 = arith.addi %mul3A_542, %add3A_543 : i32
      %swap3A_545 = arith.index_cast %add3A_544 : i32 to index
      %swap3A_546 = arith.constant 16 : index
      %swap3A_547 = tpu.vector_load %arg9[%swap3A_545, %swap3A_546] {strides = array<i32>} : memref<256x64xf32, #tpu.memory_space<vmem>>, vector<16xf32>,
      tpu.vector_store %arg9[%swap3A_545, %swap3A_546], %get3A_540 {add = true, strides = array<i32>} : memref<256x64xf32, #tpu.memory_space<vmem>>, vector<16xf32>,
      %mul3A_548 = arith.constant 16 : i32
      %mul3A_549 = arith.muli %scan3A_419, %mul3A_548 : i32
      %add3A_550 = arith.constant 1 : i32
      %add3A_551 = arith.addi %mul3A_549, %add3A_550 : i32
      %swap3A_552 = arith.index_cast %add3A_551 : i32 to index
      %swap3A_553 = arith.constant 16 : index
      %swap3A_554 = tpu.vector_load %arg9[%swap3A_552, %swap3A_553] {strides = array<i32>} : memref<256x64xf32, #tpu.memory_space<vmem>>, vector<16xf32>,
      tpu.vector_store %arg9[%swap3A_552, %swap3A_553], %get3A_540 {add = true, strides = array<i32>} : memref<256x64xf32, #tpu.memory_space<vmem>>, vector<16xf32>,
      %mul3A_555 = arith.constant 16 : i32
      %mul3A_556 = arith.muli %scan3A_419, %mul3A_555 : i32
      %add3A_557 = arith.constant 2 : i32
      %add3A_558 = arith.addi %mul3A_556, %add3A_557 : i32
      %swap3A_559 = arith.index_cast %add3A_558 : i32 to index
      %swap3A_560 = arith.constant 16 : index
      %swap3A_561 = tpu.vector_load %arg9[%swap3A_559, %swap3A_560] {strides = array<i32>} : memref<256x64xf32, #tpu.memory_space<vmem>>, vector<16xf32>,
      tpu.vector_store %arg9[%swap3A_559, %swap3A_560], %get3A_540 {add = true, strides = array<i32>} : memref<256x64xf32, #tpu.memory_space<vmem>>, vector<16xf32>,
      %mul3A_562 = arith.constant 16 : i32
      %mul3A_563 = arith.muli %scan3A_419, %mul3A_562 : i32
      %add3A_564 = arith.constant 3 : i32
      %add3A_565 = arith.addi %mul3A_563, %add3A_564 : i32
      %swap3A_566 = arith.index_cast %add3A_565 : i32 to index
      %swap3A_567 = arith.constant 16 : index
      %swap3A_568 = tpu.vector_load %arg9[%swap3A_566, %swap3A_567] {strides = array<i32>} : memref<256x64xf32, #tpu.memory_space<vmem>>, vector<16xf32>,
      tpu.vector_store %arg9[%swap3A_566, %swap3A_567], %get3A_540 {add = true, strides = array<i32>} : memref<256x64xf32, #tpu.memory_space<vmem>>, vector<16xf32>,
      %mul3A_569 = arith.constant 16 : i32
      %mul3A_570 = arith.muli %scan3A_419, %mul3A_569 : i32
      %add3A_571 = arith.constant 4 : i32
      %add3A_572 = arith.addi %mul3A_570, %add3A_571 : i32
      %swap3A_573 = arith.index_cast %add3A_572 : i32 to index
      %swap3A_574 = arith.constant 16 : index
      %swap3A_575 = tpu.vector_load %arg9[%swap3A_573, %swap3A_574] {strides = array<i32>} : memref<256x64xf32, #tpu.memory_space<vmem>>, vector<16xf32>,
      tpu.vector_store %arg9[%swap3A_573, %swap3A_574], %get3A_540 {add = true, strides = array<i32>} : memref<256x64xf32, #tpu.memory_space<vmem>>, vector<16xf32>,
      %mul3A_576 = arith.constant 16 : i32
      %mul3A_577 = arith.muli %scan3A_419, %mul3A_576 : i32
      %add3A_578 = arith.constant 5 : i32
      %add3A_579 = arith.addi %mul3A_577, %add3A_578 : i32
      %swap3A_580 = arith.index_cast %add3A_579 : i32 to index
      %swap3A_581 = arith.constant 16 : index
      %swap3A_582 = tpu.vector_load %arg9[%swap3A_580, %swap3A_581] {strides = array<i32>} : memref<256x64xf32, #tpu.memory_space<vmem>>, vector<16xf32>,
      tpu.vector_store %arg9[%swap3A_580, %swap3A_581], %get3A_540 {add = true, strides = array<i32>} : memref<256x64xf32, #tpu.memory_space<vmem>>, vector<16xf32>,
      %mul3A_583 = arith.constant 16 : i32
      %mul3A_584 = arith.muli %scan3A_419, %mul3A_583 : i32
      %add3A_585 = arith.constant 6 : i32
      %add3A_586 = arith.addi %mul3A_584, %add3A_585 : i32
      %swap3A_587 = arith.index_cast %add3A_586 : i32 to index
      %swap3A_588 = arith.constant 16 : index
      %swap3A_589 = tpu.vector_load %arg9[%swap3A_587, %swap3A_588] {strides = array<i32>} : memref<256x64xf32, #tpu.memory_space<vmem>>, vector<16xf32>,
      tpu.vector_store %arg9[%swap3A_587, %swap3A_588], %get3A_540 {add = true, strides = array<i32>} : memref<256x64xf32, #tpu.memory_space<vmem>>, vector<16xf32>,
      %mul3A_590 = arith.constant 16 : i32
      %mul3A_591 = arith.muli %scan3A_419, %mul3A_590 : i32
      %add3A_592 = arith.constant 7 : i32
      %add3A_593 = arith.addi %mul3A_591, %add3A_592 : i32
      %swap3A_594 = arith.index_cast %add3A_593 : i32 to index
      %swap3A_595 = arith.constant 16 : index
      %swap3A_596 = tpu.vector_load %arg9[%swap3A_594, %swap3A_595] {strides = array<i32>} : memref<256x64xf32, #tpu.memory_space<vmem>>, vector<16xf32>,
      tpu.vector_store %arg9[%swap3A_594, %swap3A_595], %get3A_540 {add = true, strides = array<i32>} : memref<256x64xf32, #tpu.memory_space<vmem>>, vector<16xf32>,
      %mul3A_597 = arith.constant 16 : i32
      %mul3A_598 = arith.muli %scan3A_419, %mul3A_597 : i32
      %add3A_599 = arith.constant 8 : i32
      %add3A_600 = arith.addi %mul3A_598, %add3A_599 : i32
      %swap3A_601 = arith.index_cast %add3A_600 : i32 to index
      %swap3A_602 = arith.constant 16 : index
      %swap3A_603 = tpu.vector_load %arg9[%swap3A_601, %swap3A_602] {strides = array<i32>} : memref<256x64xf32, #tpu.memory_space<vmem>>, vector<16xf32>,
      tpu.vector_store %arg9[%swap3A_601, %swap3A_602], %get3A_540 {add = true, strides = array<i32>} : memref<256x64xf32, #tpu.memory_space<vmem>>, vector<16xf32>,
      %mul3A_604 = arith.constant 16 : i32
      %mul3A_605 = arith.muli %scan3A_419, %mul3A_604 : i32
      %add3A_606 = arith.constant 9 : i32
      %add3A_607 = arith.addi %mul3A_605, %add3A_606 : i32
      %swap3A_608 = arith.index_cast %add3A_607 : i32 to index
      %swap3A_609 = arith.constant 16 : index
      %swap3A_610 = tpu.vector_load %arg9[%swap3A_608, %swap3A_609] {strides = array<i32>} : memref<256x64xf32, #tpu.memory_space<vmem>>, vector<16xf32>,
      tpu.vector_store %arg9[%swap3A_608, %swap3A_609], %get3A_540 {add = true, strides = array<i32>} : memref<256x64xf32, #tpu.memory_space<vmem>>, vector<16xf32>,
      %mul3A_611 = arith.constant 16 : i32
      %mul3A_612 = arith.muli %scan3A_419, %mul3A_611 : i32
      %add3A_613 = arith.constant 10 : i32
      %add3A_614 = arith.addi %mul3A_612, %add3A_613 : i32
      %swap3A_615 = arith.index_cast %add3A_614 : i32 to index
      %swap3A_616 = arith.constant 16 : index
      %swap3A_617 = tpu.vector_load %arg9[%swap3A_615, %swap3A_616] {strides = array<i32>} : memref<256x64xf32, #tpu.memory_space<vmem>>, vector<16xf32>,
      tpu.vector_store %arg9[%swap3A_615, %swap3A_616], %get3A_540 {add = true, strides = array<i32>} : memref<256x64xf32, #tpu.memory_space<vmem>>, vector<16xf32>,
      %mul3A_618 = arith.constant 16 : i32
      %mul3A_619 = arith.muli %scan3A_419, %mul3A_618 : i32
      %add3A_620 = arith.constant 11 : i32
      %add3A_621 = arith.addi %mul3A_619, %add3A_620 : i32
      %swap3A_622 = arith.index_cast %add3A_621 : i32 to index
      %swap3A_623 = arith.constant 16 : index
      %swap3A_624 = tpu.vector_load %arg9[%swap3A_622, %swap3A_623] {strides = array<i32>} : memref<256x64xf32, #tpu.memory_space<vmem>>, vector<16xf32>,
      tpu.vector_store %arg9[%swap3A_622, %swap3A_623], %get3A_540 {add = true, strides = array<i32>} : memref<256x64xf32, #tpu.memory_space<vmem>>, vector<16xf32>,
      %mul3A_625 = arith.constant 16 : i32
      %mul3A_626 = arith.muli %scan3A_419, %mul3A_625 : i32
      %add3A_627 = arith.constant 12 : i32
      %add3A_628 = arith.addi %mul3A_626, %add3A_627 : i32
      %swap3A_629 = arith.index_cast %add3A_628 : i32 to index
      %swap3A_630 = arith.constant 16 : index
      %swap3A_631 = tpu.vector_load %arg9[%swap3A_629, %swap3A_630] {strides = array<i32>} : memref<256x64xf32, #tpu.memory_space<vmem>>, vector<16xf32>,
      tpu.vector_store %arg9[%swap3A_629, %swap3A_630], %get3A_540 {add = true, strides = array<i32>} : memref<256x64xf32, #tpu.memory_space<vmem>>, vector<16xf32>,
      %mul3A_632 = arith.constant 16 : i32
      %mul3A_633 = arith.muli %scan3A_419, %mul3A_632 : i32
      %add3A_634 = arith.constant 13 : i32
      %add3A_635 = arith.addi %mul3A_633, %add3A_634 : i32
      %swap3A_636 = arith.index_cast %add3A_635 : i32 to index
      %swap3A_637 = arith.constant 16 : index
      %swap3A_638 = tpu.vector_load %arg9[%swap3A_636, %swap3A_637] {strides = array<i32>} : memref<256x64xf32, #tpu.memory_space<vmem>>, vector<16xf32>,
      tpu.vector_store %arg9[%swap3A_636, %swap3A_637], %get3A_540 {add = true, strides = array<i32>} : memref<256x64xf32, #tpu.memory_space<vmem>>, vector<16xf32>,
      %mul3A_639 = arith.constant 16 : i32
      %mul3A_640 = arith.muli %scan3A_419, %mul3A_639 : i32
      %add3A_641 = arith.constant 14 : i32
      %add3A_642 = arith.addi %mul3A_640, %add3A_641 : i32
      %swap3A_643 = arith.index_cast %add3A_642 : i32 to index
      %swap3A_644 = arith.constant 16 : index
      %swap3A_645 = tpu.vector_load %arg9[%swap3A_643, %swap3A_644] {strides = array<i32>} : memref<256x64xf32, #tpu.memory_space<vmem>>, vector<16xf32>,
      tpu.vector_store %arg9[%swap3A_643, %swap3A_644], %get3A_540 {add = true, strides = array<i32>} : memref<256x64xf32, #tpu.memory_space<vmem>>, vector<16xf32>,
      %mul3A_646 = arith.constant 16 : i32
      %mul3A_647 = arith.muli %scan3A_419, %mul3A_646 : i32
      %add3A_648 = arith.constant 15 : i32
      %add3A_649 = arith.addi %mul3A_647, %add3A_648 : i32
      %swap3A_650 = arith.index_cast %add3A_649 : i32 to index
      %swap3A_651 = arith.constant 16 : index
      %swap3A_652 = tpu.vector_load %arg9[%swap3A_650, %swap3A_651] {strides = array<i32>} : memref<256x64xf32, #tpu.memory_space<vmem>>, vector<16xf32>,
      tpu.vector_store %arg9[%swap3A_650, %swap3A_651], %get3A_540 {add = true, strides = array<i32>} : memref<256x64xf32, #tpu.memory_space<vmem>>, vector<16xf32>,
      %add3A_653 = arith.constant 0 : i32
      %add3A_654 = arith.addi %add3A_653, %scan3A_419 : i32
      %get3A_655 = arith.index_cast %add3A_654 : i32 to index
      %get3A_656 = arith.constant 32 : index
      %get3A_657 = tpu.vector_load %arg8[%get3A_655, %get3A_656] {strides = array<i32>} : memref<128x64xf32, #tpu.memory_space<vmem>>, vector<16xf32>,
      %mul3A_658 = arith.constant 16 : i32
      %mul3A_659 = arith.muli %scan3A_419, %mul3A_658 : i32
      %add3A_660 = arith.constant 0 : i32
      %add3A_661 = arith.addi %mul3A_659, %add3A_660 : i32
      %swap3A_662 = arith.index_cast %add3A_661 : i32 to index
      %swap3A_663 = arith.constant 32 : index
      %swap3A_664 = tpu.vector_load %arg9[%swap3A_662, %swap3A_663] {strides = array<i32>} : memref<256x64xf32, #tpu.memory_space<vmem>>, vector<16xf32>,
      tpu.vector_store %arg9[%swap3A_662, %swap3A_663], %get3A_657 {add = true, strides = array<i32>} : memref<256x64xf32, #tpu.memory_space<vmem>>, vector<16xf32>,
      %mul3A_665 = arith.constant 16 : i32
      %mul3A_666 = arith.muli %scan3A_419, %mul3A_665 : i32
      %add3A_667 = arith.constant 1 : i32
      %add3A_668 = arith.addi %mul3A_666, %add3A_667 : i32
      %swap3A_669 = arith.index_cast %add3A_668 : i32 to index
      %swap3A_670 = arith.constant 32 : index
      %swap3A_671 = tpu.vector_load %arg9[%swap3A_669, %swap3A_670] {strides = array<i32>} : memref<256x64xf32, #tpu.memory_space<vmem>>, vector<16xf32>,
      tpu.vector_store %arg9[%swap3A_669, %swap3A_670], %get3A_657 {add = true, strides = array<i32>} : memref<256x64xf32, #tpu.memory_space<vmem>>, vector<16xf32>,
      %mul3A_672 = arith.constant 16 : i32
      %mul3A_673 = arith.muli %scan3A_419, %mul3A_672 : i32
      %add3A_674 = arith.constant 2 : i32
      %add3A_675 = arith.addi %mul3A_673, %add3A_674 : i32
      %swap3A_676 = arith.index_cast %add3A_675 : i32 to index
      %swap3A_677 = arith.constant 32 : index
      %swap3A_678 = tpu.vector_load %arg9[%swap3A_676, %swap3A_677] {strides = array<i32>} : memref<256x64xf32, #tpu.memory_space<vmem>>, vector<16xf32>,
      tpu.vector_store %arg9[%swap3A_676, %swap3A_677], %get3A_657 {add = true, strides = array<i32>} : memref<256x64xf32, #tpu.memory_space<vmem>>, vector<16xf32>,
      %mul3A_679 = arith.constant 16 : i32
      %mul3A_680 = arith.muli %scan3A_419, %mul3A_679 : i32
      %add3A_681 = arith.constant 3 : i32
      %add3A_682 = arith.addi %mul3A_680, %add3A_681 : i32
      %swap3A_683 = arith.index_cast %add3A_682 : i32 to index
      %swap3A_684 = arith.constant 32 : index
      %swap3A_685 = tpu.vector_load %arg9[%swap3A_683, %swap3A_684] {strides = array<i32>} : memref<256x64xf32, #tpu.memory_space<vmem>>, vector<16xf32>,
      tpu.vector_store %arg9[%swap3A_683, %swap3A_684], %get3A_657 {add = true, strides = array<i32>} : memref<256x64xf32, #tpu.memory_space<vmem>>, vector<16xf32>,
      %mul3A_686 = arith.constant 16 : i32
      %mul3A_687 = arith.muli %scan3A_419, %mul3A_686 : i32
      %add3A_688 = arith.constant 4 : i32
      %add3A_689 = arith.addi %mul3A_687, %add3A_688 : i32
      %swap3A_690 = arith.index_cast %add3A_689 : i32 to index
      %swap3A_691 = arith.constant 32 : index
      %swap3A_692 = tpu.vector_load %arg9[%swap3A_690, %swap3A_691] {strides = array<i32>} : memref<256x64xf32, #tpu.memory_space<vmem>>, vector<16xf32>,
      tpu.vector_store %arg9[%swap3A_690, %swap3A_691], %get3A_657 {add = true, strides = array<i32>} : memref<256x64xf32, #tpu.memory_space<vmem>>, vector<16xf32>,
      %mul3A_693 = arith.constant 16 : i32
      %mul3A_694 = arith.muli %scan3A_419, %mul3A_693 : i32
      %add3A_695 = arith.constant 5 : i32
      %add3A_696 = arith.addi %mul3A_694, %add3A_695 : i32
      %swap3A_697 = arith.index_cast %add3A_696 : i32 to index
      %swap3A_698 = arith.constant 32 : index
      %swap3A_699 = tpu.vector_load %arg9[%swap3A_697, %swap3A_698] {strides = array<i32>} : memref<256x64xf32, #tpu.memory_space<vmem>>, vector<16xf32>,
      tpu.vector_store %arg9[%swap3A_697, %swap3A_698], %get3A_657 {add = true, strides = array<i32>} : memref<256x64xf32, #tpu.memory_space<vmem>>, vector<16xf32>,
      %mul3A_700 = arith.constant 16 : i32
      %mul3A_701 = arith.muli %scan3A_419, %mul3A_700 : i32
      %add3A_702 = arith.constant 6 : i32
      %add3A_703 = arith.addi %mul3A_701, %add3A_702 : i32
      %swap3A_704 = arith.index_cast %add3A_703 : i32 to index
      %swap3A_705 = arith.constant 32 : index
      %swap3A_706 = tpu.vector_load %arg9[%swap3A_704, %swap3A_705] {strides = array<i32>} : memref<256x64xf32, #tpu.memory_space<vmem>>, vector<16xf32>,
      tpu.vector_store %arg9[%swap3A_704, %swap3A_705], %get3A_657 {add = true, strides = array<i32>} : memref<256x64xf32, #tpu.memory_space<vmem>>, vector<16xf32>,
      %mul3A_707 = arith.constant 16 : i32
      %mul3A_708 = arith.muli %scan3A_419, %mul3A_707 : i32
      %add3A_709 = arith.constant 7 : i32
      %add3A_710 = arith.addi %mul3A_708, %add3A_709 : i32
      %swap3A_711 = arith.index_cast %add3A_710 : i32 to index
      %swap3A_712 = arith.constant 32 : index
      %swap3A_713 = tpu.vector_load %arg9[%swap3A_711, %swap3A_712] {strides = array<i32>} : memref<256x64xf32, #tpu.memory_space<vmem>>, vector<16xf32>,
      tpu.vector_store %arg9[%swap3A_711, %swap3A_712], %get3A_657 {add = true, strides = array<i32>} : memref<256x64xf32, #tpu.memory_space<vmem>>, vector<16xf32>,
      %mul3A_714 = arith.constant 16 : i32
      %mul3A_715 = arith.muli %scan3A_419, %mul3A_714 : i32
      %add3A_716 = arith.constant 8 : i32
      %add3A_717 = arith.addi %mul3A_715, %add3A_716 : i32
      %swap3A_718 = arith.index_cast %add3A_717 : i32 to index
      %swap3A_719 = arith.constant 32 : index
      %swap3A_720 = tpu.vector_load %arg9[%swap3A_718, %swap3A_719] {strides = array<i32>} : memref<256x64xf32, #tpu.memory_space<vmem>>, vector<16xf32>,
      tpu.vector_store %arg9[%swap3A_718, %swap3A_719], %get3A_657 {add = true, strides = array<i32>} : memref<256x64xf32, #tpu.memory_space<vmem>>, vector<16xf32>,
      %mul3A_721 = arith.constant 16 : i32
      %mul3A_722 = arith.muli %scan3A_419, %mul3A_721 : i32
      %add3A_723 = arith.constant 9 : i32
      %add3A_724 = arith.addi %mul3A_722, %add3A_723 : i32
      %swap3A_725 = arith.index_cast %add3A_724 : i32 to index
      %swap3A_726 = arith.constant 32 : index
      %swap3A_727 = tpu.vector_load %arg9[%swap3A_725, %swap3A_726] {strides = array<i32>} : memref<256x64xf32, #tpu.memory_space<vmem>>, vector<16xf32>,
      tpu.vector_store %arg9[%swap3A_725, %swap3A_726], %get3A_657 {add = true, strides = array<i32>} : memref<256x64xf32, #tpu.memory_space<vmem>>, vector<16xf32>,
      %mul3A_728 = arith.constant 16 : i32
      %mul3A_729 = arith.muli %scan3A_419, %mul3A_728 : i32
      %add3A_730 = arith.constant 10 : i32
      %add3A_731 = arith.addi %mul3A_729, %add3A_730 : i32
      %swap3A_732 = arith.index_cast %add3A_731 : i32 to index
      %swap3A_733 = arith.constant 32 : index
      %swap3A_734 = tpu.vector_load %arg9[%swap3A_732, %swap3A_733] {strides = array<i32>} : memref<256x64xf32, #tpu.memory_space<vmem>>, vector<16xf32>,
      tpu.vector_store %arg9[%swap3A_732, %swap3A_733], %get3A_657 {add = true, strides = array<i32>} : memref<256x64xf32, #tpu.memory_space<vmem>>, vector<16xf32>,
      %mul3A_735 = arith.constant 16 : i32
      %mul3A_736 = arith.muli %scan3A_419, %mul3A_735 : i32
      %add3A_737 = arith.constant 11 : i32
      %add3A_738 = arith.addi %mul3A_736, %add3A_737 : i32
      %swap3A_739 = arith.index_cast %add3A_738 : i32 to index
      %swap3A_740 = arith.constant 32 : index
      %swap3A_741 = tpu.vector_load %arg9[%swap3A_739, %swap3A_740] {strides = array<i32>} : memref<256x64xf32, #tpu.memory_space<vmem>>, vector<16xf32>,
      tpu.vector_store %arg9[%swap3A_739, %swap3A_740], %get3A_657 {add = true, strides = array<i32>} : memref<256x64xf32, #tpu.memory_space<vmem>>, vector<16xf32>,
      %mul3A_742 = arith.constant 16 : i32
      %mul3A_743 = arith.muli %scan3A_419, %mul3A_742 : i32
      %add3A_744 = arith.constant 12 : i32
      %add3A_745 = arith.addi %mul3A_743, %add3A_744 : i32
      %swap3A_746 = arith.index_cast %add3A_745 : i32 to index
      %swap3A_747 = arith.constant 32 : index
      %swap3A_748 = tpu.vector_load %arg9[%swap3A_746, %swap3A_747] {strides = array<i32>} : memref<256x64xf32, #tpu.memory_space<vmem>>, vector<16xf32>,
      tpu.vector_store %arg9[%swap3A_746, %swap3A_747], %get3A_657 {add = true, strides = array<i32>} : memref<256x64xf32, #tpu.memory_space<vmem>>, vector<16xf32>,
      %mul3A_749 = arith.constant 16 : i32
      %mul3A_750 = arith.muli %scan3A_419, %mul3A_749 : i32
      %add3A_751 = arith.constant 13 : i32
      %add3A_752 = arith.addi %mul3A_750, %add3A_751 : i32
      %swap3A_753 = arith.index_cast %add3A_752 : i32 to index
      %swap3A_754 = arith.constant 32 : index
      %swap3A_755 = tpu.vector_load %arg9[%swap3A_753, %swap3A_754] {strides = array<i32>} : memref<256x64xf32, #tpu.memory_space<vmem>>, vector<16xf32>,
      tpu.vector_store %arg9[%swap3A_753, %swap3A_754], %get3A_657 {add = true, strides = array<i32>} : memref<256x64xf32, #tpu.memory_space<vmem>>, vector<16xf32>,
      %mul3A_756 = arith.constant 16 : i32
      %mul3A_757 = arith.muli %scan3A_419, %mul3A_756 : i32
      %add3A_758 = arith.constant 14 : i32
      %add3A_759 = arith.addi %mul3A_757, %add3A_758 : i32
      %swap3A_760 = arith.index_cast %add3A_759 : i32 to index
      %swap3A_761 = arith.constant 32 : index
      %swap3A_762 = tpu.vector_load %arg9[%swap3A_760, %swap3A_761] {strides = array<i32>} : memref<256x64xf32, #tpu.memory_space<vmem>>, vector<16xf32>,
      tpu.vector_store %arg9[%swap3A_760, %swap3A_761], %get3A_657 {add = true, strides = array<i32>} : memref<256x64xf32, #tpu.memory_space<vmem>>, vector<16xf32>,
      %mul3A_763 = arith.constant 16 : i32
      %mul3A_764 = arith.muli %scan3A_419, %mul3A_763 : i32
      %add3A_765 = arith.constant 15 : i32
      %add3A_766 = arith.addi %mul3A_764, %add3A_765 : i32
      %swap3A_767 = arith.index_cast %add3A_766 : i32 to index
      %swap3A_768 = arith.constant 32 : index
      %swap3A_769 = tpu.vector_load %arg9[%swap3A_767, %swap3A_768] {strides = array<i32>} : memref<256x64xf32, #tpu.memory_space<vmem>>, vector<16xf32>,
      tpu.vector_store %arg9[%swap3A_767, %swap3A_768], %get3A_657 {add = true, strides = array<i32>} : memref<256x64xf32, #tpu.memory_space<vmem>>, vector<16xf32>,
      %add3A_770 = arith.constant 0 : i32
      %add3A_771 = arith.addi %add3A_770, %scan3A_419 : i32
      %get3A_772 = arith.index_cast %add3A_771 : i32 to index
      %get3A_773 = arith.constant 48 : index
      %get3A_774 = tpu.vector_load %arg8[%get3A_772, %get3A_773] {strides = array<i32>} : memref<128x64xf32, #tpu.memory_space<vmem>>, vector<16xf32>,
      %mul3A_775 = arith.constant 16 : i32
      %mul3A_776 = arith.muli %scan3A_419, %mul3A_775 : i32
      %add3A_777 = arith.constant 0 : i32
      %add3A_778 = arith.addi %mul3A_776, %add3A_777 : i32
      %swap3A_779 = arith.index_cast %add3A_778 : i32 to index
      %swap3A_780 = arith.constant 48 : index
      %swap3A_781 = tpu.vector_load %arg9[%swap3A_779, %swap3A_780] {strides = array<i32>} : memref<256x64xf32, #tpu.memory_space<vmem>>, vector<16xf32>,
      tpu.vector_store %arg9[%swap3A_779, %swap3A_780], %get3A_774 {add = true, strides = array<i32>} : memref<256x64xf32, #tpu.memory_space<vmem>>, vector<16xf32>,
      %mul3A_782 = arith.constant 16 : i32
      %mul3A_783 = arith.muli %scan3A_419, %mul3A_782 : i32
      %add3A_784 = arith.constant 1 : i32
      %add3A_785 = arith.addi %mul3A_783, %add3A_784 : i32
      %swap3A_786 = arith.index_cast %add3A_785 : i32 to index
      %swap3A_787 = arith.constant 48 : index
      %swap3A_788 = tpu.vector_load %arg9[%swap3A_786, %swap3A_787] {strides = array<i32>} : memref<256x64xf32, #tpu.memory_space<vmem>>, vector<16xf32>,
      tpu.vector_store %arg9[%swap3A_786, %swap3A_787], %get3A_774 {add = true, strides = array<i32>} : memref<256x64xf32, #tpu.memory_space<vmem>>, vector<16xf32>,
      %mul3A_789 = arith.constant 16 : i32
      %mul3A_790 = arith.muli %scan3A_419, %mul3A_789 : i32
      %add3A_791 = arith.constant 2 : i32
      %add3A_792 = arith.addi %mul3A_790, %add3A_791 : i32
      %swap3A_793 = arith.index_cast %add3A_792 : i32 to index
      %swap3A_794 = arith.constant 48 : index
      %swap3A_795 = tpu.vector_load %arg9[%swap3A_793, %swap3A_794] {strides = array<i32>} : memref<256x64xf32, #tpu.memory_space<vmem>>, vector<16xf32>,
      tpu.vector_store %arg9[%swap3A_793, %swap3A_794], %get3A_774 {add = true, strides = array<i32>} : memref<256x64xf32, #tpu.memory_space<vmem>>, vector<16xf32>,
      %mul3A_796 = arith.constant 16 : i32
      %mul3A_797 = arith.muli %scan3A_419, %mul3A_796 : i32
      %add3A_798 = arith.constant 3 : i32
      %add3A_799 = arith.addi %mul3A_797, %add3A_798 : i32
      %swap3A_800 = arith.index_cast %add3A_799 : i32 to index
      %swap3A_801 = arith.constant 48 : index
      %swap3A_802 = tpu.vector_load %arg9[%swap3A_800, %swap3A_801] {strides = array<i32>} : memref<256x64xf32, #tpu.memory_space<vmem>>, vector<16xf32>,
      tpu.vector_store %arg9[%swap3A_800, %swap3A_801], %get3A_774 {add = true, strides = array<i32>} : memref<256x64xf32, #tpu.memory_space<vmem>>, vector<16xf32>,
      %mul3A_803 = arith.constant 16 : i32
      %mul3A_804 = arith.muli %scan3A_419, %mul3A_803 : i32
      %add3A_805 = arith.constant 4 : i32
      %add3A_806 = arith.addi %mul3A_804, %add3A_805 : i32
      %swap3A_807 = arith.index_cast %add3A_806 : i32 to index
      %swap3A_808 = arith.constant 48 : index
      %swap3A_809 = tpu.vector_load %arg9[%swap3A_807, %swap3A_808] {strides = array<i32>} : memref<256x64xf32, #tpu.memory_space<vmem>>, vector<16xf32>,
      tpu.vector_store %arg9[%swap3A_807, %swap3A_808], %get3A_774 {add = true, strides = array<i32>} : memref<256x64xf32, #tpu.memory_space<vmem>>, vector<16xf32>,
      %mul3A_810 = arith.constant 16 : i32
      %mul3A_811 = arith.muli %scan3A_419, %mul3A_810 : i32
      %add3A_812 = arith.constant 5 : i32
      %add3A_813 = arith.addi %mul3A_811, %add3A_812 : i32
      %swap3A_814 = arith.index_cast %add3A_813 : i32 to index
      %swap3A_815 = arith.constant 48 : index
      %swap3A_816 = tpu.vector_load %arg9[%swap3A_814, %swap3A_815] {strides = array<i32>} : memref<256x64xf32, #tpu.memory_space<vmem>>, vector<16xf32>,
      tpu.vector_store %arg9[%swap3A_814, %swap3A_815], %get3A_774 {add = true, strides = array<i32>} : memref<256x64xf32, #tpu.memory_space<vmem>>, vector<16xf32>,
      %mul3A_817 = arith.constant 16 : i32
      %mul3A_818 = arith.muli %scan3A_419, %mul3A_817 : i32
      %add3A_819 = arith.constant 6 : i32
      %add3A_820 = arith.addi %mul3A_818, %add3A_819 : i32
      %swap3A_821 = arith.index_cast %add3A_820 : i32 to index
      %swap3A_822 = arith.constant 48 : index
      %swap3A_823 = tpu.vector_load %arg9[%swap3A_821, %swap3A_822] {strides = array<i32>} : memref<256x64xf32, #tpu.memory_space<vmem>>, vector<16xf32>,
      tpu.vector_store %arg9[%swap3A_821, %swap3A_822], %get3A_774 {add = true, strides = array<i32>} : memref<256x64xf32, #tpu.memory_space<vmem>>, vector<16xf32>,
      %mul3A_824 = arith.constant 16 : i32
      %mul3A_825 = arith.muli %scan3A_419, %mul3A_824 : i32
      %add3A_826 = arith.constant 7 : i32
      %add3A_827 = arith.addi %mul3A_825, %add3A_826 : i32
      %swap3A_828 = arith.index_cast %add3A_827 : i32 to index
      %swap3A_829 = arith.constant 48 : index
      %swap3A_830 = tpu.vector_load %arg9[%swap3A_828, %swap3A_829] {strides = array<i32>} : memref<256x64xf32, #tpu.memory_space<vmem>>, vector<16xf32>,
      tpu.vector_store %arg9[%swap3A_828, %swap3A_829], %get3A_774 {add = true, strides = array<i32>} : memref<256x64xf32, #tpu.memory_space<vmem>>, vector<16xf32>,
      %mul3A_831 = arith.constant 16 : i32
      %mul3A_832 = arith.muli %scan3A_419, %mul3A_831 : i32
      %add3A_833 = arith.constant 8 : i32
      %add3A_834 = arith.addi %mul3A_832, %add3A_833 : i32
      %swap3A_835 = arith.index_cast %add3A_834 : i32 to index
      %swap3A_836 = arith.constant 48 : index
      %swap3A_837 = tpu.vector_load %arg9[%swap3A_835, %swap3A_836] {strides = array<i32>} : memref<256x64xf32, #tpu.memory_space<vmem>>, vector<16xf32>,
      tpu.vector_store %arg9[%swap3A_835, %swap3A_836], %get3A_774 {add = true, strides = array<i32>} : memref<256x64xf32, #tpu.memory_space<vmem>>, vector<16xf32>,
      %mul3A_838 = arith.constant 16 : i32
      %mul3A_839 = arith.muli %scan3A_419, %mul3A_838 : i32
      %add3A_840 = arith.constant 9 : i32
      %add3A_841 = arith.addi %mul3A_839, %add3A_840 : i32
      %swap3A_842 = arith.index_cast %add3A_841 : i32 to index
      %swap3A_843 = arith.constant 48 : index
      %swap3A_844 = tpu.vector_load %arg9[%swap3A_842, %swap3A_843] {strides = array<i32>} : memref<256x64xf32, #tpu.memory_space<vmem>>, vector<16xf32>,
      tpu.vector_store %arg9[%swap3A_842, %swap3A_843], %get3A_774 {add = true, strides = array<i32>} : memref<256x64xf32, #tpu.memory_space<vmem>>, vector<16xf32>,
      %mul3A_845 = arith.constant 16 : i32
      %mul3A_846 = arith.muli %scan3A_419, %mul3A_845 : i32
      %add3A_847 = arith.constant 10 : i32
      %add3A_848 = arith.addi %mul3A_846, %add3A_847 : i32
      %swap3A_849 = arith.index_cast %add3A_848 : i32 to index
      %swap3A_850 = arith.constant 48 : index
      %swap3A_851 = tpu.vector_load %arg9[%swap3A_849, %swap3A_850] {strides = array<i32>} : memref<256x64xf32, #tpu.memory_space<vmem>>, vector<16xf32>,
      tpu.vector_store %arg9[%swap3A_849, %swap3A_850], %get3A_774 {add = true, strides = array<i32>} : memref<256x64xf32, #tpu.memory_space<vmem>>, vector<16xf32>,
      %mul3A_852 = arith.constant 16 : i32
      %mul3A_853 = arith.muli %scan3A_419, %mul3A_852 : i32
      %add3A_854 = arith.constant 11 : i32
      %add3A_855 = arith.addi %mul3A_853, %add3A_854 : i32
      %swap3A_856 = arith.index_cast %add3A_855 : i32 to index
      %swap3A_857 = arith.constant 48 : index
      %swap3A_858 = tpu.vector_load %arg9[%swap3A_856, %swap3A_857] {strides = array<i32>} : memref<256x64xf32, #tpu.memory_space<vmem>>, vector<16xf32>,
      tpu.vector_store %arg9[%swap3A_856, %swap3A_857], %get3A_774 {add = true, strides = array<i32>} : memref<256x64xf32, #tpu.memory_space<vmem>>, vector<16xf32>,
      %mul3A_859 = arith.constant 16 : i32
      %mul3A_860 = arith.muli %scan3A_419, %mul3A_859 : i32
      %add3A_861 = arith.constant 12 : i32
      %add3A_862 = arith.addi %mul3A_860, %add3A_861 : i32
      %swap3A_863 = arith.index_cast %add3A_862 : i32 to index
      %swap3A_864 = arith.constant 48 : index
      %swap3A_865 = tpu.vector_load %arg9[%swap3A_863, %swap3A_864] {strides = array<i32>} : memref<256x64xf32, #tpu.memory_space<vmem>>, vector<16xf32>,
      tpu.vector_store %arg9[%swap3A_863, %swap3A_864], %get3A_774 {add = true, strides = array<i32>} : memref<256x64xf32, #tpu.memory_space<vmem>>, vector<16xf32>,
      %mul3A_866 = arith.constant 16 : i32
      %mul3A_867 = arith.muli %scan3A_419, %mul3A_866 : i32
      %add3A_868 = arith.constant 13 : i32
      %add3A_869 = arith.addi %mul3A_867, %add3A_868 : i32
      %swap3A_870 = arith.index_cast %add3A_869 : i32 to index
      %swap3A_871 = arith.constant 48 : index
      %swap3A_872 = tpu.vector_load %arg9[%swap3A_870, %swap3A_871] {strides = array<i32>} : memref<256x64xf32, #tpu.memory_space<vmem>>, vector<16xf32>,
      tpu.vector_store %arg9[%swap3A_870, %swap3A_871], %get3A_774 {add = true, strides = array<i32>} : memref<256x64xf32, #tpu.memory_space<vmem>>, vector<16xf32>,
      %mul3A_873 = arith.constant 16 : i32
      %mul3A_874 = arith.muli %scan3A_419, %mul3A_873 : i32
      %add3A_875 = arith.constant 14 : i32
      %add3A_876 = arith.addi %mul3A_874, %add3A_875 : i32
      %swap3A_877 = arith.index_cast %add3A_876 : i32 to index
      %swap3A_878 = arith.constant 48 : index
      %swap3A_879 = tpu.vector_load %arg9[%swap3A_877, %swap3A_878] {strides = array<i32>} : memref<256x64xf32, #tpu.memory_space<vmem>>, vector<16xf32>,
      tpu.vector_store %arg9[%swap3A_877, %swap3A_878], %get3A_774 {add = true, strides = array<i32>} : memref<256x64xf32, #tpu.memory_space<vmem>>, vector<16xf32>,
      %mul3A_880 = arith.constant 16 : i32
      %mul3A_881 = arith.muli %scan3A_419, %mul3A_880 : i32
      %add3A_882 = arith.constant 15 : i32
      %add3A_883 = arith.addi %mul3A_881, %add3A_882 : i32
      %swap3A_884 = arith.index_cast %add3A_883 : i32 to index
      %swap3A_885 = arith.constant 48 : index
      %swap3A_886 = tpu.vector_load %arg9[%swap3A_884, %swap3A_885] {strides = array<i32>} : memref<256x64xf32, #tpu.memory_space<vmem>>, vector<16xf32>,
      tpu.vector_store %arg9[%swap3A_884, %swap3A_885], %get3A_774 {add = true, strides = array<i32>} : memref<256x64xf32, #tpu.memory_space<vmem>>, vector<16xf32>,
      %scan3A_887 = arith.constant 0 : i32
      scf.yield %scan3A_887 : i32
    }
    %scan3A_49 = arith.constant 16 : i32
    %add3A_50 = arith.constant 256 : i32
    %add3A_51 = arith.addi %add3A_50, %mul3A_2 : i32
    %add3A_52 = arith.constant 0 : i32
    %add3A_53 = arith.addi %add3A_51, %add3A_52 : i32
    %dma_start3A_54 = arith.constant 0 : i32
    %dma_start3A_55 = tpu.memref_slice %arg6[%add3A_53, %dma_start3A_54] : memref<65792x64xf32, #tpu.memory_space<hbm>> -> memref<256x64xf32, #tpu.memory_space<hbm>>
    %dma_start3A_56 = arith.constant 0 : i32
    %dma_start3A_57 = tpu.memref_slice %arg6[%add3A_53, %dma_start3A_56] : memref<65792x64xf32, #tpu.memory_space<hbm>> -> memref<256x64xf32, #tpu.memory_space<hbm>>
    tpu.enqueue_dma source(%arg9 : memref<256x64xf32, #tpu.memory_space<vmem>>) target(%dma_start3A_57 : memref<256x64xf32, #tpu.memory_space<hbm>>) target_semaphore(%arg15 : memref<!tpu.dma_semaphore, #tpu.memory_space<semaphore_mem>>)
    %dma_start3A_58 = arith.constant 0 : i32
    %dma_start3A_59 = arith.constant 0 : i32
    %dma_start3A_60 = tpu.memref_slice %arg10[%dma_start3A_58, %dma_start3A_59] : memref<256x64xf32, #tpu.memory_space<vmem>> -> memref<128x64xf32, #tpu.memory_space<vmem>>
    %dma_start3A_61 = arith.constant 256 : i32
    %dma_start3A_62 = tpu.memref_slice %arg7[%dma_start3A_61] : memref<2048xi32, #tpu.memory_space<vmem>> -> memref<128xi32, #tpu.memory_space<vmem>>
    %dma_start3A_63 = arith.constant 0 : i32
    %dma_start3A_64 = arith.constant 0 : i32
    %dma_start3A_65 = tpu.memref_slice %arg3[%dma_start3A_63, %dma_start3A_64] : memref<2000000x64xf32, #tpu.memory_space<hbm>> -> memref<2000000x64xf32, #tpu.memory_space<hbm>>
    tpu.enqueue_indirect_dma source(%dma_start3A_65 : memref<2000000x64xf32, #tpu.memory_space<hbm>>) target(%dma_start3A_60 : memref<128x64xf32, #tpu.memory_space<vmem>>) offsets(%dma_start3A_62 : memref<128xi32, #tpu.memory_space<vmem>>) semaphore(%arg14 : memref<!tpu.dma_semaphore, #tpu.memory_space<semaphore_mem>>)
    %dma_start3A_66 = arith.constant 128 : i32
    %dma_start3A_67 = arith.constant 0 : i32
    %dma_start3A_68 = tpu.memref_slice %arg10[%dma_start3A_66, %dma_start3A_67] : memref<256x64xf32, #tpu.memory_space<vmem>> -> memref<128x64xf32, #tpu.memory_space<vmem>>
    %dma_start3A_69 = arith.constant 384 : i32
    %dma_start3A_70 = tpu.memref_slice %arg7[%dma_start3A_69] : memref<2048xi32, #tpu.memory_space<vmem>> -> memref<128xi32, #tpu.memory_space<vmem>>
    %dma_start3A_71 = arith.constant 0 : i32
    %dma_start3A_72 = arith.constant 0 : i32
    %dma_start3A_73 = tpu.memref_slice %arg3[%dma_start3A_71, %dma_start3A_72] : memref<2000000x64xf32, #tpu.memory_space<hbm>> -> memref<2000000x64xf32, #tpu.memory_space<hbm>>
    tpu.enqueue_indirect_dma source(%dma_start3A_73 : memref<2000000x64xf32, #tpu.memory_space<hbm>>) target(%dma_start3A_68 : memref<128x64xf32, #tpu.memory_space<vmem>>) offsets(%dma_start3A_70 : memref<128xi32, #tpu.memory_space<vmem>>) semaphore(%arg14 : memref<!tpu.dma_semaphore, #tpu.memory_space<semaphore_mem>>)
    %dma_wait3A_74 = arith.constant 0 : i32
    %dma_wait3A_75 = arith.constant 0 : i32
    %dma_wait3A_76 = tpu.memref_slice %arg10[%dma_wait3A_74, %dma_wait3A_75] : memref<256x64xf32, #tpu.memory_space<vmem>> -> memref<128x64xf32, #tpu.memory_space<vmem>>
    %dma_wait3A_77 = arith.constant 256 : i32
    %dma_wait3A_78 = tpu.memref_slice %arg7[%dma_wait3A_77] : memref<2048xi32, #tpu.memory_space<vmem>> -> memref<128xi32, #tpu.memory_space<vmem>>
    %dma_wait3A_79 = arith.constant 0 : i32
    %dma_wait3A_80 = arith.constant 0 : i32
    %dma_wait3A_81 = tpu.memref_slice %arg3[%dma_wait3A_79, %dma_wait3A_80] : memref<2000000x64xf32, #tpu.memory_space<hbm>> -> memref<2000000x64xf32, #tpu.memory_space<hbm>>
    tpu.wait_indirect_dma semaphore(%arg14 : memref<!tpu.dma_semaphore, #tpu.memory_space<semaphore_mem>>) src(%dma_wait3A_81 : memref<2000000x64xf32, #tpu.memory_space<hbm>>) dst(%dma_wait3A_76 : memref<128x64xf32, #tpu.memory_space<vmem>>)
    %dma_wait3A_82 = arith.constant 128 : i32
    %dma_wait3A_83 = arith.constant 0 : i32
    %dma_wait3A_84 = tpu.memref_slice %arg10[%dma_wait3A_82, %dma_wait3A_83] : memref<256x64xf32, #tpu.memory_space<vmem>> -> memref<128x64xf32, #tpu.memory_space<vmem>>
    %dma_wait3A_85 = arith.constant 384 : i32
    %dma_wait3A_86 = tpu.memref_slice %arg7[%dma_wait3A_85] : memref<2048xi32, #tpu.memory_space<vmem>> -> memref<128xi32, #tpu.memory_space<vmem>>
    %dma_wait3A_87 = arith.constant 0 : i32
    %dma_wait3A_88 = arith.constant 0 : i32
    %dma_wait3A_89 = tpu.memref_slice %arg3[%dma_wait3A_87, %dma_wait3A_88] : memref<2000000x64xf32, #tpu.memory_space<hbm>> -> memref<2000000x64xf32, #tpu.memory_space<hbm>>
    tpu.wait_indirect_dma semaphore(%arg14 : memref<!tpu.dma_semaphore, #tpu.memory_space<semaphore_mem>>) src(%dma_wait3A_89 : memref<2000000x64xf32, #tpu.memory_space<hbm>>) dst(%dma_wait3A_84 : memref<128x64xf32, #tpu.memory_space<vmem>>)
    %scan3A_90 = arith.constant 0 : i32
    %scan3A_91 = arith.constant 0 : i32
    %scan3A_92 = arith.constant 16 : i32
    %scan3A_93 = arith.addi %scan3A_91, %scan3A_92 : i32
    %scan3A_94 = arith.constant 1 : i32
    %scan3A_95 = scf.for %scan3A_419 = %scan3A_91 to %scan3A_93 step %scan3A_94 iter_args(%scan3A_420 = %scan3A_90) -> (i32)  : i32 {
      %add3A_421 = arith.constant 16 : i32
      %add3A_422 = arith.addi %add3A_421, %scan3A_419 : i32
      %get3A = arith.index_cast %add3A_422 : i32 to index
      %get3A_423 = arith.constant 0 : index
      %get3A_424 = tpu.vector_load %arg8[%get3A, %get3A_423] {strides = array<i32>} : memref<128x64xf32, #tpu.memory_space<vmem>>, vector<16xf32>,
      %mul3A_425 = arith.constant 16 : i32
      %mul3A_426 = arith.muli %scan3A_419, %mul3A_425 : i32
      %add3A_427 = arith.constant 0 : i32
      %add3A_428 = arith.addi %mul3A_426, %add3A_427 : i32
      %swap3A = arith.index_cast %add3A_428 : i32 to index
      %swap3A_429 = arith.constant 0 : index
      %swap3A_430 = tpu.vector_load %arg10[%swap3A, %swap3A_429] {strides = array<i32>} : memref<256x64xf32, #tpu.memory_space<vmem>>, vector<16xf32>,
      tpu.vector_store %arg10[%swap3A, %swap3A_429], %get3A_424 {add = true, strides = array<i32>} : memref<256x64xf32, #tpu.memory_space<vmem>>, vector<16xf32>,
      %mul3A_431 = arith.constant 16 : i32
      %mul3A_432 = arith.muli %scan3A_419, %mul3A_431 : i32
      %add3A_433 = arith.constant 1 : i32
      %add3A_434 = arith.addi %mul3A_432, %add3A_433 : i32
      %swap3A_435 = arith.index_cast %add3A_434 : i32 to index
      %swap3A_436 = arith.constant 0 : index
      %swap3A_437 = tpu.vector_load %arg10[%swap3A_435, %swap3A_436] {strides = array<i32>} : memref<256x64xf32, #tpu.memory_space<vmem>>, vector<16xf32>,
      tpu.vector_store %arg10[%swap3A_435, %swap3A_436], %get3A_424 {add = true, strides = array<i32>} : memref<256x64xf32, #tpu.memory_space<vmem>>, vector<16xf32>,
      %mul3A_438 = arith.constant 16 : i32
      %mul3A_439 = arith.muli %scan3A_419, %mul3A_438 : i32
      %add3A_440 = arith.constant 2 : i32
      %add3A_441 = arith.addi %mul3A_439, %add3A_440 : i32
      %swap3A_442 = arith.index_cast %add3A_441 : i32 to index
      %swap3A_443 = arith.constant 0 : index
      %swap3A_444 = tpu.vector_load %arg10[%swap3A_442, %swap3A_443] {strides = array<i32>} : memref<256x64xf32, #tpu.memory_space<vmem>>, vector<16xf32>,
      tpu.vector_store %arg10[%swap3A_442, %swap3A_443], %get3A_424 {add = true, strides = array<i32>} : memref<256x64xf32, #tpu.memory_space<vmem>>, vector<16xf32>,
      %mul3A_445 = arith.constant 16 : i32
      %mul3A_446 = arith.muli %scan3A_419, %mul3A_445 : i32
      %add3A_447 = arith.constant 3 : i32
      %add3A_448 = arith.addi %mul3A_446, %add3A_447 : i32
      %swap3A_449 = arith.index_cast %add3A_448 : i32 to index
      %swap3A_450 = arith.constant 0 : index
      %swap3A_451 = tpu.vector_load %arg10[%swap3A_449, %swap3A_450] {strides = array<i32>} : memref<256x64xf32, #tpu.memory_space<vmem>>, vector<16xf32>,
      tpu.vector_store %arg10[%swap3A_449, %swap3A_450], %get3A_424 {add = true, strides = array<i32>} : memref<256x64xf32, #tpu.memory_space<vmem>>, vector<16xf32>,
      %mul3A_452 = arith.constant 16 : i32
      %mul3A_453 = arith.muli %scan3A_419, %mul3A_452 : i32
      %add3A_454 = arith.constant 4 : i32
      %add3A_455 = arith.addi %mul3A_453, %add3A_454 : i32
      %swap3A_456 = arith.index_cast %add3A_455 : i32 to index
      %swap3A_457 = arith.constant 0 : index
      %swap3A_458 = tpu.vector_load %arg10[%swap3A_456, %swap3A_457] {strides = array<i32>} : memref<256x64xf32, #tpu.memory_space<vmem>>, vector<16xf32>,
      tpu.vector_store %arg10[%swap3A_456, %swap3A_457], %get3A_424 {add = true, strides = array<i32>} : memref<256x64xf32, #tpu.memory_space<vmem>>, vector<16xf32>,
      %mul3A_459 = arith.constant 16 : i32
      %mul3A_460 = arith.muli %scan3A_419, %mul3A_459 : i32
      %add3A_461 = arith.constant 5 : i32
      %add3A_462 = arith.addi %mul3A_460, %add3A_461 : i32
      %swap3A_463 = arith.index_cast %add3A_462 : i32 to index
      %swap3A_464 = arith.constant 0 : index
      %swap3A_465 = tpu.vector_load %arg10[%swap3A_463, %swap3A_464] {strides = array<i32>} : memref<256x64xf32, #tpu.memory_space<vmem>>, vector<16xf32>,
      tpu.vector_store %arg10[%swap3A_463, %swap3A_464], %get3A_424 {add = true, strides = array<i32>} : memref<256x64xf32, #tpu.memory_space<vmem>>, vector<16xf32>,
      %mul3A_466 = arith.constant 16 : i32
      %mul3A_467 = arith.muli %scan3A_419, %mul3A_466 : i32
      %add3A_468 = arith.constant 6 : i32
      %add3A_469 = arith.addi %mul3A_467, %add3A_468 : i32
      %swap3A_470 = arith.index_cast %add3A_469 : i32 to index
      %swap3A_471 = arith.constant 0 : index
      %swap3A_472 = tpu.vector_load %arg10[%swap3A_470, %swap3A_471] {strides = array<i32>} : memref<256x64xf32, #tpu.memory_space<vmem>>, vector<16xf32>,
      tpu.vector_store %arg10[%swap3A_470, %swap3A_471], %get3A_424 {add = true, strides = array<i32>} : memref<256x64xf32, #tpu.memory_space<vmem>>, vector<16xf32>,
      %mul3A_473 = arith.constant 16 : i32
      %mul3A_474 = arith.muli %scan3A_419, %mul3A_473 : i32
      %add3A_475 = arith.constant 7 : i32
      %add3A_476 = arith.addi %mul3A_474, %add3A_475 : i32
      %swap3A_477 = arith.index_cast %add3A_476 : i32 to index
      %swap3A_478 = arith.constant 0 : index
      %swap3A_479 = tpu.vector_load %arg10[%swap3A_477, %swap3A_478] {strides = array<i32>} : memref<256x64xf32, #tpu.memory_space<vmem>>, vector<16xf32>,
      tpu.vector_store %arg10[%swap3A_477, %swap3A_478], %get3A_424 {add = true, strides = array<i32>} : memref<256x64xf32, #tpu.memory_space<vmem>>, vector<16xf32>,
      %mul3A_480 = arith.constant 16 : i32
      %mul3A_481 = arith.muli %scan3A_419, %mul3A_480 : i32
      %add3A_482 = arith.constant 8 : i32
      %add3A_483 = arith.addi %mul3A_481, %add3A_482 : i32
      %swap3A_484 = arith.index_cast %add3A_483 : i32 to index
      %swap3A_485 = arith.constant 0 : index
      %swap3A_486 = tpu.vector_load %arg10[%swap3A_484, %swap3A_485] {strides = array<i32>} : memref<256x64xf32, #tpu.memory_space<vmem>>, vector<16xf32>,
      tpu.vector_store %arg10[%swap3A_484, %swap3A_485], %get3A_424 {add = true, strides = array<i32>} : memref<256x64xf32, #tpu.memory_space<vmem>>, vector<16xf32>,
      %mul3A_487 = arith.constant 16 : i32
      %mul3A_488 = arith.muli %scan3A_419, %mul3A_487 : i32
      %add3A_489 = arith.constant 9 : i32
      %add3A_490 = arith.addi %mul3A_488, %add3A_489 : i32
      %swap3A_491 = arith.index_cast %add3A_490 : i32 to index
      %swap3A_492 = arith.constant 0 : index
      %swap3A_493 = tpu.vector_load %arg10[%swap3A_491, %swap3A_492] {strides = array<i32>} : memref<256x64xf32, #tpu.memory_space<vmem>>, vector<16xf32>,
      tpu.vector_store %arg10[%swap3A_491, %swap3A_492], %get3A_424 {add = true, strides = array<i32>} : memref<256x64xf32, #tpu.memory_space<vmem>>, vector<16xf32>,
      %mul3A_494 = arith.constant 16 : i32
      %mul3A_495 = arith.muli %scan3A_419, %mul3A_494 : i32
      %add3A_496 = arith.constant 10 : i32
      %add3A_497 = arith.addi %mul3A_495, %add3A_496 : i32
      %swap3A_498 = arith.index_cast %add3A_497 : i32 to index
      %swap3A_499 = arith.constant 0 : index
      %swap3A_500 = tpu.vector_load %arg10[%swap3A_498, %swap3A_499] {strides = array<i32>} : memref<256x64xf32, #tpu.memory_space<vmem>>, vector<16xf32>,
      tpu.vector_store %arg10[%swap3A_498, %swap3A_499], %get3A_424 {add = true, strides = array<i32>} : memref<256x64xf32, #tpu.memory_space<vmem>>, vector<16xf32>,
      %mul3A_501 = arith.constant 16 : i32
      %mul3A_502 = arith.muli %scan3A_419, %mul3A_501 : i32
      %add3A_503 = arith.constant 11 : i32
      %add3A_504 = arith.addi %mul3A_502, %add3A_503 : i32
      %swap3A_505 = arith.index_cast %add3A_504 : i32 to index
      %swap3A_506 = arith.constant 0 : index
      %swap3A_507 = tpu.vector_load %arg10[%swap3A_505, %swap3A_506] {strides = array<i32>} : memref<256x64xf32, #tpu.memory_space<vmem>>, vector<16xf32>,
      tpu.vector_store %arg10[%swap3A_505, %swap3A_506], %get3A_424 {add = true, strides = array<i32>} : memref<256x64xf32, #tpu.memory_space<vmem>>, vector<16xf32>,
      %mul3A_508 = arith.constant 16 : i32
      %mul3A_509 = arith.muli %scan3A_419, %mul3A_508 : i32
      %add3A_510 = arith.constant 12 : i32
      %add3A_511 = arith.addi %mul3A_509, %add3A_510 : i32
      %swap3A_512 = arith.index_cast %add3A_511 : i32 to index
      %swap3A_513 = arith.constant 0 : index
      %swap3A_514 = tpu.vector_load %arg10[%swap3A_512, %swap3A_513] {strides = array<i32>} : memref<256x64xf32, #tpu.memory_space<vmem>>, vector<16xf32>,
      tpu.vector_store %arg10[%swap3A_512, %swap3A_513], %get3A_424 {add = true, strides = array<i32>} : memref<256x64xf32, #tpu.memory_space<vmem>>, vector<16xf32>,
      %mul3A_515 = arith.constant 16 : i32
      %mul3A_516 = arith.muli %scan3A_419, %mul3A_515 : i32
      %add3A_517 = arith.constant 13 : i32
      %add3A_518 = arith.addi %mul3A_516, %add3A_517 : i32
      %swap3A_519 = arith.index_cast %add3A_518 : i32 to index
      %swap3A_520 = arith.constant 0 : index
      %swap3A_521 = tpu.vector_load %arg10[%swap3A_519, %swap3A_520] {strides = array<i32>} : memref<256x64xf32, #tpu.memory_space<vmem>>, vector<16xf32>,
      tpu.vector_store %arg10[%swap3A_519, %swap3A_520], %get3A_424 {add = true, strides = array<i32>} : memref<256x64xf32, #tpu.memory_space<vmem>>, vector<16xf32>,
      %mul3A_522 = arith.constant 16 : i32
      %mul3A_523 = arith.muli %scan3A_419, %mul3A_522 : i32
      %add3A_524 = arith.constant 14 : i32
      %add3A_525 = arith.addi %mul3A_523, %add3A_524 : i32
      %swap3A_526 = arith.index_cast %add3A_525 : i32 to index
      %swap3A_527 = arith.constant 0 : index
      %swap3A_528 = tpu.vector_load %arg10[%swap3A_526, %swap3A_527] {strides = array<i32>} : memref<256x64xf32, #tpu.memory_space<vmem>>, vector<16xf32>,
      tpu.vector_store %arg10[%swap3A_526, %swap3A_527], %get3A_424 {add = true, strides = array<i32>} : memref<256x64xf32, #tpu.memory_space<vmem>>, vector<16xf32>,
      %mul3A_529 = arith.constant 16 : i32
      %mul3A_530 = arith.muli %scan3A_419, %mul3A_529 : i32
      %add3A_531 = arith.constant 15 : i32
      %add3A_532 = arith.addi %mul3A_530, %add3A_531 : i32
      %swap3A_533 = arith.index_cast %add3A_532 : i32 to index
      %swap3A_534 = arith.constant 0 : index
      %swap3A_535 = tpu.vector_load %arg10[%swap3A_533, %swap3A_534] {strides = array<i32>} : memref<256x64xf32, #tpu.memory_space<vmem>>, vector<16xf32>,
      tpu.vector_store %arg10[%swap3A_533, %swap3A_534], %get3A_424 {add = true, strides = array<i32>} : memref<256x64xf32, #tpu.memory_space<vmem>>, vector<16xf32>,
      %add3A_536 = arith.constant 16 : i32
      %add3A_537 = arith.addi %add3A_536, %scan3A_419 : i32
      %get3A_538 = arith.index_cast %add3A_537 : i32 to index
      %get3A_539 = arith.constant 16 : index
      %get3A_540 = tpu.vector_load %arg8[%get3A_538, %get3A_539] {strides = array<i32>} : memref<128x64xf32, #tpu.memory_space<vmem>>, vector<16xf32>,
      %mul3A_541 = arith.constant 16 : i32
      %mul3A_542 = arith.muli %scan3A_419, %mul3A_541 : i32
      %add3A_543 = arith.constant 0 : i32
      %add3A_544 = arith.addi %mul3A_542, %add3A_543 : i32
      %swap3A_545 = arith.index_cast %add3A_544 : i32 to index
      %swap3A_546 = arith.constant 16 : index
      %swap3A_547 = tpu.vector_load %arg10[%swap3A_545, %swap3A_546] {strides = array<i32>} : memref<256x64xf32, #tpu.memory_space<vmem>>, vector<16xf32>,
      tpu.vector_store %arg10[%swap3A_545, %swap3A_546], %get3A_540 {add = true, strides = array<i32>} : memref<256x64xf32, #tpu.memory_space<vmem>>, vector<16xf32>,
      %mul3A_548 = arith.constant 16 : i32
      %mul3A_549 = arith.muli %scan3A_419, %mul3A_548 : i32
      %add3A_550 = arith.constant 1 : i32
      %add3A_551 = arith.addi %mul3A_549, %add3A_550 : i32
      %swap3A_552 = arith.index_cast %add3A_551 : i32 to index
      %swap3A_553 = arith.constant 16 : index
      %swap3A_554 = tpu.vector_load %arg10[%swap3A_552, %swap3A_553] {strides = array<i32>} : memref<256x64xf32, #tpu.memory_space<vmem>>, vector<16xf32>,
      tpu.vector_store %arg10[%swap3A_552, %swap3A_553], %get3A_540 {add = true, strides = array<i32>} : memref<256x64xf32, #tpu.memory_space<vmem>>, vector<16xf32>,
      %mul3A_555 = arith.constant 16 : i32
      %mul3A_556 = arith.muli %scan3A_419, %mul3A_555 : i32
      %add3A_557 = arith.constant 2 : i32
      %add3A_558 = arith.addi %mul3A_556, %add3A_557 : i32
      %swap3A_559 = arith.index_cast %add3A_558 : i32 to index
      %swap3A_560 = arith.constant 16 : index
      %swap3A_561 = tpu.vector_load %arg10[%swap3A_559, %swap3A_560] {strides = array<i32>} : memref<256x64xf32, #tpu.memory_space<vmem>>, vector<16xf32>,
      tpu.vector_store %arg10[%swap3A_559, %swap3A_560], %get3A_540 {add = true, strides = array<i32>} : memref<256x64xf32, #tpu.memory_space<vmem>>, vector<16xf32>,
      %mul3A_562 = arith.constant 16 : i32
      %mul3A_563 = arith.muli %scan3A_419, %mul3A_562 : i32
      %add3A_564 = arith.constant 3 : i32
      %add3A_565 = arith.addi %mul3A_563, %add3A_564 : i32
      %swap3A_566 = arith.index_cast %add3A_565 : i32 to index
      %swap3A_567 = arith.constant 16 : index
      %swap3A_568 = tpu.vector_load %arg10[%swap3A_566, %swap3A_567] {strides = array<i32>} : memref<256x64xf32, #tpu.memory_space<vmem>>, vector<16xf32>,
      tpu.vector_store %arg10[%swap3A_566, %swap3A_567], %get3A_540 {add = true, strides = array<i32>} : memref<256x64xf32, #tpu.memory_space<vmem>>, vector<16xf32>,
      %mul3A_569 = arith.constant 16 : i32
      %mul3A_570 = arith.muli %scan3A_419, %mul3A_569 : i32
      %add3A_571 = arith.constant 4 : i32
      %add3A_572 = arith.addi %mul3A_570, %add3A_571 : i32
      %swap3A_573 = arith.index_cast %add3A_572 : i32 to index
      %swap3A_574 = arith.constant 16 : index
      %swap3A_575 = tpu.vector_load %arg10[%swap3A_573, %swap3A_574] {strides = array<i32>} : memref<256x64xf32, #tpu.memory_space<vmem>>, vector<16xf32>,
      tpu.vector_store %arg10[%swap3A_573, %swap3A_574], %get3A_540 {add = true, strides = array<i32>} : memref<256x64xf32, #tpu.memory_space<vmem>>, vector<16xf32>,
      %mul3A_576 = arith.constant 16 : i32
      %mul3A_577 = arith.muli %scan3A_419, %mul3A_576 : i32
      %add3A_578 = arith.constant 5 : i32
      %add3A_579 = arith.addi %mul3A_577, %add3A_578 : i32
      %swap3A_580 = arith.index_cast %add3A_579 : i32 to index
      %swap3A_581 = arith.constant 16 : index
      %swap3A_582 = tpu.vector_load %arg10[%swap3A_580, %swap3A_581] {strides = array<i32>} : memref<256x64xf32, #tpu.memory_space<vmem>>, vector<16xf32>,
      tpu.vector_store %arg10[%swap3A_580, %swap3A_581], %get3A_540 {add = true, strides = array<i32>} : memref<256x64xf32, #tpu.memory_space<vmem>>, vector<16xf32>,
      %mul3A_583 = arith.constant 16 : i32
      %mul3A_584 = arith.muli %scan3A_419, %mul3A_583 : i32
      %add3A_585 = arith.constant 6 : i32
      %add3A_586 = arith.addi %mul3A_584, %add3A_585 : i32
      %swap3A_587 = arith.index_cast %add3A_586 : i32 to index
      %swap3A_588 = arith.constant 16 : index
      %swap3A_589 = tpu.vector_load %arg10[%swap3A_587, %swap3A_588] {strides = array<i32>} : memref<256x64xf32, #tpu.memory_space<vmem>>, vector<16xf32>,
      tpu.vector_store %arg10[%swap3A_587, %swap3A_588], %get3A_540 {add = true, strides = array<i32>} : memref<256x64xf32, #tpu.memory_space<vmem>>, vector<16xf32>,
      %mul3A_590 = arith.constant 16 : i32
      %mul3A_591 = arith.muli %scan3A_419, %mul3A_590 : i32
      %add3A_592 = arith.constant 7 : i32
      %add3A_593 = arith.addi %mul3A_591, %add3A_592 : i32
      %swap3A_594 = arith.index_cast %add3A_593 : i32 to index
      %swap3A_595 = arith.constant 16 : index
      %swap3A_596 = tpu.vector_load %arg10[%swap3A_594, %swap3A_595] {strides = array<i32>} : memref<256x64xf32, #tpu.memory_space<vmem>>, vector<16xf32>,
      tpu.vector_store %arg10[%swap3A_594, %swap3A_595], %get3A_540 {add = true, strides = array<i32>} : memref<256x64xf32, #tpu.memory_space<vmem>>, vector<16xf32>,
      %mul3A_597 = arith.constant 16 : i32
      %mul3A_598 = arith.muli %scan3A_419, %mul3A_597 : i32
      %add3A_599 = arith.constant 8 : i32
      %add3A_600 = arith.addi %mul3A_598, %add3A_599 : i32
      %swap3A_601 = arith.index_cast %add3A_600 : i32 to index
      %swap3A_602 = arith.constant 16 : index
      %swap3A_603 = tpu.vector_load %arg10[%swap3A_601, %swap3A_602] {strides = array<i32>} : memref<256x64xf32, #tpu.memory_space<vmem>>, vector<16xf32>,
      tpu.vector_store %arg10[%swap3A_601, %swap3A_602], %get3A_540 {add = true, strides = array<i32>} : memref<256x64xf32, #tpu.memory_space<vmem>>, vector<16xf32>,
      %mul3A_604 = arith.constant 16 : i32
      %mul3A_605 = arith.muli %scan3A_419, %mul3A_604 : i32
      %add3A_606 = arith.constant 9 : i32
      %add3A_607 = arith.addi %mul3A_605, %add3A_606 : i32
      %swap3A_608 = arith.index_cast %add3A_607 : i32 to index
      %swap3A_609 = arith.constant 16 : index
      %swap3A_610 = tpu.vector_load %arg10[%swap3A_608, %swap3A_609] {strides = array<i32>} : memref<256x64xf32, #tpu.memory_space<vmem>>, vector<16xf32>,
      tpu.vector_store %arg10[%swap3A_608, %swap3A_609], %get3A_540 {add = true, strides = array<i32>} : memref<256x64xf32, #tpu.memory_space<vmem>>, vector<16xf32>,
      %mul3A_611 = arith.constant 16 : i32
      %mul3A_612 = arith.muli %scan3A_419, %mul3A_611 : i32
      %add3A_613 = arith.constant 10 : i32
      %add3A_614 = arith.addi %mul3A_612, %add3A_613 : i32
      %swap3A_615 = arith.index_cast %add3A_614 : i32 to index
      %swap3A_616 = arith.constant 16 : index
      %swap3A_617 = tpu.vector_load %arg10[%swap3A_615, %swap3A_616] {strides = array<i32>} : memref<256x64xf32, #tpu.memory_space<vmem>>, vector<16xf32>,
      tpu.vector_store %arg10[%swap3A_615, %swap3A_616], %get3A_540 {add = true, strides = array<i32>} : memref<256x64xf32, #tpu.memory_space<vmem>>, vector<16xf32>,
      %mul3A_618 = arith.constant 16 : i32
      %mul3A_619 = arith.muli %scan3A_419, %mul3A_618 : i32
      %add3A_620 = arith.constant 11 : i32
      %add3A_621 = arith.addi %mul3A_619, %add3A_620 : i32
      %swap3A_622 = arith.index_cast %add3A_621 : i32 to index
      %swap3A_623 = arith.constant 16 : index
      %swap3A_624 = tpu.vector_load %arg10[%swap3A_622, %swap3A_623] {strides = array<i32>} : memref<256x64xf32, #tpu.memory_space<vmem>>, vector<16xf32>,
      tpu.vector_store %arg10[%swap3A_622, %swap3A_623], %get3A_540 {add = true, strides = array<i32>} : memref<256x64xf32, #tpu.memory_space<vmem>>, vector<16xf32>,
      %mul3A_625 = arith.constant 16 : i32
      %mul3A_626 = arith.muli %scan3A_419, %mul3A_625 : i32
      %add3A_627 = arith.constant 12 : i32
      %add3A_628 = arith.addi %mul3A_626, %add3A_627 : i32
      %swap3A_629 = arith.index_cast %add3A_628 : i32 to index
      %swap3A_630 = arith.constant 16 : index
      %swap3A_631 = tpu.vector_load %arg10[%swap3A_629, %swap3A_630] {strides = array<i32>} : memref<256x64xf32, #tpu.memory_space<vmem>>, vector<16xf32>,
      tpu.vector_store %arg10[%swap3A_629, %swap3A_630], %get3A_540 {add = true, strides = array<i32>} : memref<256x64xf32, #tpu.memory_space<vmem>>, vector<16xf32>,
      %mul3A_632 = arith.constant 16 : i32
      %mul3A_633 = arith.muli %scan3A_419, %mul3A_632 : i32
      %add3A_634 = arith.constant 13 : i32
      %add3A_635 = arith.addi %mul3A_633, %add3A_634 : i32
      %swap3A_636 = arith.index_cast %add3A_635 : i32 to index
      %swap3A_637 = arith.constant 16 : index
      %swap3A_638 = tpu.vector_load %arg10[%swap3A_636, %swap3A_637] {strides = array<i32>} : memref<256x64xf32, #tpu.memory_space<vmem>>, vector<16xf32>,
      tpu.vector_store %arg10[%swap3A_636, %swap3A_637], %get3A_540 {add = true, strides = array<i32>} : memref<256x64xf32, #tpu.memory_space<vmem>>, vector<16xf32>,
      %mul3A_639 = arith.constant 16 : i32
      %mul3A_640 = arith.muli %scan3A_419, %mul3A_639 : i32
      %add3A_641 = arith.constant 14 : i32
      %add3A_642 = arith.addi %mul3A_640, %add3A_641 : i32
      %swap3A_643 = arith.index_cast %add3A_642 : i32 to index
      %swap3A_644 = arith.constant 16 : index
      %swap3A_645 = tpu.vector_load %arg10[%swap3A_643, %swap3A_644] {strides = array<i32>} : memref<256x64xf32, #tpu.memory_space<vmem>>, vector<16xf32>,
      tpu.vector_store %arg10[%swap3A_643, %swap3A_644], %get3A_540 {add = true, strides = array<i32>} : memref<256x64xf32, #tpu.memory_space<vmem>>, vector<16xf32>,
      %mul3A_646 = arith.constant 16 : i32
      %mul3A_647 = arith.muli %scan3A_419, %mul3A_646 : i32
      %add3A_648 = arith.constant 15 : i32
      %add3A_649 = arith.addi %mul3A_647, %add3A_648 : i32
      %swap3A_650 = arith.index_cast %add3A_649 : i32 to index
      %swap3A_651 = arith.constant 16 : index
      %swap3A_652 = tpu.vector_load %arg10[%swap3A_650, %swap3A_651] {strides = array<i32>} : memref<256x64xf32, #tpu.memory_space<vmem>>, vector<16xf32>,
      tpu.vector_store %arg10[%swap3A_650, %swap3A_651], %get3A_540 {add = true, strides = array<i32>} : memref<256x64xf32, #tpu.memory_space<vmem>>, vector<16xf32>,
      %add3A_653 = arith.constant 16 : i32
      %add3A_654 = arith.addi %add3A_653, %scan3A_419 : i32
      %get3A_655 = arith.index_cast %add3A_654 : i32 to index
      %get3A_656 = arith.constant 32 : index
      %get3A_657 = tpu.vector_load %arg8[%get3A_655, %get3A_656] {strides = array<i32>} : memref<128x64xf32, #tpu.memory_space<vmem>>, vector<16xf32>,
      %mul3A_658 = arith.constant 16 : i32
      %mul3A_659 = arith.muli %scan3A_419, %mul3A_658 : i32
      %add3A_660 = arith.constant 0 : i32
      %add3A_661 = arith.addi %mul3A_659, %add3A_660 : i32
      %swap3A_662 = arith.index_cast %add3A_661 : i32 to index
      %swap3A_663 = arith.constant 32 : index
      %swap3A_664 = tpu.vector_load %arg10[%swap3A_662, %swap3A_663] {strides = array<i32>} : memref<256x64xf32, #tpu.memory_space<vmem>>, vector<16xf32>,
      tpu.vector_store %arg10[%swap3A_662, %swap3A_663], %get3A_657 {add = true, strides = array<i32>} : memref<256x64xf32, #tpu.memory_space<vmem>>, vector<16xf32>,
      %mul3A_665 = arith.constant 16 : i32
      %mul3A_666 = arith.muli %scan3A_419, %mul3A_665 : i32
      %add3A_667 = arith.constant 1 : i32
      %add3A_668 = arith.addi %mul3A_666, %add3A_667 : i32
      %swap3A_669 = arith.index_cast %add3A_668 : i32 to index
      %swap3A_670 = arith.constant 32 : index
      %swap3A_671 = tpu.vector_load %arg10[%swap3A_669, %swap3A_670] {strides = array<i32>} : memref<256x64xf32, #tpu.memory_space<vmem>>, vector<16xf32>,
      tpu.vector_store %arg10[%swap3A_669, %swap3A_670], %get3A_657 {add = true, strides = array<i32>} : memref<256x64xf32, #tpu.memory_space<vmem>>, vector<16xf32>,
      %mul3A_672 = arith.constant 16 : i32
      %mul3A_673 = arith.muli %scan3A_419, %mul3A_672 : i32
      %add3A_674 = arith.constant 2 : i32
      %add3A_675 = arith.addi %mul3A_673, %add3A_674 : i32
      %swap3A_676 = arith.index_cast %add3A_675 : i32 to index
      %swap3A_677 = arith.constant 32 : index
      %swap3A_678 = tpu.vector_load %arg10[%swap3A_676, %swap3A_677] {strides = array<i32>} : memref<256x64xf32, #tpu.memory_space<vmem>>, vector<16xf32>,
      tpu.vector_store %arg10[%swap3A_676, %swap3A_677], %get3A_657 {add = true, strides = array<i32>} : memref<256x64xf32, #tpu.memory_space<vmem>>, vector<16xf32>,
      %mul3A_679 = arith.constant 16 : i32
      %mul3A_680 = arith.muli %scan3A_419, %mul3A_679 : i32
      %add3A_681 = arith.constant 3 : i32
      %add3A_682 = arith.addi %mul3A_680, %add3A_681 : i32
      %swap3A_683 = arith.index_cast %add3A_682 : i32 to index
      %swap3A_684 = arith.constant 32 : index
      %swap3A_685 = tpu.vector_load %arg10[%swap3A_683, %swap3A_684] {strides = array<i32>} : memref<256x64xf32, #tpu.memory_space<vmem>>, vector<16xf32>,
      tpu.vector_store %arg10[%swap3A_683, %swap3A_684], %get3A_657 {add = true, strides = array<i32>} : memref<256x64xf32, #tpu.memory_space<vmem>>, vector<16xf32>,
      %mul3A_686 = arith.constant 16 : i32
      %mul3A_687 = arith.muli %scan3A_419, %mul3A_686 : i32
      %add3A_688 = arith.constant 4 : i32
      %add3A_689 = arith.addi %mul3A_687, %add3A_688 : i32
      %swap3A_690 = arith.index_cast %add3A_689 : i32 to index
      %swap3A_691 = arith.constant 32 : index
      %swap3A_692 = tpu.vector_load %arg10[%swap3A_690, %swap3A_691] {strides = array<i32>} : memref<256x64xf32, #tpu.memory_space<vmem>>, vector<16xf32>,
      tpu.vector_store %arg10[%swap3A_690, %swap3A_691], %get3A_657 {add = true, strides = array<i32>} : memref<256x64xf32, #tpu.memory_space<vmem>>, vector<16xf32>,
      %mul3A_693 = arith.constant 16 : i32
      %mul3A_694 = arith.muli %scan3A_419, %mul3A_693 : i32
      %add3A_695 = arith.constant 5 : i32
      %add3A_696 = arith.addi %mul3A_694, %add3A_695 : i32
      %swap3A_697 = arith.index_cast %add3A_696 : i32 to index
      %swap3A_698 = arith.constant 32 : index
      %swap3A_699 = tpu.vector_load %arg10[%swap3A_697, %swap3A_698] {strides = array<i32>} : memref<256x64xf32, #tpu.memory_space<vmem>>, vector<16xf32>,
      tpu.vector_store %arg10[%swap3A_697, %swap3A_698], %get3A_657 {add = true, strides = array<i32>} : memref<256x64xf32, #tpu.memory_space<vmem>>, vector<16xf32>,
      %mul3A_700 = arith.constant 16 : i32
      %mul3A_701 = arith.muli %scan3A_419, %mul3A_700 : i32
      %add3A_702 = arith.constant 6 : i32
      %add3A_703 = arith.addi %mul3A_701, %add3A_702 : i32
      %swap3A_704 = arith.index_cast %add3A_703 : i32 to index
      %swap3A_705 = arith.constant 32 : index
      %swap3A_706 = tpu.vector_load %arg10[%swap3A_704, %swap3A_705] {strides = array<i32>} : memref<256x64xf32, #tpu.memory_space<vmem>>, vector<16xf32>,
      tpu.vector_store %arg10[%swap3A_704, %swap3A_705], %get3A_657 {add = true, strides = array<i32>} : memref<256x64xf32, #tpu.memory_space<vmem>>, vector<16xf32>,
      %mul3A_707 = arith.constant 16 : i32
      %mul3A_708 = arith.muli %scan3A_419, %mul3A_707 : i32
      %add3A_709 = arith.constant 7 : i32
      %add3A_710 = arith.addi %mul3A_708, %add3A_709 : i32
      %swap3A_711 = arith.index_cast %add3A_710 : i32 to index
      %swap3A_712 = arith.constant 32 : index
      %swap3A_713 = tpu.vector_load %arg10[%swap3A_711, %swap3A_712] {strides = array<i32>} : memref<256x64xf32, #tpu.memory_space<vmem>>, vector<16xf32>,
      tpu.vector_store %arg10[%swap3A_711, %swap3A_712], %get3A_657 {add = true, strides = array<i32>} : memref<256x64xf32, #tpu.memory_space<vmem>>, vector<16xf32>,
      %mul3A_714 = arith.constant 16 : i32
      %mul3A_715 = arith.muli %scan3A_419, %mul3A_714 : i32
      %add3A_716 = arith.constant 8 : i32
      %add3A_717 = arith.addi %mul3A_715, %add3A_716 : i32
      %swap3A_718 = arith.index_cast %add3A_717 : i32 to index
      %swap3A_719 = arith.constant 32 : index
      %swap3A_720 = tpu.vector_load %arg10[%swap3A_718, %swap3A_719] {strides = array<i32>} : memref<256x64xf32, #tpu.memory_space<vmem>>, vector<16xf32>,
      tpu.vector_store %arg10[%swap3A_718, %swap3A_719], %get3A_657 {add = true, strides = array<i32>} : memref<256x64xf32, #tpu.memory_space<vmem>>, vector<16xf32>,
      %mul3A_721 = arith.constant 16 : i32
      %mul3A_722 = arith.muli %scan3A_419, %mul3A_721 : i32
      %add3A_723 = arith.constant 9 : i32
      %add3A_724 = arith.addi %mul3A_722, %add3A_723 : i32
      %swap3A_725 = arith.index_cast %add3A_724 : i32 to index
      %swap3A_726 = arith.constant 32 : index
      %swap3A_727 = tpu.vector_load %arg10[%swap3A_725, %swap3A_726] {strides = array<i32>} : memref<256x64xf32, #tpu.memory_space<vmem>>, vector<16xf32>,
      tpu.vector_store %arg10[%swap3A_725, %swap3A_726], %get3A_657 {add = true, strides = array<i32>} : memref<256x64xf32, #tpu.memory_space<vmem>>, vector<16xf32>,
      %mul3A_728 = arith.constant 16 : i32
      %mul3A_729 = arith.muli %scan3A_419, %mul3A_728 : i32
      %add3A_730 = arith.constant 10 : i32
      %add3A_731 = arith.addi %mul3A_729, %add3A_730 : i32
      %swap3A_732 = arith.index_cast %add3A_731 : i32 to index
      %swap3A_733 = arith.constant 32 : index
      %swap3A_734 = tpu.vector_load %arg10[%swap3A_732, %swap3A_733] {strides = array<i32>} : memref<256x64xf32, #tpu.memory_space<vmem>>, vector<16xf32>,
      tpu.vector_store %arg10[%swap3A_732, %swap3A_733], %get3A_657 {add = true, strides = array<i32>} : memref<256x64xf32, #tpu.memory_space<vmem>>, vector<16xf32>,
      %mul3A_735 = arith.constant 16 : i32
      %mul3A_736 = arith.muli %scan3A_419, %mul3A_735 : i32
      %add3A_737 = arith.constant 11 : i32
      %add3A_738 = arith.addi %mul3A_736, %add3A_737 : i32
      %swap3A_739 = arith.index_cast %add3A_738 : i32 to index
      %swap3A_740 = arith.constant 32 : index
      %swap3A_741 = tpu.vector_load %arg10[%swap3A_739, %swap3A_740] {strides = array<i32>} : memref<256x64xf32, #tpu.memory_space<vmem>>, vector<16xf32>,
      tpu.vector_store %arg10[%swap3A_739, %swap3A_740], %get3A_657 {add = true, strides = array<i32>} : memref<256x64xf32, #tpu.memory_space<vmem>>, vector<16xf32>,
      %mul3A_742 = arith.constant 16 : i32
      %mul3A_743 = arith.muli %scan3A_419, %mul3A_742 : i32
      %add3A_744 = arith.constant 12 : i32
      %add3A_745 = arith.addi %mul3A_743, %add3A_744 : i32
      %swap3A_746 = arith.index_cast %add3A_745 : i32 to index
      %swap3A_747 = arith.constant 32 : index
      %swap3A_748 = tpu.vector_load %arg10[%swap3A_746, %swap3A_747] {strides = array<i32>} : memref<256x64xf32, #tpu.memory_space<vmem>>, vector<16xf32>,
      tpu.vector_store %arg10[%swap3A_746, %swap3A_747], %get3A_657 {add = true, strides = array<i32>} : memref<256x64xf32, #tpu.memory_space<vmem>>, vector<16xf32>,
      %mul3A_749 = arith.constant 16 : i32
      %mul3A_750 = arith.muli %scan3A_419, %mul3A_749 : i32
      %add3A_751 = arith.constant 13 : i32
      %add3A_752 = arith.addi %mul3A_750, %add3A_751 : i32
      %swap3A_753 = arith.index_cast %add3A_752 : i32 to index
      %swap3A_754 = arith.constant 32 : index
      %swap3A_755 = tpu.vector_load %arg10[%swap3A_753, %swap3A_754] {strides = array<i32>} : memref<256x64xf32, #tpu.memory_space<vmem>>, vector<16xf32>,
      tpu.vector_store %arg10[%swap3A_753, %swap3A_754], %get3A_657 {add = true, strides = array<i32>} : memref<256x64xf32, #tpu.memory_space<vmem>>, vector<16xf32>,
      %mul3A_756 = arith.constant 16 : i32
      %mul3A_757 = arith.muli %scan3A_419, %mul3A_756 : i32
      %add3A_758 = arith.constant 14 : i32
      %add3A_759 = arith.addi %mul3A_757, %add3A_758 : i32
      %swap3A_760 = arith.index_cast %add3A_759 : i32 to index
      %swap3A_761 = arith.constant 32 : index
      %swap3A_762 = tpu.vector_load %arg10[%swap3A_760, %swap3A_761] {strides = array<i32>} : memref<256x64xf32, #tpu.memory_space<vmem>>, vector<16xf32>,
      tpu.vector_store %arg10[%swap3A_760, %swap3A_761], %get3A_657 {add = true, strides = array<i32>} : memref<256x64xf32, #tpu.memory_space<vmem>>, vector<16xf32>,
      %mul3A_763 = arith.constant 16 : i32
      %mul3A_764 = arith.muli %scan3A_419, %mul3A_763 : i32
      %add3A_765 = arith.constant 15 : i32
      %add3A_766 = arith.addi %mul3A_764, %add3A_765 : i32
      %swap3A_767 = arith.index_cast %add3A_766 : i32 to index
      %swap3A_768 = arith.constant 32 : index
      %swap3A_769 = tpu.vector_load %arg10[%swap3A_767, %swap3A_768] {strides = array<i32>} : memref<256x64xf32, #tpu.memory_space<vmem>>, vector<16xf32>,
      tpu.vector_store %arg10[%swap3A_767, %swap3A_768], %get3A_657 {add = true, strides = array<i32>} : memref<256x64xf32, #tpu.memory_space<vmem>>, vector<16xf32>,
      %add3A_770 = arith.constant 16 : i32
      %add3A_771 = arith.addi %add3A_770, %scan3A_419 : i32
      %get3A_772 = arith.index_cast %add3A_771 : i32 to index
      %get3A_773 = arith.constant 48 : index
      %get3A_774 = tpu.vector_load %arg8[%get3A_772, %get3A_773] {strides = array<i32>} : memref<128x64xf32, #tpu.memory_space<vmem>>, vector<16xf32>,
      %mul3A_775 = arith.constant 16 : i32
      %mul3A_776 = arith.muli %scan3A_419, %mul3A_775 : i32
      %add3A_777 = arith.constant 0 : i32
      %add3A_778 = arith.addi %mul3A_776, %add3A_777 : i32
      %swap3A_779 = arith.index_cast %add3A_778 : i32 to index
      %swap3A_780 = arith.constant 48 : index
      %swap3A_781 = tpu.vector_load %arg10[%swap3A_779, %swap3A_780] {strides = array<i32>} : memref<256x64xf32, #tpu.memory_space<vmem>>, vector<16xf32>,
      tpu.vector_store %arg10[%swap3A_779, %swap3A_780], %get3A_774 {add = true, strides = array<i32>} : memref<256x64xf32, #tpu.memory_space<vmem>>, vector<16xf32>,
      %mul3A_782 = arith.constant 16 : i32
      %mul3A_783 = arith.muli %scan3A_419, %mul3A_782 : i32
      %add3A_784 = arith.constant 1 : i32
      %add3A_785 = arith.addi %mul3A_783, %add3A_784 : i32
      %swap3A_786 = arith.index_cast %add3A_785 : i32 to index
      %swap3A_787 = arith.constant 48 : index
      %swap3A_788 = tpu.vector_load %arg10[%swap3A_786, %swap3A_787] {strides = array<i32>} : memref<256x64xf32, #tpu.memory_space<vmem>>, vector<16xf32>,
      tpu.vector_store %arg10[%swap3A_786, %swap3A_787], %get3A_774 {add = true, strides = array<i32>} : memref<256x64xf32, #tpu.memory_space<vmem>>, vector<16xf32>,
      %mul3A_789 = arith.constant 16 : i32
      %mul3A_790 = arith.muli %scan3A_419, %mul3A_789 : i32
      %add3A_791 = arith.constant 2 : i32
      %add3A_792 = arith.addi %mul3A_790, %add3A_791 : i32
      %swap3A_793 = arith.index_cast %add3A_792 : i32 to index
      %swap3A_794 = arith.constant 48 : index
      %swap3A_795 = tpu.vector_load %arg10[%swap3A_793, %swap3A_794] {strides = array<i32>} : memref<256x64xf32, #tpu.memory_space<vmem>>, vector<16xf32>,
      tpu.vector_store %arg10[%swap3A_793, %swap3A_794], %get3A_774 {add = true, strides = array<i32>} : memref<256x64xf32, #tpu.memory_space<vmem>>, vector<16xf32>,
      %mul3A_796 = arith.constant 16 : i32
      %mul3A_797 = arith.muli %scan3A_419, %mul3A_796 : i32
      %add3A_798 = arith.constant 3 : i32
      %add3A_799 = arith.addi %mul3A_797, %add3A_798 : i32
      %swap3A_800 = arith.index_cast %add3A_799 : i32 to index
      %swap3A_801 = arith.constant 48 : index
      %swap3A_802 = tpu.vector_load %arg10[%swap3A_800, %swap3A_801] {strides = array<i32>} : memref<256x64xf32, #tpu.memory_space<vmem>>, vector<16xf32>,
      tpu.vector_store %arg10[%swap3A_800, %swap3A_801], %get3A_774 {add = true, strides = array<i32>} : memref<256x64xf32, #tpu.memory_space<vmem>>, vector<16xf32>,
      %mul3A_803 = arith.constant 16 : i32
      %mul3A_804 = arith.muli %scan3A_419, %mul3A_803 : i32
      %add3A_805 = arith.constant 4 : i32
      %add3A_806 = arith.addi %mul3A_804, %add3A_805 : i32
      %swap3A_807 = arith.index_cast %add3A_806 : i32 to index
      %swap3A_808 = arith.constant 48 : index
      %swap3A_809 = tpu.vector_load %arg10[%swap3A_807, %swap3A_808] {strides = array<i32>} : memref<256x64xf32, #tpu.memory_space<vmem>>, vector<16xf32>,
      tpu.vector_store %arg10[%swap3A_807, %swap3A_808], %get3A_774 {add = true, strides = array<i32>} : memref<256x64xf32, #tpu.memory_space<vmem>>, vector<16xf32>,
      %mul3A_810 = arith.constant 16 : i32
      %mul3A_811 = arith.muli %scan3A_419, %mul3A_810 : i32
      %add3A_812 = arith.constant 5 : i32
      %add3A_813 = arith.addi %mul3A_811, %add3A_812 : i32
      %swap3A_814 = arith.index_cast %add3A_813 : i32 to index
      %swap3A_815 = arith.constant 48 : index
      %swap3A_816 = tpu.vector_load %arg10[%swap3A_814, %swap3A_815] {strides = array<i32>} : memref<256x64xf32, #tpu.memory_space<vmem>>, vector<16xf32>,
      tpu.vector_store %arg10[%swap3A_814, %swap3A_815], %get3A_774 {add = true, strides = array<i32>} : memref<256x64xf32, #tpu.memory_space<vmem>>, vector<16xf32>,
      %mul3A_817 = arith.constant 16 : i32
      %mul3A_818 = arith.muli %scan3A_419, %mul3A_817 : i32
      %add3A_819 = arith.constant 6 : i32
      %add3A_820 = arith.addi %mul3A_818, %add3A_819 : i32
      %swap3A_821 = arith.index_cast %add3A_820 : i32 to index
      %swap3A_822 = arith.constant 48 : index
      %swap3A_823 = tpu.vector_load %arg10[%swap3A_821, %swap3A_822] {strides = array<i32>} : memref<256x64xf32, #tpu.memory_space<vmem>>, vector<16xf32>,
      tpu.vector_store %arg10[%swap3A_821, %swap3A_822], %get3A_774 {add = true, strides = array<i32>} : memref<256x64xf32, #tpu.memory_space<vmem>>, vector<16xf32>,
      %mul3A_824 = arith.constant 16 : i32
      %mul3A_825 = arith.muli %scan3A_419, %mul3A_824 : i32
      %add3A_826 = arith.constant 7 : i32
      %add3A_827 = arith.addi %mul3A_825, %add3A_826 : i32
      %swap3A_828 = arith.index_cast %add3A_827 : i32 to index
      %swap3A_829 = arith.constant 48 : index
      %swap3A_830 = tpu.vector_load %arg10[%swap3A_828, %swap3A_829] {strides = array<i32>} : memref<256x64xf32, #tpu.memory_space<vmem>>, vector<16xf32>,
      tpu.vector_store %arg10[%swap3A_828, %swap3A_829], %get3A_774 {add = true, strides = array<i32>} : memref<256x64xf32, #tpu.memory_space<vmem>>, vector<16xf32>,
      %mul3A_831 = arith.constant 16 : i32
      %mul3A_832 = arith.muli %scan3A_419, %mul3A_831 : i32
      %add3A_833 = arith.constant 8 : i32
      %add3A_834 = arith.addi %mul3A_832, %add3A_833 : i32
      %swap3A_835 = arith.index_cast %add3A_834 : i32 to index
      %swap3A_836 = arith.constant 48 : index
      %swap3A_837 = tpu.vector_load %arg10[%swap3A_835, %swap3A_836] {strides = array<i32>} : memref<256x64xf32, #tpu.memory_space<vmem>>, vector<16xf32>,
      tpu.vector_store %arg10[%swap3A_835, %swap3A_836], %get3A_774 {add = true, strides = array<i32>} : memref<256x64xf32, #tpu.memory_space<vmem>>, vector<16xf32>,
      %mul3A_838 = arith.constant 16 : i32
      %mul3A_839 = arith.muli %scan3A_419, %mul3A_838 : i32
      %add3A_840 = arith.constant 9 : i32
      %add3A_841 = arith.addi %mul3A_839, %add3A_840 : i32
      %swap3A_842 = arith.index_cast %add3A_841 : i32 to index
      %swap3A_843 = arith.constant 48 : index
      %swap3A_844 = tpu.vector_load %arg10[%swap3A_842, %swap3A_843] {strides = array<i32>} : memref<256x64xf32, #tpu.memory_space<vmem>>, vector<16xf32>,
      tpu.vector_store %arg10[%swap3A_842, %swap3A_843], %get3A_774 {add = true, strides = array<i32>} : memref<256x64xf32, #tpu.memory_space<vmem>>, vector<16xf32>,
      %mul3A_845 = arith.constant 16 : i32
      %mul3A_846 = arith.muli %scan3A_419, %mul3A_845 : i32
      %add3A_847 = arith.constant 10 : i32
      %add3A_848 = arith.addi %mul3A_846, %add3A_847 : i32
      %swap3A_849 = arith.index_cast %add3A_848 : i32 to index
      %swap3A_850 = arith.constant 48 : index
      %swap3A_851 = tpu.vector_load %arg10[%swap3A_849, %swap3A_850] {strides = array<i32>} : memref<256x64xf32, #tpu.memory_space<vmem>>, vector<16xf32>,
      tpu.vector_store %arg10[%swap3A_849, %swap3A_850], %get3A_774 {add = true, strides = array<i32>} : memref<256x64xf32, #tpu.memory_space<vmem>>, vector<16xf32>,
      %mul3A_852 = arith.constant 16 : i32
      %mul3A_853 = arith.muli %scan3A_419, %mul3A_852 : i32
      %add3A_854 = arith.constant 11 : i32
      %add3A_855 = arith.addi %mul3A_853, %add3A_854 : i32
      %swap3A_856 = arith.index_cast %add3A_855 : i32 to index
      %swap3A_857 = arith.constant 48 : index
      %swap3A_858 = tpu.vector_load %arg10[%swap3A_856, %swap3A_857] {strides = array<i32>} : memref<256x64xf32, #tpu.memory_space<vmem>>, vector<16xf32>,
      tpu.vector_store %arg10[%swap3A_856, %swap3A_857], %get3A_774 {add = true, strides = array<i32>} : memref<256x64xf32, #tpu.memory_space<vmem>>, vector<16xf32>,
      %mul3A_859 = arith.constant 16 : i32
      %mul3A_860 = arith.muli %scan3A_419, %mul3A_859 : i32
      %add3A_861 = arith.constant 12 : i32
      %add3A_862 = arith.addi %mul3A_860, %add3A_861 : i32
      %swap3A_863 = arith.index_cast %add3A_862 : i32 to index
      %swap3A_864 = arith.constant 48 : index
      %swap3A_865 = tpu.vector_load %arg10[%swap3A_863, %swap3A_864] {strides = array<i32>} : memref<256x64xf32, #tpu.memory_space<vmem>>, vector<16xf32>,
      tpu.vector_store %arg10[%swap3A_863, %swap3A_864], %get3A_774 {add = true, strides = array<i32>} : memref<256x64xf32, #tpu.memory_space<vmem>>, vector<16xf32>,
      %mul3A_866 = arith.constant 16 : i32
      %mul3A_867 = arith.muli %scan3A_419, %mul3A_866 : i32
      %add3A_868 = arith.constant 13 : i32
      %add3A_869 = arith.addi %mul3A_867, %add3A_868 : i32
      %swap3A_870 = arith.index_cast %add3A_869 : i32 to index
      %swap3A_871 = arith.constant 48 : index
      %swap3A_872 = tpu.vector_load %arg10[%swap3A_870, %swap3A_871] {strides = array<i32>} : memref<256x64xf32, #tpu.memory_space<vmem>>, vector<16xf32>,
      tpu.vector_store %arg10[%swap3A_870, %swap3A_871], %get3A_774 {add = true, strides = array<i32>} : memref<256x64xf32, #tpu.memory_space<vmem>>, vector<16xf32>,
      %mul3A_873 = arith.constant 16 : i32
      %mul3A_874 = arith.muli %scan3A_419, %mul3A_873 : i32
      %add3A_875 = arith.constant 14 : i32
      %add3A_876 = arith.addi %mul3A_874, %add3A_875 : i32
      %swap3A_877 = arith.index_cast %add3A_876 : i32 to index
      %swap3A_878 = arith.constant 48 : index
      %swap3A_879 = tpu.vector_load %arg10[%swap3A_877, %swap3A_878] {strides = array<i32>} : memref<256x64xf32, #tpu.memory_space<vmem>>, vector<16xf32>,
      tpu.vector_store %arg10[%swap3A_877, %swap3A_878], %get3A_774 {add = true, strides = array<i32>} : memref<256x64xf32, #tpu.memory_space<vmem>>, vector<16xf32>,
      %mul3A_880 = arith.constant 16 : i32
      %mul3A_881 = arith.muli %scan3A_419, %mul3A_880 : i32
      %add3A_882 = arith.constant 15 : i32
      %add3A_883 = arith.addi %mul3A_881, %add3A_882 : i32
      %swap3A_884 = arith.index_cast %add3A_883 : i32 to index
      %swap3A_885 = arith.constant 48 : index
      %swap3A_886 = tpu.vector_load %arg10[%swap3A_884, %swap3A_885] {strides = array<i32>} : memref<256x64xf32, #tpu.memory_space<vmem>>, vector<16xf32>,
      tpu.vector_store %arg10[%swap3A_884, %swap3A_885], %get3A_774 {add = true, strides = array<i32>} : memref<256x64xf32, #tpu.memory_space<vmem>>, vector<16xf32>,
      %scan3A_887 = arith.constant 0 : i32
      scf.yield %scan3A_887 : i32
    }
    %scan3A_96 = arith.constant 16 : i32
    %add3A_97 = arith.constant 256 : i32
    %add3A_98 = arith.addi %add3A_97, %mul3A_2 : i32
    %add3A_99 = arith.constant 256 : i32
    %add3A_100 = arith.addi %add3A_98, %add3A_99 : i32
    %dma_start3A_101 = arith.constant 0 : i32
    %dma_start3A_102 = tpu.memref_slice %arg6[%add3A_100, %dma_start3A_101] : memref<65792x64xf32, #tpu.memory_space<hbm>> -> memref<256x64xf32, #tpu.memory_space<hbm>>
    %dma_start3A_103 = arith.constant 0 : i32
    %dma_start3A_104 = tpu.memref_slice %arg6[%add3A_100, %dma_start3A_103] : memref<65792x64xf32, #tpu.memory_space<hbm>> -> memref<256x64xf32, #tpu.memory_space<hbm>>
    tpu.enqueue_dma source(%arg10 : memref<256x64xf32, #tpu.memory_space<vmem>>) target(%dma_start3A_104 : memref<256x64xf32, #tpu.memory_space<hbm>>) target_semaphore(%arg16 : memref<!tpu.dma_semaphore, #tpu.memory_space<semaphore_mem>>)
    %dma_wait3A_105 = arith.constant 0 : i32
    %dma_wait3A_106 = tpu.memref_slice %arg6[%add3A_53, %dma_wait3A_105] : memref<65792x64xf32, #tpu.memory_space<hbm>> -> memref<256x64xf32, #tpu.memory_space<hbm>>
    %dma_wait3A_107 = arith.constant 0 : i32
    %dma_wait3A_108 = tpu.memref_slice %arg6[%add3A_53, %dma_wait3A_107] : memref<65792x64xf32, #tpu.memory_space<hbm>> -> memref<256x64xf32, #tpu.memory_space<hbm>>
    tpu.wait_dma2 semaphore(%arg15 : memref<!tpu.dma_semaphore, #tpu.memory_space<semaphore_mem>>) src(%arg9 : memref<256x64xf32, #tpu.memory_space<vmem>>) dst(%dma_wait3A_108 : memref<256x64xf32, #tpu.memory_space<hbm>>)
    %dma_start3A_109 = arith.constant 0 : i32
    %dma_start3A_110 = arith.constant 0 : i32
    %dma_start3A_111 = tpu.memref_slice %arg9[%dma_start3A_109, %dma_start3A_110] : memref<256x64xf32, #tpu.memory_space<vmem>> -> memref<128x64xf32, #tpu.memory_space<vmem>>
    %dma_start3A_112 = arith.constant 512 : i32
    %dma_start3A_113 = tpu.memref_slice %arg7[%dma_start3A_112] : memref<2048xi32, #tpu.memory_space<vmem>> -> memref<128xi32, #tpu.memory_space<vmem>>
    %dma_start3A_114 = arith.constant 0 : i32
    %dma_start3A_115 = arith.constant 0 : i32
    %dma_start3A_116 = tpu.memref_slice %arg3[%dma_start3A_114, %dma_start3A_115] : memref<2000000x64xf32, #tpu.memory_space<hbm>> -> memref<2000000x64xf32, #tpu.memory_space<hbm>>
    tpu.enqueue_indirect_dma source(%dma_start3A_116 : memref<2000000x64xf32, #tpu.memory_space<hbm>>) target(%dma_start3A_111 : memref<128x64xf32, #tpu.memory_space<vmem>>) offsets(%dma_start3A_113 : memref<128xi32, #tpu.memory_space<vmem>>) semaphore(%arg13 : memref<!tpu.dma_semaphore, #tpu.memory_space<semaphore_mem>>)
    %dma_start3A_117 = arith.constant 128 : i32
    %dma_start3A_118 = arith.constant 0 : i32
    %dma_start3A_119 = tpu.memref_slice %arg9[%dma_start3A_117, %dma_start3A_118] : memref<256x64xf32, #tpu.memory_space<vmem>> -> memref<128x64xf32, #tpu.memory_space<vmem>>
    %dma_start3A_120 = arith.constant 640 : i32
    %dma_start3A_121 = tpu.memref_slice %arg7[%dma_start3A_120] : memref<2048xi32, #tpu.memory_space<vmem>> -> memref<128xi32, #tpu.memory_space<vmem>>
    %dma_start3A_122 = arith.constant 0 : i32
    %dma_start3A_123 = arith.constant 0 : i32
    %dma_start3A_124 = tpu.memref_slice %arg3[%dma_start3A_122, %dma_start3A_123] : memref<2000000x64xf32, #tpu.memory_space<hbm>> -> memref<2000000x64xf32, #tpu.memory_space<hbm>>
    tpu.enqueue_indirect_dma source(%dma_start3A_124 : memref<2000000x64xf32, #tpu.memory_space<hbm>>) target(%dma_start3A_119 : memref<128x64xf32, #tpu.memory_space<vmem>>) offsets(%dma_start3A_121 : memref<128xi32, #tpu.memory_space<vmem>>) semaphore(%arg13 : memref<!tpu.dma_semaphore, #tpu.memory_space<semaphore_mem>>)
    %dma_wait3A_125 = arith.constant 0 : i32
    %dma_wait3A_126 = arith.constant 0 : i32
    %dma_wait3A_127 = tpu.memref_slice %arg9[%dma_wait3A_125, %dma_wait3A_126] : memref<256x64xf32, #tpu.memory_space<vmem>> -> memref<128x64xf32, #tpu.memory_space<vmem>>
    %dma_wait3A_128 = arith.constant 512 : i32
    %dma_wait3A_129 = tpu.memref_slice %arg7[%dma_wait3A_128] : memref<2048xi32, #tpu.memory_space<vmem>> -> memref<128xi32, #tpu.memory_space<vmem>>
    %dma_wait3A_130 = arith.constant 0 : i32
    %dma_wait3A_131 = arith.constant 0 : i32
    %dma_wait3A_132 = tpu.memref_slice %arg3[%dma_wait3A_130, %dma_wait3A_131] : memref<2000000x64xf32, #tpu.memory_space<hbm>> -> memref<2000000x64xf32, #tpu.memory_space<hbm>>
    tpu.wait_indirect_dma semaphore(%arg13 : memref<!tpu.dma_semaphore, #tpu.memory_space<semaphore_mem>>) src(%dma_wait3A_132 : memref<2000000x64xf32, #tpu.memory_space<hbm>>) dst(%dma_wait3A_127 : memref<128x64xf32, #tpu.memory_space<vmem>>)
    %dma_wait3A_133 = arith.constant 128 : i32
    %dma_wait3A_134 = arith.constant 0 : i32
    %dma_wait3A_135 = tpu.memref_slice %arg9[%dma_wait3A_133, %dma_wait3A_134] : memref<256x64xf32, #tpu.memory_space<vmem>> -> memref<128x64xf32, #tpu.memory_space<vmem>>
    %dma_wait3A_136 = arith.constant 640 : i32
    %dma_wait3A_137 = tpu.memref_slice %arg7[%dma_wait3A_136] : memref<2048xi32, #tpu.memory_space<vmem>> -> memref<128xi32, #tpu.memory_space<vmem>>
    %dma_wait3A_138 = arith.constant 0 : i32
    %dma_wait3A_139 = arith.constant 0 : i32
    %dma_wait3A_140 = tpu.memref_slice %arg3[%dma_wait3A_138, %dma_wait3A_139] : memref<2000000x64xf32, #tpu.memory_space<hbm>> -> memref<2000000x64xf32, #tpu.memory_space<hbm>>
    tpu.wait_indirect_dma semaphore(%arg13 : memref<!tpu.dma_semaphore, #tpu.memory_space<semaphore_mem>>) src(%dma_wait3A_140 : memref<2000000x64xf32, #tpu.memory_space<hbm>>) dst(%dma_wait3A_135 : memref<128x64xf32, #tpu.memory_space<vmem>>)
    %scan3A_141 = arith.constant 0 : i32
    %scan3A_142 = arith.constant 0 : i32
    %scan3A_143 = arith.constant 16 : i32
    %scan3A_144 = arith.addi %scan3A_142, %scan3A_143 : i32
    %scan3A_145 = arith.constant 1 : i32
    %scan3A_146 = scf.for %scan3A_419 = %scan3A_142 to %scan3A_144 step %scan3A_145 iter_args(%scan3A_420 = %scan3A_141) -> (i32)  : i32 {
      %add3A_421 = arith.constant 32 : i32
      %add3A_422 = arith.addi %add3A_421, %scan3A_419 : i32
      %get3A = arith.index_cast %add3A_422 : i32 to index
      %get3A_423 = arith.constant 0 : index
      %get3A_424 = tpu.vector_load %arg8[%get3A, %get3A_423] {strides = array<i32>} : memref<128x64xf32, #tpu.memory_space<vmem>>, vector<16xf32>,
      %mul3A_425 = arith.constant 16 : i32
      %mul3A_426 = arith.muli %scan3A_419, %mul3A_425 : i32
      %add3A_427 = arith.constant 0 : i32
      %add3A_428 = arith.addi %mul3A_426, %add3A_427 : i32
      %swap3A = arith.index_cast %add3A_428 : i32 to index
      %swap3A_429 = arith.constant 0 : index
      %swap3A_430 = tpu.vector_load %arg9[%swap3A, %swap3A_429] {strides = array<i32>} : memref<256x64xf32, #tpu.memory_space<vmem>>, vector<16xf32>,
      tpu.vector_store %arg9[%swap3A, %swap3A_429], %get3A_424 {add = true, strides = array<i32>} : memref<256x64xf32, #tpu.memory_space<vmem>>, vector<16xf32>,
      %mul3A_431 = arith.constant 16 : i32
      %mul3A_432 = arith.muli %scan3A_419, %mul3A_431 : i32
      %add3A_433 = arith.constant 1 : i32
      %add3A_434 = arith.addi %mul3A_432, %add3A_433 : i32
      %swap3A_435 = arith.index_cast %add3A_434 : i32 to index
      %swap3A_436 = arith.constant 0 : index
      %swap3A_437 = tpu.vector_load %arg9[%swap3A_435, %swap3A_436] {strides = array<i32>} : memref<256x64xf32, #tpu.memory_space<vmem>>, vector<16xf32>,
      tpu.vector_store %arg9[%swap3A_435, %swap3A_436], %get3A_424 {add = true, strides = array<i32>} : memref<256x64xf32, #tpu.memory_space<vmem>>, vector<16xf32>,
      %mul3A_438 = arith.constant 16 : i32
      %mul3A_439 = arith.muli %scan3A_419, %mul3A_438 : i32
      %add3A_440 = arith.constant 2 : i32
      %add3A_441 = arith.addi %mul3A_439, %add3A_440 : i32
      %swap3A_442 = arith.index_cast %add3A_441 : i32 to index
      %swap3A_443 = arith.constant 0 : index
      %swap3A_444 = tpu.vector_load %arg9[%swap3A_442, %swap3A_443] {strides = array<i32>} : memref<256x64xf32, #tpu.memory_space<vmem>>, vector<16xf32>,
      tpu.vector_store %arg9[%swap3A_442, %swap3A_443], %get3A_424 {add = true, strides = array<i32>} : memref<256x64xf32, #tpu.memory_space<vmem>>, vector<16xf32>,
      %mul3A_445 = arith.constant 16 : i32
      %mul3A_446 = arith.muli %scan3A_419, %mul3A_445 : i32
      %add3A_447 = arith.constant 3 : i32
      %add3A_448 = arith.addi %mul3A_446, %add3A_447 : i32
      %swap3A_449 = arith.index_cast %add3A_448 : i32 to index
      %swap3A_450 = arith.constant 0 : index
      %swap3A_451 = tpu.vector_load %arg9[%swap3A_449, %swap3A_450] {strides = array<i32>} : memref<256x64xf32, #tpu.memory_space<vmem>>, vector<16xf32>,
      tpu.vector_store %arg9[%swap3A_449, %swap3A_450], %get3A_424 {add = true, strides = array<i32>} : memref<256x64xf32, #tpu.memory_space<vmem>>, vector<16xf32>,
      %mul3A_452 = arith.constant 16 : i32
      %mul3A_453 = arith.muli %scan3A_419, %mul3A_452 : i32
      %add3A_454 = arith.constant 4 : i32
      %add3A_455 = arith.addi %mul3A_453, %add3A_454 : i32
      %swap3A_456 = arith.index_cast %add3A_455 : i32 to index
      %swap3A_457 = arith.constant 0 : index
      %swap3A_458 = tpu.vector_load %arg9[%swap3A_456, %swap3A_457] {strides = array<i32>} : memref<256x64xf32, #tpu.memory_space<vmem>>, vector<16xf32>,
      tpu.vector_store %arg9[%swap3A_456, %swap3A_457], %get3A_424 {add = true, strides = array<i32>} : memref<256x64xf32, #tpu.memory_space<vmem>>, vector<16xf32>,
      %mul3A_459 = arith.constant 16 : i32
      %mul3A_460 = arith.muli %scan3A_419, %mul3A_459 : i32
      %add3A_461 = arith.constant 5 : i32
      %add3A_462 = arith.addi %mul3A_460, %add3A_461 : i32
      %swap3A_463 = arith.index_cast %add3A_462 : i32 to index
      %swap3A_464 = arith.constant 0 : index
      %swap3A_465 = tpu.vector_load %arg9[%swap3A_463, %swap3A_464] {strides = array<i32>} : memref<256x64xf32, #tpu.memory_space<vmem>>, vector<16xf32>,
      tpu.vector_store %arg9[%swap3A_463, %swap3A_464], %get3A_424 {add = true, strides = array<i32>} : memref<256x64xf32, #tpu.memory_space<vmem>>, vector<16xf32>,
      %mul3A_466 = arith.constant 16 : i32
      %mul3A_467 = arith.muli %scan3A_419, %mul3A_466 : i32
      %add3A_468 = arith.constant 6 : i32
      %add3A_469 = arith.addi %mul3A_467, %add3A_468 : i32
      %swap3A_470 = arith.index_cast %add3A_469 : i32 to index
      %swap3A_471 = arith.constant 0 : index
      %swap3A_472 = tpu.vector_load %arg9[%swap3A_470, %swap3A_471] {strides = array<i32>} : memref<256x64xf32, #tpu.memory_space<vmem>>, vector<16xf32>,
      tpu.vector_store %arg9[%swap3A_470, %swap3A_471], %get3A_424 {add = true, strides = array<i32>} : memref<256x64xf32, #tpu.memory_space<vmem>>, vector<16xf32>,
      %mul3A_473 = arith.constant 16 : i32
      %mul3A_474 = arith.muli %scan3A_419, %mul3A_473 : i32
      %add3A_475 = arith.constant 7 : i32
      %add3A_476 = arith.addi %mul3A_474, %add3A_475 : i32
      %swap3A_477 = arith.index_cast %add3A_476 : i32 to index
      %swap3A_478 = arith.constant 0 : index
      %swap3A_479 = tpu.vector_load %arg9[%swap3A_477, %swap3A_478] {strides = array<i32>} : memref<256x64xf32, #tpu.memory_space<vmem>>, vector<16xf32>,
      tpu.vector_store %arg9[%swap3A_477, %swap3A_478], %get3A_424 {add = true, strides = array<i32>} : memref<256x64xf32, #tpu.memory_space<vmem>>, vector<16xf32>,
      %mul3A_480 = arith.constant 16 : i32
      %mul3A_481 = arith.muli %scan3A_419, %mul3A_480 : i32
      %add3A_482 = arith.constant 8 : i32
      %add3A_483 = arith.addi %mul3A_481, %add3A_482 : i32
      %swap3A_484 = arith.index_cast %add3A_483 : i32 to index
      %swap3A_485 = arith.constant 0 : index
      %swap3A_486 = tpu.vector_load %arg9[%swap3A_484, %swap3A_485] {strides = array<i32>} : memref<256x64xf32, #tpu.memory_space<vmem>>, vector<16xf32>,
      tpu.vector_store %arg9[%swap3A_484, %swap3A_485], %get3A_424 {add = true, strides = array<i32>} : memref<256x64xf32, #tpu.memory_space<vmem>>, vector<16xf32>,
      %mul3A_487 = arith.constant 16 : i32
      %mul3A_488 = arith.muli %scan3A_419, %mul3A_487 : i32
      %add3A_489 = arith.constant 9 : i32
      %add3A_490 = arith.addi %mul3A_488, %add3A_489 : i32
      %swap3A_491 = arith.index_cast %add3A_490 : i32 to index
      %swap3A_492 = arith.constant 0 : index
      %swap3A_493 = tpu.vector_load %arg9[%swap3A_491, %swap3A_492] {strides = array<i32>} : memref<256x64xf32, #tpu.memory_space<vmem>>, vector<16xf32>,
      tpu.vector_store %arg9[%swap3A_491, %swap3A_492], %get3A_424 {add = true, strides = array<i32>} : memref<256x64xf32, #tpu.memory_space<vmem>>, vector<16xf32>,
      %mul3A_494 = arith.constant 16 : i32
      %mul3A_495 = arith.muli %scan3A_419, %mul3A_494 : i32
      %add3A_496 = arith.constant 10 : i32
      %add3A_497 = arith.addi %mul3A_495, %add3A_496 : i32
      %swap3A_498 = arith.index_cast %add3A_497 : i32 to index
      %swap3A_499 = arith.constant 0 : index
      %swap3A_500 = tpu.vector_load %arg9[%swap3A_498, %swap3A_499] {strides = array<i32>} : memref<256x64xf32, #tpu.memory_space<vmem>>, vector<16xf32>,
      tpu.vector_store %arg9[%swap3A_498, %swap3A_499], %get3A_424 {add = true, strides = array<i32>} : memref<256x64xf32, #tpu.memory_space<vmem>>, vector<16xf32>,
      %mul3A_501 = arith.constant 16 : i32
      %mul3A_502 = arith.muli %scan3A_419, %mul3A_501 : i32
      %add3A_503 = arith.constant 11 : i32
      %add3A_504 = arith.addi %mul3A_502, %add3A_503 : i32
      %swap3A_505 = arith.index_cast %add3A_504 : i32 to index
      %swap3A_506 = arith.constant 0 : index
      %swap3A_507 = tpu.vector_load %arg9[%swap3A_505, %swap3A_506] {strides = array<i32>} : memref<256x64xf32, #tpu.memory_space<vmem>>, vector<16xf32>,
      tpu.vector_store %arg9[%swap3A_505, %swap3A_506], %get3A_424 {add = true, strides = array<i32>} : memref<256x64xf32, #tpu.memory_space<vmem>>, vector<16xf32>,
      %mul3A_508 = arith.constant 16 : i32
      %mul3A_509 = arith.muli %scan3A_419, %mul3A_508 : i32
      %add3A_510 = arith.constant 12 : i32
      %add3A_511 = arith.addi %mul3A_509, %add3A_510 : i32
      %swap3A_512 = arith.index_cast %add3A_511 : i32 to index
      %swap3A_513 = arith.constant 0 : index
      %swap3A_514 = tpu.vector_load %arg9[%swap3A_512, %swap3A_513] {strides = array<i32>} : memref<256x64xf32, #tpu.memory_space<vmem>>, vector<16xf32>,
      tpu.vector_store %arg9[%swap3A_512, %swap3A_513], %get3A_424 {add = true, strides = array<i32>} : memref<256x64xf32, #tpu.memory_space<vmem>>, vector<16xf32>,
      %mul3A_515 = arith.constant 16 : i32
      %mul3A_516 = arith.muli %scan3A_419, %mul3A_515 : i32
      %add3A_517 = arith.constant 13 : i32
      %add3A_518 = arith.addi %mul3A_516, %add3A_517 : i32
      %swap3A_519 = arith.index_cast %add3A_518 : i32 to index
      %swap3A_520 = arith.constant 0 : index
      %swap3A_521 = tpu.vector_load %arg9[%swap3A_519, %swap3A_520] {strides = array<i32>} : memref<256x64xf32, #tpu.memory_space<vmem>>, vector<16xf32>,
      tpu.vector_store %arg9[%swap3A_519, %swap3A_520], %get3A_424 {add = true, strides = array<i32>} : memref<256x64xf32, #tpu.memory_space<vmem>>, vector<16xf32>,
      %mul3A_522 = arith.constant 16 : i32
      %mul3A_523 = arith.muli %scan3A_419, %mul3A_522 : i32
      %add3A_524 = arith.constant 14 : i32
      %add3A_525 = arith.addi %mul3A_523, %add3A_524 : i32
      %swap3A_526 = arith.index_cast %add3A_525 : i32 to index
      %swap3A_527 = arith.constant 0 : index
      %swap3A_528 = tpu.vector_load %arg9[%swap3A_526, %swap3A_527] {strides = array<i32>} : memref<256x64xf32, #tpu.memory_space<vmem>>, vector<16xf32>,
      tpu.vector_store %arg9[%swap3A_526, %swap3A_527], %get3A_424 {add = true, strides = array<i32>} : memref<256x64xf32, #tpu.memory_space<vmem>>, vector<16xf32>,
      %mul3A_529 = arith.constant 16 : i32
      %mul3A_530 = arith.muli %scan3A_419, %mul3A_529 : i32
      %add3A_531 = arith.constant 15 : i32
      %add3A_532 = arith.addi %mul3A_530, %add3A_531 : i32
      %swap3A_533 = arith.index_cast %add3A_532 : i32 to index
      %swap3A_534 = arith.constant 0 : index
      %swap3A_535 = tpu.vector_load %arg9[%swap3A_533, %swap3A_534] {strides = array<i32>} : memref<256x64xf32, #tpu.memory_space<vmem>>, vector<16xf32>,
      tpu.vector_store %arg9[%swap3A_533, %swap3A_534], %get3A_424 {add = true, strides = array<i32>} : memref<256x64xf32, #tpu.memory_space<vmem>>, vector<16xf32>,
      %add3A_536 = arith.constant 32 : i32
      %add3A_537 = arith.addi %add3A_536, %scan3A_419 : i32
      %get3A_538 = arith.index_cast %add3A_537 : i32 to index
      %get3A_539 = arith.constant 16 : index
      %get3A_540 = tpu.vector_load %arg8[%get3A_538, %get3A_539] {strides = array<i32>} : memref<128x64xf32, #tpu.memory_space<vmem>>, vector<16xf32>,
      %mul3A_541 = arith.constant 16 : i32
      %mul3A_542 = arith.muli %scan3A_419, %mul3A_541 : i32
      %add3A_543 = arith.constant 0 : i32
      %add3A_544 = arith.addi %mul3A_542, %add3A_543 : i32
      %swap3A_545 = arith.index_cast %add3A_544 : i32 to index
      %swap3A_546 = arith.constant 16 : index
      %swap3A_547 = tpu.vector_load %arg9[%swap3A_545, %swap3A_546] {strides = array<i32>} : memref<256x64xf32, #tpu.memory_space<vmem>>, vector<16xf32>,
      tpu.vector_store %arg9[%swap3A_545, %swap3A_546], %get3A_540 {add = true, strides = array<i32>} : memref<256x64xf32, #tpu.memory_space<vmem>>, vector<16xf32>,
      %mul3A_548 = arith.constant 16 : i32
      %mul3A_549 = arith.muli %scan3A_419, %mul3A_548 : i32
      %add3A_550 = arith.constant 1 : i32
      %add3A_551 = arith.addi %mul3A_549, %add3A_550 : i32
      %swap3A_552 = arith.index_cast %add3A_551 : i32 to index
      %swap3A_553 = arith.constant 16 : index
      %swap3A_554 = tpu.vector_load %arg9[%swap3A_552, %swap3A_553] {strides = array<i32>} : memref<256x64xf32, #tpu.memory_space<vmem>>, vector<16xf32>,
      tpu.vector_store %arg9[%swap3A_552, %swap3A_553], %get3A_540 {add = true, strides = array<i32>} : memref<256x64xf32, #tpu.memory_space<vmem>>, vector<16xf32>,
      %mul3A_555 = arith.constant 16 : i32
      %mul3A_556 = arith.muli %scan3A_419, %mul3A_555 : i32
      %add3A_557 = arith.constant 2 : i32
      %add3A_558 = arith.addi %mul3A_556, %add3A_557 : i32
      %swap3A_559 = arith.index_cast %add3A_558 : i32 to index
      %swap3A_560 = arith.constant 16 : index
      %swap3A_561 = tpu.vector_load %arg9[%swap3A_559, %swap3A_560] {strides = array<i32>} : memref<256x64xf32, #tpu.memory_space<vmem>>, vector<16xf32>,
      tpu.vector_store %arg9[%swap3A_559, %swap3A_560], %get3A_540 {add = true, strides = array<i32>} : memref<256x64xf32, #tpu.memory_space<vmem>>, vector<16xf32>,
      %mul3A_562 = arith.constant 16 : i32
      %mul3A_563 = arith.muli %scan3A_419, %mul3A_562 : i32
      %add3A_564 = arith.constant 3 : i32
      %add3A_565 = arith.addi %mul3A_563, %add3A_564 : i32
      %swap3A_566 = arith.index_cast %add3A_565 : i32 to index
      %swap3A_567 = arith.constant 16 : index
      %swap3A_568 = tpu.vector_load %arg9[%swap3A_566, %swap3A_567] {strides = array<i32>} : memref<256x64xf32, #tpu.memory_space<vmem>>, vector<16xf32>,
      tpu.vector_store %arg9[%swap3A_566, %swap3A_567], %get3A_540 {add = true, strides = array<i32>} : memref<256x64xf32, #tpu.memory_space<vmem>>, vector<16xf32>,
      %mul3A_569 = arith.constant 16 : i32
      %mul3A_570 = arith.muli %scan3A_419, %mul3A_569 : i32
      %add3A_571 = arith.constant 4 : i32
      %add3A_572 = arith.addi %mul3A_570, %add3A_571 : i32
      %swap3A_573 = arith.index_cast %add3A_572 : i32 to index
      %swap3A_574 = arith.constant 16 : index
      %swap3A_575 = tpu.vector_load %arg9[%swap3A_573, %swap3A_574] {strides = array<i32>} : memref<256x64xf32, #tpu.memory_space<vmem>>, vector<16xf32>,
      tpu.vector_store %arg9[%swap3A_573, %swap3A_574], %get3A_540 {add = true, strides = array<i32>} : memref<256x64xf32, #tpu.memory_space<vmem>>, vector<16xf32>,
      %mul3A_576 = arith.constant 16 : i32
      %mul3A_577 = arith.muli %scan3A_419, %mul3A_576 : i32
      %add3A_578 = arith.constant 5 : i32
      %add3A_579 = arith.addi %mul3A_577, %add3A_578 : i32
      %swap3A_580 = arith.index_cast %add3A_579 : i32 to index
      %swap3A_581 = arith.constant 16 : index
      %swap3A_582 = tpu.vector_load %arg9[%swap3A_580, %swap3A_581] {strides = array<i32>} : memref<256x64xf32, #tpu.memory_space<vmem>>, vector<16xf32>,
      tpu.vector_store %arg9[%swap3A_580, %swap3A_581], %get3A_540 {add = true, strides = array<i32>} : memref<256x64xf32, #tpu.memory_space<vmem>>, vector<16xf32>,
      %mul3A_583 = arith.constant 16 : i32
      %mul3A_584 = arith.muli %scan3A_419, %mul3A_583 : i32
      %add3A_585 = arith.constant 6 : i32
      %add3A_586 = arith.addi %mul3A_584, %add3A_585 : i32
      %swap3A_587 = arith.index_cast %add3A_586 : i32 to index
      %swap3A_588 = arith.constant 16 : index
      %swap3A_589 = tpu.vector_load %arg9[%swap3A_587, %swap3A_588] {strides = array<i32>} : memref<256x64xf32, #tpu.memory_space<vmem>>, vector<16xf32>,
      tpu.vector_store %arg9[%swap3A_587, %swap3A_588], %get3A_540 {add = true, strides = array<i32>} : memref<256x64xf32, #tpu.memory_space<vmem>>, vector<16xf32>,
      %mul3A_590 = arith.constant 16 : i32
      %mul3A_591 = arith.muli %scan3A_419, %mul3A_590 : i32
      %add3A_592 = arith.constant 7 : i32
      %add3A_593 = arith.addi %mul3A_591, %add3A_592 : i32
      %swap3A_594 = arith.index_cast %add3A_593 : i32 to index
      %swap3A_595 = arith.constant 16 : index
      %swap3A_596 = tpu.vector_load %arg9[%swap3A_594, %swap3A_595] {strides = array<i32>} : memref<256x64xf32, #tpu.memory_space<vmem>>, vector<16xf32>,
      tpu.vector_store %arg9[%swap3A_594, %swap3A_595], %get3A_540 {add = true, strides = array<i32>} : memref<256x64xf32, #tpu.memory_space<vmem>>, vector<16xf32>,
      %mul3A_597 = arith.constant 16 : i32
      %mul3A_598 = arith.muli %scan3A_419, %mul3A_597 : i32
      %add3A_599 = arith.constant 8 : i32
      %add3A_600 = arith.addi %mul3A_598, %add3A_599 : i32
      %swap3A_601 = arith.index_cast %add3A_600 : i32 to index
      %swap3A_602 = arith.constant 16 : index
      %swap3A_603 = tpu.vector_load %arg9[%swap3A_601, %swap3A_602] {strides = array<i32>} : memref<256x64xf32, #tpu.memory_space<vmem>>, vector<16xf32>,
      tpu.vector_store %arg9[%swap3A_601, %swap3A_602], %get3A_540 {add = true, strides = array<i32>} : memref<256x64xf32, #tpu.memory_space<vmem>>, vector<16xf32>,
      %mul3A_604 = arith.constant 16 : i32
      %mul3A_605 = arith.muli %scan3A_419, %mul3A_604 : i32
      %add3A_606 = arith.constant 9 : i32
      %add3A_607 = arith.addi %mul3A_605, %add3A_606 : i32
      %swap3A_608 = arith.index_cast %add3A_607 : i32 to index
      %swap3A_609 = arith.constant 16 : index
      %swap3A_610 = tpu.vector_load %arg9[%swap3A_608, %swap3A_609] {strides = array<i32>} : memref<256x64xf32, #tpu.memory_space<vmem>>, vector<16xf32>,
      tpu.vector_store %arg9[%swap3A_608, %swap3A_609], %get3A_540 {add = true, strides = array<i32>} : memref<256x64xf32, #tpu.memory_space<vmem>>, vector<16xf32>,
      %mul3A_611 = arith.constant 16 : i32
      %mul3A_612 = arith.muli %scan3A_419, %mul3A_611 : i32
      %add3A_613 = arith.constant 10 : i32
      %add3A_614 = arith.addi %mul3A_612, %add3A_613 : i32
      %swap3A_615 = arith.index_cast %add3A_614 : i32 to index
      %swap3A_616 = arith.constant 16 : index
      %swap3A_617 = tpu.vector_load %arg9[%swap3A_615, %swap3A_616] {strides = array<i32>} : memref<256x64xf32, #tpu.memory_space<vmem>>, vector<16xf32>,
      tpu.vector_store %arg9[%swap3A_615, %swap3A_616], %get3A_540 {add = true, strides = array<i32>} : memref<256x64xf32, #tpu.memory_space<vmem>>, vector<16xf32>,
      %mul3A_618 = arith.constant 16 : i32
      %mul3A_619 = arith.muli %scan3A_419, %mul3A_618 : i32
      %add3A_620 = arith.constant 11 : i32
      %add3A_621 = arith.addi %mul3A_619, %add3A_620 : i32
      %swap3A_622 = arith.index_cast %add3A_621 : i32 to index
      %swap3A_623 = arith.constant 16 : index
      %swap3A_624 = tpu.vector_load %arg9[%swap3A_622, %swap3A_623] {strides = array<i32>} : memref<256x64xf32, #tpu.memory_space<vmem>>, vector<16xf32>,
      tpu.vector_store %arg9[%swap3A_622, %swap3A_623], %get3A_540 {add = true, strides = array<i32>} : memref<256x64xf32, #tpu.memory_space<vmem>>, vector<16xf32>,
      %mul3A_625 = arith.constant 16 : i32
      %mul3A_626 = arith.muli %scan3A_419, %mul3A_625 : i32
      %add3A_627 = arith.constant 12 : i32
      %add3A_628 = arith.addi %mul3A_626, %add3A_627 : i32
      %swap3A_629 = arith.index_cast %add3A_628 : i32 to index
      %swap3A_630 = arith.constant 16 : index
      %swap3A_631 = tpu.vector_load %arg9[%swap3A_629, %swap3A_630] {strides = array<i32>} : memref<256x64xf32, #tpu.memory_space<vmem>>, vector<16xf32>,
      tpu.vector_store %arg9[%swap3A_629, %swap3A_630], %get3A_540 {add = true, strides = array<i32>} : memref<256x64xf32, #tpu.memory_space<vmem>>, vector<16xf32>,
      %mul3A_632 = arith.constant 16 : i32
      %mul3A_633 = arith.muli %scan3A_419, %mul3A_632 : i32
      %add3A_634 = arith.constant 13 : i32
      %add3A_635 = arith.addi %mul3A_633, %add3A_634 : i32
      %swap3A_636 = arith.index_cast %add3A_635 : i32 to index
      %swap3A_637 = arith.constant 16 : index
      %swap3A_638 = tpu.vector_load %arg9[%swap3A_636, %swap3A_637] {strides = array<i32>} : memref<256x64xf32, #tpu.memory_space<vmem>>, vector<16xf32>,
      tpu.vector_store %arg9[%swap3A_636, %swap3A_637], %get3A_540 {add = true, strides = array<i32>} : memref<256x64xf32, #tpu.memory_space<vmem>>, vector<16xf32>,
      %mul3A_639 = arith.constant 16 : i32
      %mul3A_640 = arith.muli %scan3A_419, %mul3A_639 : i32
      %add3A_641 = arith.constant 14 : i32
      %add3A_642 = arith.addi %mul3A_640, %add3A_641 : i32
      %swap3A_643 = arith.index_cast %add3A_642 : i32 to index
      %swap3A_644 = arith.constant 16 : index
      %swap3A_645 = tpu.vector_load %arg9[%swap3A_643, %swap3A_644] {strides = array<i32>} : memref<256x64xf32, #tpu.memory_space<vmem>>, vector<16xf32>,
      tpu.vector_store %arg9[%swap3A_643, %swap3A_644], %get3A_540 {add = true, strides = array<i32>} : memref<256x64xf32, #tpu.memory_space<vmem>>, vector<16xf32>,
      %mul3A_646 = arith.constant 16 : i32
      %mul3A_647 = arith.muli %scan3A_419, %mul3A_646 : i32
      %add3A_648 = arith.constant 15 : i32
      %add3A_649 = arith.addi %mul3A_647, %add3A_648 : i32
      %swap3A_650 = arith.index_cast %add3A_649 : i32 to index
      %swap3A_651 = arith.constant 16 : index
      %swap3A_652 = tpu.vector_load %arg9[%swap3A_650, %swap3A_651] {strides = array<i32>} : memref<256x64xf32, #tpu.memory_space<vmem>>, vector<16xf32>,
      tpu.vector_store %arg9[%swap3A_650, %swap3A_651], %get3A_540 {add = true, strides = array<i32>} : memref<256x64xf32, #tpu.memory_space<vmem>>, vector<16xf32>,
      %add3A_653 = arith.constant 32 : i32
      %add3A_654 = arith.addi %add3A_653, %scan3A_419 : i32
      %get3A_655 = arith.index_cast %add3A_654 : i32 to index
      %get3A_656 = arith.constant 32 : index
      %get3A_657 = tpu.vector_load %arg8[%get3A_655, %get3A_656] {strides = array<i32>} : memref<128x64xf32, #tpu.memory_space<vmem>>, vector<16xf32>,
      %mul3A_658 = arith.constant 16 : i32
      %mul3A_659 = arith.muli %scan3A_419, %mul3A_658 : i32
      %add3A_660 = arith.constant 0 : i32
      %add3A_661 = arith.addi %mul3A_659, %add3A_660 : i32
      %swap3A_662 = arith.index_cast %add3A_661 : i32 to index
      %swap3A_663 = arith.constant 32 : index
      %swap3A_664 = tpu.vector_load %arg9[%swap3A_662, %swap3A_663] {strides = array<i32>} : memref<256x64xf32, #tpu.memory_space<vmem>>, vector<16xf32>,
      tpu.vector_store %arg9[%swap3A_662, %swap3A_663], %get3A_657 {add = true, strides = array<i32>} : memref<256x64xf32, #tpu.memory_space<vmem>>, vector<16xf32>,
      %mul3A_665 = arith.constant 16 : i32
      %mul3A_666 = arith.muli %scan3A_419, %mul3A_665 : i32
      %add3A_667 = arith.constant 1 : i32
      %add3A_668 = arith.addi %mul3A_666, %add3A_667 : i32
      %swap3A_669 = arith.index_cast %add3A_668 : i32 to index
      %swap3A_670 = arith.constant 32 : index
      %swap3A_671 = tpu.vector_load %arg9[%swap3A_669, %swap3A_670] {strides = array<i32>} : memref<256x64xf32, #tpu.memory_space<vmem>>, vector<16xf32>,
      tpu.vector_store %arg9[%swap3A_669, %swap3A_670], %get3A_657 {add = true, strides = array<i32>} : memref<256x64xf32, #tpu.memory_space<vmem>>, vector<16xf32>,
      %mul3A_672 = arith.constant 16 : i32
      %mul3A_673 = arith.muli %scan3A_419, %mul3A_672 : i32
      %add3A_674 = arith.constant 2 : i32
      %add3A_675 = arith.addi %mul3A_673, %add3A_674 : i32
      %swap3A_676 = arith.index_cast %add3A_675 : i32 to index
      %swap3A_677 = arith.constant 32 : index
      %swap3A_678 = tpu.vector_load %arg9[%swap3A_676, %swap3A_677] {strides = array<i32>} : memref<256x64xf32, #tpu.memory_space<vmem>>, vector<16xf32>,
      tpu.vector_store %arg9[%swap3A_676, %swap3A_677], %get3A_657 {add = true, strides = array<i32>} : memref<256x64xf32, #tpu.memory_space<vmem>>, vector<16xf32>,
      %mul3A_679 = arith.constant 16 : i32
      %mul3A_680 = arith.muli %scan3A_419, %mul3A_679 : i32
      %add3A_681 = arith.constant 3 : i32
      %add3A_682 = arith.addi %mul3A_680, %add3A_681 : i32
      %swap3A_683 = arith.index_cast %add3A_682 : i32 to index
      %swap3A_684 = arith.constant 32 : index
      %swap3A_685 = tpu.vector_load %arg9[%swap3A_683, %swap3A_684] {strides = array<i32>} : memref<256x64xf32, #tpu.memory_space<vmem>>, vector<16xf32>,
      tpu.vector_store %arg9[%swap3A_683, %swap3A_684], %get3A_657 {add = true, strides = array<i32>} : memref<256x64xf32, #tpu.memory_space<vmem>>, vector<16xf32>,
      %mul3A_686 = arith.constant 16 : i32
      %mul3A_687 = arith.muli %scan3A_419, %mul3A_686 : i32
      %add3A_688 = arith.constant 4 : i32
      %add3A_689 = arith.addi %mul3A_687, %add3A_688 : i32
      %swap3A_690 = arith.index_cast %add3A_689 : i32 to index
      %swap3A_691 = arith.constant 32 : index
      %swap3A_692 = tpu.vector_load %arg9[%swap3A_690, %swap3A_691] {strides = array<i32>} : memref<256x64xf32, #tpu.memory_space<vmem>>, vector<16xf32>,
      tpu.vector_store %arg9[%swap3A_690, %swap3A_691], %get3A_657 {add = true, strides = array<i32>} : memref<256x64xf32, #tpu.memory_space<vmem>>, vector<16xf32>,
      %mul3A_693 = arith.constant 16 : i32
      %mul3A_694 = arith.muli %scan3A_419, %mul3A_693 : i32
      %add3A_695 = arith.constant 5 : i32
      %add3A_696 = arith.addi %mul3A_694, %add3A_695 : i32
      %swap3A_697 = arith.index_cast %add3A_696 : i32 to index
      %swap3A_698 = arith.constant 32 : index
      %swap3A_699 = tpu.vector_load %arg9[%swap3A_697, %swap3A_698] {strides = array<i32>} : memref<256x64xf32, #tpu.memory_space<vmem>>, vector<16xf32>,
      tpu.vector_store %arg9[%swap3A_697, %swap3A_698], %get3A_657 {add = true, strides = array<i32>} : memref<256x64xf32, #tpu.memory_space<vmem>>, vector<16xf32>,
      %mul3A_700 = arith.constant 16 : i32
      %mul3A_701 = arith.muli %scan3A_419, %mul3A_700 : i32
      %add3A_702 = arith.constant 6 : i32
      %add3A_703 = arith.addi %mul3A_701, %add3A_702 : i32
      %swap3A_704 = arith.index_cast %add3A_703 : i32 to index
      %swap3A_705 = arith.constant 32 : index
      %swap3A_706 = tpu.vector_load %arg9[%swap3A_704, %swap3A_705] {strides = array<i32>} : memref<256x64xf32, #tpu.memory_space<vmem>>, vector<16xf32>,
      tpu.vector_store %arg9[%swap3A_704, %swap3A_705], %get3A_657 {add = true, strides = array<i32>} : memref<256x64xf32, #tpu.memory_space<vmem>>, vector<16xf32>,
      %mul3A_707 = arith.constant 16 : i32
      %mul3A_708 = arith.muli %scan3A_419, %mul3A_707 : i32
      %add3A_709 = arith.constant 7 : i32
      %add3A_710 = arith.addi %mul3A_708, %add3A_709 : i32
      %swap3A_711 = arith.index_cast %add3A_710 : i32 to index
      %swap3A_712 = arith.constant 32 : index
      %swap3A_713 = tpu.vector_load %arg9[%swap3A_711, %swap3A_712] {strides = array<i32>} : memref<256x64xf32, #tpu.memory_space<vmem>>, vector<16xf32>,
      tpu.vector_store %arg9[%swap3A_711, %swap3A_712], %get3A_657 {add = true, strides = array<i32>} : memref<256x64xf32, #tpu.memory_space<vmem>>, vector<16xf32>,
      %mul3A_714 = arith.constant 16 : i32
      %mul3A_715 = arith.muli %scan3A_419, %mul3A_714 : i32
      %add3A_716 = arith.constant 8 : i32
      %add3A_717 = arith.addi %mul3A_715, %add3A_716 : i32
      %swap3A_718 = arith.index_cast %add3A_717 : i32 to index
      %swap3A_719 = arith.constant 32 : index
      %swap3A_720 = tpu.vector_load %arg9[%swap3A_718, %swap3A_719] {strides = array<i32>} : memref<256x64xf32, #tpu.memory_space<vmem>>, vector<16xf32>,
      tpu.vector_store %arg9[%swap3A_718, %swap3A_719], %get3A_657 {add = true, strides = array<i32>} : memref<256x64xf32, #tpu.memory_space<vmem>>, vector<16xf32>,
      %mul3A_721 = arith.constant 16 : i32
      %mul3A_722 = arith.muli %scan3A_419, %mul3A_721 : i32
      %add3A_723 = arith.constant 9 : i32
      %add3A_724 = arith.addi %mul3A_722, %add3A_723 : i32
      %swap3A_725 = arith.index_cast %add3A_724 : i32 to index
      %swap3A_726 = arith.constant 32 : index
      %swap3A_727 = tpu.vector_load %arg9[%swap3A_725, %swap3A_726] {strides = array<i32>} : memref<256x64xf32, #tpu.memory_space<vmem>>, vector<16xf32>,
      tpu.vector_store %arg9[%swap3A_725, %swap3A_726], %get3A_657 {add = true, strides = array<i32>} : memref<256x64xf32, #tpu.memory_space<vmem>>, vector<16xf32>,
      %mul3A_728 = arith.constant 16 : i32
      %mul3A_729 = arith.muli %scan3A_419, %mul3A_728 : i32
      %add3A_730 = arith.constant 10 : i32
      %add3A_731 = arith.addi %mul3A_729, %add3A_730 : i32
      %swap3A_732 = arith.index_cast %add3A_731 : i32 to index
      %swap3A_733 = arith.constant 32 : index
      %swap3A_734 = tpu.vector_load %arg9[%swap3A_732, %swap3A_733] {strides = array<i32>} : memref<256x64xf32, #tpu.memory_space<vmem>>, vector<16xf32>,
      tpu.vector_store %arg9[%swap3A_732, %swap3A_733], %get3A_657 {add = true, strides = array<i32>} : memref<256x64xf32, #tpu.memory_space<vmem>>, vector<16xf32>,
      %mul3A_735 = arith.constant 16 : i32
      %mul3A_736 = arith.muli %scan3A_419, %mul3A_735 : i32
      %add3A_737 = arith.constant 11 : i32
      %add3A_738 = arith.addi %mul3A_736, %add3A_737 : i32
      %swap3A_739 = arith.index_cast %add3A_738 : i32 to index
      %swap3A_740 = arith.constant 32 : index
      %swap3A_741 = tpu.vector_load %arg9[%swap3A_739, %swap3A_740] {strides = array<i32>} : memref<256x64xf32, #tpu.memory_space<vmem>>, vector<16xf32>,
      tpu.vector_store %arg9[%swap3A_739, %swap3A_740], %get3A_657 {add = true, strides = array<i32>} : memref<256x64xf32, #tpu.memory_space<vmem>>, vector<16xf32>,
      %mul3A_742 = arith.constant 16 : i32
      %mul3A_743 = arith.muli %scan3A_419, %mul3A_742 : i32
      %add3A_744 = arith.constant 12 : i32
      %add3A_745 = arith.addi %mul3A_743, %add3A_744 : i32
      %swap3A_746 = arith.index_cast %add3A_745 : i32 to index
      %swap3A_747 = arith.constant 32 : index
      %swap3A_748 = tpu.vector_load %arg9[%swap3A_746, %swap3A_747] {strides = array<i32>} : memref<256x64xf32, #tpu.memory_space<vmem>>, vector<16xf32>,
      tpu.vector_store %arg9[%swap3A_746, %swap3A_747], %get3A_657 {add = true, strides = array<i32>} : memref<256x64xf32, #tpu.memory_space<vmem>>, vector<16xf32>,
      %mul3A_749 = arith.constant 16 : i32
      %mul3A_750 = arith.muli %scan3A_419, %mul3A_749 : i32
      %add3A_751 = arith.constant 13 : i32
      %add3A_752 = arith.addi %mul3A_750, %add3A_751 : i32
      %swap3A_753 = arith.index_cast %add3A_752 : i32 to index
      %swap3A_754 = arith.constant 32 : index
      %swap3A_755 = tpu.vector_load %arg9[%swap3A_753, %swap3A_754] {strides = array<i32>} : memref<256x64xf32, #tpu.memory_space<vmem>>, vector<16xf32>,
      tpu.vector_store %arg9[%swap3A_753, %swap3A_754], %get3A_657 {add = true, strides = array<i32>} : memref<256x64xf32, #tpu.memory_space<vmem>>, vector<16xf32>,
      %mul3A_756 = arith.constant 16 : i32
      %mul3A_757 = arith.muli %scan3A_419, %mul3A_756 : i32
      %add3A_758 = arith.constant 14 : i32
      %add3A_759 = arith.addi %mul3A_757, %add3A_758 : i32
      %swap3A_760 = arith.index_cast %add3A_759 : i32 to index
      %swap3A_761 = arith.constant 32 : index
      %swap3A_762 = tpu.vector_load %arg9[%swap3A_760, %swap3A_761] {strides = array<i32>} : memref<256x64xf32, #tpu.memory_space<vmem>>, vector<16xf32>,
      tpu.vector_store %arg9[%swap3A_760, %swap3A_761], %get3A_657 {add = true, strides = array<i32>} : memref<256x64xf32, #tpu.memory_space<vmem>>, vector<16xf32>,
      %mul3A_763 = arith.constant 16 : i32
      %mul3A_764 = arith.muli %scan3A_419, %mul3A_763 : i32
      %add3A_765 = arith.constant 15 : i32
      %add3A_766 = arith.addi %mul3A_764, %add3A_765 : i32
      %swap3A_767 = arith.index_cast %add3A_766 : i32 to index
      %swap3A_768 = arith.constant 32 : index
      %swap3A_769 = tpu.vector_load %arg9[%swap3A_767, %swap3A_768] {strides = array<i32>} : memref<256x64xf32, #tpu.memory_space<vmem>>, vector<16xf32>,
      tpu.vector_store %arg9[%swap3A_767, %swap3A_768], %get3A_657 {add = true, strides = array<i32>} : memref<256x64xf32, #tpu.memory_space<vmem>>, vector<16xf32>,
      %add3A_770 = arith.constant 32 : i32
      %add3A_771 = arith.addi %add3A_770, %scan3A_419 : i32
      %get3A_772 = arith.index_cast %add3A_771 : i32 to index
      %get3A_773 = arith.constant 48 : index
      %get3A_774 = tpu.vector_load %arg8[%get3A_772, %get3A_773] {strides = array<i32>} : memref<128x64xf32, #tpu.memory_space<vmem>>, vector<16xf32>,
      %mul3A_775 = arith.constant 16 : i32
      %mul3A_776 = arith.muli %scan3A_419, %mul3A_775 : i32
      %add3A_777 = arith.constant 0 : i32
      %add3A_778 = arith.addi %mul3A_776, %add3A_777 : i32
      %swap3A_779 = arith.index_cast %add3A_778 : i32 to index
      %swap3A_780 = arith.constant 48 : index
      %swap3A_781 = tpu.vector_load %arg9[%swap3A_779, %swap3A_780] {strides = array<i32>} : memref<256x64xf32, #tpu.memory_space<vmem>>, vector<16xf32>,
      tpu.vector_store %arg9[%swap3A_779, %swap3A_780], %get3A_774 {add = true, strides = array<i32>} : memref<256x64xf32, #tpu.memory_space<vmem>>, vector<16xf32>,
      %mul3A_782 = arith.constant 16 : i32
      %mul3A_783 = arith.muli %scan3A_419, %mul3A_782 : i32
      %add3A_784 = arith.constant 1 : i32
      %add3A_785 = arith.addi %mul3A_783, %add3A_784 : i32
      %swap3A_786 = arith.index_cast %add3A_785 : i32 to index
      %swap3A_787 = arith.constant 48 : index
      %swap3A_788 = tpu.vector_load %arg9[%swap3A_786, %swap3A_787] {strides = array<i32>} : memref<256x64xf32, #tpu.memory_space<vmem>>, vector<16xf32>,
      tpu.vector_store %arg9[%swap3A_786, %swap3A_787], %get3A_774 {add = true, strides = array<i32>} : memref<256x64xf32, #tpu.memory_space<vmem>>, vector<16xf32>,
      %mul3A_789 = arith.constant 16 : i32
      %mul3A_790 = arith.muli %scan3A_419, %mul3A_789 : i32
      %add3A_791 = arith.constant 2 : i32
      %add3A_792 = arith.addi %mul3A_790, %add3A_791 : i32
      %swap3A_793 = arith.index_cast %add3A_792 : i32 to index
      %swap3A_794 = arith.constant 48 : index
      %swap3A_795 = tpu.vector_load %arg9[%swap3A_793, %swap3A_794] {strides = array<i32>} : memref<256x64xf32, #tpu.memory_space<vmem>>, vector<16xf32>,
      tpu.vector_store %arg9[%swap3A_793, %swap3A_794], %get3A_774 {add = true, strides = array<i32>} : memref<256x64xf32, #tpu.memory_space<vmem>>, vector<16xf32>,
      %mul3A_796 = arith.constant 16 : i32
      %mul3A_797 = arith.muli %scan3A_419, %mul3A_796 : i32
      %add3A_798 = arith.constant 3 : i32
      %add3A_799 = arith.addi %mul3A_797, %add3A_798 : i32
      %swap3A_800 = arith.index_cast %add3A_799 : i32 to index
      %swap3A_801 = arith.constant 48 : index
      %swap3A_802 = tpu.vector_load %arg9[%swap3A_800, %swap3A_801] {strides = array<i32>} : memref<256x64xf32, #tpu.memory_space<vmem>>, vector<16xf32>,
      tpu.vector_store %arg9[%swap3A_800, %swap3A_801], %get3A_774 {add = true, strides = array<i32>} : memref<256x64xf32, #tpu.memory_space<vmem>>, vector<16xf32>,
      %mul3A_803 = arith.constant 16 : i32
      %mul3A_804 = arith.muli %scan3A_419, %mul3A_803 : i32
      %add3A_805 = arith.constant 4 : i32
      %add3A_806 = arith.addi %mul3A_804, %add3A_805 : i32
      %swap3A_807 = arith.index_cast %add3A_806 : i32 to index
      %swap3A_808 = arith.constant 48 : index
      %swap3A_809 = tpu.vector_load %arg9[%swap3A_807, %swap3A_808] {strides = array<i32>} : memref<256x64xf32, #tpu.memory_space<vmem>>, vector<16xf32>,
      tpu.vector_store %arg9[%swap3A_807, %swap3A_808], %get3A_774 {add = true, strides = array<i32>} : memref<256x64xf32, #tpu.memory_space<vmem>>, vector<16xf32>,
      %mul3A_810 = arith.constant 16 : i32
      %mul3A_811 = arith.muli %scan3A_419, %mul3A_810 : i32
      %add3A_812 = arith.constant 5 : i32
      %add3A_813 = arith.addi %mul3A_811, %add3A_812 : i32
      %swap3A_814 = arith.index_cast %add3A_813 : i32 to index
      %swap3A_815 = arith.constant 48 : index
      %swap3A_816 = tpu.vector_load %arg9[%swap3A_814, %swap3A_815] {strides = array<i32>} : memref<256x64xf32, #tpu.memory_space<vmem>>, vector<16xf32>,
      tpu.vector_store %arg9[%swap3A_814, %swap3A_815], %get3A_774 {add = true, strides = array<i32>} : memref<256x64xf32, #tpu.memory_space<vmem>>, vector<16xf32>,
      %mul3A_817 = arith.constant 16 : i32
      %mul3A_818 = arith.muli %scan3A_419, %mul3A_817 : i32
      %add3A_819 = arith.constant 6 : i32
      %add3A_820 = arith.addi %mul3A_818, %add3A_819 : i32
      %swap3A_821 = arith.index_cast %add3A_820 : i32 to index
      %swap3A_822 = arith.constant 48 : index
      %swap3A_823 = tpu.vector_load %arg9[%swap3A_821, %swap3A_822] {strides = array<i32>} : memref<256x64xf32, #tpu.memory_space<vmem>>, vector<16xf32>,
      tpu.vector_store %arg9[%swap3A_821, %swap3A_822], %get3A_774 {add = true, strides = array<i32>} : memref<256x64xf32, #tpu.memory_space<vmem>>, vector<16xf32>,
      %mul3A_824 = arith.constant 16 : i32
      %mul3A_825 = arith.muli %scan3A_419, %mul3A_824 : i32
      %add3A_826 = arith.constant 7 : i32
      %add3A_827 = arith.addi %mul3A_825, %add3A_826 : i32
      %swap3A_828 = arith.index_cast %add3A_827 : i32 to index
      %swap3A_829 = arith.constant 48 : index
      %swap3A_830 = tpu.vector_load %arg9[%swap3A_828, %swap3A_829] {strides = array<i32>} : memref<256x64xf32, #tpu.memory_space<vmem>>, vector<16xf32>,
      tpu.vector_store %arg9[%swap3A_828, %swap3A_829], %get3A_774 {add = true, strides = array<i32>} : memref<256x64xf32, #tpu.memory_space<vmem>>, vector<16xf32>,
      %mul3A_831 = arith.constant 16 : i32
      %mul3A_832 = arith.muli %scan3A_419, %mul3A_831 : i32
      %add3A_833 = arith.constant 8 : i32
      %add3A_834 = arith.addi %mul3A_832, %add3A_833 : i32
      %swap3A_835 = arith.index_cast %add3A_834 : i32 to index
      %swap3A_836 = arith.constant 48 : index
      %swap3A_837 = tpu.vector_load %arg9[%swap3A_835, %swap3A_836] {strides = array<i32>} : memref<256x64xf32, #tpu.memory_space<vmem>>, vector<16xf32>,
      tpu.vector_store %arg9[%swap3A_835, %swap3A_836], %get3A_774 {add = true, strides = array<i32>} : memref<256x64xf32, #tpu.memory_space<vmem>>, vector<16xf32>,
      %mul3A_838 = arith.constant 16 : i32
      %mul3A_839 = arith.muli %scan3A_419, %mul3A_838 : i32
      %add3A_840 = arith.constant 9 : i32
      %add3A_841 = arith.addi %mul3A_839, %add3A_840 : i32
      %swap3A_842 = arith.index_cast %add3A_841 : i32 to index
      %swap3A_843 = arith.constant 48 : index
      %swap3A_844 = tpu.vector_load %arg9[%swap3A_842, %swap3A_843] {strides = array<i32>} : memref<256x64xf32, #tpu.memory_space<vmem>>, vector<16xf32>,
      tpu.vector_store %arg9[%swap3A_842, %swap3A_843], %get3A_774 {add = true, strides = array<i32>} : memref<256x64xf32, #tpu.memory_space<vmem>>, vector<16xf32>,
      %mul3A_845 = arith.constant 16 : i32
      %mul3A_846 = arith.muli %scan3A_419, %mul3A_845 : i32
      %add3A_847 = arith.constant 10 : i32
      %add3A_848 = arith.addi %mul3A_846, %add3A_847 : i32
      %swap3A_849 = arith.index_cast %add3A_848 : i32 to index
      %swap3A_850 = arith.constant 48 : index
      %swap3A_851 = tpu.vector_load %arg9[%swap3A_849, %swap3A_850] {strides = array<i32>} : memref<256x64xf32, #tpu.memory_space<vmem>>, vector<16xf32>,
      tpu.vector_store %arg9[%swap3A_849, %swap3A_850], %get3A_774 {add = true, strides = array<i32>} : memref<256x64xf32, #tpu.memory_space<vmem>>, vector<16xf32>,
      %mul3A_852 = arith.constant 16 : i32
      %mul3A_853 = arith.muli %scan3A_419, %mul3A_852 : i32
      %add3A_854 = arith.constant 11 : i32
      %add3A_855 = arith.addi %mul3A_853, %add3A_854 : i32
      %swap3A_856 = arith.index_cast %add3A_855 : i32 to index
      %swap3A_857 = arith.constant 48 : index
      %swap3A_858 = tpu.vector_load %arg9[%swap3A_856, %swap3A_857] {strides = array<i32>} : memref<256x64xf32, #tpu.memory_space<vmem>>, vector<16xf32>,
      tpu.vector_store %arg9[%swap3A_856, %swap3A_857], %get3A_774 {add = true, strides = array<i32>} : memref<256x64xf32, #tpu.memory_space<vmem>>, vector<16xf32>,
      %mul3A_859 = arith.constant 16 : i32
      %mul3A_860 = arith.muli %scan3A_419, %mul3A_859 : i32
      %add3A_861 = arith.constant 12 : i32
      %add3A_862 = arith.addi %mul3A_860, %add3A_861 : i32
      %swap3A_863 = arith.index_cast %add3A_862 : i32 to index
      %swap3A_864 = arith.constant 48 : index
      %swap3A_865 = tpu.vector_load %arg9[%swap3A_863, %swap3A_864] {strides = array<i32>} : memref<256x64xf32, #tpu.memory_space<vmem>>, vector<16xf32>,
      tpu.vector_store %arg9[%swap3A_863, %swap3A_864], %get3A_774 {add = true, strides = array<i32>} : memref<256x64xf32, #tpu.memory_space<vmem>>, vector<16xf32>,
      %mul3A_866 = arith.constant 16 : i32
      %mul3A_867 = arith.muli %scan3A_419, %mul3A_866 : i32
      %add3A_868 = arith.constant 13 : i32
      %add3A_869 = arith.addi %mul3A_867, %add3A_868 : i32
      %swap3A_870 = arith.index_cast %add3A_869 : i32 to index
      %swap3A_871 = arith.constant 48 : index
      %swap3A_872 = tpu.vector_load %arg9[%swap3A_870, %swap3A_871] {strides = array<i32>} : memref<256x64xf32, #tpu.memory_space<vmem>>, vector<16xf32>,
      tpu.vector_store %arg9[%swap3A_870, %swap3A_871], %get3A_774 {add = true, strides = array<i32>} : memref<256x64xf32, #tpu.memory_space<vmem>>, vector<16xf32>,
      %mul3A_873 = arith.constant 16 : i32
      %mul3A_874 = arith.muli %scan3A_419, %mul3A_873 : i32
      %add3A_875 = arith.constant 14 : i32
      %add3A_876 = arith.addi %mul3A_874, %add3A_875 : i32
      %swap3A_877 = arith.index_cast %add3A_876 : i32 to index
      %swap3A_878 = arith.constant 48 : index
      %swap3A_879 = tpu.vector_load %arg9[%swap3A_877, %swap3A_878] {strides = array<i32>} : memref<256x64xf32, #tpu.memory_space<vmem>>, vector<16xf32>,
      tpu.vector_store %arg9[%swap3A_877, %swap3A_878], %get3A_774 {add = true, strides = array<i32>} : memref<256x64xf32, #tpu.memory_space<vmem>>, vector<16xf32>,
      %mul3A_880 = arith.constant 16 : i32
      %mul3A_881 = arith.muli %scan3A_419, %mul3A_880 : i32
      %add3A_882 = arith.constant 15 : i32
      %add3A_883 = arith.addi %mul3A_881, %add3A_882 : i32
      %swap3A_884 = arith.index_cast %add3A_883 : i32 to index
      %swap3A_885 = arith.constant 48 : index
      %swap3A_886 = tpu.vector_load %arg9[%swap3A_884, %swap3A_885] {strides = array<i32>} : memref<256x64xf32, #tpu.memory_space<vmem>>, vector<16xf32>,
      tpu.vector_store %arg9[%swap3A_884, %swap3A_885], %get3A_774 {add = true, strides = array<i32>} : memref<256x64xf32, #tpu.memory_space<vmem>>, vector<16xf32>,
      %scan3A_887 = arith.constant 0 : i32
      scf.yield %scan3A_887 : i32
    }
    %scan3A_147 = arith.constant 16 : i32
    %add3A_148 = arith.constant 256 : i32
    %add3A_149 = arith.addi %add3A_148, %mul3A_2 : i32
    %add3A_150 = arith.constant 512 : i32
    %add3A_151 = arith.addi %add3A_149, %add3A_150 : i32
    %dma_start3A_152 = arith.constant 0 : i32
    %dma_start3A_153 = tpu.memref_slice %arg6[%add3A_151, %dma_start3A_152] : memref<65792x64xf32, #tpu.memory_space<hbm>> -> memref<256x64xf32, #tpu.memory_space<hbm>>
    %dma_start3A_154 = arith.constant 0 : i32
    %dma_start3A_155 = tpu.memref_slice %arg6[%add3A_151, %dma_start3A_154] : memref<65792x64xf32, #tpu.memory_space<hbm>> -> memref<256x64xf32, #tpu.memory_space<hbm>>
    tpu.enqueue_dma source(%arg9 : memref<256x64xf32, #tpu.memory_space<vmem>>) target(%dma_start3A_155 : memref<256x64xf32, #tpu.memory_space<hbm>>) target_semaphore(%arg15 : memref<!tpu.dma_semaphore, #tpu.memory_space<semaphore_mem>>)
    %dma_wait3A_156 = arith.constant 0 : i32
    %dma_wait3A_157 = tpu.memref_slice %arg6[%add3A_100, %dma_wait3A_156] : memref<65792x64xf32, #tpu.memory_space<hbm>> -> memref<256x64xf32, #tpu.memory_space<hbm>>
    %dma_wait3A_158 = arith.constant 0 : i32
    %dma_wait3A_159 = tpu.memref_slice %arg6[%add3A_100, %dma_wait3A_158] : memref<65792x64xf32, #tpu.memory_space<hbm>> -> memref<256x64xf32, #tpu.memory_space<hbm>>
    tpu.wait_dma2 semaphore(%arg16 : memref<!tpu.dma_semaphore, #tpu.memory_space<semaphore_mem>>) src(%arg10 : memref<256x64xf32, #tpu.memory_space<vmem>>) dst(%dma_wait3A_159 : memref<256x64xf32, #tpu.memory_space<hbm>>)
    %dma_start3A_160 = arith.constant 0 : i32
    %dma_start3A_161 = arith.constant 0 : i32
    %dma_start3A_162 = tpu.memref_slice %arg10[%dma_start3A_160, %dma_start3A_161] : memref<256x64xf32, #tpu.memory_space<vmem>> -> memref<128x64xf32, #tpu.memory_space<vmem>>
    %dma_start3A_163 = arith.constant 768 : i32
    %dma_start3A_164 = tpu.memref_slice %arg7[%dma_start3A_163] : memref<2048xi32, #tpu.memory_space<vmem>> -> memref<128xi32, #tpu.memory_space<vmem>>
    %dma_start3A_165 = arith.constant 0 : i32
    %dma_start3A_166 = arith.constant 0 : i32
    %dma_start3A_167 = tpu.memref_slice %arg3[%dma_start3A_165, %dma_start3A_166] : memref<2000000x64xf32, #tpu.memory_space<hbm>> -> memref<2000000x64xf32, #tpu.memory_space<hbm>>
    tpu.enqueue_indirect_dma source(%dma_start3A_167 : memref<2000000x64xf32, #tpu.memory_space<hbm>>) target(%dma_start3A_162 : memref<128x64xf32, #tpu.memory_space<vmem>>) offsets(%dma_start3A_164 : memref<128xi32, #tpu.memory_space<vmem>>) semaphore(%arg14 : memref<!tpu.dma_semaphore, #tpu.memory_space<semaphore_mem>>)
    %dma_start3A_168 = arith.constant 128 : i32
    %dma_start3A_169 = arith.constant 0 : i32
    %dma_start3A_170 = tpu.memref_slice %arg10[%dma_start3A_168, %dma_start3A_169] : memref<256x64xf32, #tpu.memory_space<vmem>> -> memref<128x64xf32, #tpu.memory_space<vmem>>
    %dma_start3A_171 = arith.constant 896 : i32
    %dma_start3A_172 = tpu.memref_slice %arg7[%dma_start3A_171] : memref<2048xi32, #tpu.memory_space<vmem>> -> memref<128xi32, #tpu.memory_space<vmem>>
    %dma_start3A_173 = arith.constant 0 : i32
    %dma_start3A_174 = arith.constant 0 : i32
    %dma_start3A_175 = tpu.memref_slice %arg3[%dma_start3A_173, %dma_start3A_174] : memref<2000000x64xf32, #tpu.memory_space<hbm>> -> memref<2000000x64xf32, #tpu.memory_space<hbm>>
    tpu.enqueue_indirect_dma source(%dma_start3A_175 : memref<2000000x64xf32, #tpu.memory_space<hbm>>) target(%dma_start3A_170 : memref<128x64xf32, #tpu.memory_space<vmem>>) offsets(%dma_start3A_172 : memref<128xi32, #tpu.memory_space<vmem>>) semaphore(%arg14 : memref<!tpu.dma_semaphore, #tpu.memory_space<semaphore_mem>>)
    %dma_wait3A_176 = arith.constant 0 : i32
    %dma_wait3A_177 = arith.constant 0 : i32
    %dma_wait3A_178 = tpu.memref_slice %arg10[%dma_wait3A_176, %dma_wait3A_177] : memref<256x64xf32, #tpu.memory_space<vmem>> -> memref<128x64xf32, #tpu.memory_space<vmem>>
    %dma_wait3A_179 = arith.constant 768 : i32
    %dma_wait3A_180 = tpu.memref_slice %arg7[%dma_wait3A_179] : memref<2048xi32, #tpu.memory_space<vmem>> -> memref<128xi32, #tpu.memory_space<vmem>>
    %dma_wait3A_181 = arith.constant 0 : i32
    %dma_wait3A_182 = arith.constant 0 : i32
    %dma_wait3A_183 = tpu.memref_slice %arg3[%dma_wait3A_181, %dma_wait3A_182] : memref<2000000x64xf32, #tpu.memory_space<hbm>> -> memref<2000000x64xf32, #tpu.memory_space<hbm>>
    tpu.wait_indirect_dma semaphore(%arg14 : memref<!tpu.dma_semaphore, #tpu.memory_space<semaphore_mem>>) src(%dma_wait3A_183 : memref<2000000x64xf32, #tpu.memory_space<hbm>>) dst(%dma_wait3A_178 : memref<128x64xf32, #tpu.memory_space<vmem>>)
    %dma_wait3A_184 = arith.constant 128 : i32
    %dma_wait3A_185 = arith.constant 0 : i32
    %dma_wait3A_186 = tpu.memref_slice %arg10[%dma_wait3A_184, %dma_wait3A_185] : memref<256x64xf32, #tpu.memory_space<vmem>> -> memref<128x64xf32, #tpu.memory_space<vmem>>
    %dma_wait3A_187 = arith.constant 896 : i32
    %dma_wait3A_188 = tpu.memref_slice %arg7[%dma_wait3A_187] : memref<2048xi32, #tpu.memory_space<vmem>> -> memref<128xi32, #tpu.memory_space<vmem>>
    %dma_wait3A_189 = arith.constant 0 : i32
    %dma_wait3A_190 = arith.constant 0 : i32
    %dma_wait3A_191 = tpu.memref_slice %arg3[%dma_wait3A_189, %dma_wait3A_190] : memref<2000000x64xf32, #tpu.memory_space<hbm>> -> memref<2000000x64xf32, #tpu.memory_space<hbm>>
    tpu.wait_indirect_dma semaphore(%arg14 : memref<!tpu.dma_semaphore, #tpu.memory_space<semaphore_mem>>) src(%dma_wait3A_191 : memref<2000000x64xf32, #tpu.memory_space<hbm>>) dst(%dma_wait3A_186 : memref<128x64xf32, #tpu.memory_space<vmem>>)
    %scan3A_192 = arith.constant 0 : i32
    %scan3A_193 = arith.constant 0 : i32
    %scan3A_194 = arith.constant 16 : i32
    %scan3A_195 = arith.addi %scan3A_193, %scan3A_194 : i32
    %scan3A_196 = arith.constant 1 : i32
    %scan3A_197 = scf.for %scan3A_419 = %scan3A_193 to %scan3A_195 step %scan3A_196 iter_args(%scan3A_420 = %scan3A_192) -> (i32)  : i32 {
      %add3A_421 = arith.constant 48 : i32
      %add3A_422 = arith.addi %add3A_421, %scan3A_419 : i32
      %get3A = arith.index_cast %add3A_422 : i32 to index
      %get3A_423 = arith.constant 0 : index
      %get3A_424 = tpu.vector_load %arg8[%get3A, %get3A_423] {strides = array<i32>} : memref<128x64xf32, #tpu.memory_space<vmem>>, vector<16xf32>,
      %mul3A_425 = arith.constant 16 : i32
      %mul3A_426 = arith.muli %scan3A_419, %mul3A_425 : i32
      %add3A_427 = arith.constant 0 : i32
      %add3A_428 = arith.addi %mul3A_426, %add3A_427 : i32
      %swap3A = arith.index_cast %add3A_428 : i32 to index
      %swap3A_429 = arith.constant 0 : index
      %swap3A_430 = tpu.vector_load %arg10[%swap3A, %swap3A_429] {strides = array<i32>} : memref<256x64xf32, #tpu.memory_space<vmem>>, vector<16xf32>,
      tpu.vector_store %arg10[%swap3A, %swap3A_429], %get3A_424 {add = true, strides = array<i32>} : memref<256x64xf32, #tpu.memory_space<vmem>>, vector<16xf32>,
      %mul3A_431 = arith.constant 16 : i32
      %mul3A_432 = arith.muli %scan3A_419, %mul3A_431 : i32
      %add3A_433 = arith.constant 1 : i32
      %add3A_434 = arith.addi %mul3A_432, %add3A_433 : i32
      %swap3A_435 = arith.index_cast %add3A_434 : i32 to index
      %swap3A_436 = arith.constant 0 : index
      %swap3A_437 = tpu.vector_load %arg10[%swap3A_435, %swap3A_436] {strides = array<i32>} : memref<256x64xf32, #tpu.memory_space<vmem>>, vector<16xf32>,
      tpu.vector_store %arg10[%swap3A_435, %swap3A_436], %get3A_424 {add = true, strides = array<i32>} : memref<256x64xf32, #tpu.memory_space<vmem>>, vector<16xf32>,
      %mul3A_438 = arith.constant 16 : i32
      %mul3A_439 = arith.muli %scan3A_419, %mul3A_438 : i32
      %add3A_440 = arith.constant 2 : i32
      %add3A_441 = arith.addi %mul3A_439, %add3A_440 : i32
      %swap3A_442 = arith.index_cast %add3A_441 : i32 to index
      %swap3A_443 = arith.constant 0 : index
      %swap3A_444 = tpu.vector_load %arg10[%swap3A_442, %swap3A_443] {strides = array<i32>} : memref<256x64xf32, #tpu.memory_space<vmem>>, vector<16xf32>,
      tpu.vector_store %arg10[%swap3A_442, %swap3A_443], %get3A_424 {add = true, strides = array<i32>} : memref<256x64xf32, #tpu.memory_space<vmem>>, vector<16xf32>,
      %mul3A_445 = arith.constant 16 : i32
      %mul3A_446 = arith.muli %scan3A_419, %mul3A_445 : i32
      %add3A_447 = arith.constant 3 : i32
      %add3A_448 = arith.addi %mul3A_446, %add3A_447 : i32
      %swap3A_449 = arith.index_cast %add3A_448 : i32 to index
      %swap3A_450 = arith.constant 0 : index
      %swap3A_451 = tpu.vector_load %arg10[%swap3A_449, %swap3A_450] {strides = array<i32>} : memref<256x64xf32, #tpu.memory_space<vmem>>, vector<16xf32>,
      tpu.vector_store %arg10[%swap3A_449, %swap3A_450], %get3A_424 {add = true, strides = array<i32>} : memref<256x64xf32, #tpu.memory_space<vmem>>, vector<16xf32>,
      %mul3A_452 = arith.constant 16 : i32
      %mul3A_453 = arith.muli %scan3A_419, %mul3A_452 : i32
      %add3A_454 = arith.constant 4 : i32
      %add3A_455 = arith.addi %mul3A_453, %add3A_454 : i32
      %swap3A_456 = arith.index_cast %add3A_455 : i32 to index
      %swap3A_457 = arith.constant 0 : index
      %swap3A_458 = tpu.vector_load %arg10[%swap3A_456, %swap3A_457] {strides = array<i32>} : memref<256x64xf32, #tpu.memory_space<vmem>>, vector<16xf32>,
      tpu.vector_store %arg10[%swap3A_456, %swap3A_457], %get3A_424 {add = true, strides = array<i32>} : memref<256x64xf32, #tpu.memory_space<vmem>>, vector<16xf32>,
      %mul3A_459 = arith.constant 16 : i32
      %mul3A_460 = arith.muli %scan3A_419, %mul3A_459 : i32
      %add3A_461 = arith.constant 5 : i32
      %add3A_462 = arith.addi %mul3A_460, %add3A_461 : i32
      %swap3A_463 = arith.index_cast %add3A_462 : i32 to index
      %swap3A_464 = arith.constant 0 : index
      %swap3A_465 = tpu.vector_load %arg10[%swap3A_463, %swap3A_464] {strides = array<i32>} : memref<256x64xf32, #tpu.memory_space<vmem>>, vector<16xf32>,
      tpu.vector_store %arg10[%swap3A_463, %swap3A_464], %get3A_424 {add = true, strides = array<i32>} : memref<256x64xf32, #tpu.memory_space<vmem>>, vector<16xf32>,
      %mul3A_466 = arith.constant 16 : i32
      %mul3A_467 = arith.muli %scan3A_419, %mul3A_466 : i32
      %add3A_468 = arith.constant 6 : i32
      %add3A_469 = arith.addi %mul3A_467, %add3A_468 : i32
      %swap3A_470 = arith.index_cast %add3A_469 : i32 to index
      %swap3A_471 = arith.constant 0 : index
      %swap3A_472 = tpu.vector_load %arg10[%swap3A_470, %swap3A_471] {strides = array<i32>} : memref<256x64xf32, #tpu.memory_space<vmem>>, vector<16xf32>,
      tpu.vector_store %arg10[%swap3A_470, %swap3A_471], %get3A_424 {add = true, strides = array<i32>} : memref<256x64xf32, #tpu.memory_space<vmem>>, vector<16xf32>,
      %mul3A_473 = arith.constant 16 : i32
      %mul3A_474 = arith.muli %scan3A_419, %mul3A_473 : i32
      %add3A_475 = arith.constant 7 : i32
      %add3A_476 = arith.addi %mul3A_474, %add3A_475 : i32
      %swap3A_477 = arith.index_cast %add3A_476 : i32 to index
      %swap3A_478 = arith.constant 0 : index
      %swap3A_479 = tpu.vector_load %arg10[%swap3A_477, %swap3A_478] {strides = array<i32>} : memref<256x64xf32, #tpu.memory_space<vmem>>, vector<16xf32>,
      tpu.vector_store %arg10[%swap3A_477, %swap3A_478], %get3A_424 {add = true, strides = array<i32>} : memref<256x64xf32, #tpu.memory_space<vmem>>, vector<16xf32>,
      %mul3A_480 = arith.constant 16 : i32
      %mul3A_481 = arith.muli %scan3A_419, %mul3A_480 : i32
      %add3A_482 = arith.constant 8 : i32
      %add3A_483 = arith.addi %mul3A_481, %add3A_482 : i32
      %swap3A_484 = arith.index_cast %add3A_483 : i32 to index
      %swap3A_485 = arith.constant 0 : index
      %swap3A_486 = tpu.vector_load %arg10[%swap3A_484, %swap3A_485] {strides = array<i32>} : memref<256x64xf32, #tpu.memory_space<vmem>>, vector<16xf32>,
      tpu.vector_store %arg10[%swap3A_484, %swap3A_485], %get3A_424 {add = true, strides = array<i32>} : memref<256x64xf32, #tpu.memory_space<vmem>>, vector<16xf32>,
      %mul3A_487 = arith.constant 16 : i32
      %mul3A_488 = arith.muli %scan3A_419, %mul3A_487 : i32
      %add3A_489 = arith.constant 9 : i32
      %add3A_490 = arith.addi %mul3A_488, %add3A_489 : i32
      %swap3A_491 = arith.index_cast %add3A_490 : i32 to index
      %swap3A_492 = arith.constant 0 : index
      %swap3A_493 = tpu.vector_load %arg10[%swap3A_491, %swap3A_492] {strides = array<i32>} : memref<256x64xf32, #tpu.memory_space<vmem>>, vector<16xf32>,
      tpu.vector_store %arg10[%swap3A_491, %swap3A_492], %get3A_424 {add = true, strides = array<i32>} : memref<256x64xf32, #tpu.memory_space<vmem>>, vector<16xf32>,
      %mul3A_494 = arith.constant 16 : i32
      %mul3A_495 = arith.muli %scan3A_419, %mul3A_494 : i32
      %add3A_496 = arith.constant 10 : i32
      %add3A_497 = arith.addi %mul3A_495, %add3A_496 : i32
      %swap3A_498 = arith.index_cast %add3A_497 : i32 to index
      %swap3A_499 = arith.constant 0 : index
      %swap3A_500 = tpu.vector_load %arg10[%swap3A_498, %swap3A_499] {strides = array<i32>} : memref<256x64xf32, #tpu.memory_space<vmem>>, vector<16xf32>,
      tpu.vector_store %arg10[%swap3A_498, %swap3A_499], %get3A_424 {add = true, strides = array<i32>} : memref<256x64xf32, #tpu.memory_space<vmem>>, vector<16xf32>,
      %mul3A_501 = arith.constant 16 : i32
      %mul3A_502 = arith.muli %scan3A_419, %mul3A_501 : i32
      %add3A_503 = arith.constant 11 : i32
      %add3A_504 = arith.addi %mul3A_502, %add3A_503 : i32
      %swap3A_505 = arith.index_cast %add3A_504 : i32 to index
      %swap3A_506 = arith.constant 0 : index
      %swap3A_507 = tpu.vector_load %arg10[%swap3A_505, %swap3A_506] {strides = array<i32>} : memref<256x64xf32, #tpu.memory_space<vmem>>, vector<16xf32>,
      tpu.vector_store %arg10[%swap3A_505, %swap3A_506], %get3A_424 {add = true, strides = array<i32>} : memref<256x64xf32, #tpu.memory_space<vmem>>, vector<16xf32>,
      %mul3A_508 = arith.constant 16 : i32
      %mul3A_509 = arith.muli %scan3A_419, %mul3A_508 : i32
      %add3A_510 = arith.constant 12 : i32
      %add3A_511 = arith.addi %mul3A_509, %add3A_510 : i32
      %swap3A_512 = arith.index_cast %add3A_511 : i32 to index
      %swap3A_513 = arith.constant 0 : index
      %swap3A_514 = tpu.vector_load %arg10[%swap3A_512, %swap3A_513] {strides = array<i32>} : memref<256x64xf32, #tpu.memory_space<vmem>>, vector<16xf32>,
      tpu.vector_store %arg10[%swap3A_512, %swap3A_513], %get3A_424 {add = true, strides = array<i32>} : memref<256x64xf32, #tpu.memory_space<vmem>>, vector<16xf32>,
      %mul3A_515 = arith.constant 16 : i32
      %mul3A_516 = arith.muli %scan3A_419, %mul3A_515 : i32
      %add3A_517 = arith.constant 13 : i32
      %add3A_518 = arith.addi %mul3A_516, %add3A_517 : i32
      %swap3A_519 = arith.index_cast %add3A_518 : i32 to index
      %swap3A_520 = arith.constant 0 : index
      %swap3A_521 = tpu.vector_load %arg10[%swap3A_519, %swap3A_520] {strides = array<i32>} : memref<256x64xf32, #tpu.memory_space<vmem>>, vector<16xf32>,
      tpu.vector_store %arg10[%swap3A_519, %swap3A_520], %get3A_424 {add = true, strides = array<i32>} : memref<256x64xf32, #tpu.memory_space<vmem>>, vector<16xf32>,
      %mul3A_522 = arith.constant 16 : i32
      %mul3A_523 = arith.muli %scan3A_419, %mul3A_522 : i32
      %add3A_524 = arith.constant 14 : i32
      %add3A_525 = arith.addi %mul3A_523, %add3A_524 : i32
      %swap3A_526 = arith.index_cast %add3A_525 : i32 to index
      %swap3A_527 = arith.constant 0 : index
      %swap3A_528 = tpu.vector_load %arg10[%swap3A_526, %swap3A_527] {strides = array<i32>} : memref<256x64xf32, #tpu.memory_space<vmem>>, vector<16xf32>,
      tpu.vector_store %arg10[%swap3A_526, %swap3A_527], %get3A_424 {add = true, strides = array<i32>} : memref<256x64xf32, #tpu.memory_space<vmem>>, vector<16xf32>,
      %mul3A_529 = arith.constant 16 : i32
      %mul3A_530 = arith.muli %scan3A_419, %mul3A_529 : i32
      %add3A_531 = arith.constant 15 : i32
      %add3A_532 = arith.addi %mul3A_530, %add3A_531 : i32
      %swap3A_533 = arith.index_cast %add3A_532 : i32 to index
      %swap3A_534 = arith.constant 0 : index
      %swap3A_535 = tpu.vector_load %arg10[%swap3A_533, %swap3A_534] {strides = array<i32>} : memref<256x64xf32, #tpu.memory_space<vmem>>, vector<16xf32>,
      tpu.vector_store %arg10[%swap3A_533, %swap3A_534], %get3A_424 {add = true, strides = array<i32>} : memref<256x64xf32, #tpu.memory_space<vmem>>, vector<16xf32>,
      %add3A_536 = arith.constant 48 : i32
      %add3A_537 = arith.addi %add3A_536, %scan3A_419 : i32
      %get3A_538 = arith.index_cast %add3A_537 : i32 to index
      %get3A_539 = arith.constant 16 : index
      %get3A_540 = tpu.vector_load %arg8[%get3A_538, %get3A_539] {strides = array<i32>} : memref<128x64xf32, #tpu.memory_space<vmem>>, vector<16xf32>,
      %mul3A_541 = arith.constant 16 : i32
      %mul3A_542 = arith.muli %scan3A_419, %mul3A_541 : i32
      %add3A_543 = arith.constant 0 : i32
      %add3A_544 = arith.addi %mul3A_542, %add3A_543 : i32
      %swap3A_545 = arith.index_cast %add3A_544 : i32 to index
      %swap3A_546 = arith.constant 16 : index
      %swap3A_547 = tpu.vector_load %arg10[%swap3A_545, %swap3A_546] {strides = array<i32>} : memref<256x64xf32, #tpu.memory_space<vmem>>, vector<16xf32>,
      tpu.vector_store %arg10[%swap3A_545, %swap3A_546], %get3A_540 {add = true, strides = array<i32>} : memref<256x64xf32, #tpu.memory_space<vmem>>, vector<16xf32>,
      %mul3A_548 = arith.constant 16 : i32
      %mul3A_549 = arith.muli %scan3A_419, %mul3A_548 : i32
      %add3A_550 = arith.constant 1 : i32
      %add3A_551 = arith.addi %mul3A_549, %add3A_550 : i32
      %swap3A_552 = arith.index_cast %add3A_551 : i32 to index
      %swap3A_553 = arith.constant 16 : index
      %swap3A_554 = tpu.vector_load %arg10[%swap3A_552, %swap3A_553] {strides = array<i32>} : memref<256x64xf32, #tpu.memory_space<vmem>>, vector<16xf32>,
      tpu.vector_store %arg10[%swap3A_552, %swap3A_553], %get3A_540 {add = true, strides = array<i32>} : memref<256x64xf32, #tpu.memory_space<vmem>>, vector<16xf32>,
      %mul3A_555 = arith.constant 16 : i32
      %mul3A_556 = arith.muli %scan3A_419, %mul3A_555 : i32
      %add3A_557 = arith.constant 2 : i32
      %add3A_558 = arith.addi %mul3A_556, %add3A_557 : i32
      %swap3A_559 = arith.index_cast %add3A_558 : i32 to index
      %swap3A_560 = arith.constant 16 : index
      %swap3A_561 = tpu.vector_load %arg10[%swap3A_559, %swap3A_560] {strides = array<i32>} : memref<256x64xf32, #tpu.memory_space<vmem>>, vector<16xf32>,
      tpu.vector_store %arg10[%swap3A_559, %swap3A_560], %get3A_540 {add = true, strides = array<i32>} : memref<256x64xf32, #tpu.memory_space<vmem>>, vector<16xf32>,
      %mul3A_562 = arith.constant 16 : i32
      %mul3A_563 = arith.muli %scan3A_419, %mul3A_562 : i32
      %add3A_564 = arith.constant 3 : i32
      %add3A_565 = arith.addi %mul3A_563, %add3A_564 : i32
      %swap3A_566 = arith.index_cast %add3A_565 : i32 to index
      %swap3A_567 = arith.constant 16 : index
      %swap3A_568 = tpu.vector_load %arg10[%swap3A_566, %swap3A_567] {strides = array<i32>} : memref<256x64xf32, #tpu.memory_space<vmem>>, vector<16xf32>,
      tpu.vector_store %arg10[%swap3A_566, %swap3A_567], %get3A_540 {add = true, strides = array<i32>} : memref<256x64xf32, #tpu.memory_space<vmem>>, vector<16xf32>,
      %mul3A_569 = arith.constant 16 : i32
      %mul3A_570 = arith.muli %scan3A_419, %mul3A_569 : i32
      %add3A_571 = arith.constant 4 : i32
      %add3A_572 = arith.addi %mul3A_570, %add3A_571 : i32
      %swap3A_573 = arith.index_cast %add3A_572 : i32 to index
      %swap3A_574 = arith.constant 16 : index
      %swap3A_575 = tpu.vector_load %arg10[%swap3A_573, %swap3A_574] {strides = array<i32>} : memref<256x64xf32, #tpu.memory_space<vmem>>, vector<16xf32>,
      tpu.vector_store %arg10[%swap3A_573, %swap3A_574], %get3A_540 {add = true, strides = array<i32>} : memref<256x64xf32, #tpu.memory_space<vmem>>, vector<16xf32>,
      %mul3A_576 = arith.constant 16 : i32
      %mul3A_577 = arith.muli %scan3A_419, %mul3A_576 : i32
      %add3A_578 = arith.constant 5 : i32
      %add3A_579 = arith.addi %mul3A_577, %add3A_578 : i32
      %swap3A_580 = arith.index_cast %add3A_579 : i32 to index
      %swap3A_581 = arith.constant 16 : index
      %swap3A_582 = tpu.vector_load %arg10[%swap3A_580, %swap3A_581] {strides = array<i32>} : memref<256x64xf32, #tpu.memory_space<vmem>>, vector<16xf32>,
      tpu.vector_store %arg10[%swap3A_580, %swap3A_581], %get3A_540 {add = true, strides = array<i32>} : memref<256x64xf32, #tpu.memory_space<vmem>>, vector<16xf32>,
      %mul3A_583 = arith.constant 16 : i32
      %mul3A_584 = arith.muli %scan3A_419, %mul3A_583 : i32
      %add3A_585 = arith.constant 6 : i32
      %add3A_586 = arith.addi %mul3A_584, %add3A_585 : i32
      %swap3A_587 = arith.index_cast %add3A_586 : i32 to index
      %swap3A_588 = arith.constant 16 : index
      %swap3A_589 = tpu.vector_load %arg10[%swap3A_587, %swap3A_588] {strides = array<i32>} : memref<256x64xf32, #tpu.memory_space<vmem>>, vector<16xf32>,
      tpu.vector_store %arg10[%swap3A_587, %swap3A_588], %get3A_540 {add = true, strides = array<i32>} : memref<256x64xf32, #tpu.memory_space<vmem>>, vector<16xf32>,
      %mul3A_590 = arith.constant 16 : i32
      %mul3A_591 = arith.muli %scan3A_419, %mul3A_590 : i32
      %add3A_592 = arith.constant 7 : i32
      %add3A_593 = arith.addi %mul3A_591, %add3A_592 : i32
      %swap3A_594 = arith.index_cast %add3A_593 : i32 to index
      %swap3A_595 = arith.constant 16 : index
      %swap3A_596 = tpu.vector_load %arg10[%swap3A_594, %swap3A_595] {strides = array<i32>} : memref<256x64xf32, #tpu.memory_space<vmem>>, vector<16xf32>,
      tpu.vector_store %arg10[%swap3A_594, %swap3A_595], %get3A_540 {add = true, strides = array<i32>} : memref<256x64xf32, #tpu.memory_space<vmem>>, vector<16xf32>,
      %mul3A_597 = arith.constant 16 : i32
      %mul3A_598 = arith.muli %scan3A_419, %mul3A_597 : i32
      %add3A_599 = arith.constant 8 : i32
      %add3A_600 = arith.addi %mul3A_598, %add3A_599 : i32
      %swap3A_601 = arith.index_cast %add3A_600 : i32 to index
      %swap3A_602 = arith.constant 16 : index
      %swap3A_603 = tpu.vector_load %arg10[%swap3A_601, %swap3A_602] {strides = array<i32>} : memref<256x64xf32, #tpu.memory_space<vmem>>, vector<16xf32>,
      tpu.vector_store %arg10[%swap3A_601, %swap3A_602], %get3A_540 {add = true, strides = array<i32>} : memref<256x64xf32, #tpu.memory_space<vmem>>, vector<16xf32>,
      %mul3A_604 = arith.constant 16 : i32
      %mul3A_605 = arith.muli %scan3A_419, %mul3A_604 : i32
      %add3A_606 = arith.constant 9 : i32
      %add3A_607 = arith.addi %mul3A_605, %add3A_606 : i32
      %swap3A_608 = arith.index_cast %add3A_607 : i32 to index
      %swap3A_609 = arith.constant 16 : index
      %swap3A_610 = tpu.vector_load %arg10[%swap3A_608, %swap3A_609] {strides = array<i32>} : memref<256x64xf32, #tpu.memory_space<vmem>>, vector<16xf32>,
      tpu.vector_store %arg10[%swap3A_608, %swap3A_609], %get3A_540 {add = true, strides = array<i32>} : memref<256x64xf32, #tpu.memory_space<vmem>>, vector<16xf32>,
      %mul3A_611 = arith.constant 16 : i32
      %mul3A_612 = arith.muli %scan3A_419, %mul3A_611 : i32
      %add3A_613 = arith.constant 10 : i32
      %add3A_614 = arith.addi %mul3A_612, %add3A_613 : i32
      %swap3A_615 = arith.index_cast %add3A_614 : i32 to index
      %swap3A_616 = arith.constant 16 : index
      %swap3A_617 = tpu.vector_load %arg10[%swap3A_615, %swap3A_616] {strides = array<i32>} : memref<256x64xf32, #tpu.memory_space<vmem>>, vector<16xf32>,
      tpu.vector_store %arg10[%swap3A_615, %swap3A_616], %get3A_540 {add = true, strides = array<i32>} : memref<256x64xf32, #tpu.memory_space<vmem>>, vector<16xf32>,
      %mul3A_618 = arith.constant 16 : i32
      %mul3A_619 = arith.muli %scan3A_419, %mul3A_618 : i32
      %add3A_620 = arith.constant 11 : i32
      %add3A_621 = arith.addi %mul3A_619, %add3A_620 : i32
      %swap3A_622 = arith.index_cast %add3A_621 : i32 to index
      %swap3A_623 = arith.constant 16 : index
      %swap3A_624 = tpu.vector_load %arg10[%swap3A_622, %swap3A_623] {strides = array<i32>} : memref<256x64xf32, #tpu.memory_space<vmem>>, vector<16xf32>,
      tpu.vector_store %arg10[%swap3A_622, %swap3A_623], %get3A_540 {add = true, strides = array<i32>} : memref<256x64xf32, #tpu.memory_space<vmem>>, vector<16xf32>,
      %mul3A_625 = arith.constant 16 : i32
      %mul3A_626 = arith.muli %scan3A_419, %mul3A_625 : i32
      %add3A_627 = arith.constant 12 : i32
      %add3A_628 = arith.addi %mul3A_626, %add3A_627 : i32
      %swap3A_629 = arith.index_cast %add3A_628 : i32 to index
      %swap3A_630 = arith.constant 16 : index
      %swap3A_631 = tpu.vector_load %arg10[%swap3A_629, %swap3A_630] {strides = array<i32>} : memref<256x64xf32, #tpu.memory_space<vmem>>, vector<16xf32>,
      tpu.vector_store %arg10[%swap3A_629, %swap3A_630], %get3A_540 {add = true, strides = array<i32>} : memref<256x64xf32, #tpu.memory_space<vmem>>, vector<16xf32>,
      %mul3A_632 = arith.constant 16 : i32
      %mul3A_633 = arith.muli %scan3A_419, %mul3A_632 : i32
      %add3A_634 = arith.constant 13 : i32
      %add3A_635 = arith.addi %mul3A_633, %add3A_634 : i32
      %swap3A_636 = arith.index_cast %add3A_635 : i32 to index
      %swap3A_637 = arith.constant 16 : index
      %swap3A_638 = tpu.vector_load %arg10[%swap3A_636, %swap3A_637] {strides = array<i32>} : memref<256x64xf32, #tpu.memory_space<vmem>>, vector<16xf32>,
      tpu.vector_store %arg10[%swap3A_636, %swap3A_637], %get3A_540 {add = true, strides = array<i32>} : memref<256x64xf32, #tpu.memory_space<vmem>>, vector<16xf32>,
      %mul3A_639 = arith.constant 16 : i32
      %mul3A_640 = arith.muli %scan3A_419, %mul3A_639 : i32
      %add3A_641 = arith.constant 14 : i32
      %add3A_642 = arith.addi %mul3A_640, %add3A_641 : i32
      %swap3A_643 = arith.index_cast %add3A_642 : i32 to index
      %swap3A_644 = arith.constant 16 : index
      %swap3A_645 = tpu.vector_load %arg10[%swap3A_643, %swap3A_644] {strides = array<i32>} : memref<256x64xf32, #tpu.memory_space<vmem>>, vector<16xf32>,
      tpu.vector_store %arg10[%swap3A_643, %swap3A_644], %get3A_540 {add = true, strides = array<i32>} : memref<256x64xf32, #tpu.memory_space<vmem>>, vector<16xf32>,
      %mul3A_646 = arith.constant 16 : i32
      %mul3A_647 = arith.muli %scan3A_419, %mul3A_646 : i32
      %add3A_648 = arith.constant 15 : i32
      %add3A_649 = arith.addi %mul3A_647, %add3A_648 : i32
      %swap3A_650 = arith.index_cast %add3A_649 : i32 to index
      %swap3A_651 = arith.constant 16 : index
      %swap3A_652 = tpu.vector_load %arg10[%swap3A_650, %swap3A_651] {strides = array<i32>} : memref<256x64xf32, #tpu.memory_space<vmem>>, vector<16xf32>,
      tpu.vector_store %arg10[%swap3A_650, %swap3A_651], %get3A_540 {add = true, strides = array<i32>} : memref<256x64xf32, #tpu.memory_space<vmem>>, vector<16xf32>,
      %add3A_653 = arith.constant 48 : i32
      %add3A_654 = arith.addi %add3A_653, %scan3A_419 : i32
      %get3A_655 = arith.index_cast %add3A_654 : i32 to index
      %get3A_656 = arith.constant 32 : index
      %get3A_657 = tpu.vector_load %arg8[%get3A_655, %get3A_656] {strides = array<i32>} : memref<128x64xf32, #tpu.memory_space<vmem>>, vector<16xf32>,
      %mul3A_658 = arith.constant 16 : i32
      %mul3A_659 = arith.muli %scan3A_419, %mul3A_658 : i32
      %add3A_660 = arith.constant 0 : i32
      %add3A_661 = arith.addi %mul3A_659, %add3A_660 : i32
      %swap3A_662 = arith.index_cast %add3A_661 : i32 to index
      %swap3A_663 = arith.constant 32 : index
      %swap3A_664 = tpu.vector_load %arg10[%swap3A_662, %swap3A_663] {strides = array<i32>} : memref<256x64xf32, #tpu.memory_space<vmem>>, vector<16xf32>,
      tpu.vector_store %arg10[%swap3A_662, %swap3A_663], %get3A_657 {add = true, strides = array<i32>} : memref<256x64xf32, #tpu.memory_space<vmem>>, vector<16xf32>,
      %mul3A_665 = arith.constant 16 : i32
      %mul3A_666 = arith.muli %scan3A_419, %mul3A_665 : i32
      %add3A_667 = arith.constant 1 : i32
      %add3A_668 = arith.addi %mul3A_666, %add3A_667 : i32
      %swap3A_669 = arith.index_cast %add3A_668 : i32 to index
      %swap3A_670 = arith.constant 32 : index
      %swap3A_671 = tpu.vector_load %arg10[%swap3A_669, %swap3A_670] {strides = array<i32>} : memref<256x64xf32, #tpu.memory_space<vmem>>, vector<16xf32>,
      tpu.vector_store %arg10[%swap3A_669, %swap3A_670], %get3A_657 {add = true, strides = array<i32>} : memref<256x64xf32, #tpu.memory_space<vmem>>, vector<16xf32>,
      %mul3A_672 = arith.constant 16 : i32
      %mul3A_673 = arith.muli %scan3A_419, %mul3A_672 : i32
      %add3A_674 = arith.constant 2 : i32
      %add3A_675 = arith.addi %mul3A_673, %add3A_674 : i32
      %swap3A_676 = arith.index_cast %add3A_675 : i32 to index
      %swap3A_677 = arith.constant 32 : index
      %swap3A_678 = tpu.vector_load %arg10[%swap3A_676, %swap3A_677] {strides = array<i32>} : memref<256x64xf32, #tpu.memory_space<vmem>>, vector<16xf32>,
      tpu.vector_store %arg10[%swap3A_676, %swap3A_677], %get3A_657 {add = true, strides = array<i32>} : memref<256x64xf32, #tpu.memory_space<vmem>>, vector<16xf32>,
      %mul3A_679 = arith.constant 16 : i32
      %mul3A_680 = arith.muli %scan3A_419, %mul3A_679 : i32
      %add3A_681 = arith.constant 3 : i32
      %add3A_682 = arith.addi %mul3A_680, %add3A_681 : i32
      %swap3A_683 = arith.index_cast %add3A_682 : i32 to index
      %swap3A_684 = arith.constant 32 : index
      %swap3A_685 = tpu.vector_load %arg10[%swap3A_683, %swap3A_684] {strides = array<i32>} : memref<256x64xf32, #tpu.memory_space<vmem>>, vector<16xf32>,
      tpu.vector_store %arg10[%swap3A_683, %swap3A_684], %get3A_657 {add = true, strides = array<i32>} : memref<256x64xf32, #tpu.memory_space<vmem>>, vector<16xf32>,
      %mul3A_686 = arith.constant 16 : i32
      %mul3A_687 = arith.muli %scan3A_419, %mul3A_686 : i32
      %add3A_688 = arith.constant 4 : i32
      %add3A_689 = arith.addi %mul3A_687, %add3A_688 : i32
      %swap3A_690 = arith.index_cast %add3A_689 : i32 to index
      %swap3A_691 = arith.constant 32 : index
      %swap3A_692 = tpu.vector_load %arg10[%swap3A_690, %swap3A_691] {strides = array<i32>} : memref<256x64xf32, #tpu.memory_space<vmem>>, vector<16xf32>,
      tpu.vector_store %arg10[%swap3A_690, %swap3A_691], %get3A_657 {add = true, strides = array<i32>} : memref<256x64xf32, #tpu.memory_space<vmem>>, vector<16xf32>,
      %mul3A_693 = arith.constant 16 : i32
      %mul3A_694 = arith.muli %scan3A_419, %mul3A_693 : i32
      %add3A_695 = arith.constant 5 : i32
      %add3A_696 = arith.addi %mul3A_694, %add3A_695 : i32
      %swap3A_697 = arith.index_cast %add3A_696 : i32 to index
      %swap3A_698 = arith.constant 32 : index
      %swap3A_699 = tpu.vector_load %arg10[%swap3A_697, %swap3A_698] {strides = array<i32>} : memref<256x64xf32, #tpu.memory_space<vmem>>, vector<16xf32>,
      tpu.vector_store %arg10[%swap3A_697, %swap3A_698], %get3A_657 {add = true, strides = array<i32>} : memref<256x64xf32, #tpu.memory_space<vmem>>, vector<16xf32>,
      %mul3A_700 = arith.constant 16 : i32
      %mul3A_701 = arith.muli %scan3A_419, %mul3A_700 : i32
      %add3A_702 = arith.constant 6 : i32
      %add3A_703 = arith.addi %mul3A_701, %add3A_702 : i32
      %swap3A_704 = arith.index_cast %add3A_703 : i32 to index
      %swap3A_705 = arith.constant 32 : index
      %swap3A_706 = tpu.vector_load %arg10[%swap3A_704, %swap3A_705] {strides = array<i32>} : memref<256x64xf32, #tpu.memory_space<vmem>>, vector<16xf32>,
      tpu.vector_store %arg10[%swap3A_704, %swap3A_705], %get3A_657 {add = true, strides = array<i32>} : memref<256x64xf32, #tpu.memory_space<vmem>>, vector<16xf32>,
      %mul3A_707 = arith.constant 16 : i32
      %mul3A_708 = arith.muli %scan3A_419, %mul3A_707 : i32
      %add3A_709 = arith.constant 7 : i32
      %add3A_710 = arith.addi %mul3A_708, %add3A_709 : i32
      %swap3A_711 = arith.index_cast %add3A_710 : i32 to index
      %swap3A_712 = arith.constant 32 : index
      %swap3A_713 = tpu.vector_load %arg10[%swap3A_711, %swap3A_712] {strides = array<i32>} : memref<256x64xf32, #tpu.memory_space<vmem>>, vector<16xf32>,
      tpu.vector_store %arg10[%swap3A_711, %swap3A_712], %get3A_657 {add = true, strides = array<i32>} : memref<256x64xf32, #tpu.memory_space<vmem>>, vector<16xf32>,
      %mul3A_714 = arith.constant 16 : i32
      %mul3A_715 = arith.muli %scan3A_419, %mul3A_714 : i32
      %add3A_716 = arith.constant 8 : i32
      %add3A_717 = arith.addi %mul3A_715, %add3A_716 : i32
      %swap3A_718 = arith.index_cast %add3A_717 : i32 to index
      %swap3A_719 = arith.constant 32 : index
      %swap3A_720 = tpu.vector_load %arg10[%swap3A_718, %swap3A_719] {strides = array<i32>} : memref<256x64xf32, #tpu.memory_space<vmem>>, vector<16xf32>,
      tpu.vector_store %arg10[%swap3A_718, %swap3A_719], %get3A_657 {add = true, strides = array<i32>} : memref<256x64xf32, #tpu.memory_space<vmem>>, vector<16xf32>,
      %mul3A_721 = arith.constant 16 : i32
      %mul3A_722 = arith.muli %scan3A_419, %mul3A_721 : i32
      %add3A_723 = arith.constant 9 : i32
      %add3A_724 = arith.addi %mul3A_722, %add3A_723 : i32
      %swap3A_725 = arith.index_cast %add3A_724 : i32 to index
      %swap3A_726 = arith.constant 32 : index
      %swap3A_727 = tpu.vector_load %arg10[%swap3A_725, %swap3A_726] {strides = array<i32>} : memref<256x64xf32, #tpu.memory_space<vmem>>, vector<16xf32>,
      tpu.vector_store %arg10[%swap3A_725, %swap3A_726], %get3A_657 {add = true, strides = array<i32>} : memref<256x64xf32, #tpu.memory_space<vmem>>, vector<16xf32>,
      %mul3A_728 = arith.constant 16 : i32
      %mul3A_729 = arith.muli %scan3A_419, %mul3A_728 : i32
      %add3A_730 = arith.constant 10 : i32
      %add3A_731 = arith.addi %mul3A_729, %add3A_730 : i32
      %swap3A_732 = arith.index_cast %add3A_731 : i32 to index
      %swap3A_733 = arith.constant 32 : index
      %swap3A_734 = tpu.vector_load %arg10[%swap3A_732, %swap3A_733] {strides = array<i32>} : memref<256x64xf32, #tpu.memory_space<vmem>>, vector<16xf32>,
      tpu.vector_store %arg10[%swap3A_732, %swap3A_733], %get3A_657 {add = true, strides = array<i32>} : memref<256x64xf32, #tpu.memory_space<vmem>>, vector<16xf32>,
      %mul3A_735 = arith.constant 16 : i32
      %mul3A_736 = arith.muli %scan3A_419, %mul3A_735 : i32
      %add3A_737 = arith.constant 11 : i32
      %add3A_738 = arith.addi %mul3A_736, %add3A_737 : i32
      %swap3A_739 = arith.index_cast %add3A_738 : i32 to index
      %swap3A_740 = arith.constant 32 : index
      %swap3A_741 = tpu.vector_load %arg10[%swap3A_739, %swap3A_740] {strides = array<i32>} : memref<256x64xf32, #tpu.memory_space<vmem>>, vector<16xf32>,
      tpu.vector_store %arg10[%swap3A_739, %swap3A_740], %get3A_657 {add = true, strides = array<i32>} : memref<256x64xf32, #tpu.memory_space<vmem>>, vector<16xf32>,
      %mul3A_742 = arith.constant 16 : i32
      %mul3A_743 = arith.muli %scan3A_419, %mul3A_742 : i32
      %add3A_744 = arith.constant 12 : i32
      %add3A_745 = arith.addi %mul3A_743, %add3A_744 : i32
      %swap3A_746 = arith.index_cast %add3A_745 : i32 to index
      %swap3A_747 = arith.constant 32 : index
      %swap3A_748 = tpu.vector_load %arg10[%swap3A_746, %swap3A_747] {strides = array<i32>} : memref<256x64xf32, #tpu.memory_space<vmem>>, vector<16xf32>,
      tpu.vector_store %arg10[%swap3A_746, %swap3A_747], %get3A_657 {add = true, strides = array<i32>} : memref<256x64xf32, #tpu.memory_space<vmem>>, vector<16xf32>,
      %mul3A_749 = arith.constant 16 : i32
      %mul3A_750 = arith.muli %scan3A_419, %mul3A_749 : i32
      %add3A_751 = arith.constant 13 : i32
      %add3A_752 = arith.addi %mul3A_750, %add3A_751 : i32
      %swap3A_753 = arith.index_cast %add3A_752 : i32 to index
      %swap3A_754 = arith.constant 32 : index
      %swap3A_755 = tpu.vector_load %arg10[%swap3A_753, %swap3A_754] {strides = array<i32>} : memref<256x64xf32, #tpu.memory_space<vmem>>, vector<16xf32>,
      tpu.vector_store %arg10[%swap3A_753, %swap3A_754], %get3A_657 {add = true, strides = array<i32>} : memref<256x64xf32, #tpu.memory_space<vmem>>, vector<16xf32>,
      %mul3A_756 = arith.constant 16 : i32
      %mul3A_757 = arith.muli %scan3A_419, %mul3A_756 : i32
      %add3A_758 = arith.constant 14 : i32
      %add3A_759 = arith.addi %mul3A_757, %add3A_758 : i32
      %swap3A_760 = arith.index_cast %add3A_759 : i32 to index
      %swap3A_761 = arith.constant 32 : index
      %swap3A_762 = tpu.vector_load %arg10[%swap3A_760, %swap3A_761] {strides = array<i32>} : memref<256x64xf32, #tpu.memory_space<vmem>>, vector<16xf32>,
      tpu.vector_store %arg10[%swap3A_760, %swap3A_761], %get3A_657 {add = true, strides = array<i32>} : memref<256x64xf32, #tpu.memory_space<vmem>>, vector<16xf32>,
      %mul3A_763 = arith.constant 16 : i32
      %mul3A_764 = arith.muli %scan3A_419, %mul3A_763 : i32
      %add3A_765 = arith.constant 15 : i32
      %add3A_766 = arith.addi %mul3A_764, %add3A_765 : i32
      %swap3A_767 = arith.index_cast %add3A_766 : i32 to index
      %swap3A_768 = arith.constant 32 : index
      %swap3A_769 = tpu.vector_load %arg10[%swap3A_767, %swap3A_768] {strides = array<i32>} : memref<256x64xf32, #tpu.memory_space<vmem>>, vector<16xf32>,
      tpu.vector_store %arg10[%swap3A_767, %swap3A_768], %get3A_657 {add = true, strides = array<i32>} : memref<256x64xf32, #tpu.memory_space<vmem>>, vector<16xf32>,
      %add3A_770 = arith.constant 48 : i32
      %add3A_771 = arith.addi %add3A_770, %scan3A_419 : i32
      %get3A_772 = arith.index_cast %add3A_771 : i32 to index
      %get3A_773 = arith.constant 48 : index
      %get3A_774 = tpu.vector_load %arg8[%get3A_772, %get3A_773] {strides = array<i32>} : memref<128x64xf32, #tpu.memory_space<vmem>>, vector<16xf32>,
      %mul3A_775 = arith.constant 16 : i32
      %mul3A_776 = arith.muli %scan3A_419, %mul3A_775 : i32
      %add3A_777 = arith.constant 0 : i32
      %add3A_778 = arith.addi %mul3A_776, %add3A_777 : i32
      %swap3A_779 = arith.index_cast %add3A_778 : i32 to index
      %swap3A_780 = arith.constant 48 : index
      %swap3A_781 = tpu.vector_load %arg10[%swap3A_779, %swap3A_780] {strides = array<i32>} : memref<256x64xf32, #tpu.memory_space<vmem>>, vector<16xf32>,
      tpu.vector_store %arg10[%swap3A_779, %swap3A_780], %get3A_774 {add = true, strides = array<i32>} : memref<256x64xf32, #tpu.memory_space<vmem>>, vector<16xf32>,
      %mul3A_782 = arith.constant 16 : i32
      %mul3A_783 = arith.muli %scan3A_419, %mul3A_782 : i32
      %add3A_784 = arith.constant 1 : i32
      %add3A_785 = arith.addi %mul3A_783, %add3A_784 : i32
      %swap3A_786 = arith.index_cast %add3A_785 : i32 to index
      %swap3A_787 = arith.constant 48 : index
      %swap3A_788 = tpu.vector_load %arg10[%swap3A_786, %swap3A_787] {strides = array<i32>} : memref<256x64xf32, #tpu.memory_space<vmem>>, vector<16xf32>,
      tpu.vector_store %arg10[%swap3A_786, %swap3A_787], %get3A_774 {add = true, strides = array<i32>} : memref<256x64xf32, #tpu.memory_space<vmem>>, vector<16xf32>,
      %mul3A_789 = arith.constant 16 : i32
      %mul3A_790 = arith.muli %scan3A_419, %mul3A_789 : i32
      %add3A_791 = arith.constant 2 : i32
      %add3A_792 = arith.addi %mul3A_790, %add3A_791 : i32
      %swap3A_793 = arith.index_cast %add3A_792 : i32 to index
      %swap3A_794 = arith.constant 48 : index
      %swap3A_795 = tpu.vector_load %arg10[%swap3A_793, %swap3A_794] {strides = array<i32>} : memref<256x64xf32, #tpu.memory_space<vmem>>, vector<16xf32>,
      tpu.vector_store %arg10[%swap3A_793, %swap3A_794], %get3A_774 {add = true, strides = array<i32>} : memref<256x64xf32, #tpu.memory_space<vmem>>, vector<16xf32>,
      %mul3A_796 = arith.constant 16 : i32
      %mul3A_797 = arith.muli %scan3A_419, %mul3A_796 : i32
      %add3A_798 = arith.constant 3 : i32
      %add3A_799 = arith.addi %mul3A_797, %add3A_798 : i32
      %swap3A_800 = arith.index_cast %add3A_799 : i32 to index
      %swap3A_801 = arith.constant 48 : index
      %swap3A_802 = tpu.vector_load %arg10[%swap3A_800, %swap3A_801] {strides = array<i32>} : memref<256x64xf32, #tpu.memory_space<vmem>>, vector<16xf32>,
      tpu.vector_store %arg10[%swap3A_800, %swap3A_801], %get3A_774 {add = true, strides = array<i32>} : memref<256x64xf32, #tpu.memory_space<vmem>>, vector<16xf32>,
      %mul3A_803 = arith.constant 16 : i32
      %mul3A_804 = arith.muli %scan3A_419, %mul3A_803 : i32
      %add3A_805 = arith.constant 4 : i32
      %add3A_806 = arith.addi %mul3A_804, %add3A_805 : i32
      %swap3A_807 = arith.index_cast %add3A_806 : i32 to index
      %swap3A_808 = arith.constant 48 : index
      %swap3A_809 = tpu.vector_load %arg10[%swap3A_807, %swap3A_808] {strides = array<i32>} : memref<256x64xf32, #tpu.memory_space<vmem>>, vector<16xf32>,
      tpu.vector_store %arg10[%swap3A_807, %swap3A_808], %get3A_774 {add = true, strides = array<i32>} : memref<256x64xf32, #tpu.memory_space<vmem>>, vector<16xf32>,
      %mul3A_810 = arith.constant 16 : i32
      %mul3A_811 = arith.muli %scan3A_419, %mul3A_810 : i32
      %add3A_812 = arith.constant 5 : i32
      %add3A_813 = arith.addi %mul3A_811, %add3A_812 : i32
      %swap3A_814 = arith.index_cast %add3A_813 : i32 to index
      %swap3A_815 = arith.constant 48 : index
      %swap3A_816 = tpu.vector_load %arg10[%swap3A_814, %swap3A_815] {strides = array<i32>} : memref<256x64xf32, #tpu.memory_space<vmem>>, vector<16xf32>,
      tpu.vector_store %arg10[%swap3A_814, %swap3A_815], %get3A_774 {add = true, strides = array<i32>} : memref<256x64xf32, #tpu.memory_space<vmem>>, vector<16xf32>,
      %mul3A_817 = arith.constant 16 : i32
      %mul3A_818 = arith.muli %scan3A_419, %mul3A_817 : i32
      %add3A_819 = arith.constant 6 : i32
      %add3A_820 = arith.addi %mul3A_818, %add3A_819 : i32
      %swap3A_821 = arith.index_cast %add3A_820 : i32 to index
      %swap3A_822 = arith.constant 48 : index
      %swap3A_823 = tpu.vector_load %arg10[%swap3A_821, %swap3A_822] {strides = array<i32>} : memref<256x64xf32, #tpu.memory_space<vmem>>, vector<16xf32>,
      tpu.vector_store %arg10[%swap3A_821, %swap3A_822], %get3A_774 {add = true, strides = array<i32>} : memref<256x64xf32, #tpu.memory_space<vmem>>, vector<16xf32>,
      %mul3A_824 = arith.constant 16 : i32
      %mul3A_825 = arith.muli %scan3A_419, %mul3A_824 : i32
      %add3A_826 = arith.constant 7 : i32
      %add3A_827 = arith.addi %mul3A_825, %add3A_826 : i32
      %swap3A_828 = arith.index_cast %add3A_827 : i32 to index
      %swap3A_829 = arith.constant 48 : index
      %swap3A_830 = tpu.vector_load %arg10[%swap3A_828, %swap3A_829] {strides = array<i32>} : memref<256x64xf32, #tpu.memory_space<vmem>>, vector<16xf32>,
      tpu.vector_store %arg10[%swap3A_828, %swap3A_829], %get3A_774 {add = true, strides = array<i32>} : memref<256x64xf32, #tpu.memory_space<vmem>>, vector<16xf32>,
      %mul3A_831 = arith.constant 16 : i32
      %mul3A_832 = arith.muli %scan3A_419, %mul3A_831 : i32
      %add3A_833 = arith.constant 8 : i32
      %add3A_834 = arith.addi %mul3A_832, %add3A_833 : i32
      %swap3A_835 = arith.index_cast %add3A_834 : i32 to index
      %swap3A_836 = arith.constant 48 : index
      %swap3A_837 = tpu.vector_load %arg10[%swap3A_835, %swap3A_836] {strides = array<i32>} : memref<256x64xf32, #tpu.memory_space<vmem>>, vector<16xf32>,
      tpu.vector_store %arg10[%swap3A_835, %swap3A_836], %get3A_774 {add = true, strides = array<i32>} : memref<256x64xf32, #tpu.memory_space<vmem>>, vector<16xf32>,
      %mul3A_838 = arith.constant 16 : i32
      %mul3A_839 = arith.muli %scan3A_419, %mul3A_838 : i32
      %add3A_840 = arith.constant 9 : i32
      %add3A_841 = arith.addi %mul3A_839, %add3A_840 : i32
      %swap3A_842 = arith.index_cast %add3A_841 : i32 to index
      %swap3A_843 = arith.constant 48 : index
      %swap3A_844 = tpu.vector_load %arg10[%swap3A_842, %swap3A_843] {strides = array<i32>} : memref<256x64xf32, #tpu.memory_space<vmem>>, vector<16xf32>,
      tpu.vector_store %arg10[%swap3A_842, %swap3A_843], %get3A_774 {add = true, strides = array<i32>} : memref<256x64xf32, #tpu.memory_space<vmem>>, vector<16xf32>,
      %mul3A_845 = arith.constant 16 : i32
      %mul3A_846 = arith.muli %scan3A_419, %mul3A_845 : i32
      %add3A_847 = arith.constant 10 : i32
      %add3A_848 = arith.addi %mul3A_846, %add3A_847 : i32
      %swap3A_849 = arith.index_cast %add3A_848 : i32 to index
      %swap3A_850 = arith.constant 48 : index
      %swap3A_851 = tpu.vector_load %arg10[%swap3A_849, %swap3A_850] {strides = array<i32>} : memref<256x64xf32, #tpu.memory_space<vmem>>, vector<16xf32>,
      tpu.vector_store %arg10[%swap3A_849, %swap3A_850], %get3A_774 {add = true, strides = array<i32>} : memref<256x64xf32, #tpu.memory_space<vmem>>, vector<16xf32>,
      %mul3A_852 = arith.constant 16 : i32
      %mul3A_853 = arith.muli %scan3A_419, %mul3A_852 : i32
      %add3A_854 = arith.constant 11 : i32
      %add3A_855 = arith.addi %mul3A_853, %add3A_854 : i32
      %swap3A_856 = arith.index_cast %add3A_855 : i32 to index
      %swap3A_857 = arith.constant 48 : index
      %swap3A_858 = tpu.vector_load %arg10[%swap3A_856, %swap3A_857] {strides = array<i32>} : memref<256x64xf32, #tpu.memory_space<vmem>>, vector<16xf32>,
      tpu.vector_store %arg10[%swap3A_856, %swap3A_857], %get3A_774 {add = true, strides = array<i32>} : memref<256x64xf32, #tpu.memory_space<vmem>>, vector<16xf32>,
      %mul3A_859 = arith.constant 16 : i32
      %mul3A_860 = arith.muli %scan3A_419, %mul3A_859 : i32
      %add3A_861 = arith.constant 12 : i32
      %add3A_862 = arith.addi %mul3A_860, %add3A_861 : i32
      %swap3A_863 = arith.index_cast %add3A_862 : i32 to index
      %swap3A_864 = arith.constant 48 : index
      %swap3A_865 = tpu.vector_load %arg10[%swap3A_863, %swap3A_864] {strides = array<i32>} : memref<256x64xf32, #tpu.memory_space<vmem>>, vector<16xf32>,
      tpu.vector_store %arg10[%swap3A_863, %swap3A_864], %get3A_774 {add = true, strides = array<i32>} : memref<256x64xf32, #tpu.memory_space<vmem>>, vector<16xf32>,
      %mul3A_866 = arith.constant 16 : i32
      %mul3A_867 = arith.muli %scan3A_419, %mul3A_866 : i32
      %add3A_868 = arith.constant 13 : i32
      %add3A_869 = arith.addi %mul3A_867, %add3A_868 : i32
      %swap3A_870 = arith.index_cast %add3A_869 : i32 to index
      %swap3A_871 = arith.constant 48 : index
      %swap3A_872 = tpu.vector_load %arg10[%swap3A_870, %swap3A_871] {strides = array<i32>} : memref<256x64xf32, #tpu.memory_space<vmem>>, vector<16xf32>,
      tpu.vector_store %arg10[%swap3A_870, %swap3A_871], %get3A_774 {add = true, strides = array<i32>} : memref<256x64xf32, #tpu.memory_space<vmem>>, vector<16xf32>,
      %mul3A_873 = arith.constant 16 : i32
      %mul3A_874 = arith.muli %scan3A_419, %mul3A_873 : i32
      %add3A_875 = arith.constant 14 : i32
      %add3A_876 = arith.addi %mul3A_874, %add3A_875 : i32
      %swap3A_877 = arith.index_cast %add3A_876 : i32 to index
      %swap3A_878 = arith.constant 48 : index
      %swap3A_879 = tpu.vector_load %arg10[%swap3A_877, %swap3A_878] {strides = array<i32>} : memref<256x64xf32, #tpu.memory_space<vmem>>, vector<16xf32>,
      tpu.vector_store %arg10[%swap3A_877, %swap3A_878], %get3A_774 {add = true, strides = array<i32>} : memref<256x64xf32, #tpu.memory_space<vmem>>, vector<16xf32>,
      %mul3A_880 = arith.constant 16 : i32
      %mul3A_881 = arith.muli %scan3A_419, %mul3A_880 : i32
      %add3A_882 = arith.constant 15 : i32
      %add3A_883 = arith.addi %mul3A_881, %add3A_882 : i32
      %swap3A_884 = arith.index_cast %add3A_883 : i32 to index
      %swap3A_885 = arith.constant 48 : index
      %swap3A_886 = tpu.vector_load %arg10[%swap3A_884, %swap3A_885] {strides = array<i32>} : memref<256x64xf32, #tpu.memory_space<vmem>>, vector<16xf32>,
      tpu.vector_store %arg10[%swap3A_884, %swap3A_885], %get3A_774 {add = true, strides = array<i32>} : memref<256x64xf32, #tpu.memory_space<vmem>>, vector<16xf32>,
      %scan3A_887 = arith.constant 0 : i32
      scf.yield %scan3A_887 : i32
    }
    %scan3A_198 = arith.constant 16 : i32
    %add3A_199 = arith.constant 256 : i32
    %add3A_200 = arith.addi %add3A_199, %mul3A_2 : i32
    %add3A_201 = arith.constant 768 : i32
    %add3A_202 = arith.addi %add3A_200, %add3A_201 : i32
    %dma_start3A_203 = arith.constant 0 : i32
    %dma_start3A_204 = tpu.memref_slice %arg6[%add3A_202, %dma_start3A_203] : memref<65792x64xf32, #tpu.memory_space<hbm>> -> memref<256x64xf32, #tpu.memory_space<hbm>>
    %dma_start3A_205 = arith.constant 0 : i32
    %dma_start3A_206 = tpu.memref_slice %arg6[%add3A_202, %dma_start3A_205] : memref<65792x64xf32, #tpu.memory_space<hbm>> -> memref<256x64xf32, #tpu.memory_space<hbm>>
    tpu.enqueue_dma source(%arg10 : memref<256x64xf32, #tpu.memory_space<vmem>>) target(%dma_start3A_206 : memref<256x64xf32, #tpu.memory_space<hbm>>) target_semaphore(%arg16 : memref<!tpu.dma_semaphore, #tpu.memory_space<semaphore_mem>>)
    %dma_wait3A_207 = arith.constant 0 : i32
    %dma_wait3A_208 = tpu.memref_slice %arg6[%add3A_151, %dma_wait3A_207] : memref<65792x64xf32, #tpu.memory_space<hbm>> -> memref<256x64xf32, #tpu.memory_space<hbm>>
    %dma_wait3A_209 = arith.constant 0 : i32
    %dma_wait3A_210 = tpu.memref_slice %arg6[%add3A_151, %dma_wait3A_209] : memref<65792x64xf32, #tpu.memory_space<hbm>> -> memref<256x64xf32, #tpu.memory_space<hbm>>
    tpu.wait_dma2 semaphore(%arg15 : memref<!tpu.dma_semaphore, #tpu.memory_space<semaphore_mem>>) src(%arg9 : memref<256x64xf32, #tpu.memory_space<vmem>>) dst(%dma_wait3A_210 : memref<256x64xf32, #tpu.memory_space<hbm>>)
    %dma_start3A_211 = arith.constant 0 : i32
    %dma_start3A_212 = arith.constant 0 : i32
    %dma_start3A_213 = tpu.memref_slice %arg9[%dma_start3A_211, %dma_start3A_212] : memref<256x64xf32, #tpu.memory_space<vmem>> -> memref<128x64xf32, #tpu.memory_space<vmem>>
    %dma_start3A_214 = arith.constant 1024 : i32
    %dma_start3A_215 = tpu.memref_slice %arg7[%dma_start3A_214] : memref<2048xi32, #tpu.memory_space<vmem>> -> memref<128xi32, #tpu.memory_space<vmem>>
    %dma_start3A_216 = arith.constant 0 : i32
    %dma_start3A_217 = arith.constant 0 : i32
    %dma_start3A_218 = tpu.memref_slice %arg3[%dma_start3A_216, %dma_start3A_217] : memref<2000000x64xf32, #tpu.memory_space<hbm>> -> memref<2000000x64xf32, #tpu.memory_space<hbm>>
    tpu.enqueue_indirect_dma source(%dma_start3A_218 : memref<2000000x64xf32, #tpu.memory_space<hbm>>) target(%dma_start3A_213 : memref<128x64xf32, #tpu.memory_space<vmem>>) offsets(%dma_start3A_215 : memref<128xi32, #tpu.memory_space<vmem>>) semaphore(%arg13 : memref<!tpu.dma_semaphore, #tpu.memory_space<semaphore_mem>>)
    %dma_start3A_219 = arith.constant 128 : i32
    %dma_start3A_220 = arith.constant 0 : i32
    %dma_start3A_221 = tpu.memref_slice %arg9[%dma_start3A_219, %dma_start3A_220] : memref<256x64xf32, #tpu.memory_space<vmem>> -> memref<128x64xf32, #tpu.memory_space<vmem>>
    %dma_start3A_222 = arith.constant 1152 : i32
    %dma_start3A_223 = tpu.memref_slice %arg7[%dma_start3A_222] : memref<2048xi32, #tpu.memory_space<vmem>> -> memref<128xi32, #tpu.memory_space<vmem>>
    %dma_start3A_224 = arith.constant 0 : i32
    %dma_start3A_225 = arith.constant 0 : i32
    %dma_start3A_226 = tpu.memref_slice %arg3[%dma_start3A_224, %dma_start3A_225] : memref<2000000x64xf32, #tpu.memory_space<hbm>> -> memref<2000000x64xf32, #tpu.memory_space<hbm>>
    tpu.enqueue_indirect_dma source(%dma_start3A_226 : memref<2000000x64xf32, #tpu.memory_space<hbm>>) target(%dma_start3A_221 : memref<128x64xf32, #tpu.memory_space<vmem>>) offsets(%dma_start3A_223 : memref<128xi32, #tpu.memory_space<vmem>>) semaphore(%arg13 : memref<!tpu.dma_semaphore, #tpu.memory_space<semaphore_mem>>)
    %dma_wait3A_227 = arith.constant 0 : i32
    %dma_wait3A_228 = arith.constant 0 : i32
    %dma_wait3A_229 = tpu.memref_slice %arg9[%dma_wait3A_227, %dma_wait3A_228] : memref<256x64xf32, #tpu.memory_space<vmem>> -> memref<128x64xf32, #tpu.memory_space<vmem>>
    %dma_wait3A_230 = arith.constant 1024 : i32
    %dma_wait3A_231 = tpu.memref_slice %arg7[%dma_wait3A_230] : memref<2048xi32, #tpu.memory_space<vmem>> -> memref<128xi32, #tpu.memory_space<vmem>>
    %dma_wait3A_232 = arith.constant 0 : i32
    %dma_wait3A_233 = arith.constant 0 : i32
    %dma_wait3A_234 = tpu.memref_slice %arg3[%dma_wait3A_232, %dma_wait3A_233] : memref<2000000x64xf32, #tpu.memory_space<hbm>> -> memref<2000000x64xf32, #tpu.memory_space<hbm>>
    tpu.wait_indirect_dma semaphore(%arg13 : memref<!tpu.dma_semaphore, #tpu.memory_space<semaphore_mem>>) src(%dma_wait3A_234 : memref<2000000x64xf32, #tpu.memory_space<hbm>>) dst(%dma_wait3A_229 : memref<128x64xf32, #tpu.memory_space<vmem>>)
    %dma_wait3A_235 = arith.constant 128 : i32
    %dma_wait3A_236 = arith.constant 0 : i32
    %dma_wait3A_237 = tpu.memref_slice %arg9[%dma_wait3A_235, %dma_wait3A_236] : memref<256x64xf32, #tpu.memory_space<vmem>> -> memref<128x64xf32, #tpu.memory_space<vmem>>
    %dma_wait3A_238 = arith.constant 1152 : i32
    %dma_wait3A_239 = tpu.memref_slice %arg7[%dma_wait3A_238] : memref<2048xi32, #tpu.memory_space<vmem>> -> memref<128xi32, #tpu.memory_space<vmem>>
    %dma_wait3A_240 = arith.constant 0 : i32
    %dma_wait3A_241 = arith.constant 0 : i32
    %dma_wait3A_242 = tpu.memref_slice %arg3[%dma_wait3A_240, %dma_wait3A_241] : memref<2000000x64xf32, #tpu.memory_space<hbm>> -> memref<2000000x64xf32, #tpu.memory_space<hbm>>
    tpu.wait_indirect_dma semaphore(%arg13 : memref<!tpu.dma_semaphore, #tpu.memory_space<semaphore_mem>>) src(%dma_wait3A_242 : memref<2000000x64xf32, #tpu.memory_space<hbm>>) dst(%dma_wait3A_237 : memref<128x64xf32, #tpu.memory_space<vmem>>)
    %scan3A_243 = arith.constant 0 : i32
    %scan3A_244 = arith.constant 0 : i32
    %scan3A_245 = arith.constant 16 : i32
    %scan3A_246 = arith.addi %scan3A_244, %scan3A_245 : i32
    %scan3A_247 = arith.constant 1 : i32
    %scan3A_248 = scf.for %scan3A_419 = %scan3A_244 to %scan3A_246 step %scan3A_247 iter_args(%scan3A_420 = %scan3A_243) -> (i32)  : i32 {
      %add3A_421 = arith.constant 64 : i32
      %add3A_422 = arith.addi %add3A_421, %scan3A_419 : i32
      %get3A = arith.index_cast %add3A_422 : i32 to index
      %get3A_423 = arith.constant 0 : index
      %get3A_424 = tpu.vector_load %arg8[%get3A, %get3A_423] {strides = array<i32>} : memref<128x64xf32, #tpu.memory_space<vmem>>, vector<16xf32>,
      %mul3A_425 = arith.constant 16 : i32
      %mul3A_426 = arith.muli %scan3A_419, %mul3A_425 : i32
      %add3A_427 = arith.constant 0 : i32
      %add3A_428 = arith.addi %mul3A_426, %add3A_427 : i32
      %swap3A = arith.index_cast %add3A_428 : i32 to index
      %swap3A_429 = arith.constant 0 : index
      %swap3A_430 = tpu.vector_load %arg9[%swap3A, %swap3A_429] {strides = array<i32>} : memref<256x64xf32, #tpu.memory_space<vmem>>, vector<16xf32>,
      tpu.vector_store %arg9[%swap3A, %swap3A_429], %get3A_424 {add = true, strides = array<i32>} : memref<256x64xf32, #tpu.memory_space<vmem>>, vector<16xf32>,
      %mul3A_431 = arith.constant 16 : i32
      %mul3A_432 = arith.muli %scan3A_419, %mul3A_431 : i32
      %add3A_433 = arith.constant 1 : i32
      %add3A_434 = arith.addi %mul3A_432, %add3A_433 : i32
      %swap3A_435 = arith.index_cast %add3A_434 : i32 to index
      %swap3A_436 = arith.constant 0 : index
      %swap3A_437 = tpu.vector_load %arg9[%swap3A_435, %swap3A_436] {strides = array<i32>} : memref<256x64xf32, #tpu.memory_space<vmem>>, vector<16xf32>,
      tpu.vector_store %arg9[%swap3A_435, %swap3A_436], %get3A_424 {add = true, strides = array<i32>} : memref<256x64xf32, #tpu.memory_space<vmem>>, vector<16xf32>,
      %mul3A_438 = arith.constant 16 : i32
      %mul3A_439 = arith.muli %scan3A_419, %mul3A_438 : i32
      %add3A_440 = arith.constant 2 : i32
      %add3A_441 = arith.addi %mul3A_439, %add3A_440 : i32
      %swap3A_442 = arith.index_cast %add3A_441 : i32 to index
      %swap3A_443 = arith.constant 0 : index
      %swap3A_444 = tpu.vector_load %arg9[%swap3A_442, %swap3A_443] {strides = array<i32>} : memref<256x64xf32, #tpu.memory_space<vmem>>, vector<16xf32>,
      tpu.vector_store %arg9[%swap3A_442, %swap3A_443], %get3A_424 {add = true, strides = array<i32>} : memref<256x64xf32, #tpu.memory_space<vmem>>, vector<16xf32>,
      %mul3A_445 = arith.constant 16 : i32
      %mul3A_446 = arith.muli %scan3A_419, %mul3A_445 : i32
      %add3A_447 = arith.constant 3 : i32
      %add3A_448 = arith.addi %mul3A_446, %add3A_447 : i32
      %swap3A_449 = arith.index_cast %add3A_448 : i32 to index
      %swap3A_450 = arith.constant 0 : index
      %swap3A_451 = tpu.vector_load %arg9[%swap3A_449, %swap3A_450] {strides = array<i32>} : memref<256x64xf32, #tpu.memory_space<vmem>>, vector<16xf32>,
      tpu.vector_store %arg9[%swap3A_449, %swap3A_450], %get3A_424 {add = true, strides = array<i32>} : memref<256x64xf32, #tpu.memory_space<vmem>>, vector<16xf32>,
      %mul3A_452 = arith.constant 16 : i32
      %mul3A_453 = arith.muli %scan3A_419, %mul3A_452 : i32
      %add3A_454 = arith.constant 4 : i32
      %add3A_455 = arith.addi %mul3A_453, %add3A_454 : i32
      %swap3A_456 = arith.index_cast %add3A_455 : i32 to index
      %swap3A_457 = arith.constant 0 : index
      %swap3A_458 = tpu.vector_load %arg9[%swap3A_456, %swap3A_457] {strides = array<i32>} : memref<256x64xf32, #tpu.memory_space<vmem>>, vector<16xf32>,
      tpu.vector_store %arg9[%swap3A_456, %swap3A_457], %get3A_424 {add = true, strides = array<i32>} : memref<256x64xf32, #tpu.memory_space<vmem>>, vector<16xf32>,
      %mul3A_459 = arith.constant 16 : i32
      %mul3A_460 = arith.muli %scan3A_419, %mul3A_459 : i32
      %add3A_461 = arith.constant 5 : i32
      %add3A_462 = arith.addi %mul3A_460, %add3A_461 : i32
      %swap3A_463 = arith.index_cast %add3A_462 : i32 to index
      %swap3A_464 = arith.constant 0 : index
      %swap3A_465 = tpu.vector_load %arg9[%swap3A_463, %swap3A_464] {strides = array<i32>} : memref<256x64xf32, #tpu.memory_space<vmem>>, vector<16xf32>,
      tpu.vector_store %arg9[%swap3A_463, %swap3A_464], %get3A_424 {add = true, strides = array<i32>} : memref<256x64xf32, #tpu.memory_space<vmem>>, vector<16xf32>,
      %mul3A_466 = arith.constant 16 : i32
      %mul3A_467 = arith.muli %scan3A_419, %mul3A_466 : i32
      %add3A_468 = arith.constant 6 : i32
      %add3A_469 = arith.addi %mul3A_467, %add3A_468 : i32
      %swap3A_470 = arith.index_cast %add3A_469 : i32 to index
      %swap3A_471 = arith.constant 0 : index
      %swap3A_472 = tpu.vector_load %arg9[%swap3A_470, %swap3A_471] {strides = array<i32>} : memref<256x64xf32, #tpu.memory_space<vmem>>, vector<16xf32>,
      tpu.vector_store %arg9[%swap3A_470, %swap3A_471], %get3A_424 {add = true, strides = array<i32>} : memref<256x64xf32, #tpu.memory_space<vmem>>, vector<16xf32>,
      %mul3A_473 = arith.constant 16 : i32
      %mul3A_474 = arith.muli %scan3A_419, %mul3A_473 : i32
      %add3A_475 = arith.constant 7 : i32
      %add3A_476 = arith.addi %mul3A_474, %add3A_475 : i32
      %swap3A_477 = arith.index_cast %add3A_476 : i32 to index
      %swap3A_478 = arith.constant 0 : index
      %swap3A_479 = tpu.vector_load %arg9[%swap3A_477, %swap3A_478] {strides = array<i32>} : memref<256x64xf32, #tpu.memory_space<vmem>>, vector<16xf32>,
      tpu.vector_store %arg9[%swap3A_477, %swap3A_478], %get3A_424 {add = true, strides = array<i32>} : memref<256x64xf32, #tpu.memory_space<vmem>>, vector<16xf32>,
      %mul3A_480 = arith.constant 16 : i32
      %mul3A_481 = arith.muli %scan3A_419, %mul3A_480 : i32
      %add3A_482 = arith.constant 8 : i32
      %add3A_483 = arith.addi %mul3A_481, %add3A_482 : i32
      %swap3A_484 = arith.index_cast %add3A_483 : i32 to index
      %swap3A_485 = arith.constant 0 : index
      %swap3A_486 = tpu.vector_load %arg9[%swap3A_484, %swap3A_485] {strides = array<i32>} : memref<256x64xf32, #tpu.memory_space<vmem>>, vector<16xf32>,
      tpu.vector_store %arg9[%swap3A_484, %swap3A_485], %get3A_424 {add = true, strides = array<i32>} : memref<256x64xf32, #tpu.memory_space<vmem>>, vector<16xf32>,
      %mul3A_487 = arith.constant 16 : i32
      %mul3A_488 = arith.muli %scan3A_419, %mul3A_487 : i32
      %add3A_489 = arith.constant 9 : i32
      %add3A_490 = arith.addi %mul3A_488, %add3A_489 : i32
      %swap3A_491 = arith.index_cast %add3A_490 : i32 to index
      %swap3A_492 = arith.constant 0 : index
      %swap3A_493 = tpu.vector_load %arg9[%swap3A_491, %swap3A_492] {strides = array<i32>} : memref<256x64xf32, #tpu.memory_space<vmem>>, vector<16xf32>,
      tpu.vector_store %arg9[%swap3A_491, %swap3A_492], %get3A_424 {add = true, strides = array<i32>} : memref<256x64xf32, #tpu.memory_space<vmem>>, vector<16xf32>,
      %mul3A_494 = arith.constant 16 : i32
      %mul3A_495 = arith.muli %scan3A_419, %mul3A_494 : i32
      %add3A_496 = arith.constant 10 : i32
      %add3A_497 = arith.addi %mul3A_495, %add3A_496 : i32
      %swap3A_498 = arith.index_cast %add3A_497 : i32 to index
      %swap3A_499 = arith.constant 0 : index
      %swap3A_500 = tpu.vector_load %arg9[%swap3A_498, %swap3A_499] {strides = array<i32>} : memref<256x64xf32, #tpu.memory_space<vmem>>, vector<16xf32>,
      tpu.vector_store %arg9[%swap3A_498, %swap3A_499], %get3A_424 {add = true, strides = array<i32>} : memref<256x64xf32, #tpu.memory_space<vmem>>, vector<16xf32>,
      %mul3A_501 = arith.constant 16 : i32
      %mul3A_502 = arith.muli %scan3A_419, %mul3A_501 : i32
      %add3A_503 = arith.constant 11 : i32
      %add3A_504 = arith.addi %mul3A_502, %add3A_503 : i32
      %swap3A_505 = arith.index_cast %add3A_504 : i32 to index
      %swap3A_506 = arith.constant 0 : index
      %swap3A_507 = tpu.vector_load %arg9[%swap3A_505, %swap3A_506] {strides = array<i32>} : memref<256x64xf32, #tpu.memory_space<vmem>>, vector<16xf32>,
      tpu.vector_store %arg9[%swap3A_505, %swap3A_506], %get3A_424 {add = true, strides = array<i32>} : memref<256x64xf32, #tpu.memory_space<vmem>>, vector<16xf32>,
      %mul3A_508 = arith.constant 16 : i32
      %mul3A_509 = arith.muli %scan3A_419, %mul3A_508 : i32
      %add3A_510 = arith.constant 12 : i32
      %add3A_511 = arith.addi %mul3A_509, %add3A_510 : i32
      %swap3A_512 = arith.index_cast %add3A_511 : i32 to index
      %swap3A_513 = arith.constant 0 : index
      %swap3A_514 = tpu.vector_load %arg9[%swap3A_512, %swap3A_513] {strides = array<i32>} : memref<256x64xf32, #tpu.memory_space<vmem>>, vector<16xf32>,
      tpu.vector_store %arg9[%swap3A_512, %swap3A_513], %get3A_424 {add = true, strides = array<i32>} : memref<256x64xf32, #tpu.memory_space<vmem>>, vector<16xf32>,
      %mul3A_515 = arith.constant 16 : i32
      %mul3A_516 = arith.muli %scan3A_419, %mul3A_515 : i32
      %add3A_517 = arith.constant 13 : i32
      %add3A_518 = arith.addi %mul3A_516, %add3A_517 : i32
      %swap3A_519 = arith.index_cast %add3A_518 : i32 to index
      %swap3A_520 = arith.constant 0 : index
      %swap3A_521 = tpu.vector_load %arg9[%swap3A_519, %swap3A_520] {strides = array<i32>} : memref<256x64xf32, #tpu.memory_space<vmem>>, vector<16xf32>,
      tpu.vector_store %arg9[%swap3A_519, %swap3A_520], %get3A_424 {add = true, strides = array<i32>} : memref<256x64xf32, #tpu.memory_space<vmem>>, vector<16xf32>,
      %mul3A_522 = arith.constant 16 : i32
      %mul3A_523 = arith.muli %scan3A_419, %mul3A_522 : i32
      %add3A_524 = arith.constant 14 : i32
      %add3A_525 = arith.addi %mul3A_523, %add3A_524 : i32
      %swap3A_526 = arith.index_cast %add3A_525 : i32 to index
      %swap3A_527 = arith.constant 0 : index
      %swap3A_528 = tpu.vector_load %arg9[%swap3A_526, %swap3A_527] {strides = array<i32>} : memref<256x64xf32, #tpu.memory_space<vmem>>, vector<16xf32>,
      tpu.vector_store %arg9[%swap3A_526, %swap3A_527], %get3A_424 {add = true, strides = array<i32>} : memref<256x64xf32, #tpu.memory_space<vmem>>, vector<16xf32>,
      %mul3A_529 = arith.constant 16 : i32
      %mul3A_530 = arith.muli %scan3A_419, %mul3A_529 : i32
      %add3A_531 = arith.constant 15 : i32
      %add3A_532 = arith.addi %mul3A_530, %add3A_531 : i32
      %swap3A_533 = arith.index_cast %add3A_532 : i32 to index
      %swap3A_534 = arith.constant 0 : index
      %swap3A_535 = tpu.vector_load %arg9[%swap3A_533, %swap3A_534] {strides = array<i32>} : memref<256x64xf32, #tpu.memory_space<vmem>>, vector<16xf32>,
      tpu.vector_store %arg9[%swap3A_533, %swap3A_534], %get3A_424 {add = true, strides = array<i32>} : memref<256x64xf32, #tpu.memory_space<vmem>>, vector<16xf32>,
      %add3A_536 = arith.constant 64 : i32
      %add3A_537 = arith.addi %add3A_536, %scan3A_419 : i32
      %get3A_538 = arith.index_cast %add3A_537 : i32 to index
      %get3A_539 = arith.constant 16 : index
      %get3A_540 = tpu.vector_load %arg8[%get3A_538, %get3A_539] {strides = array<i32>} : memref<128x64xf32, #tpu.memory_space<vmem>>, vector<16xf32>,
      %mul3A_541 = arith.constant 16 : i32
      %mul3A_542 = arith.muli %scan3A_419, %mul3A_541 : i32
      %add3A_543 = arith.constant 0 : i32
      %add3A_544 = arith.addi %mul3A_542, %add3A_543 : i32
      %swap3A_545 = arith.index_cast %add3A_544 : i32 to index
      %swap3A_546 = arith.constant 16 : index
      %swap3A_547 = tpu.vector_load %arg9[%swap3A_545, %swap3A_546] {strides = array<i32>} : memref<256x64xf32, #tpu.memory_space<vmem>>, vector<16xf32>,
      tpu.vector_store %arg9[%swap3A_545, %swap3A_546], %get3A_540 {add = true, strides = array<i32>} : memref<256x64xf32, #tpu.memory_space<vmem>>, vector<16xf32>,
      %mul3A_548 = arith.constant 16 : i32
      %mul3A_549 = arith.muli %scan3A_419, %mul3A_548 : i32
      %add3A_550 = arith.constant 1 : i32
      %add3A_551 = arith.addi %mul3A_549, %add3A_550 : i32
      %swap3A_552 = arith.index_cast %add3A_551 : i32 to index
      %swap3A_553 = arith.constant 16 : index
      %swap3A_554 = tpu.vector_load %arg9[%swap3A_552, %swap3A_553] {strides = array<i32>} : memref<256x64xf32, #tpu.memory_space<vmem>>, vector<16xf32>,
      tpu.vector_store %arg9[%swap3A_552, %swap3A_553], %get3A_540 {add = true, strides = array<i32>} : memref<256x64xf32, #tpu.memory_space<vmem>>, vector<16xf32>,
      %mul3A_555 = arith.constant 16 : i32
      %mul3A_556 = arith.muli %scan3A_419, %mul3A_555 : i32
      %add3A_557 = arith.constant 2 : i32
      %add3A_558 = arith.addi %mul3A_556, %add3A_557 : i32
      %swap3A_559 = arith.index_cast %add3A_558 : i32 to index
      %swap3A_560 = arith.constant 16 : index
      %swap3A_561 = tpu.vector_load %arg9[%swap3A_559, %swap3A_560] {strides = array<i32>} : memref<256x64xf32, #tpu.memory_space<vmem>>, vector<16xf32>,
      tpu.vector_store %arg9[%swap3A_559, %swap3A_560], %get3A_540 {add = true, strides = array<i32>} : memref<256x64xf32, #tpu.memory_space<vmem>>, vector<16xf32>,
      %mul3A_562 = arith.constant 16 : i32
      %mul3A_563 = arith.muli %scan3A_419, %mul3A_562 : i32
      %add3A_564 = arith.constant 3 : i32
      %add3A_565 = arith.addi %mul3A_563, %add3A_564 : i32
      %swap3A_566 = arith.index_cast %add3A_565 : i32 to index
      %swap3A_567 = arith.constant 16 : index
      %swap3A_568 = tpu.vector_load %arg9[%swap3A_566, %swap3A_567] {strides = array<i32>} : memref<256x64xf32, #tpu.memory_space<vmem>>, vector<16xf32>,
      tpu.vector_store %arg9[%swap3A_566, %swap3A_567], %get3A_540 {add = true, strides = array<i32>} : memref<256x64xf32, #tpu.memory_space<vmem>>, vector<16xf32>,
      %mul3A_569 = arith.constant 16 : i32
      %mul3A_570 = arith.muli %scan3A_419, %mul3A_569 : i32
      %add3A_571 = arith.constant 4 : i32
      %add3A_572 = arith.addi %mul3A_570, %add3A_571 : i32
      %swap3A_573 = arith.index_cast %add3A_572 : i32 to index
      %swap3A_574 = arith.constant 16 : index
      %swap3A_575 = tpu.vector_load %arg9[%swap3A_573, %swap3A_574] {strides = array<i32>} : memref<256x64xf32, #tpu.memory_space<vmem>>, vector<16xf32>,
      tpu.vector_store %arg9[%swap3A_573, %swap3A_574], %get3A_540 {add = true, strides = array<i32>} : memref<256x64xf32, #tpu.memory_space<vmem>>, vector<16xf32>,
      %mul3A_576 = arith.constant 16 : i32
      %mul3A_577 = arith.muli %scan3A_419, %mul3A_576 : i32
      %add3A_578 = arith.constant 5 : i32
      %add3A_579 = arith.addi %mul3A_577, %add3A_578 : i32
      %swap3A_580 = arith.index_cast %add3A_579 : i32 to index
      %swap3A_581 = arith.constant 16 : index
      %swap3A_582 = tpu.vector_load %arg9[%swap3A_580, %swap3A_581] {strides = array<i32>} : memref<256x64xf32, #tpu.memory_space<vmem>>, vector<16xf32>,
      tpu.vector_store %arg9[%swap3A_580, %swap3A_581], %get3A_540 {add = true, strides = array<i32>} : memref<256x64xf32, #tpu.memory_space<vmem>>, vector<16xf32>,
      %mul3A_583 = arith.constant 16 : i32
      %mul3A_584 = arith.muli %scan3A_419, %mul3A_583 : i32
      %add3A_585 = arith.constant 6 : i32
      %add3A_586 = arith.addi %mul3A_584, %add3A_585 : i32
      %swap3A_587 = arith.index_cast %add3A_586 : i32 to index
      %swap3A_588 = arith.constant 16 : index
      %swap3A_589 = tpu.vector_load %arg9[%swap3A_587, %swap3A_588] {strides = array<i32>} : memref<256x64xf32, #tpu.memory_space<vmem>>, vector<16xf32>,
      tpu.vector_store %arg9[%swap3A_587, %swap3A_588], %get3A_540 {add = true, strides = array<i32>} : memref<256x64xf32, #tpu.memory_space<vmem>>, vector<16xf32>,
      %mul3A_590 = arith.constant 16 : i32
      %mul3A_591 = arith.muli %scan3A_419, %mul3A_590 : i32
      %add3A_592 = arith.constant 7 : i32
      %add3A_593 = arith.addi %mul3A_591, %add3A_592 : i32
      %swap3A_594 = arith.index_cast %add3A_593 : i32 to index
      %swap3A_595 = arith.constant 16 : index
      %swap3A_596 = tpu.vector_load %arg9[%swap3A_594, %swap3A_595] {strides = array<i32>} : memref<256x64xf32, #tpu.memory_space<vmem>>, vector<16xf32>,
      tpu.vector_store %arg9[%swap3A_594, %swap3A_595], %get3A_540 {add = true, strides = array<i32>} : memref<256x64xf32, #tpu.memory_space<vmem>>, vector<16xf32>,
      %mul3A_597 = arith.constant 16 : i32
      %mul3A_598 = arith.muli %scan3A_419, %mul3A_597 : i32
      %add3A_599 = arith.constant 8 : i32
      %add3A_600 = arith.addi %mul3A_598, %add3A_599 : i32
      %swap3A_601 = arith.index_cast %add3A_600 : i32 to index
      %swap3A_602 = arith.constant 16 : index
      %swap3A_603 = tpu.vector_load %arg9[%swap3A_601, %swap3A_602] {strides = array<i32>} : memref<256x64xf32, #tpu.memory_space<vmem>>, vector<16xf32>,
      tpu.vector_store %arg9[%swap3A_601, %swap3A_602], %get3A_540 {add = true, strides = array<i32>} : memref<256x64xf32, #tpu.memory_space<vmem>>, vector<16xf32>,
      %mul3A_604 = arith.constant 16 : i32
      %mul3A_605 = arith.muli %scan3A_419, %mul3A_604 : i32
      %add3A_606 = arith.constant 9 : i32
      %add3A_607 = arith.addi %mul3A_605, %add3A_606 : i32
      %swap3A_608 = arith.index_cast %add3A_607 : i32 to index
      %swap3A_609 = arith.constant 16 : index
      %swap3A_610 = tpu.vector_load %arg9[%swap3A_608, %swap3A_609] {strides = array<i32>} : memref<256x64xf32, #tpu.memory_space<vmem>>, vector<16xf32>,
      tpu.vector_store %arg9[%swap3A_608, %swap3A_609], %get3A_540 {add = true, strides = array<i32>} : memref<256x64xf32, #tpu.memory_space<vmem>>, vector<16xf32>,
      %mul3A_611 = arith.constant 16 : i32
      %mul3A_612 = arith.muli %scan3A_419, %mul3A_611 : i32
      %add3A_613 = arith.constant 10 : i32
      %add3A_614 = arith.addi %mul3A_612, %add3A_613 : i32
      %swap3A_615 = arith.index_cast %add3A_614 : i32 to index
      %swap3A_616 = arith.constant 16 : index
      %swap3A_617 = tpu.vector_load %arg9[%swap3A_615, %swap3A_616] {strides = array<i32>} : memref<256x64xf32, #tpu.memory_space<vmem>>, vector<16xf32>,
      tpu.vector_store %arg9[%swap3A_615, %swap3A_616], %get3A_540 {add = true, strides = array<i32>} : memref<256x64xf32, #tpu.memory_space<vmem>>, vector<16xf32>,
      %mul3A_618 = arith.constant 16 : i32
      %mul3A_619 = arith.muli %scan3A_419, %mul3A_618 : i32
      %add3A_620 = arith.constant 11 : i32
      %add3A_621 = arith.addi %mul3A_619, %add3A_620 : i32
      %swap3A_622 = arith.index_cast %add3A_621 : i32 to index
      %swap3A_623 = arith.constant 16 : index
      %swap3A_624 = tpu.vector_load %arg9[%swap3A_622, %swap3A_623] {strides = array<i32>} : memref<256x64xf32, #tpu.memory_space<vmem>>, vector<16xf32>,
      tpu.vector_store %arg9[%swap3A_622, %swap3A_623], %get3A_540 {add = true, strides = array<i32>} : memref<256x64xf32, #tpu.memory_space<vmem>>, vector<16xf32>,
      %mul3A_625 = arith.constant 16 : i32
      %mul3A_626 = arith.muli %scan3A_419, %mul3A_625 : i32
      %add3A_627 = arith.constant 12 : i32
      %add3A_628 = arith.addi %mul3A_626, %add3A_627 : i32
      %swap3A_629 = arith.index_cast %add3A_628 : i32 to index
      %swap3A_630 = arith.constant 16 : index
      %swap3A_631 = tpu.vector_load %arg9[%swap3A_629, %swap3A_630] {strides = array<i32>} : memref<256x64xf32, #tpu.memory_space<vmem>>, vector<16xf32>,
      tpu.vector_store %arg9[%swap3A_629, %swap3A_630], %get3A_540 {add = true, strides = array<i32>} : memref<256x64xf32, #tpu.memory_space<vmem>>, vector<16xf32>,
      %mul3A_632 = arith.constant 16 : i32
      %mul3A_633 = arith.muli %scan3A_419, %mul3A_632 : i32
      %add3A_634 = arith.constant 13 : i32
      %add3A_635 = arith.addi %mul3A_633, %add3A_634 : i32
      %swap3A_636 = arith.index_cast %add3A_635 : i32 to index
      %swap3A_637 = arith.constant 16 : index
      %swap3A_638 = tpu.vector_load %arg9[%swap3A_636, %swap3A_637] {strides = array<i32>} : memref<256x64xf32, #tpu.memory_space<vmem>>, vector<16xf32>,
      tpu.vector_store %arg9[%swap3A_636, %swap3A_637], %get3A_540 {add = true, strides = array<i32>} : memref<256x64xf32, #tpu.memory_space<vmem>>, vector<16xf32>,
      %mul3A_639 = arith.constant 16 : i32
      %mul3A_640 = arith.muli %scan3A_419, %mul3A_639 : i32
      %add3A_641 = arith.constant 14 : i32
      %add3A_642 = arith.addi %mul3A_640, %add3A_641 : i32
      %swap3A_643 = arith.index_cast %add3A_642 : i32 to index
      %swap3A_644 = arith.constant 16 : index
      %swap3A_645 = tpu.vector_load %arg9[%swap3A_643, %swap3A_644] {strides = array<i32>} : memref<256x64xf32, #tpu.memory_space<vmem>>, vector<16xf32>,
      tpu.vector_store %arg9[%swap3A_643, %swap3A_644], %get3A_540 {add = true, strides = array<i32>} : memref<256x64xf32, #tpu.memory_space<vmem>>, vector<16xf32>,
      %mul3A_646 = arith.constant 16 : i32
      %mul3A_647 = arith.muli %scan3A_419, %mul3A_646 : i32
      %add3A_648 = arith.constant 15 : i32
      %add3A_649 = arith.addi %mul3A_647, %add3A_648 : i32
      %swap3A_650 = arith.index_cast %add3A_649 : i32 to index
      %swap3A_651 = arith.constant 16 : index
      %swap3A_652 = tpu.vector_load %arg9[%swap3A_650, %swap3A_651] {strides = array<i32>} : memref<256x64xf32, #tpu.memory_space<vmem>>, vector<16xf32>,
      tpu.vector_store %arg9[%swap3A_650, %swap3A_651], %get3A_540 {add = true, strides = array<i32>} : memref<256x64xf32, #tpu.memory_space<vmem>>, vector<16xf32>,
      %add3A_653 = arith.constant 64 : i32
      %add3A_654 = arith.addi %add3A_653, %scan3A_419 : i32
      %get3A_655 = arith.index_cast %add3A_654 : i32 to index
      %get3A_656 = arith.constant 32 : index
      %get3A_657 = tpu.vector_load %arg8[%get3A_655, %get3A_656] {strides = array<i32>} : memref<128x64xf32, #tpu.memory_space<vmem>>, vector<16xf32>,
      %mul3A_658 = arith.constant 16 : i32
      %mul3A_659 = arith.muli %scan3A_419, %mul3A_658 : i32
      %add3A_660 = arith.constant 0 : i32
      %add3A_661 = arith.addi %mul3A_659, %add3A_660 : i32
      %swap3A_662 = arith.index_cast %add3A_661 : i32 to index
      %swap3A_663 = arith.constant 32 : index
      %swap3A_664 = tpu.vector_load %arg9[%swap3A_662, %swap3A_663] {strides = array<i32>} : memref<256x64xf32, #tpu.memory_space<vmem>>, vector<16xf32>,
      tpu.vector_store %arg9[%swap3A_662, %swap3A_663], %get3A_657 {add = true, strides = array<i32>} : memref<256x64xf32, #tpu.memory_space<vmem>>, vector<16xf32>,
      %mul3A_665 = arith.constant 16 : i32
      %mul3A_666 = arith.muli %scan3A_419, %mul3A_665 : i32
      %add3A_667 = arith.constant 1 : i32
      %add3A_668 = arith.addi %mul3A_666, %add3A_667 : i32
      %swap3A_669 = arith.index_cast %add3A_668 : i32 to index
      %swap3A_670 = arith.constant 32 : index
      %swap3A_671 = tpu.vector_load %arg9[%swap3A_669, %swap3A_670] {strides = array<i32>} : memref<256x64xf32, #tpu.memory_space<vmem>>, vector<16xf32>,
      tpu.vector_store %arg9[%swap3A_669, %swap3A_670], %get3A_657 {add = true, strides = array<i32>} : memref<256x64xf32, #tpu.memory_space<vmem>>, vector<16xf32>,
      %mul3A_672 = arith.constant 16 : i32
      %mul3A_673 = arith.muli %scan3A_419, %mul3A_672 : i32
      %add3A_674 = arith.constant 2 : i32
      %add3A_675 = arith.addi %mul3A_673, %add3A_674 : i32
      %swap3A_676 = arith.index_cast %add3A_675 : i32 to index
      %swap3A_677 = arith.constant 32 : index
      %swap3A_678 = tpu.vector_load %arg9[%swap3A_676, %swap3A_677] {strides = array<i32>} : memref<256x64xf32, #tpu.memory_space<vmem>>, vector<16xf32>,
      tpu.vector_store %arg9[%swap3A_676, %swap3A_677], %get3A_657 {add = true, strides = array<i32>} : memref<256x64xf32, #tpu.memory_space<vmem>>, vector<16xf32>,
      %mul3A_679 = arith.constant 16 : i32
      %mul3A_680 = arith.muli %scan3A_419, %mul3A_679 : i32
      %add3A_681 = arith.constant 3 : i32
      %add3A_682 = arith.addi %mul3A_680, %add3A_681 : i32
      %swap3A_683 = arith.index_cast %add3A_682 : i32 to index
      %swap3A_684 = arith.constant 32 : index
      %swap3A_685 = tpu.vector_load %arg9[%swap3A_683, %swap3A_684] {strides = array<i32>} : memref<256x64xf32, #tpu.memory_space<vmem>>, vector<16xf32>,
      tpu.vector_store %arg9[%swap3A_683, %swap3A_684], %get3A_657 {add = true, strides = array<i32>} : memref<256x64xf32, #tpu.memory_space<vmem>>, vector<16xf32>,
      %mul3A_686 = arith.constant 16 : i32
      %mul3A_687 = arith.muli %scan3A_419, %mul3A_686 : i32
      %add3A_688 = arith.constant 4 : i32
      %add3A_689 = arith.addi %mul3A_687, %add3A_688 : i32
      %swap3A_690 = arith.index_cast %add3A_689 : i32 to index
      %swap3A_691 = arith.constant 32 : index
      %swap3A_692 = tpu.vector_load %arg9[%swap3A_690, %swap3A_691] {strides = array<i32>} : memref<256x64xf32, #tpu.memory_space<vmem>>, vector<16xf32>,
      tpu.vector_store %arg9[%swap3A_690, %swap3A_691], %get3A_657 {add = true, strides = array<i32>} : memref<256x64xf32, #tpu.memory_space<vmem>>, vector<16xf32>,
      %mul3A_693 = arith.constant 16 : i32
      %mul3A_694 = arith.muli %scan3A_419, %mul3A_693 : i32
      %add3A_695 = arith.constant 5 : i32
      %add3A_696 = arith.addi %mul3A_694, %add3A_695 : i32
      %swap3A_697 = arith.index_cast %add3A_696 : i32 to index
      %swap3A_698 = arith.constant 32 : index
      %swap3A_699 = tpu.vector_load %arg9[%swap3A_697, %swap3A_698] {strides = array<i32>} : memref<256x64xf32, #tpu.memory_space<vmem>>, vector<16xf32>,
      tpu.vector_store %arg9[%swap3A_697, %swap3A_698], %get3A_657 {add = true, strides = array<i32>} : memref<256x64xf32, #tpu.memory_space<vmem>>, vector<16xf32>,
      %mul3A_700 = arith.constant 16 : i32
      %mul3A_701 = arith.muli %scan3A_419, %mul3A_700 : i32
      %add3A_702 = arith.constant 6 : i32
      %add3A_703 = arith.addi %mul3A_701, %add3A_702 : i32
      %swap3A_704 = arith.index_cast %add3A_703 : i32 to index
      %swap3A_705 = arith.constant 32 : index
      %swap3A_706 = tpu.vector_load %arg9[%swap3A_704, %swap3A_705] {strides = array<i32>} : memref<256x64xf32, #tpu.memory_space<vmem>>, vector<16xf32>,
      tpu.vector_store %arg9[%swap3A_704, %swap3A_705], %get3A_657 {add = true, strides = array<i32>} : memref<256x64xf32, #tpu.memory_space<vmem>>, vector<16xf32>,
      %mul3A_707 = arith.constant 16 : i32
      %mul3A_708 = arith.muli %scan3A_419, %mul3A_707 : i32
      %add3A_709 = arith.constant 7 : i32
      %add3A_710 = arith.addi %mul3A_708, %add3A_709 : i32
      %swap3A_711 = arith.index_cast %add3A_710 : i32 to index
      %swap3A_712 = arith.constant 32 : index
      %swap3A_713 = tpu.vector_load %arg9[%swap3A_711, %swap3A_712] {strides = array<i32>} : memref<256x64xf32, #tpu.memory_space<vmem>>, vector<16xf32>,
      tpu.vector_store %arg9[%swap3A_711, %swap3A_712], %get3A_657 {add = true, strides = array<i32>} : memref<256x64xf32, #tpu.memory_space<vmem>>, vector<16xf32>,
      %mul3A_714 = arith.constant 16 : i32
      %mul3A_715 = arith.muli %scan3A_419, %mul3A_714 : i32
      %add3A_716 = arith.constant 8 : i32
      %add3A_717 = arith.addi %mul3A_715, %add3A_716 : i32
      %swap3A_718 = arith.index_cast %add3A_717 : i32 to index
      %swap3A_719 = arith.constant 32 : index
      %swap3A_720 = tpu.vector_load %arg9[%swap3A_718, %swap3A_719] {strides = array<i32>} : memref<256x64xf32, #tpu.memory_space<vmem>>, vector<16xf32>,
      tpu.vector_store %arg9[%swap3A_718, %swap3A_719], %get3A_657 {add = true, strides = array<i32>} : memref<256x64xf32, #tpu.memory_space<vmem>>, vector<16xf32>,
      %mul3A_721 = arith.constant 16 : i32
      %mul3A_722 = arith.muli %scan3A_419, %mul3A_721 : i32
      %add3A_723 = arith.constant 9 : i32
      %add3A_724 = arith.addi %mul3A_722, %add3A_723 : i32
      %swap3A_725 = arith.index_cast %add3A_724 : i32 to index
      %swap3A_726 = arith.constant 32 : index
      %swap3A_727 = tpu.vector_load %arg9[%swap3A_725, %swap3A_726] {strides = array<i32>} : memref<256x64xf32, #tpu.memory_space<vmem>>, vector<16xf32>,
      tpu.vector_store %arg9[%swap3A_725, %swap3A_726], %get3A_657 {add = true, strides = array<i32>} : memref<256x64xf32, #tpu.memory_space<vmem>>, vector<16xf32>,
      %mul3A_728 = arith.constant 16 : i32
      %mul3A_729 = arith.muli %scan3A_419, %mul3A_728 : i32
      %add3A_730 = arith.constant 10 : i32
      %add3A_731 = arith.addi %mul3A_729, %add3A_730 : i32
      %swap3A_732 = arith.index_cast %add3A_731 : i32 to index
      %swap3A_733 = arith.constant 32 : index
      %swap3A_734 = tpu.vector_load %arg9[%swap3A_732, %swap3A_733] {strides = array<i32>} : memref<256x64xf32, #tpu.memory_space<vmem>>, vector<16xf32>,
      tpu.vector_store %arg9[%swap3A_732, %swap3A_733], %get3A_657 {add = true, strides = array<i32>} : memref<256x64xf32, #tpu.memory_space<vmem>>, vector<16xf32>,
      %mul3A_735 = arith.constant 16 : i32
      %mul3A_736 = arith.muli %scan3A_419, %mul3A_735 : i32
      %add3A_737 = arith.constant 11 : i32
      %add3A_738 = arith.addi %mul3A_736, %add3A_737 : i32
      %swap3A_739 = arith.index_cast %add3A_738 : i32 to index
      %swap3A_740 = arith.constant 32 : index
      %swap3A_741 = tpu.vector_load %arg9[%swap3A_739, %swap3A_740] {strides = array<i32>} : memref<256x64xf32, #tpu.memory_space<vmem>>, vector<16xf32>,
      tpu.vector_store %arg9[%swap3A_739, %swap3A_740], %get3A_657 {add = true, strides = array<i32>} : memref<256x64xf32, #tpu.memory_space<vmem>>, vector<16xf32>,
      %mul3A_742 = arith.constant 16 : i32
      %mul3A_743 = arith.muli %scan3A_419, %mul3A_742 : i32
      %add3A_744 = arith.constant 12 : i32
      %add3A_745 = arith.addi %mul3A_743, %add3A_744 : i32
      %swap3A_746 = arith.index_cast %add3A_745 : i32 to index
      %swap3A_747 = arith.constant 32 : index
      %swap3A_748 = tpu.vector_load %arg9[%swap3A_746, %swap3A_747] {strides = array<i32>} : memref<256x64xf32, #tpu.memory_space<vmem>>, vector<16xf32>,
      tpu.vector_store %arg9[%swap3A_746, %swap3A_747], %get3A_657 {add = true, strides = array<i32>} : memref<256x64xf32, #tpu.memory_space<vmem>>, vector<16xf32>,
      %mul3A_749 = arith.constant 16 : i32
      %mul3A_750 = arith.muli %scan3A_419, %mul3A_749 : i32
      %add3A_751 = arith.constant 13 : i32
      %add3A_752 = arith.addi %mul3A_750, %add3A_751 : i32
      %swap3A_753 = arith.index_cast %add3A_752 : i32 to index
      %swap3A_754 = arith.constant 32 : index
      %swap3A_755 = tpu.vector_load %arg9[%swap3A_753, %swap3A_754] {strides = array<i32>} : memref<256x64xf32, #tpu.memory_space<vmem>>, vector<16xf32>,
      tpu.vector_store %arg9[%swap3A_753, %swap3A_754], %get3A_657 {add = true, strides = array<i32>} : memref<256x64xf32, #tpu.memory_space<vmem>>, vector<16xf32>,
      %mul3A_756 = arith.constant 16 : i32
      %mul3A_757 = arith.muli %scan3A_419, %mul3A_756 : i32
      %add3A_758 = arith.constant 14 : i32
      %add3A_759 = arith.addi %mul3A_757, %add3A_758 : i32
      %swap3A_760 = arith.index_cast %add3A_759 : i32 to index
      %swap3A_761 = arith.constant 32 : index
      %swap3A_762 = tpu.vector_load %arg9[%swap3A_760, %swap3A_761] {strides = array<i32>} : memref<256x64xf32, #tpu.memory_space<vmem>>, vector<16xf32>,
      tpu.vector_store %arg9[%swap3A_760, %swap3A_761], %get3A_657 {add = true, strides = array<i32>} : memref<256x64xf32, #tpu.memory_space<vmem>>, vector<16xf32>,
      %mul3A_763 = arith.constant 16 : i32
      %mul3A_764 = arith.muli %scan3A_419, %mul3A_763 : i32
      %add3A_765 = arith.constant 15 : i32
      %add3A_766 = arith.addi %mul3A_764, %add3A_765 : i32
      %swap3A_767 = arith.index_cast %add3A_766 : i32 to index
      %swap3A_768 = arith.constant 32 : index
      %swap3A_769 = tpu.vector_load %arg9[%swap3A_767, %swap3A_768] {strides = array<i32>} : memref<256x64xf32, #tpu.memory_space<vmem>>, vector<16xf32>,
      tpu.vector_store %arg9[%swap3A_767, %swap3A_768], %get3A_657 {add = true, strides = array<i32>} : memref<256x64xf32, #tpu.memory_space<vmem>>, vector<16xf32>,
      %add3A_770 = arith.constant 64 : i32
      %add3A_771 = arith.addi %add3A_770, %scan3A_419 : i32
      %get3A_772 = arith.index_cast %add3A_771 : i32 to index
      %get3A_773 = arith.constant 48 : index
      %get3A_774 = tpu.vector_load %arg8[%get3A_772, %get3A_773] {strides = array<i32>} : memref<128x64xf32, #tpu.memory_space<vmem>>, vector<16xf32>,
      %mul3A_775 = arith.constant 16 : i32
      %mul3A_776 = arith.muli %scan3A_419, %mul3A_775 : i32
      %add3A_777 = arith.constant 0 : i32
      %add3A_778 = arith.addi %mul3A_776, %add3A_777 : i32
      %swap3A_779 = arith.index_cast %add3A_778 : i32 to index
      %swap3A_780 = arith.constant 48 : index
      %swap3A_781 = tpu.vector_load %arg9[%swap3A_779, %swap3A_780] {strides = array<i32>} : memref<256x64xf32, #tpu.memory_space<vmem>>, vector<16xf32>,
      tpu.vector_store %arg9[%swap3A_779, %swap3A_780], %get3A_774 {add = true, strides = array<i32>} : memref<256x64xf32, #tpu.memory_space<vmem>>, vector<16xf32>,
      %mul3A_782 = arith.constant 16 : i32
      %mul3A_783 = arith.muli %scan3A_419, %mul3A_782 : i32
      %add3A_784 = arith.constant 1 : i32
      %add3A_785 = arith.addi %mul3A_783, %add3A_784 : i32
      %swap3A_786 = arith.index_cast %add3A_785 : i32 to index
      %swap3A_787 = arith.constant 48 : index
      %swap3A_788 = tpu.vector_load %arg9[%swap3A_786, %swap3A_787] {strides = array<i32>} : memref<256x64xf32, #tpu.memory_space<vmem>>, vector<16xf32>,
      tpu.vector_store %arg9[%swap3A_786, %swap3A_787], %get3A_774 {add = true, strides = array<i32>} : memref<256x64xf32, #tpu.memory_space<vmem>>, vector<16xf32>,
      %mul3A_789 = arith.constant 16 : i32
      %mul3A_790 = arith.muli %scan3A_419, %mul3A_789 : i32
      %add3A_791 = arith.constant 2 : i32
      %add3A_792 = arith.addi %mul3A_790, %add3A_791 : i32
      %swap3A_793 = arith.index_cast %add3A_792 : i32 to index
      %swap3A_794 = arith.constant 48 : index
      %swap3A_795 = tpu.vector_load %arg9[%swap3A_793, %swap3A_794] {strides = array<i32>} : memref<256x64xf32, #tpu.memory_space<vmem>>, vector<16xf32>,
      tpu.vector_store %arg9[%swap3A_793, %swap3A_794], %get3A_774 {add = true, strides = array<i32>} : memref<256x64xf32, #tpu.memory_space<vmem>>, vector<16xf32>,
      %mul3A_796 = arith.constant 16 : i32
      %mul3A_797 = arith.muli %scan3A_419, %mul3A_796 : i32
      %add3A_798 = arith.constant 3 : i32
      %add3A_799 = arith.addi %mul3A_797, %add3A_798 : i32
      %swap3A_800 = arith.index_cast %add3A_799 : i32 to index
      %swap3A_801 = arith.constant 48 : index
      %swap3A_802 = tpu.vector_load %arg9[%swap3A_800, %swap3A_801] {strides = array<i32>} : memref<256x64xf32, #tpu.memory_space<vmem>>, vector<16xf32>,
      tpu.vector_store %arg9[%swap3A_800, %swap3A_801], %get3A_774 {add = true, strides = array<i32>} : memref<256x64xf32, #tpu.memory_space<vmem>>, vector<16xf32>,
      %mul3A_803 = arith.constant 16 : i32
      %mul3A_804 = arith.muli %scan3A_419, %mul3A_803 : i32
      %add3A_805 = arith.constant 4 : i32
      %add3A_806 = arith.addi %mul3A_804, %add3A_805 : i32
      %swap3A_807 = arith.index_cast %add3A_806 : i32 to index
      %swap3A_808 = arith.constant 48 : index
      %swap3A_809 = tpu.vector_load %arg9[%swap3A_807, %swap3A_808] {strides = array<i32>} : memref<256x64xf32, #tpu.memory_space<vmem>>, vector<16xf32>,
      tpu.vector_store %arg9[%swap3A_807, %swap3A_808], %get3A_774 {add = true, strides = array<i32>} : memref<256x64xf32, #tpu.memory_space<vmem>>, vector<16xf32>,
      %mul3A_810 = arith.constant 16 : i32
      %mul3A_811 = arith.muli %scan3A_419, %mul3A_810 : i32
      %add3A_812 = arith.constant 5 : i32
      %add3A_813 = arith.addi %mul3A_811, %add3A_812 : i32
      %swap3A_814 = arith.index_cast %add3A_813 : i32 to index
      %swap3A_815 = arith.constant 48 : index
      %swap3A_816 = tpu.vector_load %arg9[%swap3A_814, %swap3A_815] {strides = array<i32>} : memref<256x64xf32, #tpu.memory_space<vmem>>, vector<16xf32>,
      tpu.vector_store %arg9[%swap3A_814, %swap3A_815], %get3A_774 {add = true, strides = array<i32>} : memref<256x64xf32, #tpu.memory_space<vmem>>, vector<16xf32>,
      %mul3A_817 = arith.constant 16 : i32
      %mul3A_818 = arith.muli %scan3A_419, %mul3A_817 : i32
      %add3A_819 = arith.constant 6 : i32
      %add3A_820 = arith.addi %mul3A_818, %add3A_819 : i32
      %swap3A_821 = arith.index_cast %add3A_820 : i32 to index
      %swap3A_822 = arith.constant 48 : index
      %swap3A_823 = tpu.vector_load %arg9[%swap3A_821, %swap3A_822] {strides = array<i32>} : memref<256x64xf32, #tpu.memory_space<vmem>>, vector<16xf32>,
      tpu.vector_store %arg9[%swap3A_821, %swap3A_822], %get3A_774 {add = true, strides = array<i32>} : memref<256x64xf32, #tpu.memory_space<vmem>>, vector<16xf32>,
      %mul3A_824 = arith.constant 16 : i32
      %mul3A_825 = arith.muli %scan3A_419, %mul3A_824 : i32
      %add3A_826 = arith.constant 7 : i32
      %add3A_827 = arith.addi %mul3A_825, %add3A_826 : i32
      %swap3A_828 = arith.index_cast %add3A_827 : i32 to index
      %swap3A_829 = arith.constant 48 : index
      %swap3A_830 = tpu.vector_load %arg9[%swap3A_828, %swap3A_829] {strides = array<i32>} : memref<256x64xf32, #tpu.memory_space<vmem>>, vector<16xf32>,
      tpu.vector_store %arg9[%swap3A_828, %swap3A_829], %get3A_774 {add = true, strides = array<i32>} : memref<256x64xf32, #tpu.memory_space<vmem>>, vector<16xf32>,
      %mul3A_831 = arith.constant 16 : i32
      %mul3A_832 = arith.muli %scan3A_419, %mul3A_831 : i32
      %add3A_833 = arith.constant 8 : i32
      %add3A_834 = arith.addi %mul3A_832, %add3A_833 : i32
      %swap3A_835 = arith.index_cast %add3A_834 : i32 to index
      %swap3A_836 = arith.constant 48 : index
      %swap3A_837 = tpu.vector_load %arg9[%swap3A_835, %swap3A_836] {strides = array<i32>} : memref<256x64xf32, #tpu.memory_space<vmem>>, vector<16xf32>,
      tpu.vector_store %arg9[%swap3A_835, %swap3A_836], %get3A_774 {add = true, strides = array<i32>} : memref<256x64xf32, #tpu.memory_space<vmem>>, vector<16xf32>,
      %mul3A_838 = arith.constant 16 : i32
      %mul3A_839 = arith.muli %scan3A_419, %mul3A_838 : i32
      %add3A_840 = arith.constant 9 : i32
      %add3A_841 = arith.addi %mul3A_839, %add3A_840 : i32
      %swap3A_842 = arith.index_cast %add3A_841 : i32 to index
      %swap3A_843 = arith.constant 48 : index
      %swap3A_844 = tpu.vector_load %arg9[%swap3A_842, %swap3A_843] {strides = array<i32>} : memref<256x64xf32, #tpu.memory_space<vmem>>, vector<16xf32>,
      tpu.vector_store %arg9[%swap3A_842, %swap3A_843], %get3A_774 {add = true, strides = array<i32>} : memref<256x64xf32, #tpu.memory_space<vmem>>, vector<16xf32>,
      %mul3A_845 = arith.constant 16 : i32
      %mul3A_846 = arith.muli %scan3A_419, %mul3A_845 : i32
      %add3A_847 = arith.constant 10 : i32
      %add3A_848 = arith.addi %mul3A_846, %add3A_847 : i32
      %swap3A_849 = arith.index_cast %add3A_848 : i32 to index
      %swap3A_850 = arith.constant 48 : index
      %swap3A_851 = tpu.vector_load %arg9[%swap3A_849, %swap3A_850] {strides = array<i32>} : memref<256x64xf32, #tpu.memory_space<vmem>>, vector<16xf32>,
      tpu.vector_store %arg9[%swap3A_849, %swap3A_850], %get3A_774 {add = true, strides = array<i32>} : memref<256x64xf32, #tpu.memory_space<vmem>>, vector<16xf32>,
      %mul3A_852 = arith.constant 16 : i32
      %mul3A_853 = arith.muli %scan3A_419, %mul3A_852 : i32
      %add3A_854 = arith.constant 11 : i32
      %add3A_855 = arith.addi %mul3A_853, %add3A_854 : i32
      %swap3A_856 = arith.index_cast %add3A_855 : i32 to index
      %swap3A_857 = arith.constant 48 : index
      %swap3A_858 = tpu.vector_load %arg9[%swap3A_856, %swap3A_857] {strides = array<i32>} : memref<256x64xf32, #tpu.memory_space<vmem>>, vector<16xf32>,
      tpu.vector_store %arg9[%swap3A_856, %swap3A_857], %get3A_774 {add = true, strides = array<i32>} : memref<256x64xf32, #tpu.memory_space<vmem>>, vector<16xf32>,
      %mul3A_859 = arith.constant 16 : i32
      %mul3A_860 = arith.muli %scan3A_419, %mul3A_859 : i32
      %add3A_861 = arith.constant 12 : i32
      %add3A_862 = arith.addi %mul3A_860, %add3A_861 : i32
      %swap3A_863 = arith.index_cast %add3A_862 : i32 to index
      %swap3A_864 = arith.constant 48 : index
      %swap3A_865 = tpu.vector_load %arg9[%swap3A_863, %swap3A_864] {strides = array<i32>} : memref<256x64xf32, #tpu.memory_space<vmem>>, vector<16xf32>,
      tpu.vector_store %arg9[%swap3A_863, %swap3A_864], %get3A_774 {add = true, strides = array<i32>} : memref<256x64xf32, #tpu.memory_space<vmem>>, vector<16xf32>,
      %mul3A_866 = arith.constant 16 : i32
      %mul3A_867 = arith.muli %scan3A_419, %mul3A_866 : i32
      %add3A_868 = arith.constant 13 : i32
      %add3A_869 = arith.addi %mul3A_867, %add3A_868 : i32
      %swap3A_870 = arith.index_cast %add3A_869 : i32 to index
      %swap3A_871 = arith.constant 48 : index
      %swap3A_872 = tpu.vector_load %arg9[%swap3A_870, %swap3A_871] {strides = array<i32>} : memref<256x64xf32, #tpu.memory_space<vmem>>, vector<16xf32>,
      tpu.vector_store %arg9[%swap3A_870, %swap3A_871], %get3A_774 {add = true, strides = array<i32>} : memref<256x64xf32, #tpu.memory_space<vmem>>, vector<16xf32>,
      %mul3A_873 = arith.constant 16 : i32
      %mul3A_874 = arith.muli %scan3A_419, %mul3A_873 : i32
      %add3A_875 = arith.constant 14 : i32
      %add3A_876 = arith.addi %mul3A_874, %add3A_875 : i32
      %swap3A_877 = arith.index_cast %add3A_876 : i32 to index
      %swap3A_878 = arith.constant 48 : index
      %swap3A_879 = tpu.vector_load %arg9[%swap3A_877, %swap3A_878] {strides = array<i32>} : memref<256x64xf32, #tpu.memory_space<vmem>>, vector<16xf32>,
      tpu.vector_store %arg9[%swap3A_877, %swap3A_878], %get3A_774 {add = true, strides = array<i32>} : memref<256x64xf32, #tpu.memory_space<vmem>>, vector<16xf32>,
      %mul3A_880 = arith.constant 16 : i32
      %mul3A_881 = arith.muli %scan3A_419, %mul3A_880 : i32
      %add3A_882 = arith.constant 15 : i32
      %add3A_883 = arith.addi %mul3A_881, %add3A_882 : i32
      %swap3A_884 = arith.index_cast %add3A_883 : i32 to index
      %swap3A_885 = arith.constant 48 : index
      %swap3A_886 = tpu.vector_load %arg9[%swap3A_884, %swap3A_885] {strides = array<i32>} : memref<256x64xf32, #tpu.memory_space<vmem>>, vector<16xf32>,
      tpu.vector_store %arg9[%swap3A_884, %swap3A_885], %get3A_774 {add = true, strides = array<i32>} : memref<256x64xf32, #tpu.memory_space<vmem>>, vector<16xf32>,
      %scan3A_887 = arith.constant 0 : i32
      scf.yield %scan3A_887 : i32
    }
    %scan3A_249 = arith.constant 16 : i32
    %add3A_250 = arith.constant 256 : i32
    %add3A_251 = arith.addi %add3A_250, %mul3A_2 : i32
    %add3A_252 = arith.constant 1024 : i32
    %add3A_253 = arith.addi %add3A_251, %add3A_252 : i32
    %dma_start3A_254 = arith.constant 0 : i32
    %dma_start3A_255 = tpu.memref_slice %arg6[%add3A_253, %dma_start3A_254] : memref<65792x64xf32, #tpu.memory_space<hbm>> -> memref<256x64xf32, #tpu.memory_space<hbm>>
    %dma_start3A_256 = arith.constant 0 : i32
    %dma_start3A_257 = tpu.memref_slice %arg6[%add3A_253, %dma_start3A_256] : memref<65792x64xf32, #tpu.memory_space<hbm>> -> memref<256x64xf32, #tpu.memory_space<hbm>>
    tpu.enqueue_dma source(%arg9 : memref<256x64xf32, #tpu.memory_space<vmem>>) target(%dma_start3A_257 : memref<256x64xf32, #tpu.memory_space<hbm>>) target_semaphore(%arg15 : memref<!tpu.dma_semaphore, #tpu.memory_space<semaphore_mem>>)
    %dma_wait3A_258 = arith.constant 0 : i32
    %dma_wait3A_259 = tpu.memref_slice %arg6[%add3A_202, %dma_wait3A_258] : memref<65792x64xf32, #tpu.memory_space<hbm>> -> memref<256x64xf32, #tpu.memory_space<hbm>>
    %dma_wait3A_260 = arith.constant 0 : i32
    %dma_wait3A_261 = tpu.memref_slice %arg6[%add3A_202, %dma_wait3A_260] : memref<65792x64xf32, #tpu.memory_space<hbm>> -> memref<256x64xf32, #tpu.memory_space<hbm>>
    tpu.wait_dma2 semaphore(%arg16 : memref<!tpu.dma_semaphore, #tpu.memory_space<semaphore_mem>>) src(%arg10 : memref<256x64xf32, #tpu.memory_space<vmem>>) dst(%dma_wait3A_261 : memref<256x64xf32, #tpu.memory_space<hbm>>)
    %dma_start3A_262 = arith.constant 0 : i32
    %dma_start3A_263 = arith.constant 0 : i32
    %dma_start3A_264 = tpu.memref_slice %arg10[%dma_start3A_262, %dma_start3A_263] : memref<256x64xf32, #tpu.memory_space<vmem>> -> memref<128x64xf32, #tpu.memory_space<vmem>>
    %dma_start3A_265 = arith.constant 1280 : i32
    %dma_start3A_266 = tpu.memref_slice %arg7[%dma_start3A_265] : memref<2048xi32, #tpu.memory_space<vmem>> -> memref<128xi32, #tpu.memory_space<vmem>>
    %dma_start3A_267 = arith.constant 0 : i32
    %dma_start3A_268 = arith.constant 0 : i32
    %dma_start3A_269 = tpu.memref_slice %arg3[%dma_start3A_267, %dma_start3A_268] : memref<2000000x64xf32, #tpu.memory_space<hbm>> -> memref<2000000x64xf32, #tpu.memory_space<hbm>>
    tpu.enqueue_indirect_dma source(%dma_start3A_269 : memref<2000000x64xf32, #tpu.memory_space<hbm>>) target(%dma_start3A_264 : memref<128x64xf32, #tpu.memory_space<vmem>>) offsets(%dma_start3A_266 : memref<128xi32, #tpu.memory_space<vmem>>) semaphore(%arg14 : memref<!tpu.dma_semaphore, #tpu.memory_space<semaphore_mem>>)
    %dma_start3A_270 = arith.constant 128 : i32
    %dma_start3A_271 = arith.constant 0 : i32
    %dma_start3A_272 = tpu.memref_slice %arg10[%dma_start3A_270, %dma_start3A_271] : memref<256x64xf32, #tpu.memory_space<vmem>> -> memref<128x64xf32, #tpu.memory_space<vmem>>
    %dma_start3A_273 = arith.constant 1408 : i32
    %dma_start3A_274 = tpu.memref_slice %arg7[%dma_start3A_273] : memref<2048xi32, #tpu.memory_space<vmem>> -> memref<128xi32, #tpu.memory_space<vmem>>
    %dma_start3A_275 = arith.constant 0 : i32
    %dma_start3A_276 = arith.constant 0 : i32
    %dma_start3A_277 = tpu.memref_slice %arg3[%dma_start3A_275, %dma_start3A_276] : memref<2000000x64xf32, #tpu.memory_space<hbm>> -> memref<2000000x64xf32, #tpu.memory_space<hbm>>
    tpu.enqueue_indirect_dma source(%dma_start3A_277 : memref<2000000x64xf32, #tpu.memory_space<hbm>>) target(%dma_start3A_272 : memref<128x64xf32, #tpu.memory_space<vmem>>) offsets(%dma_start3A_274 : memref<128xi32, #tpu.memory_space<vmem>>) semaphore(%arg14 : memref<!tpu.dma_semaphore, #tpu.memory_space<semaphore_mem>>)
    %dma_wait3A_278 = arith.constant 0 : i32
    %dma_wait3A_279 = arith.constant 0 : i32
    %dma_wait3A_280 = tpu.memref_slice %arg10[%dma_wait3A_278, %dma_wait3A_279] : memref<256x64xf32, #tpu.memory_space<vmem>> -> memref<128x64xf32, #tpu.memory_space<vmem>>
    %dma_wait3A_281 = arith.constant 1280 : i32
    %dma_wait3A_282 = tpu.memref_slice %arg7[%dma_wait3A_281] : memref<2048xi32, #tpu.memory_space<vmem>> -> memref<128xi32, #tpu.memory_space<vmem>>
    %dma_wait3A_283 = arith.constant 0 : i32
    %dma_wait3A_284 = arith.constant 0 : i32
    %dma_wait3A_285 = tpu.memref_slice %arg3[%dma_wait3A_283, %dma_wait3A_284] : memref<2000000x64xf32, #tpu.memory_space<hbm>> -> memref<2000000x64xf32, #tpu.memory_space<hbm>>
    tpu.wait_indirect_dma semaphore(%arg14 : memref<!tpu.dma_semaphore, #tpu.memory_space<semaphore_mem>>) src(%dma_wait3A_285 : memref<2000000x64xf32, #tpu.memory_space<hbm>>) dst(%dma_wait3A_280 : memref<128x64xf32, #tpu.memory_space<vmem>>)
    %dma_wait3A_286 = arith.constant 128 : i32
    %dma_wait3A_287 = arith.constant 0 : i32
    %dma_wait3A_288 = tpu.memref_slice %arg10[%dma_wait3A_286, %dma_wait3A_287] : memref<256x64xf32, #tpu.memory_space<vmem>> -> memref<128x64xf32, #tpu.memory_space<vmem>>
    %dma_wait3A_289 = arith.constant 1408 : i32
    %dma_wait3A_290 = tpu.memref_slice %arg7[%dma_wait3A_289] : memref<2048xi32, #tpu.memory_space<vmem>> -> memref<128xi32, #tpu.memory_space<vmem>>
    %dma_wait3A_291 = arith.constant 0 : i32
    %dma_wait3A_292 = arith.constant 0 : i32
    %dma_wait3A_293 = tpu.memref_slice %arg3[%dma_wait3A_291, %dma_wait3A_292] : memref<2000000x64xf32, #tpu.memory_space<hbm>> -> memref<2000000x64xf32, #tpu.memory_space<hbm>>
    tpu.wait_indirect_dma semaphore(%arg14 : memref<!tpu.dma_semaphore, #tpu.memory_space<semaphore_mem>>) src(%dma_wait3A_293 : memref<2000000x64xf32, #tpu.memory_space<hbm>>) dst(%dma_wait3A_288 : memref<128x64xf32, #tpu.memory_space<vmem>>)
    %scan3A_294 = arith.constant 0 : i32
    %scan3A_295 = arith.constant 0 : i32
    %scan3A_296 = arith.constant 16 : i32
    %scan3A_297 = arith.addi %scan3A_295, %scan3A_296 : i32
    %scan3A_298 = arith.constant 1 : i32
    %scan3A_299 = scf.for %scan3A_419 = %scan3A_295 to %scan3A_297 step %scan3A_298 iter_args(%scan3A_420 = %scan3A_294) -> (i32)  : i32 {
      %add3A_421 = arith.constant 80 : i32
      %add3A_422 = arith.addi %add3A_421, %scan3A_419 : i32
      %get3A = arith.index_cast %add3A_422 : i32 to index
      %get3A_423 = arith.constant 0 : index
      %get3A_424 = tpu.vector_load %arg8[%get3A, %get3A_423] {strides = array<i32>} : memref<128x64xf32, #tpu.memory_space<vmem>>, vector<16xf32>,
      %mul3A_425 = arith.constant 16 : i32
      %mul3A_426 = arith.muli %scan3A_419, %mul3A_425 : i32
      %add3A_427 = arith.constant 0 : i32
      %add3A_428 = arith.addi %mul3A_426, %add3A_427 : i32
      %swap3A = arith.index_cast %add3A_428 : i32 to index
      %swap3A_429 = arith.constant 0 : index
      %swap3A_430 = tpu.vector_load %arg10[%swap3A, %swap3A_429] {strides = array<i32>} : memref<256x64xf32, #tpu.memory_space<vmem>>, vector<16xf32>,
      tpu.vector_store %arg10[%swap3A, %swap3A_429], %get3A_424 {add = true, strides = array<i32>} : memref<256x64xf32, #tpu.memory_space<vmem>>, vector<16xf32>,
      %mul3A_431 = arith.constant 16 : i32
      %mul3A_432 = arith.muli %scan3A_419, %mul3A_431 : i32
      %add3A_433 = arith.constant 1 : i32
      %add3A_434 = arith.addi %mul3A_432, %add3A_433 : i32
      %swap3A_435 = arith.index_cast %add3A_434 : i32 to index
      %swap3A_436 = arith.constant 0 : index
      %swap3A_437 = tpu.vector_load %arg10[%swap3A_435, %swap3A_436] {strides = array<i32>} : memref<256x64xf32, #tpu.memory_space<vmem>>, vector<16xf32>,
      tpu.vector_store %arg10[%swap3A_435, %swap3A_436], %get3A_424 {add = true, strides = array<i32>} : memref<256x64xf32, #tpu.memory_space<vmem>>, vector<16xf32>,
      %mul3A_438 = arith.constant 16 : i32
      %mul3A_439 = arith.muli %scan3A_419, %mul3A_438 : i32
      %add3A_440 = arith.constant 2 : i32
      %add3A_441 = arith.addi %mul3A_439, %add3A_440 : i32
      %swap3A_442 = arith.index_cast %add3A_441 : i32 to index
      %swap3A_443 = arith.constant 0 : index
      %swap3A_444 = tpu.vector_load %arg10[%swap3A_442, %swap3A_443] {strides = array<i32>} : memref<256x64xf32, #tpu.memory_space<vmem>>, vector<16xf32>,
      tpu.vector_store %arg10[%swap3A_442, %swap3A_443], %get3A_424 {add = true, strides = array<i32>} : memref<256x64xf32, #tpu.memory_space<vmem>>, vector<16xf32>,
      %mul3A_445 = arith.constant 16 : i32
      %mul3A_446 = arith.muli %scan3A_419, %mul3A_445 : i32
      %add3A_447 = arith.constant 3 : i32
      %add3A_448 = arith.addi %mul3A_446, %add3A_447 : i32
      %swap3A_449 = arith.index_cast %add3A_448 : i32 to index
      %swap3A_450 = arith.constant 0 : index
      %swap3A_451 = tpu.vector_load %arg10[%swap3A_449, %swap3A_450] {strides = array<i32>} : memref<256x64xf32, #tpu.memory_space<vmem>>, vector<16xf32>,
      tpu.vector_store %arg10[%swap3A_449, %swap3A_450], %get3A_424 {add = true, strides = array<i32>} : memref<256x64xf32, #tpu.memory_space<vmem>>, vector<16xf32>,
      %mul3A_452 = arith.constant 16 : i32
      %mul3A_453 = arith.muli %scan3A_419, %mul3A_452 : i32
      %add3A_454 = arith.constant 4 : i32
      %add3A_455 = arith.addi %mul3A_453, %add3A_454 : i32
      %swap3A_456 = arith.index_cast %add3A_455 : i32 to index
      %swap3A_457 = arith.constant 0 : index
      %swap3A_458 = tpu.vector_load %arg10[%swap3A_456, %swap3A_457] {strides = array<i32>} : memref<256x64xf32, #tpu.memory_space<vmem>>, vector<16xf32>,
      tpu.vector_store %arg10[%swap3A_456, %swap3A_457], %get3A_424 {add = true, strides = array<i32>} : memref<256x64xf32, #tpu.memory_space<vmem>>, vector<16xf32>,
      %mul3A_459 = arith.constant 16 : i32
      %mul3A_460 = arith.muli %scan3A_419, %mul3A_459 : i32
      %add3A_461 = arith.constant 5 : i32
      %add3A_462 = arith.addi %mul3A_460, %add3A_461 : i32
      %swap3A_463 = arith.index_cast %add3A_462 : i32 to index
      %swap3A_464 = arith.constant 0 : index
      %swap3A_465 = tpu.vector_load %arg10[%swap3A_463, %swap3A_464] {strides = array<i32>} : memref<256x64xf32, #tpu.memory_space<vmem>>, vector<16xf32>,
      tpu.vector_store %arg10[%swap3A_463, %swap3A_464], %get3A_424 {add = true, strides = array<i32>} : memref<256x64xf32, #tpu.memory_space<vmem>>, vector<16xf32>,
      %mul3A_466 = arith.constant 16 : i32
      %mul3A_467 = arith.muli %scan3A_419, %mul3A_466 : i32
      %add3A_468 = arith.constant 6 : i32
      %add3A_469 = arith.addi %mul3A_467, %add3A_468 : i32
      %swap3A_470 = arith.index_cast %add3A_469 : i32 to index
      %swap3A_471 = arith.constant 0 : index
      %swap3A_472 = tpu.vector_load %arg10[%swap3A_470, %swap3A_471] {strides = array<i32>} : memref<256x64xf32, #tpu.memory_space<vmem>>, vector<16xf32>,
      tpu.vector_store %arg10[%swap3A_470, %swap3A_471], %get3A_424 {add = true, strides = array<i32>} : memref<256x64xf32, #tpu.memory_space<vmem>>, vector<16xf32>,
      %mul3A_473 = arith.constant 16 : i32
      %mul3A_474 = arith.muli %scan3A_419, %mul3A_473 : i32
      %add3A_475 = arith.constant 7 : i32
      %add3A_476 = arith.addi %mul3A_474, %add3A_475 : i32
      %swap3A_477 = arith.index_cast %add3A_476 : i32 to index
      %swap3A_478 = arith.constant 0 : index
      %swap3A_479 = tpu.vector_load %arg10[%swap3A_477, %swap3A_478] {strides = array<i32>} : memref<256x64xf32, #tpu.memory_space<vmem>>, vector<16xf32>,
      tpu.vector_store %arg10[%swap3A_477, %swap3A_478], %get3A_424 {add = true, strides = array<i32>} : memref<256x64xf32, #tpu.memory_space<vmem>>, vector<16xf32>,
      %mul3A_480 = arith.constant 16 : i32
      %mul3A_481 = arith.muli %scan3A_419, %mul3A_480 : i32
      %add3A_482 = arith.constant 8 : i32
      %add3A_483 = arith.addi %mul3A_481, %add3A_482 : i32
      %swap3A_484 = arith.index_cast %add3A_483 : i32 to index
      %swap3A_485 = arith.constant 0 : index
      %swap3A_486 = tpu.vector_load %arg10[%swap3A_484, %swap3A_485] {strides = array<i32>} : memref<256x64xf32, #tpu.memory_space<vmem>>, vector<16xf32>,
      tpu.vector_store %arg10[%swap3A_484, %swap3A_485], %get3A_424 {add = true, strides = array<i32>} : memref<256x64xf32, #tpu.memory_space<vmem>>, vector<16xf32>,
      %mul3A_487 = arith.constant 16 : i32
      %mul3A_488 = arith.muli %scan3A_419, %mul3A_487 : i32
      %add3A_489 = arith.constant 9 : i32
      %add3A_490 = arith.addi %mul3A_488, %add3A_489 : i32
      %swap3A_491 = arith.index_cast %add3A_490 : i32 to index
      %swap3A_492 = arith.constant 0 : index
      %swap3A_493 = tpu.vector_load %arg10[%swap3A_491, %swap3A_492] {strides = array<i32>} : memref<256x64xf32, #tpu.memory_space<vmem>>, vector<16xf32>,
      tpu.vector_store %arg10[%swap3A_491, %swap3A_492], %get3A_424 {add = true, strides = array<i32>} : memref<256x64xf32, #tpu.memory_space<vmem>>, vector<16xf32>,
      %mul3A_494 = arith.constant 16 : i32
      %mul3A_495 = arith.muli %scan3A_419, %mul3A_494 : i32
      %add3A_496 = arith.constant 10 : i32
      %add3A_497 = arith.addi %mul3A_495, %add3A_496 : i32
      %swap3A_498 = arith.index_cast %add3A_497 : i32 to index
      %swap3A_499 = arith.constant 0 : index
      %swap3A_500 = tpu.vector_load %arg10[%swap3A_498, %swap3A_499] {strides = array<i32>} : memref<256x64xf32, #tpu.memory_space<vmem>>, vector<16xf32>,
      tpu.vector_store %arg10[%swap3A_498, %swap3A_499], %get3A_424 {add = true, strides = array<i32>} : memref<256x64xf32, #tpu.memory_space<vmem>>, vector<16xf32>,
      %mul3A_501 = arith.constant 16 : i32
      %mul3A_502 = arith.muli %scan3A_419, %mul3A_501 : i32
      %add3A_503 = arith.constant 11 : i32
      %add3A_504 = arith.addi %mul3A_502, %add3A_503 : i32
      %swap3A_505 = arith.index_cast %add3A_504 : i32 to index
      %swap3A_506 = arith.constant 0 : index
      %swap3A_507 = tpu.vector_load %arg10[%swap3A_505, %swap3A_506] {strides = array<i32>} : memref<256x64xf32, #tpu.memory_space<vmem>>, vector<16xf32>,
      tpu.vector_store %arg10[%swap3A_505, %swap3A_506], %get3A_424 {add = true, strides = array<i32>} : memref<256x64xf32, #tpu.memory_space<vmem>>, vector<16xf32>,
      %mul3A_508 = arith.constant 16 : i32
      %mul3A_509 = arith.muli %scan3A_419, %mul3A_508 : i32
      %add3A_510 = arith.constant 12 : i32
      %add3A_511 = arith.addi %mul3A_509, %add3A_510 : i32
      %swap3A_512 = arith.index_cast %add3A_511 : i32 to index
      %swap3A_513 = arith.constant 0 : index
      %swap3A_514 = tpu.vector_load %arg10[%swap3A_512, %swap3A_513] {strides = array<i32>} : memref<256x64xf32, #tpu.memory_space<vmem>>, vector<16xf32>,
      tpu.vector_store %arg10[%swap3A_512, %swap3A_513], %get3A_424 {add = true, strides = array<i32>} : memref<256x64xf32, #tpu.memory_space<vmem>>, vector<16xf32>,
      %mul3A_515 = arith.constant 16 : i32
      %mul3A_516 = arith.muli %scan3A_419, %mul3A_515 : i32
      %add3A_517 = arith.constant 13 : i32
      %add3A_518 = arith.addi %mul3A_516, %add3A_517 : i32
      %swap3A_519 = arith.index_cast %add3A_518 : i32 to index
      %swap3A_520 = arith.constant 0 : index
      %swap3A_521 = tpu.vector_load %arg10[%swap3A_519, %swap3A_520] {strides = array<i32>} : memref<256x64xf32, #tpu.memory_space<vmem>>, vector<16xf32>,
      tpu.vector_store %arg10[%swap3A_519, %swap3A_520], %get3A_424 {add = true, strides = array<i32>} : memref<256x64xf32, #tpu.memory_space<vmem>>, vector<16xf32>,
      %mul3A_522 = arith.constant 16 : i32
      %mul3A_523 = arith.muli %scan3A_419, %mul3A_522 : i32
      %add3A_524 = arith.constant 14 : i32
      %add3A_525 = arith.addi %mul3A_523, %add3A_524 : i32
      %swap3A_526 = arith.index_cast %add3A_525 : i32 to index
      %swap3A_527 = arith.constant 0 : index
      %swap3A_528 = tpu.vector_load %arg10[%swap3A_526, %swap3A_527] {strides = array<i32>} : memref<256x64xf32, #tpu.memory_space<vmem>>, vector<16xf32>,
      tpu.vector_store %arg10[%swap3A_526, %swap3A_527], %get3A_424 {add = true, strides = array<i32>} : memref<256x64xf32, #tpu.memory_space<vmem>>, vector<16xf32>,
      %mul3A_529 = arith.constant 16 : i32
      %mul3A_530 = arith.muli %scan3A_419, %mul3A_529 : i32
      %add3A_531 = arith.constant 15 : i32
      %add3A_532 = arith.addi %mul3A_530, %add3A_531 : i32
      %swap3A_533 = arith.index_cast %add3A_532 : i32 to index
      %swap3A_534 = arith.constant 0 : index
      %swap3A_535 = tpu.vector_load %arg10[%swap3A_533, %swap3A_534] {strides = array<i32>} : memref<256x64xf32, #tpu.memory_space<vmem>>, vector<16xf32>,
      tpu.vector_store %arg10[%swap3A_533, %swap3A_534], %get3A_424 {add = true, strides = array<i32>} : memref<256x64xf32, #tpu.memory_space<vmem>>, vector<16xf32>,
      %add3A_536 = arith.constant 80 : i32
      %add3A_537 = arith.addi %add3A_536, %scan3A_419 : i32
      %get3A_538 = arith.index_cast %add3A_537 : i32 to index
      %get3A_539 = arith.constant 16 : index
      %get3A_540 = tpu.vector_load %arg8[%get3A_538, %get3A_539] {strides = array<i32>} : memref<128x64xf32, #tpu.memory_space<vmem>>, vector<16xf32>,
      %mul3A_541 = arith.constant 16 : i32
      %mul3A_542 = arith.muli %scan3A_419, %mul3A_541 : i32
      %add3A_543 = arith.constant 0 : i32
      %add3A_544 = arith.addi %mul3A_542, %add3A_543 : i32
      %swap3A_545 = arith.index_cast %add3A_544 : i32 to index
      %swap3A_546 = arith.constant 16 : index
      %swap3A_547 = tpu.vector_load %arg10[%swap3A_545, %swap3A_546] {strides = array<i32>} : memref<256x64xf32, #tpu.memory_space<vmem>>, vector<16xf32>,
      tpu.vector_store %arg10[%swap3A_545, %swap3A_546], %get3A_540 {add = true, strides = array<i32>} : memref<256x64xf32, #tpu.memory_space<vmem>>, vector<16xf32>,
      %mul3A_548 = arith.constant 16 : i32
      %mul3A_549 = arith.muli %scan3A_419, %mul3A_548 : i32
      %add3A_550 = arith.constant 1 : i32
      %add3A_551 = arith.addi %mul3A_549, %add3A_550 : i32
      %swap3A_552 = arith.index_cast %add3A_551 : i32 to index
      %swap3A_553 = arith.constant 16 : index
      %swap3A_554 = tpu.vector_load %arg10[%swap3A_552, %swap3A_553] {strides = array<i32>} : memref<256x64xf32, #tpu.memory_space<vmem>>, vector<16xf32>,
      tpu.vector_store %arg10[%swap3A_552, %swap3A_553], %get3A_540 {add = true, strides = array<i32>} : memref<256x64xf32, #tpu.memory_space<vmem>>, vector<16xf32>,
      %mul3A_555 = arith.constant 16 : i32
      %mul3A_556 = arith.muli %scan3A_419, %mul3A_555 : i32
      %add3A_557 = arith.constant 2 : i32
      %add3A_558 = arith.addi %mul3A_556, %add3A_557 : i32
      %swap3A_559 = arith.index_cast %add3A_558 : i32 to index
      %swap3A_560 = arith.constant 16 : index
      %swap3A_561 = tpu.vector_load %arg10[%swap3A_559, %swap3A_560] {strides = array<i32>} : memref<256x64xf32, #tpu.memory_space<vmem>>, vector<16xf32>,
      tpu.vector_store %arg10[%swap3A_559, %swap3A_560], %get3A_540 {add = true, strides = array<i32>} : memref<256x64xf32, #tpu.memory_space<vmem>>, vector<16xf32>,
      %mul3A_562 = arith.constant 16 : i32
      %mul3A_563 = arith.muli %scan3A_419, %mul3A_562 : i32
      %add3A_564 = arith.constant 3 : i32
      %add3A_565 = arith.addi %mul3A_563, %add3A_564 : i32
      %swap3A_566 = arith.index_cast %add3A_565 : i32 to index
      %swap3A_567 = arith.constant 16 : index
      %swap3A_568 = tpu.vector_load %arg10[%swap3A_566, %swap3A_567] {strides = array<i32>} : memref<256x64xf32, #tpu.memory_space<vmem>>, vector<16xf32>,
      tpu.vector_store %arg10[%swap3A_566, %swap3A_567], %get3A_540 {add = true, strides = array<i32>} : memref<256x64xf32, #tpu.memory_space<vmem>>, vector<16xf32>,
      %mul3A_569 = arith.constant 16 : i32
      %mul3A_570 = arith.muli %scan3A_419, %mul3A_569 : i32
      %add3A_571 = arith.constant 4 : i32
      %add3A_572 = arith.addi %mul3A_570, %add3A_571 : i32
      %swap3A_573 = arith.index_cast %add3A_572 : i32 to index
      %swap3A_574 = arith.constant 16 : index
      %swap3A_575 = tpu.vector_load %arg10[%swap3A_573, %swap3A_574] {strides = array<i32>} : memref<256x64xf32, #tpu.memory_space<vmem>>, vector<16xf32>,
      tpu.vector_store %arg10[%swap3A_573, %swap3A_574], %get3A_540 {add = true, strides = array<i32>} : memref<256x64xf32, #tpu.memory_space<vmem>>, vector<16xf32>,
      %mul3A_576 = arith.constant 16 : i32
      %mul3A_577 = arith.muli %scan3A_419, %mul3A_576 : i32
      %add3A_578 = arith.constant 5 : i32
      %add3A_579 = arith.addi %mul3A_577, %add3A_578 : i32
      %swap3A_580 = arith.index_cast %add3A_579 : i32 to index
      %swap3A_581 = arith.constant 16 : index
      %swap3A_582 = tpu.vector_load %arg10[%swap3A_580, %swap3A_581] {strides = array<i32>} : memref<256x64xf32, #tpu.memory_space<vmem>>, vector<16xf32>,
      tpu.vector_store %arg10[%swap3A_580, %swap3A_581], %get3A_540 {add = true, strides = array<i32>} : memref<256x64xf32, #tpu.memory_space<vmem>>, vector<16xf32>,
      %mul3A_583 = arith.constant 16 : i32
      %mul3A_584 = arith.muli %scan3A_419, %mul3A_583 : i32
      %add3A_585 = arith.constant 6 : i32
      %add3A_586 = arith.addi %mul3A_584, %add3A_585 : i32
      %swap3A_587 = arith.index_cast %add3A_586 : i32 to index
      %swap3A_588 = arith.constant 16 : index
      %swap3A_589 = tpu.vector_load %arg10[%swap3A_587, %swap3A_588] {strides = array<i32>} : memref<256x64xf32, #tpu.memory_space<vmem>>, vector<16xf32>,
      tpu.vector_store %arg10[%swap3A_587, %swap3A_588], %get3A_540 {add = true, strides = array<i32>} : memref<256x64xf32, #tpu.memory_space<vmem>>, vector<16xf32>,
      %mul3A_590 = arith.constant 16 : i32
      %mul3A_591 = arith.muli %scan3A_419, %mul3A_590 : i32
      %add3A_592 = arith.constant 7 : i32
      %add3A_593 = arith.addi %mul3A_591, %add3A_592 : i32
      %swap3A_594 = arith.index_cast %add3A_593 : i32 to index
      %swap3A_595 = arith.constant 16 : index
      %swap3A_596 = tpu.vector_load %arg10[%swap3A_594, %swap3A_595] {strides = array<i32>} : memref<256x64xf32, #tpu.memory_space<vmem>>, vector<16xf32>,
      tpu.vector_store %arg10[%swap3A_594, %swap3A_595], %get3A_540 {add = true, strides = array<i32>} : memref<256x64xf32, #tpu.memory_space<vmem>>, vector<16xf32>,
      %mul3A_597 = arith.constant 16 : i32
      %mul3A_598 = arith.muli %scan3A_419, %mul3A_597 : i32
      %add3A_599 = arith.constant 8 : i32
      %add3A_600 = arith.addi %mul3A_598, %add3A_599 : i32
      %swap3A_601 = arith.index_cast %add3A_600 : i32 to index
      %swap3A_602 = arith.constant 16 : index
      %swap3A_603 = tpu.vector_load %arg10[%swap3A_601, %swap3A_602] {strides = array<i32>} : memref<256x64xf32, #tpu.memory_space<vmem>>, vector<16xf32>,
      tpu.vector_store %arg10[%swap3A_601, %swap3A_602], %get3A_540 {add = true, strides = array<i32>} : memref<256x64xf32, #tpu.memory_space<vmem>>, vector<16xf32>,
      %mul3A_604 = arith.constant 16 : i32
      %mul3A_605 = arith.muli %scan3A_419, %mul3A_604 : i32
      %add3A_606 = arith.constant 9 : i32
      %add3A_607 = arith.addi %mul3A_605, %add3A_606 : i32
      %swap3A_608 = arith.index_cast %add3A_607 : i32 to index
      %swap3A_609 = arith.constant 16 : index
      %swap3A_610 = tpu.vector_load %arg10[%swap3A_608, %swap3A_609] {strides = array<i32>} : memref<256x64xf32, #tpu.memory_space<vmem>>, vector<16xf32>,
      tpu.vector_store %arg10[%swap3A_608, %swap3A_609], %get3A_540 {add = true, strides = array<i32>} : memref<256x64xf32, #tpu.memory_space<vmem>>, vector<16xf32>,
      %mul3A_611 = arith.constant 16 : i32
      %mul3A_612 = arith.muli %scan3A_419, %mul3A_611 : i32
      %add3A_613 = arith.constant 10 : i32
      %add3A_614 = arith.addi %mul3A_612, %add3A_613 : i32
      %swap3A_615 = arith.index_cast %add3A_614 : i32 to index
      %swap3A_616 = arith.constant 16 : index
      %swap3A_617 = tpu.vector_load %arg10[%swap3A_615, %swap3A_616] {strides = array<i32>} : memref<256x64xf32, #tpu.memory_space<vmem>>, vector<16xf32>,
      tpu.vector_store %arg10[%swap3A_615, %swap3A_616], %get3A_540 {add = true, strides = array<i32>} : memref<256x64xf32, #tpu.memory_space<vmem>>, vector<16xf32>,
      %mul3A_618 = arith.constant 16 : i32
      %mul3A_619 = arith.muli %scan3A_419, %mul3A_618 : i32
      %add3A_620 = arith.constant 11 : i32
      %add3A_621 = arith.addi %mul3A_619, %add3A_620 : i32
      %swap3A_622 = arith.index_cast %add3A_621 : i32 to index
      %swap3A_623 = arith.constant 16 : index
      %swap3A_624 = tpu.vector_load %arg10[%swap3A_622, %swap3A_623] {strides = array<i32>} : memref<256x64xf32, #tpu.memory_space<vmem>>, vector<16xf32>,
      tpu.vector_store %arg10[%swap3A_622, %swap3A_623], %get3A_540 {add = true, strides = array<i32>} : memref<256x64xf32, #tpu.memory_space<vmem>>, vector<16xf32>,
      %mul3A_625 = arith.constant 16 : i32
      %mul3A_626 = arith.muli %scan3A_419, %mul3A_625 : i32
      %add3A_627 = arith.constant 12 : i32
      %add3A_628 = arith.addi %mul3A_626, %add3A_627 : i32
      %swap3A_629 = arith.index_cast %add3A_628 : i32 to index
      %swap3A_630 = arith.constant 16 : index
      %swap3A_631 = tpu.vector_load %arg10[%swap3A_629, %swap3A_630] {strides = array<i32>} : memref<256x64xf32, #tpu.memory_space<vmem>>, vector<16xf32>,
      tpu.vector_store %arg10[%swap3A_629, %swap3A_630], %get3A_540 {add = true, strides = array<i32>} : memref<256x64xf32, #tpu.memory_space<vmem>>, vector<16xf32>,
      %mul3A_632 = arith.constant 16 : i32
      %mul3A_633 = arith.muli %scan3A_419, %mul3A_632 : i32
      %add3A_634 = arith.constant 13 : i32
      %add3A_635 = arith.addi %mul3A_633, %add3A_634 : i32
      %swap3A_636 = arith.index_cast %add3A_635 : i32 to index
      %swap3A_637 = arith.constant 16 : index
      %swap3A_638 = tpu.vector_load %arg10[%swap3A_636, %swap3A_637] {strides = array<i32>} : memref<256x64xf32, #tpu.memory_space<vmem>>, vector<16xf32>,
      tpu.vector_store %arg10[%swap3A_636, %swap3A_637], %get3A_540 {add = true, strides = array<i32>} : memref<256x64xf32, #tpu.memory_space<vmem>>, vector<16xf32>,
      %mul3A_639 = arith.constant 16 : i32
      %mul3A_640 = arith.muli %scan3A_419, %mul3A_639 : i32
      %add3A_641 = arith.constant 14 : i32
      %add3A_642 = arith.addi %mul3A_640, %add3A_641 : i32
      %swap3A_643 = arith.index_cast %add3A_642 : i32 to index
      %swap3A_644 = arith.constant 16 : index
      %swap3A_645 = tpu.vector_load %arg10[%swap3A_643, %swap3A_644] {strides = array<i32>} : memref<256x64xf32, #tpu.memory_space<vmem>>, vector<16xf32>,
      tpu.vector_store %arg10[%swap3A_643, %swap3A_644], %get3A_540 {add = true, strides = array<i32>} : memref<256x64xf32, #tpu.memory_space<vmem>>, vector<16xf32>,
      %mul3A_646 = arith.constant 16 : i32
      %mul3A_647 = arith.muli %scan3A_419, %mul3A_646 : i32
      %add3A_648 = arith.constant 15 : i32
      %add3A_649 = arith.addi %mul3A_647, %add3A_648 : i32
      %swap3A_650 = arith.index_cast %add3A_649 : i32 to index
      %swap3A_651 = arith.constant 16 : index
      %swap3A_652 = tpu.vector_load %arg10[%swap3A_650, %swap3A_651] {strides = array<i32>} : memref<256x64xf32, #tpu.memory_space<vmem>>, vector<16xf32>,
      tpu.vector_store %arg10[%swap3A_650, %swap3A_651], %get3A_540 {add = true, strides = array<i32>} : memref<256x64xf32, #tpu.memory_space<vmem>>, vector<16xf32>,
      %add3A_653 = arith.constant 80 : i32
      %add3A_654 = arith.addi %add3A_653, %scan3A_419 : i32
      %get3A_655 = arith.index_cast %add3A_654 : i32 to index
      %get3A_656 = arith.constant 32 : index
      %get3A_657 = tpu.vector_load %arg8[%get3A_655, %get3A_656] {strides = array<i32>} : memref<128x64xf32, #tpu.memory_space<vmem>>, vector<16xf32>,
      %mul3A_658 = arith.constant 16 : i32
      %mul3A_659 = arith.muli %scan3A_419, %mul3A_658 : i32
      %add3A_660 = arith.constant 0 : i32
      %add3A_661 = arith.addi %mul3A_659, %add3A_660 : i32
      %swap3A_662 = arith.index_cast %add3A_661 : i32 to index
      %swap3A_663 = arith.constant 32 : index
      %swap3A_664 = tpu.vector_load %arg10[%swap3A_662, %swap3A_663] {strides = array<i32>} : memref<256x64xf32, #tpu.memory_space<vmem>>, vector<16xf32>,
      tpu.vector_store %arg10[%swap3A_662, %swap3A_663], %get3A_657 {add = true, strides = array<i32>} : memref<256x64xf32, #tpu.memory_space<vmem>>, vector<16xf32>,
      %mul3A_665 = arith.constant 16 : i32
      %mul3A_666 = arith.muli %scan3A_419, %mul3A_665 : i32
      %add3A_667 = arith.constant 1 : i32
      %add3A_668 = arith.addi %mul3A_666, %add3A_667 : i32
      %swap3A_669 = arith.index_cast %add3A_668 : i32 to index
      %swap3A_670 = arith.constant 32 : index
      %swap3A_671 = tpu.vector_load %arg10[%swap3A_669, %swap3A_670] {strides = array<i32>} : memref<256x64xf32, #tpu.memory_space<vmem>>, vector<16xf32>,
      tpu.vector_store %arg10[%swap3A_669, %swap3A_670], %get3A_657 {add = true, strides = array<i32>} : memref<256x64xf32, #tpu.memory_space<vmem>>, vector<16xf32>,
      %mul3A_672 = arith.constant 16 : i32
      %mul3A_673 = arith.muli %scan3A_419, %mul3A_672 : i32
      %add3A_674 = arith.constant 2 : i32
      %add3A_675 = arith.addi %mul3A_673, %add3A_674 : i32
      %swap3A_676 = arith.index_cast %add3A_675 : i32 to index
      %swap3A_677 = arith.constant 32 : index
      %swap3A_678 = tpu.vector_load %arg10[%swap3A_676, %swap3A_677] {strides = array<i32>} : memref<256x64xf32, #tpu.memory_space<vmem>>, vector<16xf32>,
      tpu.vector_store %arg10[%swap3A_676, %swap3A_677], %get3A_657 {add = true, strides = array<i32>} : memref<256x64xf32, #tpu.memory_space<vmem>>, vector<16xf32>,
      %mul3A_679 = arith.constant 16 : i32
      %mul3A_680 = arith.muli %scan3A_419, %mul3A_679 : i32
      %add3A_681 = arith.constant 3 : i32
      %add3A_682 = arith.addi %mul3A_680, %add3A_681 : i32
      %swap3A_683 = arith.index_cast %add3A_682 : i32 to index
      %swap3A_684 = arith.constant 32 : index
      %swap3A_685 = tpu.vector_load %arg10[%swap3A_683, %swap3A_684] {strides = array<i32>} : memref<256x64xf32, #tpu.memory_space<vmem>>, vector<16xf32>,
      tpu.vector_store %arg10[%swap3A_683, %swap3A_684], %get3A_657 {add = true, strides = array<i32>} : memref<256x64xf32, #tpu.memory_space<vmem>>, vector<16xf32>,
      %mul3A_686 = arith.constant 16 : i32
      %mul3A_687 = arith.muli %scan3A_419, %mul3A_686 : i32
      %add3A_688 = arith.constant 4 : i32
      %add3A_689 = arith.addi %mul3A_687, %add3A_688 : i32
      %swap3A_690 = arith.index_cast %add3A_689 : i32 to index
      %swap3A_691 = arith.constant 32 : index
      %swap3A_692 = tpu.vector_load %arg10[%swap3A_690, %swap3A_691] {strides = array<i32>} : memref<256x64xf32, #tpu.memory_space<vmem>>, vector<16xf32>,
      tpu.vector_store %arg10[%swap3A_690, %swap3A_691], %get3A_657 {add = true, strides = array<i32>} : memref<256x64xf32, #tpu.memory_space<vmem>>, vector<16xf32>,
      %mul3A_693 = arith.constant 16 : i32
      %mul3A_694 = arith.muli %scan3A_419, %mul3A_693 : i32
      %add3A_695 = arith.constant 5 : i32
      %add3A_696 = arith.addi %mul3A_694, %add3A_695 : i32
      %swap3A_697 = arith.index_cast %add3A_696 : i32 to index
      %swap3A_698 = arith.constant 32 : index
      %swap3A_699 = tpu.vector_load %arg10[%swap3A_697, %swap3A_698] {strides = array<i32>} : memref<256x64xf32, #tpu.memory_space<vmem>>, vector<16xf32>,
      tpu.vector_store %arg10[%swap3A_697, %swap3A_698], %get3A_657 {add = true, strides = array<i32>} : memref<256x64xf32, #tpu.memory_space<vmem>>, vector<16xf32>,
      %mul3A_700 = arith.constant 16 : i32
      %mul3A_701 = arith.muli %scan3A_419, %mul3A_700 : i32
      %add3A_702 = arith.constant 6 : i32
      %add3A_703 = arith.addi %mul3A_701, %add3A_702 : i32
      %swap3A_704 = arith.index_cast %add3A_703 : i32 to index
      %swap3A_705 = arith.constant 32 : index
      %swap3A_706 = tpu.vector_load %arg10[%swap3A_704, %swap3A_705] {strides = array<i32>} : memref<256x64xf32, #tpu.memory_space<vmem>>, vector<16xf32>,
      tpu.vector_store %arg10[%swap3A_704, %swap3A_705], %get3A_657 {add = true, strides = array<i32>} : memref<256x64xf32, #tpu.memory_space<vmem>>, vector<16xf32>,
      %mul3A_707 = arith.constant 16 : i32
      %mul3A_708 = arith.muli %scan3A_419, %mul3A_707 : i32
      %add3A_709 = arith.constant 7 : i32
      %add3A_710 = arith.addi %mul3A_708, %add3A_709 : i32
      %swap3A_711 = arith.index_cast %add3A_710 : i32 to index
      %swap3A_712 = arith.constant 32 : index
      %swap3A_713 = tpu.vector_load %arg10[%swap3A_711, %swap3A_712] {strides = array<i32>} : memref<256x64xf32, #tpu.memory_space<vmem>>, vector<16xf32>,
      tpu.vector_store %arg10[%swap3A_711, %swap3A_712], %get3A_657 {add = true, strides = array<i32>} : memref<256x64xf32, #tpu.memory_space<vmem>>, vector<16xf32>,
      %mul3A_714 = arith.constant 16 : i32
      %mul3A_715 = arith.muli %scan3A_419, %mul3A_714 : i32
      %add3A_716 = arith.constant 8 : i32
      %add3A_717 = arith.addi %mul3A_715, %add3A_716 : i32
      %swap3A_718 = arith.index_cast %add3A_717 : i32 to index
      %swap3A_719 = arith.constant 32 : index
      %swap3A_720 = tpu.vector_load %arg10[%swap3A_718, %swap3A_719] {strides = array<i32>} : memref<256x64xf32, #tpu.memory_space<vmem>>, vector<16xf32>,
      tpu.vector_store %arg10[%swap3A_718, %swap3A_719], %get3A_657 {add = true, strides = array<i32>} : memref<256x64xf32, #tpu.memory_space<vmem>>, vector<16xf32>,
      %mul3A_721 = arith.constant 16 : i32
      %mul3A_722 = arith.muli %scan3A_419, %mul3A_721 : i32
      %add3A_723 = arith.constant 9 : i32
      %add3A_724 = arith.addi %mul3A_722, %add3A_723 : i32
      %swap3A_725 = arith.index_cast %add3A_724 : i32 to index
      %swap3A_726 = arith.constant 32 : index
      %swap3A_727 = tpu.vector_load %arg10[%swap3A_725, %swap3A_726] {strides = array<i32>} : memref<256x64xf32, #tpu.memory_space<vmem>>, vector<16xf32>,
      tpu.vector_store %arg10[%swap3A_725, %swap3A_726], %get3A_657 {add = true, strides = array<i32>} : memref<256x64xf32, #tpu.memory_space<vmem>>, vector<16xf32>,
      %mul3A_728 = arith.constant 16 : i32
      %mul3A_729 = arith.muli %scan3A_419, %mul3A_728 : i32
      %add3A_730 = arith.constant 10 : i32
      %add3A_731 = arith.addi %mul3A_729, %add3A_730 : i32
      %swap3A_732 = arith.index_cast %add3A_731 : i32 to index
      %swap3A_733 = arith.constant 32 : index
      %swap3A_734 = tpu.vector_load %arg10[%swap3A_732, %swap3A_733] {strides = array<i32>} : memref<256x64xf32, #tpu.memory_space<vmem>>, vector<16xf32>,
      tpu.vector_store %arg10[%swap3A_732, %swap3A_733], %get3A_657 {add = true, strides = array<i32>} : memref<256x64xf32, #tpu.memory_space<vmem>>, vector<16xf32>,
      %mul3A_735 = arith.constant 16 : i32
      %mul3A_736 = arith.muli %scan3A_419, %mul3A_735 : i32
      %add3A_737 = arith.constant 11 : i32
      %add3A_738 = arith.addi %mul3A_736, %add3A_737 : i32
      %swap3A_739 = arith.index_cast %add3A_738 : i32 to index
      %swap3A_740 = arith.constant 32 : index
      %swap3A_741 = tpu.vector_load %arg10[%swap3A_739, %swap3A_740] {strides = array<i32>} : memref<256x64xf32, #tpu.memory_space<vmem>>, vector<16xf32>,
      tpu.vector_store %arg10[%swap3A_739, %swap3A_740], %get3A_657 {add = true, strides = array<i32>} : memref<256x64xf32, #tpu.memory_space<vmem>>, vector<16xf32>,
      %mul3A_742 = arith.constant 16 : i32
      %mul3A_743 = arith.muli %scan3A_419, %mul3A_742 : i32
      %add3A_744 = arith.constant 12 : i32
      %add3A_745 = arith.addi %mul3A_743, %add3A_744 : i32
      %swap3A_746 = arith.index_cast %add3A_745 : i32 to index
      %swap3A_747 = arith.constant 32 : index
      %swap3A_748 = tpu.vector_load %arg10[%swap3A_746, %swap3A_747] {strides = array<i32>} : memref<256x64xf32, #tpu.memory_space<vmem>>, vector<16xf32>,
      tpu.vector_store %arg10[%swap3A_746, %swap3A_747], %get3A_657 {add = true, strides = array<i32>} : memref<256x64xf32, #tpu.memory_space<vmem>>, vector<16xf32>,
      %mul3A_749 = arith.constant 16 : i32
      %mul3A_750 = arith.muli %scan3A_419, %mul3A_749 : i32
      %add3A_751 = arith.constant 13 : i32
      %add3A_752 = arith.addi %mul3A_750, %add3A_751 : i32
      %swap3A_753 = arith.index_cast %add3A_752 : i32 to index
      %swap3A_754 = arith.constant 32 : index
      %swap3A_755 = tpu.vector_load %arg10[%swap3A_753, %swap3A_754] {strides = array<i32>} : memref<256x64xf32, #tpu.memory_space<vmem>>, vector<16xf32>,
      tpu.vector_store %arg10[%swap3A_753, %swap3A_754], %get3A_657 {add = true, strides = array<i32>} : memref<256x64xf32, #tpu.memory_space<vmem>>, vector<16xf32>,
      %mul3A_756 = arith.constant 16 : i32
      %mul3A_757 = arith.muli %scan3A_419, %mul3A_756 : i32
      %add3A_758 = arith.constant 14 : i32
      %add3A_759 = arith.addi %mul3A_757, %add3A_758 : i32
      %swap3A_760 = arith.index_cast %add3A_759 : i32 to index
      %swap3A_761 = arith.constant 32 : index
      %swap3A_762 = tpu.vector_load %arg10[%swap3A_760, %swap3A_761] {strides = array<i32>} : memref<256x64xf32, #tpu.memory_space<vmem>>, vector<16xf32>,
      tpu.vector_store %arg10[%swap3A_760, %swap3A_761], %get3A_657 {add = true, strides = array<i32>} : memref<256x64xf32, #tpu.memory_space<vmem>>, vector<16xf32>,
      %mul3A_763 = arith.constant 16 : i32
      %mul3A_764 = arith.muli %scan3A_419, %mul3A_763 : i32
      %add3A_765 = arith.constant 15 : i32
      %add3A_766 = arith.addi %mul3A_764, %add3A_765 : i32
      %swap3A_767 = arith.index_cast %add3A_766 : i32 to index
      %swap3A_768 = arith.constant 32 : index
      %swap3A_769 = tpu.vector_load %arg10[%swap3A_767, %swap3A_768] {strides = array<i32>} : memref<256x64xf32, #tpu.memory_space<vmem>>, vector<16xf32>,
      tpu.vector_store %arg10[%swap3A_767, %swap3A_768], %get3A_657 {add = true, strides = array<i32>} : memref<256x64xf32, #tpu.memory_space<vmem>>, vector<16xf32>,
      %add3A_770 = arith.constant 80 : i32
      %add3A_771 = arith.addi %add3A_770, %scan3A_419 : i32
      %get3A_772 = arith.index_cast %add3A_771 : i32 to index
      %get3A_773 = arith.constant 48 : index
      %get3A_774 = tpu.vector_load %arg8[%get3A_772, %get3A_773] {strides = array<i32>} : memref<128x64xf32, #tpu.memory_space<vmem>>, vector<16xf32>,
      %mul3A_775 = arith.constant 16 : i32
      %mul3A_776 = arith.muli %scan3A_419, %mul3A_775 : i32
      %add3A_777 = arith.constant 0 : i32
      %add3A_778 = arith.addi %mul3A_776, %add3A_777 : i32
      %swap3A_779 = arith.index_cast %add3A_778 : i32 to index
      %swap3A_780 = arith.constant 48 : index
      %swap3A_781 = tpu.vector_load %arg10[%swap3A_779, %swap3A_780] {strides = array<i32>} : memref<256x64xf32, #tpu.memory_space<vmem>>, vector<16xf32>,
      tpu.vector_store %arg10[%swap3A_779, %swap3A_780], %get3A_774 {add = true, strides = array<i32>} : memref<256x64xf32, #tpu.memory_space<vmem>>, vector<16xf32>,
      %mul3A_782 = arith.constant 16 : i32
      %mul3A_783 = arith.muli %scan3A_419, %mul3A_782 : i32
      %add3A_784 = arith.constant 1 : i32
      %add3A_785 = arith.addi %mul3A_783, %add3A_784 : i32
      %swap3A_786 = arith.index_cast %add3A_785 : i32 to index
      %swap3A_787 = arith.constant 48 : index
      %swap3A_788 = tpu.vector_load %arg10[%swap3A_786, %swap3A_787] {strides = array<i32>} : memref<256x64xf32, #tpu.memory_space<vmem>>, vector<16xf32>,
      tpu.vector_store %arg10[%swap3A_786, %swap3A_787], %get3A_774 {add = true, strides = array<i32>} : memref<256x64xf32, #tpu.memory_space<vmem>>, vector<16xf32>,
      %mul3A_789 = arith.constant 16 : i32
      %mul3A_790 = arith.muli %scan3A_419, %mul3A_789 : i32
      %add3A_791 = arith.constant 2 : i32
      %add3A_792 = arith.addi %mul3A_790, %add3A_791 : i32
      %swap3A_793 = arith.index_cast %add3A_792 : i32 to index
      %swap3A_794 = arith.constant 48 : index
      %swap3A_795 = tpu.vector_load %arg10[%swap3A_793, %swap3A_794] {strides = array<i32>} : memref<256x64xf32, #tpu.memory_space<vmem>>, vector<16xf32>,
      tpu.vector_store %arg10[%swap3A_793, %swap3A_794], %get3A_774 {add = true, strides = array<i32>} : memref<256x64xf32, #tpu.memory_space<vmem>>, vector<16xf32>,
      %mul3A_796 = arith.constant 16 : i32
      %mul3A_797 = arith.muli %scan3A_419, %mul3A_796 : i32
      %add3A_798 = arith.constant 3 : i32
      %add3A_799 = arith.addi %mul3A_797, %add3A_798 : i32
      %swap3A_800 = arith.index_cast %add3A_799 : i32 to index
      %swap3A_801 = arith.constant 48 : index
      %swap3A_802 = tpu.vector_load %arg10[%swap3A_800, %swap3A_801] {strides = array<i32>} : memref<256x64xf32, #tpu.memory_space<vmem>>, vector<16xf32>,
      tpu.vector_store %arg10[%swap3A_800, %swap3A_801], %get3A_774 {add = true, strides = array<i32>} : memref<256x64xf32, #tpu.memory_space<vmem>>, vector<16xf32>,
      %mul3A_803 = arith.constant 16 : i32
      %mul3A_804 = arith.muli %scan3A_419, %mul3A_803 : i32
      %add3A_805 = arith.constant 4 : i32
      %add3A_806 = arith.addi %mul3A_804, %add3A_805 : i32
      %swap3A_807 = arith.index_cast %add3A_806 : i32 to index
      %swap3A_808 = arith.constant 48 : index
      %swap3A_809 = tpu.vector_load %arg10[%swap3A_807, %swap3A_808] {strides = array<i32>} : memref<256x64xf32, #tpu.memory_space<vmem>>, vector<16xf32>,
      tpu.vector_store %arg10[%swap3A_807, %swap3A_808], %get3A_774 {add = true, strides = array<i32>} : memref<256x64xf32, #tpu.memory_space<vmem>>, vector<16xf32>,
      %mul3A_810 = arith.constant 16 : i32
      %mul3A_811 = arith.muli %scan3A_419, %mul3A_810 : i32
      %add3A_812 = arith.constant 5 : i32
      %add3A_813 = arith.addi %mul3A_811, %add3A_812 : i32
      %swap3A_814 = arith.index_cast %add3A_813 : i32 to index
      %swap3A_815 = arith.constant 48 : index
      %swap3A_816 = tpu.vector_load %arg10[%swap3A_814, %swap3A_815] {strides = array<i32>} : memref<256x64xf32, #tpu.memory_space<vmem>>, vector<16xf32>,
      tpu.vector_store %arg10[%swap3A_814, %swap3A_815], %get3A_774 {add = true, strides = array<i32>} : memref<256x64xf32, #tpu.memory_space<vmem>>, vector<16xf32>,
      %mul3A_817 = arith.constant 16 : i32
      %mul3A_818 = arith.muli %scan3A_419, %mul3A_817 : i32
      %add3A_819 = arith.constant 6 : i32
      %add3A_820 = arith.addi %mul3A_818, %add3A_819 : i32
      %swap3A_821 = arith.index_cast %add3A_820 : i32 to index
      %swap3A_822 = arith.constant 48 : index
      %swap3A_823 = tpu.vector_load %arg10[%swap3A_821, %swap3A_822] {strides = array<i32>} : memref<256x64xf32, #tpu.memory_space<vmem>>, vector<16xf32>,
      tpu.vector_store %arg10[%swap3A_821, %swap3A_822], %get3A_774 {add = true, strides = array<i32>} : memref<256x64xf32, #tpu.memory_space<vmem>>, vector<16xf32>,
      %mul3A_824 = arith.constant 16 : i32
      %mul3A_825 = arith.muli %scan3A_419, %mul3A_824 : i32
      %add3A_826 = arith.constant 7 : i32
      %add3A_827 = arith.addi %mul3A_825, %add3A_826 : i32
      %swap3A_828 = arith.index_cast %add3A_827 : i32 to index
      %swap3A_829 = arith.constant 48 : index
      %swap3A_830 = tpu.vector_load %arg10[%swap3A_828, %swap3A_829] {strides = array<i32>} : memref<256x64xf32, #tpu.memory_space<vmem>>, vector<16xf32>,
      tpu.vector_store %arg10[%swap3A_828, %swap3A_829], %get3A_774 {add = true, strides = array<i32>} : memref<256x64xf32, #tpu.memory_space<vmem>>, vector<16xf32>,
      %mul3A_831 = arith.constant 16 : i32
      %mul3A_832 = arith.muli %scan3A_419, %mul3A_831 : i32
      %add3A_833 = arith.constant 8 : i32
      %add3A_834 = arith.addi %mul3A_832, %add3A_833 : i32
      %swap3A_835 = arith.index_cast %add3A_834 : i32 to index
      %swap3A_836 = arith.constant 48 : index
      %swap3A_837 = tpu.vector_load %arg10[%swap3A_835, %swap3A_836] {strides = array<i32>} : memref<256x64xf32, #tpu.memory_space<vmem>>, vector<16xf32>,
      tpu.vector_store %arg10[%swap3A_835, %swap3A_836], %get3A_774 {add = true, strides = array<i32>} : memref<256x64xf32, #tpu.memory_space<vmem>>, vector<16xf32>,
      %mul3A_838 = arith.constant 16 : i32
      %mul3A_839 = arith.muli %scan3A_419, %mul3A_838 : i32
      %add3A_840 = arith.constant 9 : i32
      %add3A_841 = arith.addi %mul3A_839, %add3A_840 : i32
      %swap3A_842 = arith.index_cast %add3A_841 : i32 to index
      %swap3A_843 = arith.constant 48 : index
      %swap3A_844 = tpu.vector_load %arg10[%swap3A_842, %swap3A_843] {strides = array<i32>} : memref<256x64xf32, #tpu.memory_space<vmem>>, vector<16xf32>,
      tpu.vector_store %arg10[%swap3A_842, %swap3A_843], %get3A_774 {add = true, strides = array<i32>} : memref<256x64xf32, #tpu.memory_space<vmem>>, vector<16xf32>,
      %mul3A_845 = arith.constant 16 : i32
      %mul3A_846 = arith.muli %scan3A_419, %mul3A_845 : i32
      %add3A_847 = arith.constant 10 : i32
      %add3A_848 = arith.addi %mul3A_846, %add3A_847 : i32
      %swap3A_849 = arith.index_cast %add3A_848 : i32 to index
      %swap3A_850 = arith.constant 48 : index
      %swap3A_851 = tpu.vector_load %arg10[%swap3A_849, %swap3A_850] {strides = array<i32>} : memref<256x64xf32, #tpu.memory_space<vmem>>, vector<16xf32>,
      tpu.vector_store %arg10[%swap3A_849, %swap3A_850], %get3A_774 {add = true, strides = array<i32>} : memref<256x64xf32, #tpu.memory_space<vmem>>, vector<16xf32>,
      %mul3A_852 = arith.constant 16 : i32
      %mul3A_853 = arith.muli %scan3A_419, %mul3A_852 : i32
      %add3A_854 = arith.constant 11 : i32
      %add3A_855 = arith.addi %mul3A_853, %add3A_854 : i32
      %swap3A_856 = arith.index_cast %add3A_855 : i32 to index
      %swap3A_857 = arith.constant 48 : index
      %swap3A_858 = tpu.vector_load %arg10[%swap3A_856, %swap3A_857] {strides = array<i32>} : memref<256x64xf32, #tpu.memory_space<vmem>>, vector<16xf32>,
      tpu.vector_store %arg10[%swap3A_856, %swap3A_857], %get3A_774 {add = true, strides = array<i32>} : memref<256x64xf32, #tpu.memory_space<vmem>>, vector<16xf32>,
      %mul3A_859 = arith.constant 16 : i32
      %mul3A_860 = arith.muli %scan3A_419, %mul3A_859 : i32
      %add3A_861 = arith.constant 12 : i32
      %add3A_862 = arith.addi %mul3A_860, %add3A_861 : i32
      %swap3A_863 = arith.index_cast %add3A_862 : i32 to index
      %swap3A_864 = arith.constant 48 : index
      %swap3A_865 = tpu.vector_load %arg10[%swap3A_863, %swap3A_864] {strides = array<i32>} : memref<256x64xf32, #tpu.memory_space<vmem>>, vector<16xf32>,
      tpu.vector_store %arg10[%swap3A_863, %swap3A_864], %get3A_774 {add = true, strides = array<i32>} : memref<256x64xf32, #tpu.memory_space<vmem>>, vector<16xf32>,
      %mul3A_866 = arith.constant 16 : i32
      %mul3A_867 = arith.muli %scan3A_419, %mul3A_866 : i32
      %add3A_868 = arith.constant 13 : i32
      %add3A_869 = arith.addi %mul3A_867, %add3A_868 : i32
      %swap3A_870 = arith.index_cast %add3A_869 : i32 to index
      %swap3A_871 = arith.constant 48 : index
      %swap3A_872 = tpu.vector_load %arg10[%swap3A_870, %swap3A_871] {strides = array<i32>} : memref<256x64xf32, #tpu.memory_space<vmem>>, vector<16xf32>,
      tpu.vector_store %arg10[%swap3A_870, %swap3A_871], %get3A_774 {add = true, strides = array<i32>} : memref<256x64xf32, #tpu.memory_space<vmem>>, vector<16xf32>,
      %mul3A_873 = arith.constant 16 : i32
      %mul3A_874 = arith.muli %scan3A_419, %mul3A_873 : i32
      %add3A_875 = arith.constant 14 : i32
      %add3A_876 = arith.addi %mul3A_874, %add3A_875 : i32
      %swap3A_877 = arith.index_cast %add3A_876 : i32 to index
      %swap3A_878 = arith.constant 48 : index
      %swap3A_879 = tpu.vector_load %arg10[%swap3A_877, %swap3A_878] {strides = array<i32>} : memref<256x64xf32, #tpu.memory_space<vmem>>, vector<16xf32>,
      tpu.vector_store %arg10[%swap3A_877, %swap3A_878], %get3A_774 {add = true, strides = array<i32>} : memref<256x64xf32, #tpu.memory_space<vmem>>, vector<16xf32>,
      %mul3A_880 = arith.constant 16 : i32
      %mul3A_881 = arith.muli %scan3A_419, %mul3A_880 : i32
      %add3A_882 = arith.constant 15 : i32
      %add3A_883 = arith.addi %mul3A_881, %add3A_882 : i32
      %swap3A_884 = arith.index_cast %add3A_883 : i32 to index
      %swap3A_885 = arith.constant 48 : index
      %swap3A_886 = tpu.vector_load %arg10[%swap3A_884, %swap3A_885] {strides = array<i32>} : memref<256x64xf32, #tpu.memory_space<vmem>>, vector<16xf32>,
      tpu.vector_store %arg10[%swap3A_884, %swap3A_885], %get3A_774 {add = true, strides = array<i32>} : memref<256x64xf32, #tpu.memory_space<vmem>>, vector<16xf32>,
      %scan3A_887 = arith.constant 0 : i32
      scf.yield %scan3A_887 : i32
    }
    %scan3A_300 = arith.constant 16 : i32
    %add3A_301 = arith.constant 256 : i32
    %add3A_302 = arith.addi %add3A_301, %mul3A_2 : i32
    %add3A_303 = arith.constant 1280 : i32
    %add3A_304 = arith.addi %add3A_302, %add3A_303 : i32
    %dma_start3A_305 = arith.constant 0 : i32
    %dma_start3A_306 = tpu.memref_slice %arg6[%add3A_304, %dma_start3A_305] : memref<65792x64xf32, #tpu.memory_space<hbm>> -> memref<256x64xf32, #tpu.memory_space<hbm>>
    %dma_start3A_307 = arith.constant 0 : i32
    %dma_start3A_308 = tpu.memref_slice %arg6[%add3A_304, %dma_start3A_307] : memref<65792x64xf32, #tpu.memory_space<hbm>> -> memref<256x64xf32, #tpu.memory_space<hbm>>
    tpu.enqueue_dma source(%arg10 : memref<256x64xf32, #tpu.memory_space<vmem>>) target(%dma_start3A_308 : memref<256x64xf32, #tpu.memory_space<hbm>>) target_semaphore(%arg16 : memref<!tpu.dma_semaphore, #tpu.memory_space<semaphore_mem>>)
    %dma_wait3A_309 = arith.constant 0 : i32
    %dma_wait3A_310 = tpu.memref_slice %arg6[%add3A_253, %dma_wait3A_309] : memref<65792x64xf32, #tpu.memory_space<hbm>> -> memref<256x64xf32, #tpu.memory_space<hbm>>
    %dma_wait3A_311 = arith.constant 0 : i32
    %dma_wait3A_312 = tpu.memref_slice %arg6[%add3A_253, %dma_wait3A_311] : memref<65792x64xf32, #tpu.memory_space<hbm>> -> memref<256x64xf32, #tpu.memory_space<hbm>>
    tpu.wait_dma2 semaphore(%arg15 : memref<!tpu.dma_semaphore, #tpu.memory_space<semaphore_mem>>) src(%arg9 : memref<256x64xf32, #tpu.memory_space<vmem>>) dst(%dma_wait3A_312 : memref<256x64xf32, #tpu.memory_space<hbm>>)
    %dma_start3A_313 = arith.constant 0 : i32
    %dma_start3A_314 = arith.constant 0 : i32
    %dma_start3A_315 = tpu.memref_slice %arg9[%dma_start3A_313, %dma_start3A_314] : memref<256x64xf32, #tpu.memory_space<vmem>> -> memref<128x64xf32, #tpu.memory_space<vmem>>
    %dma_start3A_316 = arith.constant 1536 : i32
    %dma_start3A_317 = tpu.memref_slice %arg7[%dma_start3A_316] : memref<2048xi32, #tpu.memory_space<vmem>> -> memref<128xi32, #tpu.memory_space<vmem>>
    %dma_start3A_318 = arith.constant 0 : i32
    %dma_start3A_319 = arith.constant 0 : i32
    %dma_start3A_320 = tpu.memref_slice %arg3[%dma_start3A_318, %dma_start3A_319] : memref<2000000x64xf32, #tpu.memory_space<hbm>> -> memref<2000000x64xf32, #tpu.memory_space<hbm>>
    tpu.enqueue_indirect_dma source(%dma_start3A_320 : memref<2000000x64xf32, #tpu.memory_space<hbm>>) target(%dma_start3A_315 : memref<128x64xf32, #tpu.memory_space<vmem>>) offsets(%dma_start3A_317 : memref<128xi32, #tpu.memory_space<vmem>>) semaphore(%arg13 : memref<!tpu.dma_semaphore, #tpu.memory_space<semaphore_mem>>)
    %dma_start3A_321 = arith.constant 128 : i32
    %dma_start3A_322 = arith.constant 0 : i32
    %dma_start3A_323 = tpu.memref_slice %arg9[%dma_start3A_321, %dma_start3A_322] : memref<256x64xf32, #tpu.memory_space<vmem>> -> memref<128x64xf32, #tpu.memory_space<vmem>>
    %dma_start3A_324 = arith.constant 1664 : i32
    %dma_start3A_325 = tpu.memref_slice %arg7[%dma_start3A_324] : memref<2048xi32, #tpu.memory_space<vmem>> -> memref<128xi32, #tpu.memory_space<vmem>>
    %dma_start3A_326 = arith.constant 0 : i32
    %dma_start3A_327 = arith.constant 0 : i32
    %dma_start3A_328 = tpu.memref_slice %arg3[%dma_start3A_326, %dma_start3A_327] : memref<2000000x64xf32, #tpu.memory_space<hbm>> -> memref<2000000x64xf32, #tpu.memory_space<hbm>>
    tpu.enqueue_indirect_dma source(%dma_start3A_328 : memref<2000000x64xf32, #tpu.memory_space<hbm>>) target(%dma_start3A_323 : memref<128x64xf32, #tpu.memory_space<vmem>>) offsets(%dma_start3A_325 : memref<128xi32, #tpu.memory_space<vmem>>) semaphore(%arg13 : memref<!tpu.dma_semaphore, #tpu.memory_space<semaphore_mem>>)
    %dma_wait3A_329 = arith.constant 0 : i32
    %dma_wait3A_330 = arith.constant 0 : i32
    %dma_wait3A_331 = tpu.memref_slice %arg9[%dma_wait3A_329, %dma_wait3A_330] : memref<256x64xf32, #tpu.memory_space<vmem>> -> memref<128x64xf32, #tpu.memory_space<vmem>>
    %dma_wait3A_332 = arith.constant 1536 : i32
    %dma_wait3A_333 = tpu.memref_slice %arg7[%dma_wait3A_332] : memref<2048xi32, #tpu.memory_space<vmem>> -> memref<128xi32, #tpu.memory_space<vmem>>
    %dma_wait3A_334 = arith.constant 0 : i32
    %dma_wait3A_335 = arith.constant 0 : i32
    %dma_wait3A_336 = tpu.memref_slice %arg3[%dma_wait3A_334, %dma_wait3A_335] : memref<2000000x64xf32, #tpu.memory_space<hbm>> -> memref<2000000x64xf32, #tpu.memory_space<hbm>>
    tpu.wait_indirect_dma semaphore(%arg13 : memref<!tpu.dma_semaphore, #tpu.memory_space<semaphore_mem>>) src(%dma_wait3A_336 : memref<2000000x64xf32, #tpu.memory_space<hbm>>) dst(%dma_wait3A_331 : memref<128x64xf32, #tpu.memory_space<vmem>>)
    %dma_wait3A_337 = arith.constant 128 : i32
    %dma_wait3A_338 = arith.constant 0 : i32
    %dma_wait3A_339 = tpu.memref_slice %arg9[%dma_wait3A_337, %dma_wait3A_338] : memref<256x64xf32, #tpu.memory_space<vmem>> -> memref<128x64xf32, #tpu.memory_space<vmem>>
    %dma_wait3A_340 = arith.constant 1664 : i32
    %dma_wait3A_341 = tpu.memref_slice %arg7[%dma_wait3A_340] : memref<2048xi32, #tpu.memory_space<vmem>> -> memref<128xi32, #tpu.memory_space<vmem>>
    %dma_wait3A_342 = arith.constant 0 : i32
    %dma_wait3A_343 = arith.constant 0 : i32
    %dma_wait3A_344 = tpu.memref_slice %arg3[%dma_wait3A_342, %dma_wait3A_343] : memref<2000000x64xf32, #tpu.memory_space<hbm>> -> memref<2000000x64xf32, #tpu.memory_space<hbm>>
    tpu.wait_indirect_dma semaphore(%arg13 : memref<!tpu.dma_semaphore, #tpu.memory_space<semaphore_mem>>) src(%dma_wait3A_344 : memref<2000000x64xf32, #tpu.memory_space<hbm>>) dst(%dma_wait3A_339 : memref<128x64xf32, #tpu.memory_space<vmem>>)
    %scan3A_345 = arith.constant 0 : i32
    %scan3A_346 = arith.constant 0 : i32
    %scan3A_347 = arith.constant 16 : i32
    %scan3A_348 = arith.addi %scan3A_346, %scan3A_347 : i32
    %scan3A_349 = arith.constant 1 : i32
    %scan3A_350 = scf.for %scan3A_419 = %scan3A_346 to %scan3A_348 step %scan3A_349 iter_args(%scan3A_420 = %scan3A_345) -> (i32)  : i32 {
      %add3A_421 = arith.constant 96 : i32
      %add3A_422 = arith.addi %add3A_421, %scan3A_419 : i32
      %get3A = arith.index_cast %add3A_422 : i32 to index
      %get3A_423 = arith.constant 0 : index
      %get3A_424 = tpu.vector_load %arg8[%get3A, %get3A_423] {strides = array<i32>} : memref<128x64xf32, #tpu.memory_space<vmem>>, vector<16xf32>,
      %mul3A_425 = arith.constant 16 : i32
      %mul3A_426 = arith.muli %scan3A_419, %mul3A_425 : i32
      %add3A_427 = arith.constant 0 : i32
      %add3A_428 = arith.addi %mul3A_426, %add3A_427 : i32
      %swap3A = arith.index_cast %add3A_428 : i32 to index
      %swap3A_429 = arith.constant 0 : index
      %swap3A_430 = tpu.vector_load %arg9[%swap3A, %swap3A_429] {strides = array<i32>} : memref<256x64xf32, #tpu.memory_space<vmem>>, vector<16xf32>,
      tpu.vector_store %arg9[%swap3A, %swap3A_429], %get3A_424 {add = true, strides = array<i32>} : memref<256x64xf32, #tpu.memory_space<vmem>>, vector<16xf32>,
      %mul3A_431 = arith.constant 16 : i32
      %mul3A_432 = arith.muli %scan3A_419, %mul3A_431 : i32
      %add3A_433 = arith.constant 1 : i32
      %add3A_434 = arith.addi %mul3A_432, %add3A_433 : i32
      %swap3A_435 = arith.index_cast %add3A_434 : i32 to index
      %swap3A_436 = arith.constant 0 : index
      %swap3A_437 = tpu.vector_load %arg9[%swap3A_435, %swap3A_436] {strides = array<i32>} : memref<256x64xf32, #tpu.memory_space<vmem>>, vector<16xf32>,
      tpu.vector_store %arg9[%swap3A_435, %swap3A_436], %get3A_424 {add = true, strides = array<i32>} : memref<256x64xf32, #tpu.memory_space<vmem>>, vector<16xf32>,
      %mul3A_438 = arith.constant 16 : i32
      %mul3A_439 = arith.muli %scan3A_419, %mul3A_438 : i32
      %add3A_440 = arith.constant 2 : i32
      %add3A_441 = arith.addi %mul3A_439, %add3A_440 : i32
      %swap3A_442 = arith.index_cast %add3A_441 : i32 to index
      %swap3A_443 = arith.constant 0 : index
      %swap3A_444 = tpu.vector_load %arg9[%swap3A_442, %swap3A_443] {strides = array<i32>} : memref<256x64xf32, #tpu.memory_space<vmem>>, vector<16xf32>,
      tpu.vector_store %arg9[%swap3A_442, %swap3A_443], %get3A_424 {add = true, strides = array<i32>} : memref<256x64xf32, #tpu.memory_space<vmem>>, vector<16xf32>,
      %mul3A_445 = arith.constant 16 : i32
      %mul3A_446 = arith.muli %scan3A_419, %mul3A_445 : i32
      %add3A_447 = arith.constant 3 : i32
      %add3A_448 = arith.addi %mul3A_446, %add3A_447 : i32
      %swap3A_449 = arith.index_cast %add3A_448 : i32 to index
      %swap3A_450 = arith.constant 0 : index
      %swap3A_451 = tpu.vector_load %arg9[%swap3A_449, %swap3A_450] {strides = array<i32>} : memref<256x64xf32, #tpu.memory_space<vmem>>, vector<16xf32>,
      tpu.vector_store %arg9[%swap3A_449, %swap3A_450], %get3A_424 {add = true, strides = array<i32>} : memref<256x64xf32, #tpu.memory_space<vmem>>, vector<16xf32>,
      %mul3A_452 = arith.constant 16 : i32
      %mul3A_453 = arith.muli %scan3A_419, %mul3A_452 : i32
      %add3A_454 = arith.constant 4 : i32
      %add3A_455 = arith.addi %mul3A_453, %add3A_454 : i32
      %swap3A_456 = arith.index_cast %add3A_455 : i32 to index
      %swap3A_457 = arith.constant 0 : index
      %swap3A_458 = tpu.vector_load %arg9[%swap3A_456, %swap3A_457] {strides = array<i32>} : memref<256x64xf32, #tpu.memory_space<vmem>>, vector<16xf32>,
      tpu.vector_store %arg9[%swap3A_456, %swap3A_457], %get3A_424 {add = true, strides = array<i32>} : memref<256x64xf32, #tpu.memory_space<vmem>>, vector<16xf32>,
      %mul3A_459 = arith.constant 16 : i32
      %mul3A_460 = arith.muli %scan3A_419, %mul3A_459 : i32
      %add3A_461 = arith.constant 5 : i32
      %add3A_462 = arith.addi %mul3A_460, %add3A_461 : i32
      %swap3A_463 = arith.index_cast %add3A_462 : i32 to index
      %swap3A_464 = arith.constant 0 : index
      %swap3A_465 = tpu.vector_load %arg9[%swap3A_463, %swap3A_464] {strides = array<i32>} : memref<256x64xf32, #tpu.memory_space<vmem>>, vector<16xf32>,
      tpu.vector_store %arg9[%swap3A_463, %swap3A_464], %get3A_424 {add = true, strides = array<i32>} : memref<256x64xf32, #tpu.memory_space<vmem>>, vector<16xf32>,
      %mul3A_466 = arith.constant 16 : i32
      %mul3A_467 = arith.muli %scan3A_419, %mul3A_466 : i32
      %add3A_468 = arith.constant 6 : i32
      %add3A_469 = arith.addi %mul3A_467, %add3A_468 : i32
      %swap3A_470 = arith.index_cast %add3A_469 : i32 to index
      %swap3A_471 = arith.constant 0 : index
      %swap3A_472 = tpu.vector_load %arg9[%swap3A_470, %swap3A_471] {strides = array<i32>} : memref<256x64xf32, #tpu.memory_space<vmem>>, vector<16xf32>,
      tpu.vector_store %arg9[%swap3A_470, %swap3A_471], %get3A_424 {add = true, strides = array<i32>} : memref<256x64xf32, #tpu.memory_space<vmem>>, vector<16xf32>,
      %mul3A_473 = arith.constant 16 : i32
      %mul3A_474 = arith.muli %scan3A_419, %mul3A_473 : i32
      %add3A_475 = arith.constant 7 : i32
      %add3A_476 = arith.addi %mul3A_474, %add3A_475 : i32
      %swap3A_477 = arith.index_cast %add3A_476 : i32 to index
      %swap3A_478 = arith.constant 0 : index
      %swap3A_479 = tpu.vector_load %arg9[%swap3A_477, %swap3A_478] {strides = array<i32>} : memref<256x64xf32, #tpu.memory_space<vmem>>, vector<16xf32>,
      tpu.vector_store %arg9[%swap3A_477, %swap3A_478], %get3A_424 {add = true, strides = array<i32>} : memref<256x64xf32, #tpu.memory_space<vmem>>, vector<16xf32>,
      %mul3A_480 = arith.constant 16 : i32
      %mul3A_481 = arith.muli %scan3A_419, %mul3A_480 : i32
      %add3A_482 = arith.constant 8 : i32
      %add3A_483 = arith.addi %mul3A_481, %add3A_482 : i32
      %swap3A_484 = arith.index_cast %add3A_483 : i32 to index
      %swap3A_485 = arith.constant 0 : index
      %swap3A_486 = tpu.vector_load %arg9[%swap3A_484, %swap3A_485] {strides = array<i32>} : memref<256x64xf32, #tpu.memory_space<vmem>>, vector<16xf32>,
      tpu.vector_store %arg9[%swap3A_484, %swap3A_485], %get3A_424 {add = true, strides = array<i32>} : memref<256x64xf32, #tpu.memory_space<vmem>>, vector<16xf32>,
      %mul3A_487 = arith.constant 16 : i32
      %mul3A_488 = arith.muli %scan3A_419, %mul3A_487 : i32
      %add3A_489 = arith.constant 9 : i32
      %add3A_490 = arith.addi %mul3A_488, %add3A_489 : i32
      %swap3A_491 = arith.index_cast %add3A_490 : i32 to index
      %swap3A_492 = arith.constant 0 : index
      %swap3A_493 = tpu.vector_load %arg9[%swap3A_491, %swap3A_492] {strides = array<i32>} : memref<256x64xf32, #tpu.memory_space<vmem>>, vector<16xf32>,
      tpu.vector_store %arg9[%swap3A_491, %swap3A_492], %get3A_424 {add = true, strides = array<i32>} : memref<256x64xf32, #tpu.memory_space<vmem>>, vector<16xf32>,
      %mul3A_494 = arith.constant 16 : i32
      %mul3A_495 = arith.muli %scan3A_419, %mul3A_494 : i32
      %add3A_496 = arith.constant 10 : i32
      %add3A_497 = arith.addi %mul3A_495, %add3A_496 : i32
      %swap3A_498 = arith.index_cast %add3A_497 : i32 to index
      %swap3A_499 = arith.constant 0 : index
      %swap3A_500 = tpu.vector_load %arg9[%swap3A_498, %swap3A_499] {strides = array<i32>} : memref<256x64xf32, #tpu.memory_space<vmem>>, vector<16xf32>,
      tpu.vector_store %arg9[%swap3A_498, %swap3A_499], %get3A_424 {add = true, strides = array<i32>} : memref<256x64xf32, #tpu.memory_space<vmem>>, vector<16xf32>,
      %mul3A_501 = arith.constant 16 : i32
      %mul3A_502 = arith.muli %scan3A_419, %mul3A_501 : i32
      %add3A_503 = arith.constant 11 : i32
      %add3A_504 = arith.addi %mul3A_502, %add3A_503 : i32
      %swap3A_505 = arith.index_cast %add3A_504 : i32 to index
      %swap3A_506 = arith.constant 0 : index
      %swap3A_507 = tpu.vector_load %arg9[%swap3A_505, %swap3A_506] {strides = array<i32>} : memref<256x64xf32, #tpu.memory_space<vmem>>, vector<16xf32>,
      tpu.vector_store %arg9[%swap3A_505, %swap3A_506], %get3A_424 {add = true, strides = array<i32>} : memref<256x64xf32, #tpu.memory_space<vmem>>, vector<16xf32>,
      %mul3A_508 = arith.constant 16 : i32
      %mul3A_509 = arith.muli %scan3A_419, %mul3A_508 : i32
      %add3A_510 = arith.constant 12 : i32
      %add3A_511 = arith.addi %mul3A_509, %add3A_510 : i32
      %swap3A_512 = arith.index_cast %add3A_511 : i32 to index
      %swap3A_513 = arith.constant 0 : index
      %swap3A_514 = tpu.vector_load %arg9[%swap3A_512, %swap3A_513] {strides = array<i32>} : memref<256x64xf32, #tpu.memory_space<vmem>>, vector<16xf32>,
      tpu.vector_store %arg9[%swap3A_512, %swap3A_513], %get3A_424 {add = true, strides = array<i32>} : memref<256x64xf32, #tpu.memory_space<vmem>>, vector<16xf32>,
      %mul3A_515 = arith.constant 16 : i32
      %mul3A_516 = arith.muli %scan3A_419, %mul3A_515 : i32
      %add3A_517 = arith.constant 13 : i32
      %add3A_518 = arith.addi %mul3A_516, %add3A_517 : i32
      %swap3A_519 = arith.index_cast %add3A_518 : i32 to index
      %swap3A_520 = arith.constant 0 : index
      %swap3A_521 = tpu.vector_load %arg9[%swap3A_519, %swap3A_520] {strides = array<i32>} : memref<256x64xf32, #tpu.memory_space<vmem>>, vector<16xf32>,
      tpu.vector_store %arg9[%swap3A_519, %swap3A_520], %get3A_424 {add = true, strides = array<i32>} : memref<256x64xf32, #tpu.memory_space<vmem>>, vector<16xf32>,
      %mul3A_522 = arith.constant 16 : i32
      %mul3A_523 = arith.muli %scan3A_419, %mul3A_522 : i32
      %add3A_524 = arith.constant 14 : i32
      %add3A_525 = arith.addi %mul3A_523, %add3A_524 : i32
      %swap3A_526 = arith.index_cast %add3A_525 : i32 to index
      %swap3A_527 = arith.constant 0 : index
      %swap3A_528 = tpu.vector_load %arg9[%swap3A_526, %swap3A_527] {strides = array<i32>} : memref<256x64xf32, #tpu.memory_space<vmem>>, vector<16xf32>,
      tpu.vector_store %arg9[%swap3A_526, %swap3A_527], %get3A_424 {add = true, strides = array<i32>} : memref<256x64xf32, #tpu.memory_space<vmem>>, vector<16xf32>,
      %mul3A_529 = arith.constant 16 : i32
      %mul3A_530 = arith.muli %scan3A_419, %mul3A_529 : i32
      %add3A_531 = arith.constant 15 : i32
      %add3A_532 = arith.addi %mul3A_530, %add3A_531 : i32
      %swap3A_533 = arith.index_cast %add3A_532 : i32 to index
      %swap3A_534 = arith.constant 0 : index
      %swap3A_535 = tpu.vector_load %arg9[%swap3A_533, %swap3A_534] {strides = array<i32>} : memref<256x64xf32, #tpu.memory_space<vmem>>, vector<16xf32>,
      tpu.vector_store %arg9[%swap3A_533, %swap3A_534], %get3A_424 {add = true, strides = array<i32>} : memref<256x64xf32, #tpu.memory_space<vmem>>, vector<16xf32>,
      %add3A_536 = arith.constant 96 : i32
      %add3A_537 = arith.addi %add3A_536, %scan3A_419 : i32
      %get3A_538 = arith.index_cast %add3A_537 : i32 to index
      %get3A_539 = arith.constant 16 : index
      %get3A_540 = tpu.vector_load %arg8[%get3A_538, %get3A_539] {strides = array<i32>} : memref<128x64xf32, #tpu.memory_space<vmem>>, vector<16xf32>,
      %mul3A_541 = arith.constant 16 : i32
      %mul3A_542 = arith.muli %scan3A_419, %mul3A_541 : i32
      %add3A_543 = arith.constant 0 : i32
      %add3A_544 = arith.addi %mul3A_542, %add3A_543 : i32
      %swap3A_545 = arith.index_cast %add3A_544 : i32 to index
      %swap3A_546 = arith.constant 16 : index
      %swap3A_547 = tpu.vector_load %arg9[%swap3A_545, %swap3A_546] {strides = array<i32>} : memref<256x64xf32, #tpu.memory_space<vmem>>, vector<16xf32>,
      tpu.vector_store %arg9[%swap3A_545, %swap3A_546], %get3A_540 {add = true, strides = array<i32>} : memref<256x64xf32, #tpu.memory_space<vmem>>, vector<16xf32>,
      %mul3A_548 = arith.constant 16 : i32
      %mul3A_549 = arith.muli %scan3A_419, %mul3A_548 : i32
      %add3A_550 = arith.constant 1 : i32
      %add3A_551 = arith.addi %mul3A_549, %add3A_550 : i32
      %swap3A_552 = arith.index_cast %add3A_551 : i32 to index
      %swap3A_553 = arith.constant 16 : index
      %swap3A_554 = tpu.vector_load %arg9[%swap3A_552, %swap3A_553] {strides = array<i32>} : memref<256x64xf32, #tpu.memory_space<vmem>>, vector<16xf32>,
      tpu.vector_store %arg9[%swap3A_552, %swap3A_553], %get3A_540 {add = true, strides = array<i32>} : memref<256x64xf32, #tpu.memory_space<vmem>>, vector<16xf32>,
      %mul3A_555 = arith.constant 16 : i32
      %mul3A_556 = arith.muli %scan3A_419, %mul3A_555 : i32
      %add3A_557 = arith.constant 2 : i32
      %add3A_558 = arith.addi %mul3A_556, %add3A_557 : i32
      %swap3A_559 = arith.index_cast %add3A_558 : i32 to index
      %swap3A_560 = arith.constant 16 : index
      %swap3A_561 = tpu.vector_load %arg9[%swap3A_559, %swap3A_560] {strides = array<i32>} : memref<256x64xf32, #tpu.memory_space<vmem>>, vector<16xf32>,
      tpu.vector_store %arg9[%swap3A_559, %swap3A_560], %get3A_540 {add = true, strides = array<i32>} : memref<256x64xf32, #tpu.memory_space<vmem>>, vector<16xf32>,
      %mul3A_562 = arith.constant 16 : i32
      %mul3A_563 = arith.muli %scan3A_419, %mul3A_562 : i32
      %add3A_564 = arith.constant 3 : i32
      %add3A_565 = arith.addi %mul3A_563, %add3A_564 : i32
      %swap3A_566 = arith.index_cast %add3A_565 : i32 to index
      %swap3A_567 = arith.constant 16 : index
      %swap3A_568 = tpu.vector_load %arg9[%swap3A_566, %swap3A_567] {strides = array<i32>} : memref<256x64xf32, #tpu.memory_space<vmem>>, vector<16xf32>,
      tpu.vector_store %arg9[%swap3A_566, %swap3A_567], %get3A_540 {add = true, strides = array<i32>} : memref<256x64xf32, #tpu.memory_space<vmem>>, vector<16xf32>,
      %mul3A_569 = arith.constant 16 : i32
      %mul3A_570 = arith.muli %scan3A_419, %mul3A_569 : i32
      %add3A_571 = arith.constant 4 : i32
      %add3A_572 = arith.addi %mul3A_570, %add3A_571 : i32
      %swap3A_573 = arith.index_cast %add3A_572 : i32 to index
      %swap3A_574 = arith.constant 16 : index
      %swap3A_575 = tpu.vector_load %arg9[%swap3A_573, %swap3A_574] {strides = array<i32>} : memref<256x64xf32, #tpu.memory_space<vmem>>, vector<16xf32>,
      tpu.vector_store %arg9[%swap3A_573, %swap3A_574], %get3A_540 {add = true, strides = array<i32>} : memref<256x64xf32, #tpu.memory_space<vmem>>, vector<16xf32>,
      %mul3A_576 = arith.constant 16 : i32
      %mul3A_577 = arith.muli %scan3A_419, %mul3A_576 : i32
      %add3A_578 = arith.constant 5 : i32
      %add3A_579 = arith.addi %mul3A_577, %add3A_578 : i32
      %swap3A_580 = arith.index_cast %add3A_579 : i32 to index
      %swap3A_581 = arith.constant 16 : index
      %swap3A_582 = tpu.vector_load %arg9[%swap3A_580, %swap3A_581] {strides = array<i32>} : memref<256x64xf32, #tpu.memory_space<vmem>>, vector<16xf32>,
      tpu.vector_store %arg9[%swap3A_580, %swap3A_581], %get3A_540 {add = true, strides = array<i32>} : memref<256x64xf32, #tpu.memory_space<vmem>>, vector<16xf32>,
      %mul3A_583 = arith.constant 16 : i32
      %mul3A_584 = arith.muli %scan3A_419, %mul3A_583 : i32
      %add3A_585 = arith.constant 6 : i32
      %add3A_586 = arith.addi %mul3A_584, %add3A_585 : i32
      %swap3A_587 = arith.index_cast %add3A_586 : i32 to index
      %swap3A_588 = arith.constant 16 : index
      %swap3A_589 = tpu.vector_load %arg9[%swap3A_587, %swap3A_588] {strides = array<i32>} : memref<256x64xf32, #tpu.memory_space<vmem>>, vector<16xf32>,
      tpu.vector_store %arg9[%swap3A_587, %swap3A_588], %get3A_540 {add = true, strides = array<i32>} : memref<256x64xf32, #tpu.memory_space<vmem>>, vector<16xf32>,
      %mul3A_590 = arith.constant 16 : i32
      %mul3A_591 = arith.muli %scan3A_419, %mul3A_590 : i32
      %add3A_592 = arith.constant 7 : i32
      %add3A_593 = arith.addi %mul3A_591, %add3A_592 : i32
      %swap3A_594 = arith.index_cast %add3A_593 : i32 to index
      %swap3A_595 = arith.constant 16 : index
      %swap3A_596 = tpu.vector_load %arg9[%swap3A_594, %swap3A_595] {strides = array<i32>} : memref<256x64xf32, #tpu.memory_space<vmem>>, vector<16xf32>,
      tpu.vector_store %arg9[%swap3A_594, %swap3A_595], %get3A_540 {add = true, strides = array<i32>} : memref<256x64xf32, #tpu.memory_space<vmem>>, vector<16xf32>,
      %mul3A_597 = arith.constant 16 : i32
      %mul3A_598 = arith.muli %scan3A_419, %mul3A_597 : i32
      %add3A_599 = arith.constant 8 : i32
      %add3A_600 = arith.addi %mul3A_598, %add3A_599 : i32
      %swap3A_601 = arith.index_cast %add3A_600 : i32 to index
      %swap3A_602 = arith.constant 16 : index
      %swap3A_603 = tpu.vector_load %arg9[%swap3A_601, %swap3A_602] {strides = array<i32>} : memref<256x64xf32, #tpu.memory_space<vmem>>, vector<16xf32>,
      tpu.vector_store %arg9[%swap3A_601, %swap3A_602], %get3A_540 {add = true, strides = array<i32>} : memref<256x64xf32, #tpu.memory_space<vmem>>, vector<16xf32>,
      %mul3A_604 = arith.constant 16 : i32
      %mul3A_605 = arith.muli %scan3A_419, %mul3A_604 : i32
      %add3A_606 = arith.constant 9 : i32
      %add3A_607 = arith.addi %mul3A_605, %add3A_606 : i32
      %swap3A_608 = arith.index_cast %add3A_607 : i32 to index
      %swap3A_609 = arith.constant 16 : index
      %swap3A_610 = tpu.vector_load %arg9[%swap3A_608, %swap3A_609] {strides = array<i32>} : memref<256x64xf32, #tpu.memory_space<vmem>>, vector<16xf32>,
      tpu.vector_store %arg9[%swap3A_608, %swap3A_609], %get3A_540 {add = true, strides = array<i32>} : memref<256x64xf32, #tpu.memory_space<vmem>>, vector<16xf32>,
      %mul3A_611 = arith.constant 16 : i32
      %mul3A_612 = arith.muli %scan3A_419, %mul3A_611 : i32
      %add3A_613 = arith.constant 10 : i32
      %add3A_614 = arith.addi %mul3A_612, %add3A_613 : i32
      %swap3A_615 = arith.index_cast %add3A_614 : i32 to index
      %swap3A_616 = arith.constant 16 : index
      %swap3A_617 = tpu.vector_load %arg9[%swap3A_615, %swap3A_616] {strides = array<i32>} : memref<256x64xf32, #tpu.memory_space<vmem>>, vector<16xf32>,
      tpu.vector_store %arg9[%swap3A_615, %swap3A_616], %get3A_540 {add = true, strides = array<i32>} : memref<256x64xf32, #tpu.memory_space<vmem>>, vector<16xf32>,
      %mul3A_618 = arith.constant 16 : i32
      %mul3A_619 = arith.muli %scan3A_419, %mul3A_618 : i32
      %add3A_620 = arith.constant 11 : i32
      %add3A_621 = arith.addi %mul3A_619, %add3A_620 : i32
      %swap3A_622 = arith.index_cast %add3A_621 : i32 to index
      %swap3A_623 = arith.constant 16 : index
      %swap3A_624 = tpu.vector_load %arg9[%swap3A_622, %swap3A_623] {strides = array<i32>} : memref<256x64xf32, #tpu.memory_space<vmem>>, vector<16xf32>,
      tpu.vector_store %arg9[%swap3A_622, %swap3A_623], %get3A_540 {add = true, strides = array<i32>} : memref<256x64xf32, #tpu.memory_space<vmem>>, vector<16xf32>,
      %mul3A_625 = arith.constant 16 : i32
      %mul3A_626 = arith.muli %scan3A_419, %mul3A_625 : i32
      %add3A_627 = arith.constant 12 : i32
      %add3A_628 = arith.addi %mul3A_626, %add3A_627 : i32
      %swap3A_629 = arith.index_cast %add3A_628 : i32 to index
      %swap3A_630 = arith.constant 16 : index
      %swap3A_631 = tpu.vector_load %arg9[%swap3A_629, %swap3A_630] {strides = array<i32>} : memref<256x64xf32, #tpu.memory_space<vmem>>, vector<16xf32>,
      tpu.vector_store %arg9[%swap3A_629, %swap3A_630], %get3A_540 {add = true, strides = array<i32>} : memref<256x64xf32, #tpu.memory_space<vmem>>, vector<16xf32>,
      %mul3A_632 = arith.constant 16 : i32
      %mul3A_633 = arith.muli %scan3A_419, %mul3A_632 : i32
      %add3A_634 = arith.constant 13 : i32
      %add3A_635 = arith.addi %mul3A_633, %add3A_634 : i32
      %swap3A_636 = arith.index_cast %add3A_635 : i32 to index
      %swap3A_637 = arith.constant 16 : index
      %swap3A_638 = tpu.vector_load %arg9[%swap3A_636, %swap3A_637] {strides = array<i32>} : memref<256x64xf32, #tpu.memory_space<vmem>>, vector<16xf32>,
      tpu.vector_store %arg9[%swap3A_636, %swap3A_637], %get3A_540 {add = true, strides = array<i32>} : memref<256x64xf32, #tpu.memory_space<vmem>>, vector<16xf32>,
      %mul3A_639 = arith.constant 16 : i32
      %mul3A_640 = arith.muli %scan3A_419, %mul3A_639 : i32
      %add3A_641 = arith.constant 14 : i32
      %add3A_642 = arith.addi %mul3A_640, %add3A_641 : i32
      %swap3A_643 = arith.index_cast %add3A_642 : i32 to index
      %swap3A_644 = arith.constant 16 : index
      %swap3A_645 = tpu.vector_load %arg9[%swap3A_643, %swap3A_644] {strides = array<i32>} : memref<256x64xf32, #tpu.memory_space<vmem>>, vector<16xf32>,
      tpu.vector_store %arg9[%swap3A_643, %swap3A_644], %get3A_540 {add = true, strides = array<i32>} : memref<256x64xf32, #tpu.memory_space<vmem>>, vector<16xf32>,
      %mul3A_646 = arith.constant 16 : i32
      %mul3A_647 = arith.muli %scan3A_419, %mul3A_646 : i32
      %add3A_648 = arith.constant 15 : i32
      %add3A_649 = arith.addi %mul3A_647, %add3A_648 : i32
      %swap3A_650 = arith.index_cast %add3A_649 : i32 to index
      %swap3A_651 = arith.constant 16 : index
      %swap3A_652 = tpu.vector_load %arg9[%swap3A_650, %swap3A_651] {strides = array<i32>} : memref<256x64xf32, #tpu.memory_space<vmem>>, vector<16xf32>,
      tpu.vector_store %arg9[%swap3A_650, %swap3A_651], %get3A_540 {add = true, strides = array<i32>} : memref<256x64xf32, #tpu.memory_space<vmem>>, vector<16xf32>,
      %add3A_653 = arith.constant 96 : i32
      %add3A_654 = arith.addi %add3A_653, %scan3A_419 : i32
      %get3A_655 = arith.index_cast %add3A_654 : i32 to index
      %get3A_656 = arith.constant 32 : index
      %get3A_657 = tpu.vector_load %arg8[%get3A_655, %get3A_656] {strides = array<i32>} : memref<128x64xf32, #tpu.memory_space<vmem>>, vector<16xf32>,
      %mul3A_658 = arith.constant 16 : i32
      %mul3A_659 = arith.muli %scan3A_419, %mul3A_658 : i32
      %add3A_660 = arith.constant 0 : i32
      %add3A_661 = arith.addi %mul3A_659, %add3A_660 : i32
      %swap3A_662 = arith.index_cast %add3A_661 : i32 to index
      %swap3A_663 = arith.constant 32 : index
      %swap3A_664 = tpu.vector_load %arg9[%swap3A_662, %swap3A_663] {strides = array<i32>} : memref<256x64xf32, #tpu.memory_space<vmem>>, vector<16xf32>,
      tpu.vector_store %arg9[%swap3A_662, %swap3A_663], %get3A_657 {add = true, strides = array<i32>} : memref<256x64xf32, #tpu.memory_space<vmem>>, vector<16xf32>,
      %mul3A_665 = arith.constant 16 : i32
      %mul3A_666 = arith.muli %scan3A_419, %mul3A_665 : i32
      %add3A_667 = arith.constant 1 : i32
      %add3A_668 = arith.addi %mul3A_666, %add3A_667 : i32
      %swap3A_669 = arith.index_cast %add3A_668 : i32 to index
      %swap3A_670 = arith.constant 32 : index
      %swap3A_671 = tpu.vector_load %arg9[%swap3A_669, %swap3A_670] {strides = array<i32>} : memref<256x64xf32, #tpu.memory_space<vmem>>, vector<16xf32>,
      tpu.vector_store %arg9[%swap3A_669, %swap3A_670], %get3A_657 {add = true, strides = array<i32>} : memref<256x64xf32, #tpu.memory_space<vmem>>, vector<16xf32>,
      %mul3A_672 = arith.constant 16 : i32
      %mul3A_673 = arith.muli %scan3A_419, %mul3A_672 : i32
      %add3A_674 = arith.constant 2 : i32
      %add3A_675 = arith.addi %mul3A_673, %add3A_674 : i32
      %swap3A_676 = arith.index_cast %add3A_675 : i32 to index
      %swap3A_677 = arith.constant 32 : index
      %swap3A_678 = tpu.vector_load %arg9[%swap3A_676, %swap3A_677] {strides = array<i32>} : memref<256x64xf32, #tpu.memory_space<vmem>>, vector<16xf32>,
      tpu.vector_store %arg9[%swap3A_676, %swap3A_677], %get3A_657 {add = true, strides = array<i32>} : memref<256x64xf32, #tpu.memory_space<vmem>>, vector<16xf32>,
      %mul3A_679 = arith.constant 16 : i32
      %mul3A_680 = arith.muli %scan3A_419, %mul3A_679 : i32
      %add3A_681 = arith.constant 3 : i32
      %add3A_682 = arith.addi %mul3A_680, %add3A_681 : i32
      %swap3A_683 = arith.index_cast %add3A_682 : i32 to index
      %swap3A_684 = arith.constant 32 : index
      %swap3A_685 = tpu.vector_load %arg9[%swap3A_683, %swap3A_684] {strides = array<i32>} : memref<256x64xf32, #tpu.memory_space<vmem>>, vector<16xf32>,
      tpu.vector_store %arg9[%swap3A_683, %swap3A_684], %get3A_657 {add = true, strides = array<i32>} : memref<256x64xf32, #tpu.memory_space<vmem>>, vector<16xf32>,
      %mul3A_686 = arith.constant 16 : i32
      %mul3A_687 = arith.muli %scan3A_419, %mul3A_686 : i32
      %add3A_688 = arith.constant 4 : i32
      %add3A_689 = arith.addi %mul3A_687, %add3A_688 : i32
      %swap3A_690 = arith.index_cast %add3A_689 : i32 to index
      %swap3A_691 = arith.constant 32 : index
      %swap3A_692 = tpu.vector_load %arg9[%swap3A_690, %swap3A_691] {strides = array<i32>} : memref<256x64xf32, #tpu.memory_space<vmem>>, vector<16xf32>,
      tpu.vector_store %arg9[%swap3A_690, %swap3A_691], %get3A_657 {add = true, strides = array<i32>} : memref<256x64xf32, #tpu.memory_space<vmem>>, vector<16xf32>,
      %mul3A_693 = arith.constant 16 : i32
      %mul3A_694 = arith.muli %scan3A_419, %mul3A_693 : i32
      %add3A_695 = arith.constant 5 : i32
      %add3A_696 = arith.addi %mul3A_694, %add3A_695 : i32
      %swap3A_697 = arith.index_cast %add3A_696 : i32 to index
      %swap3A_698 = arith.constant 32 : index
      %swap3A_699 = tpu.vector_load %arg9[%swap3A_697, %swap3A_698] {strides = array<i32>} : memref<256x64xf32, #tpu.memory_space<vmem>>, vector<16xf32>,
      tpu.vector_store %arg9[%swap3A_697, %swap3A_698], %get3A_657 {add = true, strides = array<i32>} : memref<256x64xf32, #tpu.memory_space<vmem>>, vector<16xf32>,
      %mul3A_700 = arith.constant 16 : i32
      %mul3A_701 = arith.muli %scan3A_419, %mul3A_700 : i32
      %add3A_702 = arith.constant 6 : i32
      %add3A_703 = arith.addi %mul3A_701, %add3A_702 : i32
      %swap3A_704 = arith.index_cast %add3A_703 : i32 to index
      %swap3A_705 = arith.constant 32 : index
      %swap3A_706 = tpu.vector_load %arg9[%swap3A_704, %swap3A_705] {strides = array<i32>} : memref<256x64xf32, #tpu.memory_space<vmem>>, vector<16xf32>,
      tpu.vector_store %arg9[%swap3A_704, %swap3A_705], %get3A_657 {add = true, strides = array<i32>} : memref<256x64xf32, #tpu.memory_space<vmem>>, vector<16xf32>,
      %mul3A_707 = arith.constant 16 : i32
      %mul3A_708 = arith.muli %scan3A_419, %mul3A_707 : i32
      %add3A_709 = arith.constant 7 : i32
      %add3A_710 = arith.addi %mul3A_708, %add3A_709 : i32
      %swap3A_711 = arith.index_cast %add3A_710 : i32 to index
      %swap3A_712 = arith.constant 32 : index
      %swap3A_713 = tpu.vector_load %arg9[%swap3A_711, %swap3A_712] {strides = array<i32>} : memref<256x64xf32, #tpu.memory_space<vmem>>, vector<16xf32>,
      tpu.vector_store %arg9[%swap3A_711, %swap3A_712], %get3A_657 {add = true, strides = array<i32>} : memref<256x64xf32, #tpu.memory_space<vmem>>, vector<16xf32>,
      %mul3A_714 = arith.constant 16 : i32
      %mul3A_715 = arith.muli %scan3A_419, %mul3A_714 : i32
      %add3A_716 = arith.constant 8 : i32
      %add3A_717 = arith.addi %mul3A_715, %add3A_716 : i32
      %swap3A_718 = arith.index_cast %add3A_717 : i32 to index
      %swap3A_719 = arith.constant 32 : index
      %swap3A_720 = tpu.vector_load %arg9[%swap3A_718, %swap3A_719] {strides = array<i32>} : memref<256x64xf32, #tpu.memory_space<vmem>>, vector<16xf32>,
      tpu.vector_store %arg9[%swap3A_718, %swap3A_719], %get3A_657 {add = true, strides = array<i32>} : memref<256x64xf32, #tpu.memory_space<vmem>>, vector<16xf32>,
      %mul3A_721 = arith.constant 16 : i32
      %mul3A_722 = arith.muli %scan3A_419, %mul3A_721 : i32
      %add3A_723 = arith.constant 9 : i32
      %add3A_724 = arith.addi %mul3A_722, %add3A_723 : i32
      %swap3A_725 = arith.index_cast %add3A_724 : i32 to index
      %swap3A_726 = arith.constant 32 : index
      %swap3A_727 = tpu.vector_load %arg9[%swap3A_725, %swap3A_726] {strides = array<i32>} : memref<256x64xf32, #tpu.memory_space<vmem>>, vector<16xf32>,
      tpu.vector_store %arg9[%swap3A_725, %swap3A_726], %get3A_657 {add = true, strides = array<i32>} : memref<256x64xf32, #tpu.memory_space<vmem>>, vector<16xf32>,
      %mul3A_728 = arith.constant 16 : i32
      %mul3A_729 = arith.muli %scan3A_419, %mul3A_728 : i32
      %add3A_730 = arith.constant 10 : i32
      %add3A_731 = arith.addi %mul3A_729, %add3A_730 : i32
      %swap3A_732 = arith.index_cast %add3A_731 : i32 to index
      %swap3A_733 = arith.constant 32 : index
      %swap3A_734 = tpu.vector_load %arg9[%swap3A_732, %swap3A_733] {strides = array<i32>} : memref<256x64xf32, #tpu.memory_space<vmem>>, vector<16xf32>,
      tpu.vector_store %arg9[%swap3A_732, %swap3A_733], %get3A_657 {add = true, strides = array<i32>} : memref<256x64xf32, #tpu.memory_space<vmem>>, vector<16xf32>,
      %mul3A_735 = arith.constant 16 : i32
      %mul3A_736 = arith.muli %scan3A_419, %mul3A_735 : i32
      %add3A_737 = arith.constant 11 : i32
      %add3A_738 = arith.addi %mul3A_736, %add3A_737 : i32
      %swap3A_739 = arith.index_cast %add3A_738 : i32 to index
      %swap3A_740 = arith.constant 32 : index
      %swap3A_741 = tpu.vector_load %arg9[%swap3A_739, %swap3A_740] {strides = array<i32>} : memref<256x64xf32, #tpu.memory_space<vmem>>, vector<16xf32>,
      tpu.vector_store %arg9[%swap3A_739, %swap3A_740], %get3A_657 {add = true, strides = array<i32>} : memref<256x64xf32, #tpu.memory_space<vmem>>, vector<16xf32>,
      %mul3A_742 = arith.constant 16 : i32
      %mul3A_743 = arith.muli %scan3A_419, %mul3A_742 : i32
      %add3A_744 = arith.constant 12 : i32
      %add3A_745 = arith.addi %mul3A_743, %add3A_744 : i32
      %swap3A_746 = arith.index_cast %add3A_745 : i32 to index
      %swap3A_747 = arith.constant 32 : index
      %swap3A_748 = tpu.vector_load %arg9[%swap3A_746, %swap3A_747] {strides = array<i32>} : memref<256x64xf32, #tpu.memory_space<vmem>>, vector<16xf32>,
      tpu.vector_store %arg9[%swap3A_746, %swap3A_747], %get3A_657 {add = true, strides = array<i32>} : memref<256x64xf32, #tpu.memory_space<vmem>>, vector<16xf32>,
      %mul3A_749 = arith.constant 16 : i32
      %mul3A_750 = arith.muli %scan3A_419, %mul3A_749 : i32
      %add3A_751 = arith.constant 13 : i32
      %add3A_752 = arith.addi %mul3A_750, %add3A_751 : i32
      %swap3A_753 = arith.index_cast %add3A_752 : i32 to index
      %swap3A_754 = arith.constant 32 : index
      %swap3A_755 = tpu.vector_load %arg9[%swap3A_753, %swap3A_754] {strides = array<i32>} : memref<256x64xf32, #tpu.memory_space<vmem>>, vector<16xf32>,
      tpu.vector_store %arg9[%swap3A_753, %swap3A_754], %get3A_657 {add = true, strides = array<i32>} : memref<256x64xf32, #tpu.memory_space<vmem>>, vector<16xf32>,
      %mul3A_756 = arith.constant 16 : i32
      %mul3A_757 = arith.muli %scan3A_419, %mul3A_756 : i32
      %add3A_758 = arith.constant 14 : i32
      %add3A_759 = arith.addi %mul3A_757, %add3A_758 : i32
      %swap3A_760 = arith.index_cast %add3A_759 : i32 to index
      %swap3A_761 = arith.constant 32 : index
      %swap3A_762 = tpu.vector_load %arg9[%swap3A_760, %swap3A_761] {strides = array<i32>} : memref<256x64xf32, #tpu.memory_space<vmem>>, vector<16xf32>,
      tpu.vector_store %arg9[%swap3A_760, %swap3A_761], %get3A_657 {add = true, strides = array<i32>} : memref<256x64xf32, #tpu.memory_space<vmem>>, vector<16xf32>,
      %mul3A_763 = arith.constant 16 : i32
      %mul3A_764 = arith.muli %scan3A_419, %mul3A_763 : i32
      %add3A_765 = arith.constant 15 : i32
      %add3A_766 = arith.addi %mul3A_764, %add3A_765 : i32
      %swap3A_767 = arith.index_cast %add3A_766 : i32 to index
      %swap3A_768 = arith.constant 32 : index
      %swap3A_769 = tpu.vector_load %arg9[%swap3A_767, %swap3A_768] {strides = array<i32>} : memref<256x64xf32, #tpu.memory_space<vmem>>, vector<16xf32>,
      tpu.vector_store %arg9[%swap3A_767, %swap3A_768], %get3A_657 {add = true, strides = array<i32>} : memref<256x64xf32, #tpu.memory_space<vmem>>, vector<16xf32>,
      %add3A_770 = arith.constant 96 : i32
      %add3A_771 = arith.addi %add3A_770, %scan3A_419 : i32
      %get3A_772 = arith.index_cast %add3A_771 : i32 to index
      %get3A_773 = arith.constant 48 : index
      %get3A_774 = tpu.vector_load %arg8[%get3A_772, %get3A_773] {strides = array<i32>} : memref<128x64xf32, #tpu.memory_space<vmem>>, vector<16xf32>,
      %mul3A_775 = arith.constant 16 : i32
      %mul3A_776 = arith.muli %scan3A_419, %mul3A_775 : i32
      %add3A_777 = arith.constant 0 : i32
      %add3A_778 = arith.addi %mul3A_776, %add3A_777 : i32
      %swap3A_779 = arith.index_cast %add3A_778 : i32 to index
      %swap3A_780 = arith.constant 48 : index
      %swap3A_781 = tpu.vector_load %arg9[%swap3A_779, %swap3A_780] {strides = array<i32>} : memref<256x64xf32, #tpu.memory_space<vmem>>, vector<16xf32>,
      tpu.vector_store %arg9[%swap3A_779, %swap3A_780], %get3A_774 {add = true, strides = array<i32>} : memref<256x64xf32, #tpu.memory_space<vmem>>, vector<16xf32>,
      %mul3A_782 = arith.constant 16 : i32
      %mul3A_783 = arith.muli %scan3A_419, %mul3A_782 : i32
      %add3A_784 = arith.constant 1 : i32
      %add3A_785 = arith.addi %mul3A_783, %add3A_784 : i32
      %swap3A_786 = arith.index_cast %add3A_785 : i32 to index
      %swap3A_787 = arith.constant 48 : index
      %swap3A_788 = tpu.vector_load %arg9[%swap3A_786, %swap3A_787] {strides = array<i32>} : memref<256x64xf32, #tpu.memory_space<vmem>>, vector<16xf32>,
      tpu.vector_store %arg9[%swap3A_786, %swap3A_787], %get3A_774 {add = true, strides = array<i32>} : memref<256x64xf32, #tpu.memory_space<vmem>>, vector<16xf32>,
      %mul3A_789 = arith.constant 16 : i32
      %mul3A_790 = arith.muli %scan3A_419, %mul3A_789 : i32
      %add3A_791 = arith.constant 2 : i32
      %add3A_792 = arith.addi %mul3A_790, %add3A_791 : i32
      %swap3A_793 = arith.index_cast %add3A_792 : i32 to index
      %swap3A_794 = arith.constant 48 : index
      %swap3A_795 = tpu.vector_load %arg9[%swap3A_793, %swap3A_794] {strides = array<i32>} : memref<256x64xf32, #tpu.memory_space<vmem>>, vector<16xf32>,
      tpu.vector_store %arg9[%swap3A_793, %swap3A_794], %get3A_774 {add = true, strides = array<i32>} : memref<256x64xf32, #tpu.memory_space<vmem>>, vector<16xf32>,
      %mul3A_796 = arith.constant 16 : i32
      %mul3A_797 = arith.muli %scan3A_419, %mul3A_796 : i32
      %add3A_798 = arith.constant 3 : i32
      %add3A_799 = arith.addi %mul3A_797, %add3A_798 : i32
      %swap3A_800 = arith.index_cast %add3A_799 : i32 to index
      %swap3A_801 = arith.constant 48 : index
      %swap3A_802 = tpu.vector_load %arg9[%swap3A_800, %swap3A_801] {strides = array<i32>} : memref<256x64xf32, #tpu.memory_space<vmem>>, vector<16xf32>,
      tpu.vector_store %arg9[%swap3A_800, %swap3A_801], %get3A_774 {add = true, strides = array<i32>} : memref<256x64xf32, #tpu.memory_space<vmem>>, vector<16xf32>,
      %mul3A_803 = arith.constant 16 : i32
      %mul3A_804 = arith.muli %scan3A_419, %mul3A_803 : i32
      %add3A_805 = arith.constant 4 : i32
      %add3A_806 = arith.addi %mul3A_804, %add3A_805 : i32
      %swap3A_807 = arith.index_cast %add3A_806 : i32 to index
      %swap3A_808 = arith.constant 48 : index
      %swap3A_809 = tpu.vector_load %arg9[%swap3A_807, %swap3A_808] {strides = array<i32>} : memref<256x64xf32, #tpu.memory_space<vmem>>, vector<16xf32>,
      tpu.vector_store %arg9[%swap3A_807, %swap3A_808], %get3A_774 {add = true, strides = array<i32>} : memref<256x64xf32, #tpu.memory_space<vmem>>, vector<16xf32>,
      %mul3A_810 = arith.constant 16 : i32
      %mul3A_811 = arith.muli %scan3A_419, %mul3A_810 : i32
      %add3A_812 = arith.constant 5 : i32
      %add3A_813 = arith.addi %mul3A_811, %add3A_812 : i32
      %swap3A_814 = arith.index_cast %add3A_813 : i32 to index
      %swap3A_815 = arith.constant 48 : index
      %swap3A_816 = tpu.vector_load %arg9[%swap3A_814, %swap3A_815] {strides = array<i32>} : memref<256x64xf32, #tpu.memory_space<vmem>>, vector<16xf32>,
      tpu.vector_store %arg9[%swap3A_814, %swap3A_815], %get3A_774 {add = true, strides = array<i32>} : memref<256x64xf32, #tpu.memory_space<vmem>>, vector<16xf32>,
      %mul3A_817 = arith.constant 16 : i32
      %mul3A_818 = arith.muli %scan3A_419, %mul3A_817 : i32
      %add3A_819 = arith.constant 6 : i32
      %add3A_820 = arith.addi %mul3A_818, %add3A_819 : i32
      %swap3A_821 = arith.index_cast %add3A_820 : i32 to index
      %swap3A_822 = arith.constant 48 : index
      %swap3A_823 = tpu.vector_load %arg9[%swap3A_821, %swap3A_822] {strides = array<i32>} : memref<256x64xf32, #tpu.memory_space<vmem>>, vector<16xf32>,
      tpu.vector_store %arg9[%swap3A_821, %swap3A_822], %get3A_774 {add = true, strides = array<i32>} : memref<256x64xf32, #tpu.memory_space<vmem>>, vector<16xf32>,
      %mul3A_824 = arith.constant 16 : i32
      %mul3A_825 = arith.muli %scan3A_419, %mul3A_824 : i32
      %add3A_826 = arith.constant 7 : i32
      %add3A_827 = arith.addi %mul3A_825, %add3A_826 : i32
      %swap3A_828 = arith.index_cast %add3A_827 : i32 to index
      %swap3A_829 = arith.constant 48 : index
      %swap3A_830 = tpu.vector_load %arg9[%swap3A_828, %swap3A_829] {strides = array<i32>} : memref<256x64xf32, #tpu.memory_space<vmem>>, vector<16xf32>,
      tpu.vector_store %arg9[%swap3A_828, %swap3A_829], %get3A_774 {add = true, strides = array<i32>} : memref<256x64xf32, #tpu.memory_space<vmem>>, vector<16xf32>,
      %mul3A_831 = arith.constant 16 : i32
      %mul3A_832 = arith.muli %scan3A_419, %mul3A_831 : i32
      %add3A_833 = arith.constant 8 : i32
      %add3A_834 = arith.addi %mul3A_832, %add3A_833 : i32
      %swap3A_835 = arith.index_cast %add3A_834 : i32 to index
      %swap3A_836 = arith.constant 48 : index
      %swap3A_837 = tpu.vector_load %arg9[%swap3A_835, %swap3A_836] {strides = array<i32>} : memref<256x64xf32, #tpu.memory_space<vmem>>, vector<16xf32>,
      tpu.vector_store %arg9[%swap3A_835, %swap3A_836], %get3A_774 {add = true, strides = array<i32>} : memref<256x64xf32, #tpu.memory_space<vmem>>, vector<16xf32>,
      %mul3A_838 = arith.constant 16 : i32
      %mul3A_839 = arith.muli %scan3A_419, %mul3A_838 : i32
      %add3A_840 = arith.constant 9 : i32
      %add3A_841 = arith.addi %mul3A_839, %add3A_840 : i32
      %swap3A_842 = arith.index_cast %add3A_841 : i32 to index
      %swap3A_843 = arith.constant 48 : index
      %swap3A_844 = tpu.vector_load %arg9[%swap3A_842, %swap3A_843] {strides = array<i32>} : memref<256x64xf32, #tpu.memory_space<vmem>>, vector<16xf32>,
      tpu.vector_store %arg9[%swap3A_842, %swap3A_843], %get3A_774 {add = true, strides = array<i32>} : memref<256x64xf32, #tpu.memory_space<vmem>>, vector<16xf32>,
      %mul3A_845 = arith.constant 16 : i32
      %mul3A_846 = arith.muli %scan3A_419, %mul3A_845 : i32
      %add3A_847 = arith.constant 10 : i32
      %add3A_848 = arith.addi %mul3A_846, %add3A_847 : i32
      %swap3A_849 = arith.index_cast %add3A_848 : i32 to index
      %swap3A_850 = arith.constant 48 : index
      %swap3A_851 = tpu.vector_load %arg9[%swap3A_849, %swap3A_850] {strides = array<i32>} : memref<256x64xf32, #tpu.memory_space<vmem>>, vector<16xf32>,
      tpu.vector_store %arg9[%swap3A_849, %swap3A_850], %get3A_774 {add = true, strides = array<i32>} : memref<256x64xf32, #tpu.memory_space<vmem>>, vector<16xf32>,
      %mul3A_852 = arith.constant 16 : i32
      %mul3A_853 = arith.muli %scan3A_419, %mul3A_852 : i32
      %add3A_854 = arith.constant 11 : i32
      %add3A_855 = arith.addi %mul3A_853, %add3A_854 : i32
      %swap3A_856 = arith.index_cast %add3A_855 : i32 to index
      %swap3A_857 = arith.constant 48 : index
      %swap3A_858 = tpu.vector_load %arg9[%swap3A_856, %swap3A_857] {strides = array<i32>} : memref<256x64xf32, #tpu.memory_space<vmem>>, vector<16xf32>,
      tpu.vector_store %arg9[%swap3A_856, %swap3A_857], %get3A_774 {add = true, strides = array<i32>} : memref<256x64xf32, #tpu.memory_space<vmem>>, vector<16xf32>,
      %mul3A_859 = arith.constant 16 : i32
      %mul3A_860 = arith.muli %scan3A_419, %mul3A_859 : i32
      %add3A_861 = arith.constant 12 : i32
      %add3A_862 = arith.addi %mul3A_860, %add3A_861 : i32
      %swap3A_863 = arith.index_cast %add3A_862 : i32 to index
      %swap3A_864 = arith.constant 48 : index
      %swap3A_865 = tpu.vector_load %arg9[%swap3A_863, %swap3A_864] {strides = array<i32>} : memref<256x64xf32, #tpu.memory_space<vmem>>, vector<16xf32>,
      tpu.vector_store %arg9[%swap3A_863, %swap3A_864], %get3A_774 {add = true, strides = array<i32>} : memref<256x64xf32, #tpu.memory_space<vmem>>, vector<16xf32>,
      %mul3A_866 = arith.constant 16 : i32
      %mul3A_867 = arith.muli %scan3A_419, %mul3A_866 : i32
      %add3A_868 = arith.constant 13 : i32
      %add3A_869 = arith.addi %mul3A_867, %add3A_868 : i32
      %swap3A_870 = arith.index_cast %add3A_869 : i32 to index
      %swap3A_871 = arith.constant 48 : index
      %swap3A_872 = tpu.vector_load %arg9[%swap3A_870, %swap3A_871] {strides = array<i32>} : memref<256x64xf32, #tpu.memory_space<vmem>>, vector<16xf32>,
      tpu.vector_store %arg9[%swap3A_870, %swap3A_871], %get3A_774 {add = true, strides = array<i32>} : memref<256x64xf32, #tpu.memory_space<vmem>>, vector<16xf32>,
      %mul3A_873 = arith.constant 16 : i32
      %mul3A_874 = arith.muli %scan3A_419, %mul3A_873 : i32
      %add3A_875 = arith.constant 14 : i32
      %add3A_876 = arith.addi %mul3A_874, %add3A_875 : i32
      %swap3A_877 = arith.index_cast %add3A_876 : i32 to index
      %swap3A_878 = arith.constant 48 : index
      %swap3A_879 = tpu.vector_load %arg9[%swap3A_877, %swap3A_878] {strides = array<i32>} : memref<256x64xf32, #tpu.memory_space<vmem>>, vector<16xf32>,
      tpu.vector_store %arg9[%swap3A_877, %swap3A_878], %get3A_774 {add = true, strides = array<i32>} : memref<256x64xf32, #tpu.memory_space<vmem>>, vector<16xf32>,
      %mul3A_880 = arith.constant 16 : i32
      %mul3A_881 = arith.muli %scan3A_419, %mul3A_880 : i32
      %add3A_882 = arith.constant 15 : i32
      %add3A_883 = arith.addi %mul3A_881, %add3A_882 : i32
      %swap3A_884 = arith.index_cast %add3A_883 : i32 to index
      %swap3A_885 = arith.constant 48 : index
      %swap3A_886 = tpu.vector_load %arg9[%swap3A_884, %swap3A_885] {strides = array<i32>} : memref<256x64xf32, #tpu.memory_space<vmem>>, vector<16xf32>,
      tpu.vector_store %arg9[%swap3A_884, %swap3A_885], %get3A_774 {add = true, strides = array<i32>} : memref<256x64xf32, #tpu.memory_space<vmem>>, vector<16xf32>,
      %scan3A_887 = arith.constant 0 : i32
      scf.yield %scan3A_887 : i32
    }
    %scan3A_351 = arith.constant 16 : i32
    %add3A_352 = arith.constant 256 : i32
    %add3A_353 = arith.addi %add3A_352, %mul3A_2 : i32
    %add3A_354 = arith.constant 1536 : i32
    %add3A_355 = arith.addi %add3A_353, %add3A_354 : i32
    %dma_start3A_356 = arith.constant 0 : i32
    %dma_start3A_357 = tpu.memref_slice %arg6[%add3A_355, %dma_start3A_356] : memref<65792x64xf32, #tpu.memory_space<hbm>> -> memref<256x64xf32, #tpu.memory_space<hbm>>
    %dma_start3A_358 = arith.constant 0 : i32
    %dma_start3A_359 = tpu.memref_slice %arg6[%add3A_355, %dma_start3A_358] : memref<65792x64xf32, #tpu.memory_space<hbm>> -> memref<256x64xf32, #tpu.memory_space<hbm>>
    tpu.enqueue_dma source(%arg9 : memref<256x64xf32, #tpu.memory_space<vmem>>) target(%dma_start3A_359 : memref<256x64xf32, #tpu.memory_space<hbm>>) target_semaphore(%arg15 : memref<!tpu.dma_semaphore, #tpu.memory_space<semaphore_mem>>)
    %dma_wait3A_360 = arith.constant 0 : i32
    %dma_wait3A_361 = tpu.memref_slice %arg6[%add3A_304, %dma_wait3A_360] : memref<65792x64xf32, #tpu.memory_space<hbm>> -> memref<256x64xf32, #tpu.memory_space<hbm>>
    %dma_wait3A_362 = arith.constant 0 : i32
    %dma_wait3A_363 = tpu.memref_slice %arg6[%add3A_304, %dma_wait3A_362] : memref<65792x64xf32, #tpu.memory_space<hbm>> -> memref<256x64xf32, #tpu.memory_space<hbm>>
    tpu.wait_dma2 semaphore(%arg16 : memref<!tpu.dma_semaphore, #tpu.memory_space<semaphore_mem>>) src(%arg10 : memref<256x64xf32, #tpu.memory_space<vmem>>) dst(%dma_wait3A_363 : memref<256x64xf32, #tpu.memory_space<hbm>>)
    %dma_start3A_364 = arith.constant 0 : i32
    %dma_start3A_365 = arith.constant 0 : i32
    %dma_start3A_366 = tpu.memref_slice %arg10[%dma_start3A_364, %dma_start3A_365] : memref<256x64xf32, #tpu.memory_space<vmem>> -> memref<128x64xf32, #tpu.memory_space<vmem>>
    %dma_start3A_367 = arith.constant 1792 : i32
    %dma_start3A_368 = tpu.memref_slice %arg7[%dma_start3A_367] : memref<2048xi32, #tpu.memory_space<vmem>> -> memref<128xi32, #tpu.memory_space<vmem>>
    %dma_start3A_369 = arith.constant 0 : i32
    %dma_start3A_370 = arith.constant 0 : i32
    %dma_start3A_371 = tpu.memref_slice %arg3[%dma_start3A_369, %dma_start3A_370] : memref<2000000x64xf32, #tpu.memory_space<hbm>> -> memref<2000000x64xf32, #tpu.memory_space<hbm>>
    tpu.enqueue_indirect_dma source(%dma_start3A_371 : memref<2000000x64xf32, #tpu.memory_space<hbm>>) target(%dma_start3A_366 : memref<128x64xf32, #tpu.memory_space<vmem>>) offsets(%dma_start3A_368 : memref<128xi32, #tpu.memory_space<vmem>>) semaphore(%arg14 : memref<!tpu.dma_semaphore, #tpu.memory_space<semaphore_mem>>)
    %dma_start3A_372 = arith.constant 128 : i32
    %dma_start3A_373 = arith.constant 0 : i32
    %dma_start3A_374 = tpu.memref_slice %arg10[%dma_start3A_372, %dma_start3A_373] : memref<256x64xf32, #tpu.memory_space<vmem>> -> memref<128x64xf32, #tpu.memory_space<vmem>>
    %dma_start3A_375 = arith.constant 1920 : i32
    %dma_start3A_376 = tpu.memref_slice %arg7[%dma_start3A_375] : memref<2048xi32, #tpu.memory_space<vmem>> -> memref<128xi32, #tpu.memory_space<vmem>>
    %dma_start3A_377 = arith.constant 0 : i32
    %dma_start3A_378 = arith.constant 0 : i32
    %dma_start3A_379 = tpu.memref_slice %arg3[%dma_start3A_377, %dma_start3A_378] : memref<2000000x64xf32, #tpu.memory_space<hbm>> -> memref<2000000x64xf32, #tpu.memory_space<hbm>>
    tpu.enqueue_indirect_dma source(%dma_start3A_379 : memref<2000000x64xf32, #tpu.memory_space<hbm>>) target(%dma_start3A_374 : memref<128x64xf32, #tpu.memory_space<vmem>>) offsets(%dma_start3A_376 : memref<128xi32, #tpu.memory_space<vmem>>) semaphore(%arg14 : memref<!tpu.dma_semaphore, #tpu.memory_space<semaphore_mem>>)
    %dma_wait3A_380 = arith.constant 0 : i32
    %dma_wait3A_381 = arith.constant 0 : i32
    %dma_wait3A_382 = tpu.memref_slice %arg10[%dma_wait3A_380, %dma_wait3A_381] : memref<256x64xf32, #tpu.memory_space<vmem>> -> memref<128x64xf32, #tpu.memory_space<vmem>>
    %dma_wait3A_383 = arith.constant 1792 : i32
    %dma_wait3A_384 = tpu.memref_slice %arg7[%dma_wait3A_383] : memref<2048xi32, #tpu.memory_space<vmem>> -> memref<128xi32, #tpu.memory_space<vmem>>
    %dma_wait3A_385 = arith.constant 0 : i32
    %dma_wait3A_386 = arith.constant 0 : i32
    %dma_wait3A_387 = tpu.memref_slice %arg3[%dma_wait3A_385, %dma_wait3A_386] : memref<2000000x64xf32, #tpu.memory_space<hbm>> -> memref<2000000x64xf32, #tpu.memory_space<hbm>>
    tpu.wait_indirect_dma semaphore(%arg14 : memref<!tpu.dma_semaphore, #tpu.memory_space<semaphore_mem>>) src(%dma_wait3A_387 : memref<2000000x64xf32, #tpu.memory_space<hbm>>) dst(%dma_wait3A_382 : memref<128x64xf32, #tpu.memory_space<vmem>>)
    %dma_wait3A_388 = arith.constant 128 : i32
    %dma_wait3A_389 = arith.constant 0 : i32
    %dma_wait3A_390 = tpu.memref_slice %arg10[%dma_wait3A_388, %dma_wait3A_389] : memref<256x64xf32, #tpu.memory_space<vmem>> -> memref<128x64xf32, #tpu.memory_space<vmem>>
    %dma_wait3A_391 = arith.constant 1920 : i32
    %dma_wait3A_392 = tpu.memref_slice %arg7[%dma_wait3A_391] : memref<2048xi32, #tpu.memory_space<vmem>> -> memref<128xi32, #tpu.memory_space<vmem>>
    %dma_wait3A_393 = arith.constant 0 : i32
    %dma_wait3A_394 = arith.constant 0 : i32
    %dma_wait3A_395 = tpu.memref_slice %arg3[%dma_wait3A_393, %dma_wait3A_394] : memref<2000000x64xf32, #tpu.memory_space<hbm>> -> memref<2000000x64xf32, #tpu.memory_space<hbm>>
    tpu.wait_indirect_dma semaphore(%arg14 : memref<!tpu.dma_semaphore, #tpu.memory_space<semaphore_mem>>) src(%dma_wait3A_395 : memref<2000000x64xf32, #tpu.memory_space<hbm>>) dst(%dma_wait3A_390 : memref<128x64xf32, #tpu.memory_space<vmem>>)
    %scan3A_396 = arith.constant 0 : i32
    %scan3A_397 = arith.constant 0 : i32
    %scan3A_398 = arith.constant 16 : i32
    %scan3A_399 = arith.addi %scan3A_397, %scan3A_398 : i32
    %scan3A_400 = arith.constant 1 : i32
    %scan3A_401 = scf.for %scan3A_419 = %scan3A_397 to %scan3A_399 step %scan3A_400 iter_args(%scan3A_420 = %scan3A_396) -> (i32)  : i32 {
      %add3A_421 = arith.constant 112 : i32
      %add3A_422 = arith.addi %add3A_421, %scan3A_419 : i32
      %get3A = arith.index_cast %add3A_422 : i32 to index
      %get3A_423 = arith.constant 0 : index
      %get3A_424 = tpu.vector_load %arg8[%get3A, %get3A_423] {strides = array<i32>} : memref<128x64xf32, #tpu.memory_space<vmem>>, vector<16xf32>,
      %mul3A_425 = arith.constant 16 : i32
      %mul3A_426 = arith.muli %scan3A_419, %mul3A_425 : i32
      %add3A_427 = arith.constant 0 : i32
      %add3A_428 = arith.addi %mul3A_426, %add3A_427 : i32
      %swap3A = arith.index_cast %add3A_428 : i32 to index
      %swap3A_429 = arith.constant 0 : index
      %swap3A_430 = tpu.vector_load %arg10[%swap3A, %swap3A_429] {strides = array<i32>} : memref<256x64xf32, #tpu.memory_space<vmem>>, vector<16xf32>,
      tpu.vector_store %arg10[%swap3A, %swap3A_429], %get3A_424 {add = true, strides = array<i32>} : memref<256x64xf32, #tpu.memory_space<vmem>>, vector<16xf32>,
      %mul3A_431 = arith.constant 16 : i32
      %mul3A_432 = arith.muli %scan3A_419, %mul3A_431 : i32
      %add3A_433 = arith.constant 1 : i32
      %add3A_434 = arith.addi %mul3A_432, %add3A_433 : i32
      %swap3A_435 = arith.index_cast %add3A_434 : i32 to index
      %swap3A_436 = arith.constant 0 : index
      %swap3A_437 = tpu.vector_load %arg10[%swap3A_435, %swap3A_436] {strides = array<i32>} : memref<256x64xf32, #tpu.memory_space<vmem>>, vector<16xf32>,
      tpu.vector_store %arg10[%swap3A_435, %swap3A_436], %get3A_424 {add = true, strides = array<i32>} : memref<256x64xf32, #tpu.memory_space<vmem>>, vector<16xf32>,
      %mul3A_438 = arith.constant 16 : i32
      %mul3A_439 = arith.muli %scan3A_419, %mul3A_438 : i32
      %add3A_440 = arith.constant 2 : i32
      %add3A_441 = arith.addi %mul3A_439, %add3A_440 : i32
      %swap3A_442 = arith.index_cast %add3A_441 : i32 to index
      %swap3A_443 = arith.constant 0 : index
      %swap3A_444 = tpu.vector_load %arg10[%swap3A_442, %swap3A_443] {strides = array<i32>} : memref<256x64xf32, #tpu.memory_space<vmem>>, vector<16xf32>,
      tpu.vector_store %arg10[%swap3A_442, %swap3A_443], %get3A_424 {add = true, strides = array<i32>} : memref<256x64xf32, #tpu.memory_space<vmem>>, vector<16xf32>,
      %mul3A_445 = arith.constant 16 : i32
      %mul3A_446 = arith.muli %scan3A_419, %mul3A_445 : i32
      %add3A_447 = arith.constant 3 : i32
      %add3A_448 = arith.addi %mul3A_446, %add3A_447 : i32
      %swap3A_449 = arith.index_cast %add3A_448 : i32 to index
      %swap3A_450 = arith.constant 0 : index
      %swap3A_451 = tpu.vector_load %arg10[%swap3A_449, %swap3A_450] {strides = array<i32>} : memref<256x64xf32, #tpu.memory_space<vmem>>, vector<16xf32>,
      tpu.vector_store %arg10[%swap3A_449, %swap3A_450], %get3A_424 {add = true, strides = array<i32>} : memref<256x64xf32, #tpu.memory_space<vmem>>, vector<16xf32>,
      %mul3A_452 = arith.constant 16 : i32
      %mul3A_453 = arith.muli %scan3A_419, %mul3A_452 : i32
      %add3A_454 = arith.constant 4 : i32
      %add3A_455 = arith.addi %mul3A_453, %add3A_454 : i32
      %swap3A_456 = arith.index_cast %add3A_455 : i32 to index
      %swap3A_457 = arith.constant 0 : index
      %swap3A_458 = tpu.vector_load %arg10[%swap3A_456, %swap3A_457] {strides = array<i32>} : memref<256x64xf32, #tpu.memory_space<vmem>>, vector<16xf32>,
      tpu.vector_store %arg10[%swap3A_456, %swap3A_457], %get3A_424 {add = true, strides = array<i32>} : memref<256x64xf32, #tpu.memory_space<vmem>>, vector<16xf32>,
      %mul3A_459 = arith.constant 16 : i32
      %mul3A_460 = arith.muli %scan3A_419, %mul3A_459 : i32
      %add3A_461 = arith.constant 5 : i32
      %add3A_462 = arith.addi %mul3A_460, %add3A_461 : i32
      %swap3A_463 = arith.index_cast %add3A_462 : i32 to index
      %swap3A_464 = arith.constant 0 : index
      %swap3A_465 = tpu.vector_load %arg10[%swap3A_463, %swap3A_464] {strides = array<i32>} : memref<256x64xf32, #tpu.memory_space<vmem>>, vector<16xf32>,
      tpu.vector_store %arg10[%swap3A_463, %swap3A_464], %get3A_424 {add = true, strides = array<i32>} : memref<256x64xf32, #tpu.memory_space<vmem>>, vector<16xf32>,
      %mul3A_466 = arith.constant 16 : i32
      %mul3A_467 = arith.muli %scan3A_419, %mul3A_466 : i32
      %add3A_468 = arith.constant 6 : i32
      %add3A_469 = arith.addi %mul3A_467, %add3A_468 : i32
      %swap3A_470 = arith.index_cast %add3A_469 : i32 to index
      %swap3A_471 = arith.constant 0 : index
      %swap3A_472 = tpu.vector_load %arg10[%swap3A_470, %swap3A_471] {strides = array<i32>} : memref<256x64xf32, #tpu.memory_space<vmem>>, vector<16xf32>,
      tpu.vector_store %arg10[%swap3A_470, %swap3A_471], %get3A_424 {add = true, strides = array<i32>} : memref<256x64xf32, #tpu.memory_space<vmem>>, vector<16xf32>,
      %mul3A_473 = arith.constant 16 : i32
      %mul3A_474 = arith.muli %scan3A_419, %mul3A_473 : i32
      %add3A_475 = arith.constant 7 : i32
      %add3A_476 = arith.addi %mul3A_474, %add3A_475 : i32
      %swap3A_477 = arith.index_cast %add3A_476 : i32 to index
      %swap3A_478 = arith.constant 0 : index
      %swap3A_479 = tpu.vector_load %arg10[%swap3A_477, %swap3A_478] {strides = array<i32>} : memref<256x64xf32, #tpu.memory_space<vmem>>, vector<16xf32>,
      tpu.vector_store %arg10[%swap3A_477, %swap3A_478], %get3A_424 {add = true, strides = array<i32>} : memref<256x64xf32, #tpu.memory_space<vmem>>, vector<16xf32>,
      %mul3A_480 = arith.constant 16 : i32
      %mul3A_481 = arith.muli %scan3A_419, %mul3A_480 : i32
      %add3A_482 = arith.constant 8 : i32
      %add3A_483 = arith.addi %mul3A_481, %add3A_482 : i32
      %swap3A_484 = arith.index_cast %add3A_483 : i32 to index
      %swap3A_485 = arith.constant 0 : index
      %swap3A_486 = tpu.vector_load %arg10[%swap3A_484, %swap3A_485] {strides = array<i32>} : memref<256x64xf32, #tpu.memory_space<vmem>>, vector<16xf32>,
      tpu.vector_store %arg10[%swap3A_484, %swap3A_485], %get3A_424 {add = true, strides = array<i32>} : memref<256x64xf32, #tpu.memory_space<vmem>>, vector<16xf32>,
      %mul3A_487 = arith.constant 16 : i32
      %mul3A_488 = arith.muli %scan3A_419, %mul3A_487 : i32
      %add3A_489 = arith.constant 9 : i32
      %add3A_490 = arith.addi %mul3A_488, %add3A_489 : i32
      %swap3A_491 = arith.index_cast %add3A_490 : i32 to index
      %swap3A_492 = arith.constant 0 : index
      %swap3A_493 = tpu.vector_load %arg10[%swap3A_491, %swap3A_492] {strides = array<i32>} : memref<256x64xf32, #tpu.memory_space<vmem>>, vector<16xf32>,
      tpu.vector_store %arg10[%swap3A_491, %swap3A_492], %get3A_424 {add = true, strides = array<i32>} : memref<256x64xf32, #tpu.memory_space<vmem>>, vector<16xf32>,
      %mul3A_494 = arith.constant 16 : i32
      %mul3A_495 = arith.muli %scan3A_419, %mul3A_494 : i32
      %add3A_496 = arith.constant 10 : i32
      %add3A_497 = arith.addi %mul3A_495, %add3A_496 : i32
      %swap3A_498 = arith.index_cast %add3A_497 : i32 to index
      %swap3A_499 = arith.constant 0 : index
      %swap3A_500 = tpu.vector_load %arg10[%swap3A_498, %swap3A_499] {strides = array<i32>} : memref<256x64xf32, #tpu.memory_space<vmem>>, vector<16xf32>,
      tpu.vector_store %arg10[%swap3A_498, %swap3A_499], %get3A_424 {add = true, strides = array<i32>} : memref<256x64xf32, #tpu.memory_space<vmem>>, vector<16xf32>,
      %mul3A_501 = arith.constant 16 : i32
      %mul3A_502 = arith.muli %scan3A_419, %mul3A_501 : i32
      %add3A_503 = arith.constant 11 : i32
      %add3A_504 = arith.addi %mul3A_502, %add3A_503 : i32
      %swap3A_505 = arith.index_cast %add3A_504 : i32 to index
      %swap3A_506 = arith.constant 0 : index
      %swap3A_507 = tpu.vector_load %arg10[%swap3A_505, %swap3A_506] {strides = array<i32>} : memref<256x64xf32, #tpu.memory_space<vmem>>, vector<16xf32>,
      tpu.vector_store %arg10[%swap3A_505, %swap3A_506], %get3A_424 {add = true, strides = array<i32>} : memref<256x64xf32, #tpu.memory_space<vmem>>, vector<16xf32>,
      %mul3A_508 = arith.constant 16 : i32
      %mul3A_509 = arith.muli %scan3A_419, %mul3A_508 : i32
      %add3A_510 = arith.constant 12 : i32
      %add3A_511 = arith.addi %mul3A_509, %add3A_510 : i32
      %swap3A_512 = arith.index_cast %add3A_511 : i32 to index
      %swap3A_513 = arith.constant 0 : index
      %swap3A_514 = tpu.vector_load %arg10[%swap3A_512, %swap3A_513] {strides = array<i32>} : memref<256x64xf32, #tpu.memory_space<vmem>>, vector<16xf32>,
      tpu.vector_store %arg10[%swap3A_512, %swap3A_513], %get3A_424 {add = true, strides = array<i32>} : memref<256x64xf32, #tpu.memory_space<vmem>>, vector<16xf32>,
      %mul3A_515 = arith.constant 16 : i32
      %mul3A_516 = arith.muli %scan3A_419, %mul3A_515 : i32
      %add3A_517 = arith.constant 13 : i32
      %add3A_518 = arith.addi %mul3A_516, %add3A_517 : i32
      %swap3A_519 = arith.index_cast %add3A_518 : i32 to index
      %swap3A_520 = arith.constant 0 : index
      %swap3A_521 = tpu.vector_load %arg10[%swap3A_519, %swap3A_520] {strides = array<i32>} : memref<256x64xf32, #tpu.memory_space<vmem>>, vector<16xf32>,
      tpu.vector_store %arg10[%swap3A_519, %swap3A_520], %get3A_424 {add = true, strides = array<i32>} : memref<256x64xf32, #tpu.memory_space<vmem>>, vector<16xf32>,
      %mul3A_522 = arith.constant 16 : i32
      %mul3A_523 = arith.muli %scan3A_419, %mul3A_522 : i32
      %add3A_524 = arith.constant 14 : i32
      %add3A_525 = arith.addi %mul3A_523, %add3A_524 : i32
      %swap3A_526 = arith.index_cast %add3A_525 : i32 to index
      %swap3A_527 = arith.constant 0 : index
      %swap3A_528 = tpu.vector_load %arg10[%swap3A_526, %swap3A_527] {strides = array<i32>} : memref<256x64xf32, #tpu.memory_space<vmem>>, vector<16xf32>,
      tpu.vector_store %arg10[%swap3A_526, %swap3A_527], %get3A_424 {add = true, strides = array<i32>} : memref<256x64xf32, #tpu.memory_space<vmem>>, vector<16xf32>,
      %mul3A_529 = arith.constant 16 : i32
      %mul3A_530 = arith.muli %scan3A_419, %mul3A_529 : i32
      %add3A_531 = arith.constant 15 : i32
      %add3A_532 = arith.addi %mul3A_530, %add3A_531 : i32
      %swap3A_533 = arith.index_cast %add3A_532 : i32 to index
      %swap3A_534 = arith.constant 0 : index
      %swap3A_535 = tpu.vector_load %arg10[%swap3A_533, %swap3A_534] {strides = array<i32>} : memref<256x64xf32, #tpu.memory_space<vmem>>, vector<16xf32>,
      tpu.vector_store %arg10[%swap3A_533, %swap3A_534], %get3A_424 {add = true, strides = array<i32>} : memref<256x64xf32, #tpu.memory_space<vmem>>, vector<16xf32>,
      %add3A_536 = arith.constant 112 : i32
      %add3A_537 = arith.addi %add3A_536, %scan3A_419 : i32
      %get3A_538 = arith.index_cast %add3A_537 : i32 to index
      %get3A_539 = arith.constant 16 : index
      %get3A_540 = tpu.vector_load %arg8[%get3A_538, %get3A_539] {strides = array<i32>} : memref<128x64xf32, #tpu.memory_space<vmem>>, vector<16xf32>,
      %mul3A_541 = arith.constant 16 : i32
      %mul3A_542 = arith.muli %scan3A_419, %mul3A_541 : i32
      %add3A_543 = arith.constant 0 : i32
      %add3A_544 = arith.addi %mul3A_542, %add3A_543 : i32
      %swap3A_545 = arith.index_cast %add3A_544 : i32 to index
      %swap3A_546 = arith.constant 16 : index
      %swap3A_547 = tpu.vector_load %arg10[%swap3A_545, %swap3A_546] {strides = array<i32>} : memref<256x64xf32, #tpu.memory_space<vmem>>, vector<16xf32>,
      tpu.vector_store %arg10[%swap3A_545, %swap3A_546], %get3A_540 {add = true, strides = array<i32>} : memref<256x64xf32, #tpu.memory_space<vmem>>, vector<16xf32>,
      %mul3A_548 = arith.constant 16 : i32
      %mul3A_549 = arith.muli %scan3A_419, %mul3A_548 : i32
      %add3A_550 = arith.constant 1 : i32
      %add3A_551 = arith.addi %mul3A_549, %add3A_550 : i32
      %swap3A_552 = arith.index_cast %add3A_551 : i32 to index
      %swap3A_553 = arith.constant 16 : index
      %swap3A_554 = tpu.vector_load %arg10[%swap3A_552, %swap3A_553] {strides = array<i32>} : memref<256x64xf32, #tpu.memory_space<vmem>>, vector<16xf32>,
      tpu.vector_store %arg10[%swap3A_552, %swap3A_553], %get3A_540 {add = true, strides = array<i32>} : memref<256x64xf32, #tpu.memory_space<vmem>>, vector<16xf32>,
      %mul3A_555 = arith.constant 16 : i32
      %mul3A_556 = arith.muli %scan3A_419, %mul3A_555 : i32
      %add3A_557 = arith.constant 2 : i32
      %add3A_558 = arith.addi %mul3A_556, %add3A_557 : i32
      %swap3A_559 = arith.index_cast %add3A_558 : i32 to index
      %swap3A_560 = arith.constant 16 : index
      %swap3A_561 = tpu.vector_load %arg10[%swap3A_559, %swap3A_560] {strides = array<i32>} : memref<256x64xf32, #tpu.memory_space<vmem>>, vector<16xf32>,
      tpu.vector_store %arg10[%swap3A_559, %swap3A_560], %get3A_540 {add = true, strides = array<i32>} : memref<256x64xf32, #tpu.memory_space<vmem>>, vector<16xf32>,
      %mul3A_562 = arith.constant 16 : i32
      %mul3A_563 = arith.muli %scan3A_419, %mul3A_562 : i32
      %add3A_564 = arith.constant 3 : i32
      %add3A_565 = arith.addi %mul3A_563, %add3A_564 : i32
      %swap3A_566 = arith.index_cast %add3A_565 : i32 to index
      %swap3A_567 = arith.constant 16 : index
      %swap3A_568 = tpu.vector_load %arg10[%swap3A_566, %swap3A_567] {strides = array<i32>} : memref<256x64xf32, #tpu.memory_space<vmem>>, vector<16xf32>,
      tpu.vector_store %arg10[%swap3A_566, %swap3A_567], %get3A_540 {add = true, strides = array<i32>} : memref<256x64xf32, #tpu.memory_space<vmem>>, vector<16xf32>,
      %mul3A_569 = arith.constant 16 : i32
      %mul3A_570 = arith.muli %scan3A_419, %mul3A_569 : i32
      %add3A_571 = arith.constant 4 : i32
      %add3A_572 = arith.addi %mul3A_570, %add3A_571 : i32
      %swap3A_573 = arith.index_cast %add3A_572 : i32 to index
      %swap3A_574 = arith.constant 16 : index
      %swap3A_575 = tpu.vector_load %arg10[%swap3A_573, %swap3A_574] {strides = array<i32>} : memref<256x64xf32, #tpu.memory_space<vmem>>, vector<16xf32>,
      tpu.vector_store %arg10[%swap3A_573, %swap3A_574], %get3A_540 {add = true, strides = array<i32>} : memref<256x64xf32, #tpu.memory_space<vmem>>, vector<16xf32>,
      %mul3A_576 = arith.constant 16 : i32
      %mul3A_577 = arith.muli %scan3A_419, %mul3A_576 : i32
      %add3A_578 = arith.constant 5 : i32
      %add3A_579 = arith.addi %mul3A_577, %add3A_578 : i32
      %swap3A_580 = arith.index_cast %add3A_579 : i32 to index
      %swap3A_581 = arith.constant 16 : index
      %swap3A_582 = tpu.vector_load %arg10[%swap3A_580, %swap3A_581] {strides = array<i32>} : memref<256x64xf32, #tpu.memory_space<vmem>>, vector<16xf32>,
      tpu.vector_store %arg10[%swap3A_580, %swap3A_581], %get3A_540 {add = true, strides = array<i32>} : memref<256x64xf32, #tpu.memory_space<vmem>>, vector<16xf32>,
      %mul3A_583 = arith.constant 16 : i32
      %mul3A_584 = arith.muli %scan3A_419, %mul3A_583 : i32
      %add3A_585 = arith.constant 6 : i32
      %add3A_586 = arith.addi %mul3A_584, %add3A_585 : i32
      %swap3A_587 = arith.index_cast %add3A_586 : i32 to index
      %swap3A_588 = arith.constant 16 : index
      %swap3A_589 = tpu.vector_load %arg10[%swap3A_587, %swap3A_588] {strides = array<i32>} : memref<256x64xf32, #tpu.memory_space<vmem>>, vector<16xf32>,
      tpu.vector_store %arg10[%swap3A_587, %swap3A_588], %get3A_540 {add = true, strides = array<i32>} : memref<256x64xf32, #tpu.memory_space<vmem>>, vector<16xf32>,
      %mul3A_590 = arith.constant 16 : i32
      %mul3A_591 = arith.muli %scan3A_419, %mul3A_590 : i32
      %add3A_592 = arith.constant 7 : i32
      %add3A_593 = arith.addi %mul3A_591, %add3A_592 : i32
      %swap3A_594 = arith.index_cast %add3A_593 : i32 to index
      %swap3A_595 = arith.constant 16 : index
      %swap3A_596 = tpu.vector_load %arg10[%swap3A_594, %swap3A_595] {strides = array<i32>} : memref<256x64xf32, #tpu.memory_space<vmem>>, vector<16xf32>,
      tpu.vector_store %arg10[%swap3A_594, %swap3A_595], %get3A_540 {add = true, strides = array<i32>} : memref<256x64xf32, #tpu.memory_space<vmem>>, vector<16xf32>,
      %mul3A_597 = arith.constant 16 : i32
      %mul3A_598 = arith.muli %scan3A_419, %mul3A_597 : i32
      %add3A_599 = arith.constant 8 : i32
      %add3A_600 = arith.addi %mul3A_598, %add3A_599 : i32
      %swap3A_601 = arith.index_cast %add3A_600 : i32 to index
      %swap3A_602 = arith.constant 16 : index
      %swap3A_603 = tpu.vector_load %arg10[%swap3A_601, %swap3A_602] {strides = array<i32>} : memref<256x64xf32, #tpu.memory_space<vmem>>, vector<16xf32>,
      tpu.vector_store %arg10[%swap3A_601, %swap3A_602], %get3A_540 {add = true, strides = array<i32>} : memref<256x64xf32, #tpu.memory_space<vmem>>, vector<16xf32>,
      %mul3A_604 = arith.constant 16 : i32
      %mul3A_605 = arith.muli %scan3A_419, %mul3A_604 : i32
      %add3A_606 = arith.constant 9 : i32
      %add3A_607 = arith.addi %mul3A_605, %add3A_606 : i32
      %swap3A_608 = arith.index_cast %add3A_607 : i32 to index
      %swap3A_609 = arith.constant 16 : index
      %swap3A_610 = tpu.vector_load %arg10[%swap3A_608, %swap3A_609] {strides = array<i32>} : memref<256x64xf32, #tpu.memory_space<vmem>>, vector<16xf32>,
      tpu.vector_store %arg10[%swap3A_608, %swap3A_609], %get3A_540 {add = true, strides = array<i32>} : memref<256x64xf32, #tpu.memory_space<vmem>>, vector<16xf32>,
      %mul3A_611 = arith.constant 16 : i32
      %mul3A_612 = arith.muli %scan3A_419, %mul3A_611 : i32
      %add3A_613 = arith.constant 10 : i32
      %add3A_614 = arith.addi %mul3A_612, %add3A_613 : i32
      %swap3A_615 = arith.index_cast %add3A_614 : i32 to index
      %swap3A_616 = arith.constant 16 : index
      %swap3A_617 = tpu.vector_load %arg10[%swap3A_615, %swap3A_616] {strides = array<i32>} : memref<256x64xf32, #tpu.memory_space<vmem>>, vector<16xf32>,
      tpu.vector_store %arg10[%swap3A_615, %swap3A_616], %get3A_540 {add = true, strides = array<i32>} : memref<256x64xf32, #tpu.memory_space<vmem>>, vector<16xf32>,
      %mul3A_618 = arith.constant 16 : i32
      %mul3A_619 = arith.muli %scan3A_419, %mul3A_618 : i32
      %add3A_620 = arith.constant 11 : i32
      %add3A_621 = arith.addi %mul3A_619, %add3A_620 : i32
      %swap3A_622 = arith.index_cast %add3A_621 : i32 to index
      %swap3A_623 = arith.constant 16 : index
      %swap3A_624 = tpu.vector_load %arg10[%swap3A_622, %swap3A_623] {strides = array<i32>} : memref<256x64xf32, #tpu.memory_space<vmem>>, vector<16xf32>,
      tpu.vector_store %arg10[%swap3A_622, %swap3A_623], %get3A_540 {add = true, strides = array<i32>} : memref<256x64xf32, #tpu.memory_space<vmem>>, vector<16xf32>,
      %mul3A_625 = arith.constant 16 : i32
      %mul3A_626 = arith.muli %scan3A_419, %mul3A_625 : i32
      %add3A_627 = arith.constant 12 : i32
      %add3A_628 = arith.addi %mul3A_626, %add3A_627 : i32
      %swap3A_629 = arith.index_cast %add3A_628 : i32 to index
      %swap3A_630 = arith.constant 16 : index
      %swap3A_631 = tpu.vector_load %arg10[%swap3A_629, %swap3A_630] {strides = array<i32>} : memref<256x64xf32, #tpu.memory_space<vmem>>, vector<16xf32>,
      tpu.vector_store %arg10[%swap3A_629, %swap3A_630], %get3A_540 {add = true, strides = array<i32>} : memref<256x64xf32, #tpu.memory_space<vmem>>, vector<16xf32>,
      %mul3A_632 = arith.constant 16 : i32
      %mul3A_633 = arith.muli %scan3A_419, %mul3A_632 : i32
      %add3A_634 = arith.constant 13 : i32
      %add3A_635 = arith.addi %mul3A_633, %add3A_634 : i32
      %swap3A_636 = arith.index_cast %add3A_635 : i32 to index
      %swap3A_637 = arith.constant 16 : index
      %swap3A_638 = tpu.vector_load %arg10[%swap3A_636, %swap3A_637] {strides = array<i32>} : memref<256x64xf32, #tpu.memory_space<vmem>>, vector<16xf32>,
      tpu.vector_store %arg10[%swap3A_636, %swap3A_637], %get3A_540 {add = true, strides = array<i32>} : memref<256x64xf32, #tpu.memory_space<vmem>>, vector<16xf32>,
      %mul3A_639 = arith.constant 16 : i32
      %mul3A_640 = arith.muli %scan3A_419, %mul3A_639 : i32
      %add3A_641 = arith.constant 14 : i32
      %add3A_642 = arith.addi %mul3A_640, %add3A_641 : i32
      %swap3A_643 = arith.index_cast %add3A_642 : i32 to index
      %swap3A_644 = arith.constant 16 : index
      %swap3A_645 = tpu.vector_load %arg10[%swap3A_643, %swap3A_644] {strides = array<i32>} : memref<256x64xf32, #tpu.memory_space<vmem>>, vector<16xf32>,
      tpu.vector_store %arg10[%swap3A_643, %swap3A_644], %get3A_540 {add = true, strides = array<i32>} : memref<256x64xf32, #tpu.memory_space<vmem>>, vector<16xf32>,
      %mul3A_646 = arith.constant 16 : i32
      %mul3A_647 = arith.muli %scan3A_419, %mul3A_646 : i32
      %add3A_648 = arith.constant 15 : i32
      %add3A_649 = arith.addi %mul3A_647, %add3A_648 : i32
      %swap3A_650 = arith.index_cast %add3A_649 : i32 to index
      %swap3A_651 = arith.constant 16 : index
      %swap3A_652 = tpu.vector_load %arg10[%swap3A_650, %swap3A_651] {strides = array<i32>} : memref<256x64xf32, #tpu.memory_space<vmem>>, vector<16xf32>,
      tpu.vector_store %arg10[%swap3A_650, %swap3A_651], %get3A_540 {add = true, strides = array<i32>} : memref<256x64xf32, #tpu.memory_space<vmem>>, vector<16xf32>,
      %add3A_653 = arith.constant 112 : i32
      %add3A_654 = arith.addi %add3A_653, %scan3A_419 : i32
      %get3A_655 = arith.index_cast %add3A_654 : i32 to index
      %get3A_656 = arith.constant 32 : index
      %get3A_657 = tpu.vector_load %arg8[%get3A_655, %get3A_656] {strides = array<i32>} : memref<128x64xf32, #tpu.memory_space<vmem>>, vector<16xf32>,
      %mul3A_658 = arith.constant 16 : i32
      %mul3A_659 = arith.muli %scan3A_419, %mul3A_658 : i32
      %add3A_660 = arith.constant 0 : i32
      %add3A_661 = arith.addi %mul3A_659, %add3A_660 : i32
      %swap3A_662 = arith.index_cast %add3A_661 : i32 to index
      %swap3A_663 = arith.constant 32 : index
      %swap3A_664 = tpu.vector_load %arg10[%swap3A_662, %swap3A_663] {strides = array<i32>} : memref<256x64xf32, #tpu.memory_space<vmem>>, vector<16xf32>,
      tpu.vector_store %arg10[%swap3A_662, %swap3A_663], %get3A_657 {add = true, strides = array<i32>} : memref<256x64xf32, #tpu.memory_space<vmem>>, vector<16xf32>,
      %mul3A_665 = arith.constant 16 : i32
      %mul3A_666 = arith.muli %scan3A_419, %mul3A_665 : i32
      %add3A_667 = arith.constant 1 : i32
      %add3A_668 = arith.addi %mul3A_666, %add3A_667 : i32
      %swap3A_669 = arith.index_cast %add3A_668 : i32 to index
      %swap3A_670 = arith.constant 32 : index
      %swap3A_671 = tpu.vector_load %arg10[%swap3A_669, %swap3A_670] {strides = array<i32>} : memref<256x64xf32, #tpu.memory_space<vmem>>, vector<16xf32>,
      tpu.vector_store %arg10[%swap3A_669, %swap3A_670], %get3A_657 {add = true, strides = array<i32>} : memref<256x64xf32, #tpu.memory_space<vmem>>, vector<16xf32>,
      %mul3A_672 = arith.constant 16 : i32
      %mul3A_673 = arith.muli %scan3A_419, %mul3A_672 : i32
      %add3A_674 = arith.constant 2 : i32
      %add3A_675 = arith.addi %mul3A_673, %add3A_674 : i32
      %swap3A_676 = arith.index_cast %add3A_675 : i32 to index
      %swap3A_677 = arith.constant 32 : index
      %swap3A_678 = tpu.vector_load %arg10[%swap3A_676, %swap3A_677] {strides = array<i32>} : memref<256x64xf32, #tpu.memory_space<vmem>>, vector<16xf32>,
      tpu.vector_store %arg10[%swap3A_676, %swap3A_677], %get3A_657 {add = true, strides = array<i32>} : memref<256x64xf32, #tpu.memory_space<vmem>>, vector<16xf32>,
      %mul3A_679 = arith.constant 16 : i32
      %mul3A_680 = arith.muli %scan3A_419, %mul3A_679 : i32
      %add3A_681 = arith.constant 3 : i32
      %add3A_682 = arith.addi %mul3A_680, %add3A_681 : i32
      %swap3A_683 = arith.index_cast %add3A_682 : i32 to index
      %swap3A_684 = arith.constant 32 : index
      %swap3A_685 = tpu.vector_load %arg10[%swap3A_683, %swap3A_684] {strides = array<i32>} : memref<256x64xf32, #tpu.memory_space<vmem>>, vector<16xf32>,
      tpu.vector_store %arg10[%swap3A_683, %swap3A_684], %get3A_657 {add = true, strides = array<i32>} : memref<256x64xf32, #tpu.memory_space<vmem>>, vector<16xf32>,
      %mul3A_686 = arith.constant 16 : i32
      %mul3A_687 = arith.muli %scan3A_419, %mul3A_686 : i32
      %add3A_688 = arith.constant 4 : i32
      %add3A_689 = arith.addi %mul3A_687, %add3A_688 : i32
      %swap3A_690 = arith.index_cast %add3A_689 : i32 to index
      %swap3A_691 = arith.constant 32 : index
      %swap3A_692 = tpu.vector_load %arg10[%swap3A_690, %swap3A_691] {strides = array<i32>} : memref<256x64xf32, #tpu.memory_space<vmem>>, vector<16xf32>,
      tpu.vector_store %arg10[%swap3A_690, %swap3A_691], %get3A_657 {add = true, strides = array<i32>} : memref<256x64xf32, #tpu.memory_space<vmem>>, vector<16xf32>,
      %mul3A_693 = arith.constant 16 : i32
      %mul3A_694 = arith.muli %scan3A_419, %mul3A_693 : i32
      %add3A_695 = arith.constant 5 : i32
      %add3A_696 = arith.addi %mul3A_694, %add3A_695 : i32
      %swap3A_697 = arith.index_cast %add3A_696 : i32 to index
      %swap3A_698 = arith.constant 32 : index
      %swap3A_699 = tpu.vector_load %arg10[%swap3A_697, %swap3A_698] {strides = array<i32>} : memref<256x64xf32, #tpu.memory_space<vmem>>, vector<16xf32>,
      tpu.vector_store %arg10[%swap3A_697, %swap3A_698], %get3A_657 {add = true, strides = array<i32>} : memref<256x64xf32, #tpu.memory_space<vmem>>, vector<16xf32>,
      %mul3A_700 = arith.constant 16 : i32
      %mul3A_701 = arith.muli %scan3A_419, %mul3A_700 : i32
      %add3A_702 = arith.constant 6 : i32
      %add3A_703 = arith.addi %mul3A_701, %add3A_702 : i32
      %swap3A_704 = arith.index_cast %add3A_703 : i32 to index
      %swap3A_705 = arith.constant 32 : index
      %swap3A_706 = tpu.vector_load %arg10[%swap3A_704, %swap3A_705] {strides = array<i32>} : memref<256x64xf32, #tpu.memory_space<vmem>>, vector<16xf32>,
      tpu.vector_store %arg10[%swap3A_704, %swap3A_705], %get3A_657 {add = true, strides = array<i32>} : memref<256x64xf32, #tpu.memory_space<vmem>>, vector<16xf32>,
      %mul3A_707 = arith.constant 16 : i32
      %mul3A_708 = arith.muli %scan3A_419, %mul3A_707 : i32
      %add3A_709 = arith.constant 7 : i32
      %add3A_710 = arith.addi %mul3A_708, %add3A_709 : i32
      %swap3A_711 = arith.index_cast %add3A_710 : i32 to index
      %swap3A_712 = arith.constant 32 : index
      %swap3A_713 = tpu.vector_load %arg10[%swap3A_711, %swap3A_712] {strides = array<i32>} : memref<256x64xf32, #tpu.memory_space<vmem>>, vector<16xf32>,
      tpu.vector_store %arg10[%swap3A_711, %swap3A_712], %get3A_657 {add = true, strides = array<i32>} : memref<256x64xf32, #tpu.memory_space<vmem>>, vector<16xf32>,
      %mul3A_714 = arith.constant 16 : i32
      %mul3A_715 = arith.muli %scan3A_419, %mul3A_714 : i32
      %add3A_716 = arith.constant 8 : i32
      %add3A_717 = arith.addi %mul3A_715, %add3A_716 : i32
      %swap3A_718 = arith.index_cast %add3A_717 : i32 to index
      %swap3A_719 = arith.constant 32 : index
      %swap3A_720 = tpu.vector_load %arg10[%swap3A_718, %swap3A_719] {strides = array<i32>} : memref<256x64xf32, #tpu.memory_space<vmem>>, vector<16xf32>,
      tpu.vector_store %arg10[%swap3A_718, %swap3A_719], %get3A_657 {add = true, strides = array<i32>} : memref<256x64xf32, #tpu.memory_space<vmem>>, vector<16xf32>,
      %mul3A_721 = arith.constant 16 : i32
      %mul3A_722 = arith.muli %scan3A_419, %mul3A_721 : i32
      %add3A_723 = arith.constant 9 : i32
      %add3A_724 = arith.addi %mul3A_722, %add3A_723 : i32
      %swap3A_725 = arith.index_cast %add3A_724 : i32 to index
      %swap3A_726 = arith.constant 32 : index
      %swap3A_727 = tpu.vector_load %arg10[%swap3A_725, %swap3A_726] {strides = array<i32>} : memref<256x64xf32, #tpu.memory_space<vmem>>, vector<16xf32>,
      tpu.vector_store %arg10[%swap3A_725, %swap3A_726], %get3A_657 {add = true, strides = array<i32>} : memref<256x64xf32, #tpu.memory_space<vmem>>, vector<16xf32>,
      %mul3A_728 = arith.constant 16 : i32
      %mul3A_729 = arith.muli %scan3A_419, %mul3A_728 : i32
      %add3A_730 = arith.constant 10 : i32
      %add3A_731 = arith.addi %mul3A_729, %add3A_730 : i32
      %swap3A_732 = arith.index_cast %add3A_731 : i32 to index
      %swap3A_733 = arith.constant 32 : index
      %swap3A_734 = tpu.vector_load %arg10[%swap3A_732, %swap3A_733] {strides = array<i32>} : memref<256x64xf32, #tpu.memory_space<vmem>>, vector<16xf32>,
      tpu.vector_store %arg10[%swap3A_732, %swap3A_733], %get3A_657 {add = true, strides = array<i32>} : memref<256x64xf32, #tpu.memory_space<vmem>>, vector<16xf32>,
      %mul3A_735 = arith.constant 16 : i32
      %mul3A_736 = arith.muli %scan3A_419, %mul3A_735 : i32
      %add3A_737 = arith.constant 11 : i32
      %add3A_738 = arith.addi %mul3A_736, %add3A_737 : i32
      %swap3A_739 = arith.index_cast %add3A_738 : i32 to index
      %swap3A_740 = arith.constant 32 : index
      %swap3A_741 = tpu.vector_load %arg10[%swap3A_739, %swap3A_740] {strides = array<i32>} : memref<256x64xf32, #tpu.memory_space<vmem>>, vector<16xf32>,
      tpu.vector_store %arg10[%swap3A_739, %swap3A_740], %get3A_657 {add = true, strides = array<i32>} : memref<256x64xf32, #tpu.memory_space<vmem>>, vector<16xf32>,
      %mul3A_742 = arith.constant 16 : i32
      %mul3A_743 = arith.muli %scan3A_419, %mul3A_742 : i32
      %add3A_744 = arith.constant 12 : i32
      %add3A_745 = arith.addi %mul3A_743, %add3A_744 : i32
      %swap3A_746 = arith.index_cast %add3A_745 : i32 to index
      %swap3A_747 = arith.constant 32 : index
      %swap3A_748 = tpu.vector_load %arg10[%swap3A_746, %swap3A_747] {strides = array<i32>} : memref<256x64xf32, #tpu.memory_space<vmem>>, vector<16xf32>,
      tpu.vector_store %arg10[%swap3A_746, %swap3A_747], %get3A_657 {add = true, strides = array<i32>} : memref<256x64xf32, #tpu.memory_space<vmem>>, vector<16xf32>,
      %mul3A_749 = arith.constant 16 : i32
      %mul3A_750 = arith.muli %scan3A_419, %mul3A_749 : i32
      %add3A_751 = arith.constant 13 : i32
      %add3A_752 = arith.addi %mul3A_750, %add3A_751 : i32
      %swap3A_753 = arith.index_cast %add3A_752 : i32 to index
      %swap3A_754 = arith.constant 32 : index
      %swap3A_755 = tpu.vector_load %arg10[%swap3A_753, %swap3A_754] {strides = array<i32>} : memref<256x64xf32, #tpu.memory_space<vmem>>, vector<16xf32>,
      tpu.vector_store %arg10[%swap3A_753, %swap3A_754], %get3A_657 {add = true, strides = array<i32>} : memref<256x64xf32, #tpu.memory_space<vmem>>, vector<16xf32>,
      %mul3A_756 = arith.constant 16 : i32
      %mul3A_757 = arith.muli %scan3A_419, %mul3A_756 : i32
      %add3A_758 = arith.constant 14 : i32
      %add3A_759 = arith.addi %mul3A_757, %add3A_758 : i32
      %swap3A_760 = arith.index_cast %add3A_759 : i32 to index
      %swap3A_761 = arith.constant 32 : index
      %swap3A_762 = tpu.vector_load %arg10[%swap3A_760, %swap3A_761] {strides = array<i32>} : memref<256x64xf32, #tpu.memory_space<vmem>>, vector<16xf32>,
      tpu.vector_store %arg10[%swap3A_760, %swap3A_761], %get3A_657 {add = true, strides = array<i32>} : memref<256x64xf32, #tpu.memory_space<vmem>>, vector<16xf32>,
      %mul3A_763 = arith.constant 16 : i32
      %mul3A_764 = arith.muli %scan3A_419, %mul3A_763 : i32
      %add3A_765 = arith.constant 15 : i32
      %add3A_766 = arith.addi %mul3A_764, %add3A_765 : i32
      %swap3A_767 = arith.index_cast %add3A_766 : i32 to index
      %swap3A_768 = arith.constant 32 : index
      %swap3A_769 = tpu.vector_load %arg10[%swap3A_767, %swap3A_768] {strides = array<i32>} : memref<256x64xf32, #tpu.memory_space<vmem>>, vector<16xf32>,
      tpu.vector_store %arg10[%swap3A_767, %swap3A_768], %get3A_657 {add = true, strides = array<i32>} : memref<256x64xf32, #tpu.memory_space<vmem>>, vector<16xf32>,
      %add3A_770 = arith.constant 112 : i32
      %add3A_771 = arith.addi %add3A_770, %scan3A_419 : i32
      %get3A_772 = arith.index_cast %add3A_771 : i32 to index
      %get3A_773 = arith.constant 48 : index
      %get3A_774 = tpu.vector_load %arg8[%get3A_772, %get3A_773] {strides = array<i32>} : memref<128x64xf32, #tpu.memory_space<vmem>>, vector<16xf32>,
      %mul3A_775 = arith.constant 16 : i32
      %mul3A_776 = arith.muli %scan3A_419, %mul3A_775 : i32
      %add3A_777 = arith.constant 0 : i32
      %add3A_778 = arith.addi %mul3A_776, %add3A_777 : i32
      %swap3A_779 = arith.index_cast %add3A_778 : i32 to index
      %swap3A_780 = arith.constant 48 : index
      %swap3A_781 = tpu.vector_load %arg10[%swap3A_779, %swap3A_780] {strides = array<i32>} : memref<256x64xf32, #tpu.memory_space<vmem>>, vector<16xf32>,
      tpu.vector_store %arg10[%swap3A_779, %swap3A_780], %get3A_774 {add = true, strides = array<i32>} : memref<256x64xf32, #tpu.memory_space<vmem>>, vector<16xf32>,
      %mul3A_782 = arith.constant 16 : i32
      %mul3A_783 = arith.muli %scan3A_419, %mul3A_782 : i32
      %add3A_784 = arith.constant 1 : i32
      %add3A_785 = arith.addi %mul3A_783, %add3A_784 : i32
      %swap3A_786 = arith.index_cast %add3A_785 : i32 to index
      %swap3A_787 = arith.constant 48 : index
      %swap3A_788 = tpu.vector_load %arg10[%swap3A_786, %swap3A_787] {strides = array<i32>} : memref<256x64xf32, #tpu.memory_space<vmem>>, vector<16xf32>,
      tpu.vector_store %arg10[%swap3A_786, %swap3A_787], %get3A_774 {add = true, strides = array<i32>} : memref<256x64xf32, #tpu.memory_space<vmem>>, vector<16xf32>,
      %mul3A_789 = arith.constant 16 : i32
      %mul3A_790 = arith.muli %scan3A_419, %mul3A_789 : i32
      %add3A_791 = arith.constant 2 : i32
      %add3A_792 = arith.addi %mul3A_790, %add3A_791 : i32
      %swap3A_793 = arith.index_cast %add3A_792 : i32 to index
      %swap3A_794 = arith.constant 48 : index
      %swap3A_795 = tpu.vector_load %arg10[%swap3A_793, %swap3A_794] {strides = array<i32>} : memref<256x64xf32, #tpu.memory_space<vmem>>, vector<16xf32>,
      tpu.vector_store %arg10[%swap3A_793, %swap3A_794], %get3A_774 {add = true, strides = array<i32>} : memref<256x64xf32, #tpu.memory_space<vmem>>, vector<16xf32>,
      %mul3A_796 = arith.constant 16 : i32
      %mul3A_797 = arith.muli %scan3A_419, %mul3A_796 : i32
      %add3A_798 = arith.constant 3 : i32
      %add3A_799 = arith.addi %mul3A_797, %add3A_798 : i32
      %swap3A_800 = arith.index_cast %add3A_799 : i32 to index
      %swap3A_801 = arith.constant 48 : index
      %swap3A_802 = tpu.vector_load %arg10[%swap3A_800, %swap3A_801] {strides = array<i32>} : memref<256x64xf32, #tpu.memory_space<vmem>>, vector<16xf32>,
      tpu.vector_store %arg10[%swap3A_800, %swap3A_801], %get3A_774 {add = true, strides = array<i32>} : memref<256x64xf32, #tpu.memory_space<vmem>>, vector<16xf32>,
      %mul3A_803 = arith.constant 16 : i32
      %mul3A_804 = arith.muli %scan3A_419, %mul3A_803 : i32
      %add3A_805 = arith.constant 4 : i32
      %add3A_806 = arith.addi %mul3A_804, %add3A_805 : i32
      %swap3A_807 = arith.index_cast %add3A_806 : i32 to index
      %swap3A_808 = arith.constant 48 : index
      %swap3A_809 = tpu.vector_load %arg10[%swap3A_807, %swap3A_808] {strides = array<i32>} : memref<256x64xf32, #tpu.memory_space<vmem>>, vector<16xf32>,
      tpu.vector_store %arg10[%swap3A_807, %swap3A_808], %get3A_774 {add = true, strides = array<i32>} : memref<256x64xf32, #tpu.memory_space<vmem>>, vector<16xf32>,
      %mul3A_810 = arith.constant 16 : i32
      %mul3A_811 = arith.muli %scan3A_419, %mul3A_810 : i32
      %add3A_812 = arith.constant 5 : i32
      %add3A_813 = arith.addi %mul3A_811, %add3A_812 : i32
      %swap3A_814 = arith.index_cast %add3A_813 : i32 to index
      %swap3A_815 = arith.constant 48 : index
      %swap3A_816 = tpu.vector_load %arg10[%swap3A_814, %swap3A_815] {strides = array<i32>} : memref<256x64xf32, #tpu.memory_space<vmem>>, vector<16xf32>,
      tpu.vector_store %arg10[%swap3A_814, %swap3A_815], %get3A_774 {add = true, strides = array<i32>} : memref<256x64xf32, #tpu.memory_space<vmem>>, vector<16xf32>,
      %mul3A_817 = arith.constant 16 : i32
      %mul3A_818 = arith.muli %scan3A_419, %mul3A_817 : i32
      %add3A_819 = arith.constant 6 : i32
      %add3A_820 = arith.addi %mul3A_818, %add3A_819 : i32
      %swap3A_821 = arith.index_cast %add3A_820 : i32 to index
      %swap3A_822 = arith.constant 48 : index
      %swap3A_823 = tpu.vector_load %arg10[%swap3A_821, %swap3A_822] {strides = array<i32>} : memref<256x64xf32, #tpu.memory_space<vmem>>, vector<16xf32>,
      tpu.vector_store %arg10[%swap3A_821, %swap3A_822], %get3A_774 {add = true, strides = array<i32>} : memref<256x64xf32, #tpu.memory_space<vmem>>, vector<16xf32>,
      %mul3A_824 = arith.constant 16 : i32
      %mul3A_825 = arith.muli %scan3A_419, %mul3A_824 : i32
      %add3A_826 = arith.constant 7 : i32
      %add3A_827 = arith.addi %mul3A_825, %add3A_826 : i32
      %swap3A_828 = arith.index_cast %add3A_827 : i32 to index
      %swap3A_829 = arith.constant 48 : index
      %swap3A_830 = tpu.vector_load %arg10[%swap3A_828, %swap3A_829] {strides = array<i32>} : memref<256x64xf32, #tpu.memory_space<vmem>>, vector<16xf32>,
      tpu.vector_store %arg10[%swap3A_828, %swap3A_829], %get3A_774 {add = true, strides = array<i32>} : memref<256x64xf32, #tpu.memory_space<vmem>>, vector<16xf32>,
      %mul3A_831 = arith.constant 16 : i32
      %mul3A_832 = arith.muli %scan3A_419, %mul3A_831 : i32
      %add3A_833 = arith.constant 8 : i32
      %add3A_834 = arith.addi %mul3A_832, %add3A_833 : i32
      %swap3A_835 = arith.index_cast %add3A_834 : i32 to index
      %swap3A_836 = arith.constant 48 : index
      %swap3A_837 = tpu.vector_load %arg10[%swap3A_835, %swap3A_836] {strides = array<i32>} : memref<256x64xf32, #tpu.memory_space<vmem>>, vector<16xf32>,
      tpu.vector_store %arg10[%swap3A_835, %swap3A_836], %get3A_774 {add = true, strides = array<i32>} : memref<256x64xf32, #tpu.memory_space<vmem>>, vector<16xf32>,
      %mul3A_838 = arith.constant 16 : i32
      %mul3A_839 = arith.muli %scan3A_419, %mul3A_838 : i32
      %add3A_840 = arith.constant 9 : i32
      %add3A_841 = arith.addi %mul3A_839, %add3A_840 : i32
      %swap3A_842 = arith.index_cast %add3A_841 : i32 to index
      %swap3A_843 = arith.constant 48 : index
      %swap3A_844 = tpu.vector_load %arg10[%swap3A_842, %swap3A_843] {strides = array<i32>} : memref<256x64xf32, #tpu.memory_space<vmem>>, vector<16xf32>,
      tpu.vector_store %arg10[%swap3A_842, %swap3A_843], %get3A_774 {add = true, strides = array<i32>} : memref<256x64xf32, #tpu.memory_space<vmem>>, vector<16xf32>,
      %mul3A_845 = arith.constant 16 : i32
      %mul3A_846 = arith.muli %scan3A_419, %mul3A_845 : i32
      %add3A_847 = arith.constant 10 : i32
      %add3A_848 = arith.addi %mul3A_846, %add3A_847 : i32
      %swap3A_849 = arith.index_cast %add3A_848 : i32 to index
      %swap3A_850 = arith.constant 48 : index
      %swap3A_851 = tpu.vector_load %arg10[%swap3A_849, %swap3A_850] {strides = array<i32>} : memref<256x64xf32, #tpu.memory_space<vmem>>, vector<16xf32>,
      tpu.vector_store %arg10[%swap3A_849, %swap3A_850], %get3A_774 {add = true, strides = array<i32>} : memref<256x64xf32, #tpu.memory_space<vmem>>, vector<16xf32>,
      %mul3A_852 = arith.constant 16 : i32
      %mul3A_853 = arith.muli %scan3A_419, %mul3A_852 : i32
      %add3A_854 = arith.constant 11 : i32
      %add3A_855 = arith.addi %mul3A_853, %add3A_854 : i32
      %swap3A_856 = arith.index_cast %add3A_855 : i32 to index
      %swap3A_857 = arith.constant 48 : index
      %swap3A_858 = tpu.vector_load %arg10[%swap3A_856, %swap3A_857] {strides = array<i32>} : memref<256x64xf32, #tpu.memory_space<vmem>>, vector<16xf32>,
      tpu.vector_store %arg10[%swap3A_856, %swap3A_857], %get3A_774 {add = true, strides = array<i32>} : memref<256x64xf32, #tpu.memory_space<vmem>>, vector<16xf32>,
      %mul3A_859 = arith.constant 16 : i32
      %mul3A_860 = arith.muli %scan3A_419, %mul3A_859 : i32
      %add3A_861 = arith.constant 12 : i32
      %add3A_862 = arith.addi %mul3A_860, %add3A_861 : i32
      %swap3A_863 = arith.index_cast %add3A_862 : i32 to index
      %swap3A_864 = arith.constant 48 : index
      %swap3A_865 = tpu.vector_load %arg10[%swap3A_863, %swap3A_864] {strides = array<i32>} : memref<256x64xf32, #tpu.memory_space<vmem>>, vector<16xf32>,
      tpu.vector_store %arg10[%swap3A_863, %swap3A_864], %get3A_774 {add = true, strides = array<i32>} : memref<256x64xf32, #tpu.memory_space<vmem>>, vector<16xf32>,
      %mul3A_866 = arith.constant 16 : i32
      %mul3A_867 = arith.muli %scan3A_419, %mul3A_866 : i32
      %add3A_868 = arith.constant 13 : i32
      %add3A_869 = arith.addi %mul3A_867, %add3A_868 : i32
      %swap3A_870 = arith.index_cast %add3A_869 : i32 to index
      %swap3A_871 = arith.constant 48 : index
      %swap3A_872 = tpu.vector_load %arg10[%swap3A_870, %swap3A_871] {strides = array<i32>} : memref<256x64xf32, #tpu.memory_space<vmem>>, vector<16xf32>,
      tpu.vector_store %arg10[%swap3A_870, %swap3A_871], %get3A_774 {add = true, strides = array<i32>} : memref<256x64xf32, #tpu.memory_space<vmem>>, vector<16xf32>,
      %mul3A_873 = arith.constant 16 : i32
      %mul3A_874 = arith.muli %scan3A_419, %mul3A_873 : i32
      %add3A_875 = arith.constant 14 : i32
      %add3A_876 = arith.addi %mul3A_874, %add3A_875 : i32
      %swap3A_877 = arith.index_cast %add3A_876 : i32 to index
      %swap3A_878 = arith.constant 48 : index
      %swap3A_879 = tpu.vector_load %arg10[%swap3A_877, %swap3A_878] {strides = array<i32>} : memref<256x64xf32, #tpu.memory_space<vmem>>, vector<16xf32>,
      tpu.vector_store %arg10[%swap3A_877, %swap3A_878], %get3A_774 {add = true, strides = array<i32>} : memref<256x64xf32, #tpu.memory_space<vmem>>, vector<16xf32>,
      %mul3A_880 = arith.constant 16 : i32
      %mul3A_881 = arith.muli %scan3A_419, %mul3A_880 : i32
      %add3A_882 = arith.constant 15 : i32
      %add3A_883 = arith.addi %mul3A_881, %add3A_882 : i32
      %swap3A_884 = arith.index_cast %add3A_883 : i32 to index
      %swap3A_885 = arith.constant 48 : index
      %swap3A_886 = tpu.vector_load %arg10[%swap3A_884, %swap3A_885] {strides = array<i32>} : memref<256x64xf32, #tpu.memory_space<vmem>>, vector<16xf32>,
      tpu.vector_store %arg10[%swap3A_884, %swap3A_885], %get3A_774 {add = true, strides = array<i32>} : memref<256x64xf32, #tpu.memory_space<vmem>>, vector<16xf32>,
      %scan3A_887 = arith.constant 0 : i32
      scf.yield %scan3A_887 : i32
    }
    %scan3A_402 = arith.constant 16 : i32
    %add3A_403 = arith.constant 256 : i32
    %add3A_404 = arith.addi %add3A_403, %mul3A_2 : i32
    %add3A_405 = arith.constant 1792 : i32
    %add3A_406 = arith.addi %add3A_404, %add3A_405 : i32
    %dma_start3A_407 = arith.constant 0 : i32
    %dma_start3A_408 = tpu.memref_slice %arg6[%add3A_406, %dma_start3A_407] : memref<65792x64xf32, #tpu.memory_space<hbm>> -> memref<256x64xf32, #tpu.memory_space<hbm>>
    %dma_start3A_409 = arith.constant 0 : i32
    %dma_start3A_410 = tpu.memref_slice %arg6[%add3A_406, %dma_start3A_409] : memref<65792x64xf32, #tpu.memory_space<hbm>> -> memref<256x64xf32, #tpu.memory_space<hbm>>
    tpu.enqueue_dma source(%arg10 : memref<256x64xf32, #tpu.memory_space<vmem>>) target(%dma_start3A_410 : memref<256x64xf32, #tpu.memory_space<hbm>>) target_semaphore(%arg16 : memref<!tpu.dma_semaphore, #tpu.memory_space<semaphore_mem>>)
    %dma_wait3A_411 = arith.constant 0 : i32
    %dma_wait3A_412 = tpu.memref_slice %arg6[%add3A_355, %dma_wait3A_411] : memref<65792x64xf32, #tpu.memory_space<hbm>> -> memref<256x64xf32, #tpu.memory_space<hbm>>
    %dma_wait3A_413 = arith.constant 0 : i32
    %dma_wait3A_414 = tpu.memref_slice %arg6[%add3A_355, %dma_wait3A_413] : memref<65792x64xf32, #tpu.memory_space<hbm>> -> memref<256x64xf32, #tpu.memory_space<hbm>>
    tpu.wait_dma2 semaphore(%arg15 : memref<!tpu.dma_semaphore, #tpu.memory_space<semaphore_mem>>) src(%arg9 : memref<256x64xf32, #tpu.memory_space<vmem>>) dst(%dma_wait3A_414 : memref<256x64xf32, #tpu.memory_space<hbm>>)
    %dma_wait3A_415 = arith.constant 0 : i32
    %dma_wait3A_416 = tpu.memref_slice %arg6[%add3A_406, %dma_wait3A_415] : memref<65792x64xf32, #tpu.memory_space<hbm>> -> memref<256x64xf32, #tpu.memory_space<hbm>>
    %dma_wait3A_417 = arith.constant 0 : i32
    %dma_wait3A_418 = tpu.memref_slice %arg6[%add3A_406, %dma_wait3A_417] : memref<65792x64xf32, #tpu.memory_space<hbm>> -> memref<256x64xf32, #tpu.memory_space<hbm>>
    tpu.wait_dma2 semaphore(%arg16 : memref<!tpu.dma_semaphore, #tpu.memory_space<semaphore_mem>>) src(%arg10 : memref<256x64xf32, #tpu.memory_space<vmem>>) dst(%dma_wait3A_418 : memref<256x64xf32, #tpu.memory_space<hbm>>)
    return
  }
}

</mosaic_0001>

<sc_bundles>
// kernel: _embed.3.cloned.1.call-start
scs
__scs_entry_jumppad:
0x0: {  	(pc) =	sbr.rel $0x88, $3  }
0x1: {  	(tag) =	ssettag $0x0;
	lr =	simm.s32 $0x1  }
0x2: {  	[smem:$0x3F9D] =	sst lr;
	_ =	strace $0xD0000000  }
0x3: {  	_ = 	snop  }
0x4: {  	_ = 	snop  }
0x5: {  	_ = 	snop  }
0x6: {  	_ = 	snop  }
0x7: {  	_ = 	snop  }
__scs_overlays_trampoline_lowered:
0x8: {  	[smem:$0x3FAC] =	sst s0  }
0x9: {  	[smem:$0x3FAD] =	sst s1  }
0xa: {  	[smem:$0x3FAE] =	sst s2  }
0xb: {  	[smem:$0x3FAF] =	sst s3  }
0xc: {  	[smem:$0x3FB0] =	sst s4  }
0xd: {  	[smem:$0x3FB1] =	sst s5  }
0xe: {  	[smem:$0x3FB2] =	sst s6  }
0xf: {  	[smem:$0x3FB3] =	sst s7  }
0x10: {  	[smem:$0x3FB4] =	sst s8  }
0x11: {  	[smem:$0x3FB5] =	sst s9;
	s0 =	simm.s32 @!p0 $0x0  }
0x12: {  	s1 =	sld [smem:$0x3F9B];
	s0 =	simm.s32 @p0 $0x1  }
0x13: {  	[smem:$0x3FB6] =	sst s0;
	s0 =	simm.s32 @!p1 $0x0  }
0x14: {  	s2 =	sld [smem:$0x3F9A];
	s0 =	simm.s32 @p1 $0x1  }
0x15: {  	[smem:$0x3FB7] =	sst s0;
	s0 =	simm.s32 @!p2 $0x0  }
0x16: {  	s3 =	sld [smem:$0x3FDB];
	s0 =	simm.s32 @p2 $0x1  }
0x17: {  	s4 =	simm.s32 $0x1BF5;
	[smem:$0x3FB9] =	sst s0  }
0x18: {  	s0 =	sld [smem:$0x3F9C];
	_ =	swait.ge [sflag:s4], $0x0  }
0x19: {  	s7 =	sld [smem:$0x3F9D]  }
0x1a: {  	s8 =	sadd.s32 $0xFFFFE003, lr  }
0x1b: {  	s9 =	sadd.s32 $0xFFFFFEF7, lr;
	s5 =	simm.s32 $0xFFFFFFFF;
	p2 =	slt.u32 s8, $0xFFFFF086  }
0x1c: {  	p1 =	slt.u32 s9, $0xF7A;
	s5 =	simm.s32 @!p2 $0x0  }
0x1d: {  	s5 =	simm.s32 @p1 $0x1;
	p0 =	seq.s32 s7, s2  }
0x1e: {  	s7 =	smul.u32 @!p0 $0xF7A, s2;
	p2 =	seq.s32 @!p0 s5, $0x0  }
0x1f: {  	s9 =	smul.u32 $0xF7A, s1;
	s8 =	simm.s32 @!p0 $0x1BF5;
	p2 =	por !p2, p0  }
0x20: {  	[sflag:s8] =	ssyncset.s32 @!p0 $0xFFFFF086;
	s6 =	sadd.s32 @!p0 s3, s7;
	s7 =	simm.s32 @!p0 $0x108  }
0x21: {  	s3 =	sadd.s32 s3, s9;
	s6 =	sadd.s32 @!p0 $0x88, s6;
	s7 =	simm.s32 @p2 $0x1082  }
0x22: {  	[simem:s7], [sflag:s8] =	dma.local @!p0 [hbm:s6], $0xF7A  }
0x23: {  	s9 =	sor.u32 $0xD0000000, s2;
	s6 =	simm.s32 $0x108;
	_ =	swait.ge @!p0 [sflag:s8], $0x0  }
0x24: {  	s3 =	sadd.s32 $0x88, s3;
	s6 =	simm.s32 @!p1 $0x1082;
	[sflag:s4] =	ssyncset.s32 $0xFFFFF086  }
0x25: {  	[simem:s6], [sflag:s4] =	dma.local [hbm:s3], $0xF7A  }
0x26: {  	[smem:$0x3F9D] =	sst s1;
	(tag) =	ssettag s2;
	_ =	strace s9  }
0x27: {  	s1 =	sld [smem:$0x3FAD]  }
0x28: {  	s2 =	sld [smem:$0x3FAE]  }
0x29: {  	s4 =	sld [smem:$0x3FB0]  }
0x2a: {  	p0 =	seq.s32 s5, $0x0;
	s5 =	sld [smem:$0x3FB1]  }
0x2b: {  	s6 =	sld [smem:$0x3FB2]  }
0x2c: {  	s7 =	sld [smem:$0x3FB3]  }
0x2d: {  	s3 =	simm.s32 $0x108;
	s8 =	sld [smem:$0x3FB4]  }
0x2e: {  	s3 =	simm.s32 @!p0 $0x1082;
	s9 =	sld [smem:$0x3FB5]  }
0x2f: {  	lr =	sadd.s32 s0, s3;
	s0 =	sld [smem:$0x3FAC]  }
0x30: {  	s3 =	sld [smem:$0x3FAF]  }
0x31: {  	[smem:$0x3FB8] =	sst s10  }
0x32: {  	s10 =	sld [smem:$0x3FB6];
	_ =	sdelay $0x3  }
0x33: {  	p0 =	seq.s32 s10, $0x1;
	s10 =	sld [smem:$0x3FB8];
	_ =	sdelay $0x3  }
0x34: {  	[smem:$0x3FB8] =	sst s10  }
0x35: {  	s10 =	sld [smem:$0x3FB7];
	_ =	sdelay $0x3  }
0x36: {  	p1 =	seq.s32 s10, $0x1;
	s10 =	sld [smem:$0x3FB8];
	_ =	sdelay $0x3  }
0x37: {  	[smem:$0x3FB8] =	sst s10  }
0x38: {  	s10 =	sld [smem:$0x3FB9]  }
0x39: {  	_ = 	snop;
	(pc) =	sbr.ind lr, $3  }
0x3a: {  	_ = 	snop  }
0x3b: {  	_ = 	snop  }
0x3c: {  	p2 =	seq.s32 s10, $0x1;
	s10 =	sld [smem:$0x3FB8]  }
0x3d: {  	_ =	shalt  }
0x3e: {  	_ =	shalt  }
0x3f: {  	_ =	shalt  }
0x40: {  	_ =	shalt  }
0x41: {  	_ =	shalt  }
0x42: {  	_ =	shalt  }
0x43: {  	_ =	shalt  }
0x44: {  	_ =	shalt  }
0x45: {  	_ =	shalt  }
0x46: {  	_ =	shalt  }
0x47: {  	_ =	shalt  }
0x48: {  	_ =	shalt  }
0x49: {  	_ =	shalt  }
0x4a: {  	_ =	shalt  }
0x4b: {  	_ =	shalt  }
0x4c: {  	_ =	shalt  }
0x4d: {  	_ =	shalt  }
0x4e: {  	_ =	shalt  }
0x4f: {  	_ =	shalt  }
0x50: {  	_ =	shalt  }
0x51: {  	_ =	shalt  }
0x52: {  	_ =	shalt  }
0x53: {  	_ =	shalt  }
0x54: {  	_ =	shalt  }
0x55: {  	_ =	shalt  }
0x56: {  	_ =	shalt  }
0x57: {  	_ =	shalt  }
0x58: {  	_ =	shalt  }
0x59: {  	_ =	shalt  }
0x5a: {  	_ =	shalt  }
0x5b: {  	_ =	shalt  }
0x5c: {  	_ =	shalt  }
0x5d: {  	_ =	shalt  }
0x5e: {  	_ =	shalt  }
0x5f: {  	_ =	shalt  }
0x60: {  	_ =	shalt  }
0x61: {  	_ =	shalt  }
0x62: {  	_ =	shalt  }
0x63: {  	_ =	shalt  }
0x64: {  	_ =	shalt  }
0x65: {  	_ =	shalt  }
0x66: {  	_ =	shalt  }
0x67: {  	_ =	shalt  }
0x68: {  	_ =	shalt  }
0x69: {  	_ =	shalt  }
0x6a: {  	_ =	shalt  }
0x6b: {  	_ =	shalt  }
0x6c: {  	_ =	shalt  }
0x6d: {  	_ =	shalt  }
0x6e: {  	_ =	shalt  }
0x6f: {  	_ =	shalt  }
0x70: {  	_ =	shalt  }
0x71: {  	_ =	shalt  }
0x72: {  	_ =	shalt  }
0x73: {  	_ =	shalt  }
0x74: {  	_ =	shalt  }
0x75: {  	_ =	shalt  }
0x76: {  	_ =	shalt  }
0x77: {  	_ =	shalt  }
0x78: {  	_ =	shalt  }
0x79: {  	_ =	shalt  }
0x7a: {  	_ =	shalt  }
0x7b: {  	_ =	shalt  }
0x7c: {  	_ =	shalt  }
0x7d: {  	_ =	shalt  }
0x7e: {  	_ =	shalt  }
0x7f: {  	_ =	shalt  }
0x80: {  	_ =	shalt  }
0x81: {  	_ =	shalt  }
0x82: {  	_ =	shalt  }
0x83: {  	_ =	shalt  }
0x84: {  	_ =	shalt  }
0x85: {  	_ =	shalt  }
0x86: {  	_ =	shalt  }
0x87: {  	_ =	shalt  }
.Lfunc_end0:
.L_simem_size_0:
called_computation_lowered:
.L_overlay_start_0:
0x88: {  	s2 =	sld [smem:$0x3FD9]  }
0x89: {  	s3 =	sld [smem:$0x3FFE];
	_ =	sdelay $0x1  }
0x8a: {  	s1 =	srdreg.scid  }
0x8b: {  	s0 =	sand.u32 $0x1, s1  }
0x8c: {  	s17 =	sshll.u32 s0, $0xA;
	s2 =	sadd.s32 s3, s2  }
0x8d: {  	s2 =	sadd.s32 s2, s17  }
0x8e: {  	[smem:$0x3FC4] =	sst s2  }
0x8f: {  	_ = 	snop  }
0x90: {  	s2 =	sld [smem:$0x3FC9]  }
0x91: {  	s18 =	sld [smem:$0x3FD0];
	(tm) =	ssettm $0x1  }
0x92: {  	s4 =	sld [smem:$0x3FFB];
	_ =	sdelay $0x3  }
0x93: {  	_ =	strace s4  }
0x94: {  	s4 =	sld [smem:$0x3FFC];
	_ =	sdelay $0x3  }
0x95: {  	_ =	strace s4  }
0x96: {  	s4 =	sld [smem:$0x3FFD];
	_ =	sdelay $0x3  }
0x97: {  	_ =	strace s4  }
0x98: {  	_ =	strace $0x8FFFFFFF  }
0x99: {  	s19 =	sld [smem:$0x3FDB];
	_ =	sdelay $0x1  }
0x9a: {  	s5 =	simm.s32 $_scs_section_size  }
0x9b: {  	s6 =	simm.s32 $_size__tile_overlayer_lowered;
	s7 =	simm.s32 $_tile_overlayer_lowered  }
0x9c: {  	s22 =	simm.s32 $0x1BFF;
	s21 =	sshll.u32 s7, $0x1;
	s4 =	sadd.s32 s5, s19  }
0x9d: {  	s8 =	simm.s32 $0x0;
	s20 =	sshll.u32 s6, $0x1;
	s6 =	sadd.s32 s21, s4  }
0x9e: {  	[timem:s8], [sflag:s22] =	dma.local [hbm:s6], s20  }
0x9f: {  	_ =	swait.ge [sflag:s22], s20  }
0xa0: {  	s5 =	ssub.s32 $0x0, s20;
	[sflag:s22] =	ssyncset.done $0x0  }
0xa1: {  	[sflag:s22] =	ssyncadd.s32 s5;
	_ =	sdelay $0x1  }
0xa2: {  	s23 =	simm.s32 $0x1B8B  }
0xa3: {  	_ =	swait.ge [sflag:s23], $0x1  }
0xa4: {  	[sflag:s23] =	ssyncset.done $0x0  }
0xa5: {  	s25 =	simm.s32 $0x1B8E;
	s24 =	sld [smem:$0x3FFE];
	[sflag:s23] =	ssyncadd.s32 $0xFFFFFFFF  }
0xa6: {  	s26 =	simm.s32 $execute0_lowered;
	[smem:$0x3FD2] =	sst s25  }
0xa7: {  	s6 =	sshll.u32 s26, $0x1;
	_ =	strace $0x80000046;
	[dreg:$0x1] =	wrdreg $0xFFFFFFFF  }
0xa8: {  	s28 =	simm.s32 $_size_execute0_lowered;
	s4 =	sadd.s32 s4, s6;
	[dreg:$0x0] =	wrdreg $0x0  }
0xa9: {  	s6 =	sshll.u32 s28, $0x1;
	[dreg:$0x2] =	wrdreg s4  }
0xaa: {  	[dreg:$0x3] =	wrdreg s6  }
0xab: {  	[dreg:$0x4] =	wrdreg $0xC0  }
0xac: {  	_ =	task [dreg:s8], $0x5FFFF  }
0xad: {  	[dreg:$0x1] =	wrdreg $0xFFFFFFFF  }
0xae: {  	[dreg:$0x0] =	wrdreg $0x60  }
0xaf: {  	[dreg:$0x2] =	wrdreg s2  }
0xb0: {  	[dreg:$0x3] =	wrdreg s24  }
0xb1: {  	[dreg:$0x4] =	wrdreg s18  }
0xb2: {  	[dreg:$0x5] =	wrdreg $0x9  }
0xb3: {  	_ =	task.clear_ibuf [dreg:s8], $0x6FFFF;
	_ =	strace $0x90000046  }
0xb4: {  	s29 =	simm.s32 $0x9;
	_ =	strace $0x80000048  }
0xb5: {  	_ =	swait.ge [sflag:s29], $0x1  }
0xb6: {  	[sflag:s29] =	ssyncadd.s32 $0xFFFFFFFF  }
0xb7: {  	_ =	strace $0x90000048  }
0xb8: {  	_ =	sfence  }
0xb9: {  	s30 =	sld [smem:$0x0];
	_ =	sdelay $0x2  }
0xba: {  	s31 =	sshll.u32 s1, $0xD;
	s1 =	sshrl.u32 s1, $0x2  }
0xbb: {  	s3 =	sand.u32 $0x4000, s31;
	s1 =	sadd.s32 s1, s30  }
0xbc: {  	s0 =	sor.u32 s3, s0;
	s1 =	sshll.u32 s1, $0x11  }
0xbd: {  	s0 =	sor.u32 s1, s0  }
0xbe: {  	s0 =	sadd.s32 $0x8F2B, s0  }
0xbf: {  	[sflag:s0] =	ssyncadd.remote.s32 $0x1  }
0xc0: {  	_ =	sfence.sel $0xFFFF  }
0xc1: {  	[dreg:$0x0] =	wrdreg $0xFFFFFFFF;
	(pc) =	sbr.abs _section_cstart, $3  }
0xc2: {  	[dreg:$0x1] =	wrdreg $0xFFFFFFFF  }
0xc3: {  	_ =	task.clear_ibuf [dreg:s8], $0x2FFFF;
	_ =	strace $0x9FFFFFFF  }
0xc4: {  	(tm) =	ssettm $0x7FFFFFFF  }
0xc5: {  	_ =	shalt  }
tec
execute0_lowered:
.L_overlay_start_1:
0x0: {  	(tag) =	ssettag $0x1  }
0x1: {  	s0 =	rddreg [dreg:$0x0]  }
0x2: {  	s1 =	rddreg [dreg:$0x1]  }
0x3: {  	s9 =	rddreg [dreg:$0x2];
	s3 =	simm.s32 $0x0  }
0x4: {  	s2 =	srdreg.scid;
	s4 =	stileid.u32;
	s17 =	simm.s32 $0x6  }
0x5: {  	s19 =	simm.s32 $0x2800;
	s20 =	simm.s32 $0x4800;
	s22 =	simm.s32 $0x1  }
0x6: {  	s24 =	simm.s32 $0x6800;
	s28 =	simm.s32 $0x2;
	s29 =	simm.s32 $0x3  }
0x7: {  	s21 =	simm.s32 $0x780;
	s23 =	simm.s32 $0x0;
	[smem:$0x7FF] =	sst s3  }
0x8: {  	s2 =	sand.u32 $0x1, s2;
	s4 =	sshll.u32 s4, $0x1;
	s5 =	sadd.s32 $0x8800, s1  }
0x9: {  	_ =	strace $0x80000047;
	s18 =	sor.u32 s2, s4;
	s2 =	ssub.s32 $0x2, s2  }
0xa: {  	s4 =	sadd.s32 $0x1E85000, s1;
	s6 =	sshll.u32 s18, $0xA;
	s26 =	sshrl.u32 s2, $0x1  }
0xb: {  	s30 =	sshll.u32 s18, $0x8;
	s8 =	sshll.u32 s18, $0xE;
	p0 =	sne.s32 s18, $0x0  }
0xc: {  	s18 =	simm.s32 $0x80;
	s1 =	sadd.s32 s6, s1;
	s2 =	ssub.s32 s2, s26  }
0xd: {  	s6 =	sadd.s32 s0, s30;
	s31 =	sadd.s32 s8, s9;
	s26 =	simm.s32 $0x8800  }
0xe: {  	s0 =	simm.s32 $0x4;
	s7 =	sadd.s32 $0x800, s1;
	s8 =	sadd.s32 $0x800, s31  }
0xf: {  	s9 =	sadd.s32 $0x1000, s31;
	s10 =	sadd.s32 $0x1800, s31;
	s11 =	sadd.s32 $0x2000, s31  }
0x10: {  	s12 =	sadd.s32 $0x2800, s31;
	s13 =	sadd.s32 $0x3000, s31;
	s14 =	sadd.s32 $0x3800, s31  }
0x11: {  	s15 =	sadd.s32 $0x4000, s31;
	s16 =	smax.u32 s2, $0x1;
	s2 =	simm.s32 $0x700  }
.LBB2_1:
0x12: {  	[tilespmem:s3], [sflag:$0x6] =	stream.linear.gather [hbm4b:s6+s3], $0x800, $0x38;
	[tilespmem:$0xE900] =	vst v63  }
0x13: {  	_ =	swait.ge [sflag:s17], $0x800  }
0x14: {  	[sflag:s17] =	ssyncset.done $0x0  }
0x15: {  	s25 =	simm.s32 $0x0;
	s30 =	simm.s32 $0x40;
	[sflag:s17] =	ssyncadd.s32 $0xFFFFF800  }
.LBB2_2:
0x16: {  	p1 =	sne.s32 s30, $0x1FC0;
	v0 =	vld [tilespmem:s25+$0x0];
	_ =	sdelay $0x1  }
.Ltmp0:
0x17: {  	(pc) =	sbr.rel @p1 .LBB2_2-.Ltmp0, $3  }
0x18: {  	_ =	sdelay $0x1  }
0x19: {  	v0 =	vshll.u32 v0, $0x1  }
0x1a: {  	[tilespmem:s25+$0x0] =	vst v0;
	s25 =	sshra.s32 s30, $0x2;
	s30 =	sadd.s32 $0x40, s30  }
0x1b: {  	v0 =	vld [tilespmem:s25+$0x0];
	_ =	sdelay $0x4  }
0x1c: {  	v0 =	vshll.u32 v0, $0x1  }
0x1d: {  	[tilespmem:s25+$0x0] =	vst v0  }
0x1e: {  	[tilespmem:s19], [sflag:$0x1] =	stream.indirect.gather [hbm4b:s4+s18], $0x40, s3, s18, $0xb8;
	[tilespmem:$0xE900] =	vst v63  }
0x1f: {  	_ = 	snop  }
0x20: {  	v0 =	vimm.s32 @!p0 $0x0;
	[tilespmem:s20], [sflag:$0x1] =	stream.indirect.gather [hbm4b:s4+s18], $0x40, s18, s18, $0xb8;
	[tilespmem:$0xE900] =	vst v63  }
0x21: {  	[tilespmem:$0xA800] =	vst @!p0 v0;
	v0 =	vimm.s32 @!p0 $0x2  }
0x22: {  	[tilespmem:$0xA810] =	vst @!p0 v0;
	v0 =	vimm.s32 @!p0 $0x4  }
0x23: {  	[tilespmem:$0xA820] =	vst @!p0 v0;
	v0 =	vimm.s32 @!p0 $0x6  }
0x24: {  	[tilespmem:$0xA830] =	vst @!p0 v0;
	v0 =	vimm.s32 @!p0 $0x8  }
0x25: {  	[tilespmem:$0xA840] =	vst @!p0 v0;
	v0 =	vimm.s32 @!p0 $0xA  }
0x26: {  	[tilespmem:$0xA850] =	vst @!p0 v0;
	v0 =	vimm.s32 @!p0 $0xC  }
0x27: {  	[tilespmem:$0xA860] =	vst @!p0 v0;
	v0 =	vimm.s32 @!p0 $0xE  }
0x28: {  	[tilespmem:$0xA870] =	vst @!p0 v0;
	v0 =	vimm.s32 @!p0 $0x10  }
0x29: {  	[tilespmem:$0xA880] =	vst @!p0 v0;
	v0 =	vimm.s32 @!p0 $0x12  }
0x2a: {  	[tilespmem:$0xA890] =	vst @!p0 v0;
	v0 =	vimm.s32 @!p0 $0x14  }
0x2b: {  	[tilespmem:$0xA8A0] =	vst @!p0 v0;
	v0 =	vimm.s32 @!p0 $0x16  }
0x2c: {  	[tilespmem:$0xA8B0] =	vst @!p0 v0;
	v0 =	vimm.s32 @!p0 $0x18  }
0x2d: {  	[tilespmem:$0xA8C0] =	vst @!p0 v0;
	v0 =	vimm.s32 @!p0 $0x1A  }
0x2e: {  	[tilespmem:$0xA8D0] =	vst @!p0 v0;
	v0 =	vimm.s32 @!p0 $0x1C  }
0x2f: {  	[tilespmem:$0xA8E0] =	vst @!p0 v0;
	v0 =	vimm.s32 @!p0 $0x1E  }
0x30: {  	s30 =	simm.s32 @!p0 $0xA800;
	s31 =	simm.s32 @!p0 $0xA900;
	s25 =	simm.s32 @!p0 $0x80;
	[tilespmem:$0xA8F0] =	vst @!p0 v0  }
0x31: {  	[tilespmem:s31], [sflag:$0x5] =	stream.indirect.gather @!p0 [hbm4b:s5+s25], $0x40, s30, s25, $0xb8;
	[tilespmem:$0xE900] =	vst v63  }
0x32: {  	s1 =	simm.s32 @!p0 $0xC900;
	s30 =	simm.s32 @!p0 $0xA880  }
0x33: {  	[tilespmem:s1], [sflag:$0x5] =	stream.indirect.gather @!p0 [hbm4b:s5+s25], $0x40, s30, s25, $0xb8;
	[tilespmem:$0xE900] =	vst v63  }
0x34: {  	s1 =	simm.s32 @!p0 $0x5  }
0x35: {  	_ =	swait.ge @!p0 [sflag:s1], $0x2000  }
0x36: {  	[sflag:s1] =	ssyncset.done @!p0 $0x0  }
0x37: {  	[sflag:s1] =	ssyncadd.s32 @!p0 $0xFFFFE000  }
0x38: {  	_ =	swait.ge @!p0 [sflag:s1], $0x2000  }
0x39: {  	[sflag:s1] =	ssyncset.done @!p0 $0x0  }
0x3a: {  	[sflag:s1] =	ssyncadd.s32 @!p0 $0xFFFFE000  }
0x3b: {  	s1 =	simm.s32 @!p0 $0x0;
	s25 =	rddreg [dreg:$0x2]  }
0x3c: {  	[hbm4b:s25+s1] =	stream.linear.scatter @!p0 [tilespmem:s31], [sflag:$0x6], $0x4000, $0x38;
	[tilespmem:$0xE900] =	vst v63  }
0x3d: {  	s1 =	simm.s32 @!p0 $0x6  }
0x3e: {  	_ =	swait.ge @!p0 [sflag:s1], $0x4000  }
0x3f: {  	[sflag:s1] =	ssyncset.done @!p0 $0x0  }
0x40: {  	s25 =	simm.s32 $0x0;
	s31 =	simm.s32 $0x800;
	[sflag:s1] =	ssyncadd.s32 @!p0 $0xFFFFC000  }
0x41: {  	[tilespmem:s31], [sflag:$0x6] =	stream.linear.gather [hbm4b:s7+s25], $0x2000, $0x38;
	[tilespmem:$0xE900] =	vst v63  }
0x42: {  	_ =	swait.ge [sflag:s17], $0x2000  }
0x43: {  	[sflag:s17] =	ssyncset.done $0x0  }
0x44: {  	[sflag:s17] =	ssyncadd.s32 $0xFFFFE000  }
0x45: {  	_ =	swait.ge [sflag:s22], $0x2000  }
0x46: {  	[sflag:s22] =	ssyncset.done $0x0  }
0x47: {  	[sflag:s22] =	ssyncadd.s32 $0xFFFFE000  }
0x48: {  	_ =	swait.ge [sflag:s22], $0x2000  }
0x49: {  	[sflag:s22] =	ssyncset.done $0x0  }
0x4a: {  	s30 =	simm.s32 $0x820;
	[sflag:s22] =	ssyncadd.s32 $0xFFFFE000  }
.LBB2_4:
0x4b: {  	v0 =	vld [tilespmem:s30+$0xFFFFFFE0];
	_ =	sdelay $0x3  }
0x4c: {  	s31 =	sshra.s32 s25, $0x2  }
0x4d: {  	[tilespmem:s31+$0x2800] =	vst.add.f32.msk $0xffff, v0  }
0x4e: {  	[tilespmem:s31+$0x2840] =	vst.add.f32.msk $0xffff, v0  }
0x4f: {  	[tilespmem:s31+$0x2880] =	vst.add.f32.msk $0xffff, v0  }
0x50: {  	[tilespmem:s31+$0x28C0] =	vst.add.f32.msk $0xffff, v0  }
0x51: {  	[tilespmem:s31+$0x2900] =	vst.add.f32.msk $0xffff, v0  }
0x52: {  	[tilespmem:s31+$0x2940] =	vst.add.f32.msk $0xffff, v0  }
0x53: {  	[tilespmem:s31+$0x2980] =	vst.add.f32.msk $0xffff, v0  }
0x54: {  	[tilespmem:s31+$0x29C0] =	vst.add.f32.msk $0xffff, v0  }
0x55: {  	[tilespmem:s31+$0x2A00] =	vst.add.f32.msk $0xffff, v0  }
0x56: {  	[tilespmem:s31+$0x2A40] =	vst.add.f32.msk $0xffff, v0  }
0x57: {  	[tilespmem:s31+$0x2A80] =	vst.add.f32.msk $0xffff, v0  }
0x58: {  	[tilespmem:s31+$0x2AC0] =	vst.add.f32.msk $0xffff, v0  }
0x59: {  	[tilespmem:s31+$0x2B00] =	vst.add.f32.msk $0xffff, v0  }
0x5a: {  	[tilespmem:s31+$0x2B40] =	vst.add.f32.msk $0xffff, v0  }
0x5b: {  	[tilespmem:s31+$0x2B80] =	vst.add.f32.msk $0xffff, v0  }
0x5c: {  	[tilespmem:s31+$0x2BC0] =	vst.add.f32.msk $0xffff, v0  }
0x5d: {  	v0 =	vld [tilespmem:s30+$0xFFFFFFF0];
	_ =	sdelay $0x4  }
0x5e: {  	[tilespmem:s31+$0x2810] =	vst.add.f32.msk $0xffff, v0  }
0x5f: {  	[tilespmem:s31+$0x2850] =	vst.add.f32.msk $0xffff, v0  }
0x60: {  	[tilespmem:s31+$0x2890] =	vst.add.f32.msk $0xffff, v0  }
0x61: {  	[tilespmem:s31+$0x28D0] =	vst.add.f32.msk $0xffff, v0  }
0x62: {  	[tilespmem:s31+$0x2910] =	vst.add.f32.msk $0xffff, v0  }
0x63: {  	[tilespmem:s31+$0x2950] =	vst.add.f32.msk $0xffff, v0  }
0x64: {  	[tilespmem:s31+$0x2990] =	vst.add.f32.msk $0xffff, v0  }
0x65: {  	[tilespmem:s31+$0x29D0] =	vst.add.f32.msk $0xffff, v0  }
0x66: {  	[tilespmem:s31+$0x2A10] =	vst.add.f32.msk $0xffff, v0  }
0x67: {  	[tilespmem:s31+$0x2A50] =	vst.add.f32.msk $0xffff, v0  }
0x68: {  	[tilespmem:s31+$0x2A90] =	vst.add.f32.msk $0xffff, v0  }
0x69: {  	[tilespmem:s31+$0x2AD0] =	vst.add.f32.msk $0xffff, v0  }
0x6a: {  	[tilespmem:s31+$0x2B10] =	vst.add.f32.msk $0xffff, v0  }
0x6b: {  	[tilespmem:s31+$0x2B50] =	vst.add.f32.msk $0xffff, v0  }
0x6c: {  	[tilespmem:s31+$0x2B90] =	vst.add.f32.msk $0xffff, v0  }
0x6d: {  	[tilespmem:s31+$0x2BD0] =	vst.add.f32.msk $0xffff, v0  }
0x6e: {  	v0 =	vld [tilespmem:s30+$0x0];
	_ =	sdelay $0x4  }
0x6f: {  	[tilespmem:s31+$0x2820] =	vst.add.f32.msk $0xffff, v0  }
0x70: {  	[tilespmem:s31+$0x2860] =	vst.add.f32.msk $0xffff, v0  }
0x71: {  	[tilespmem:s31+$0x28A0] =	vst.add.f32.msk $0xffff, v0  }
0x72: {  	[tilespmem:s31+$0x28E0] =	vst.add.f32.msk $0xffff, v0  }
0x73: {  	[tilespmem:s31+$0x2920] =	vst.add.f32.msk $0xffff, v0  }
0x74: {  	[tilespmem:s31+$0x2960] =	vst.add.f32.msk $0xffff, v0  }
0x75: {  	[tilespmem:s31+$0x29A0] =	vst.add.f32.msk $0xffff, v0  }
0x76: {  	[tilespmem:s31+$0x29E0] =	vst.add.f32.msk $0xffff, v0  }
0x77: {  	[tilespmem:s31+$0x2A20] =	vst.add.f32.msk $0xffff, v0  }
0x78: {  	[tilespmem:s31+$0x2A60] =	vst.add.f32.msk $0xffff, v0  }
0x79: {  	[tilespmem:s31+$0x2AA0] =	vst.add.f32.msk $0xffff, v0  }
0x7a: {  	[tilespmem:s31+$0x2AE0] =	vst.add.f32.msk $0xffff, v0  }
0x7b: {  	[tilespmem:s31+$0x2B20] =	vst.add.f32.msk $0xffff, v0  }
0x7c: {  	[tilespmem:s31+$0x2B60] =	vst.add.f32.msk $0xffff, v0  }
0x7d: {  	[tilespmem:s31+$0x2BA0] =	vst.add.f32.msk $0xffff, v0  }
0x7e: {  	[tilespmem:s31+$0x2BE0] =	vst.add.f32.msk $0xffff, v0  }
0x7f: {  	v0 =	vld [tilespmem:s30+$0x10];
	_ =	sdelay $0x4  }
0x80: {  	[tilespmem:s31+$0x2830] =	vst.add.f32.msk $0xffff, v0  }
0x81: {  	[tilespmem:s31+$0x2870] =	vst.add.f32.msk $0xffff, v0  }
0x82: {  	[tilespmem:s31+$0x28B0] =	vst.add.f32.msk $0xffff, v0  }
0x83: {  	[tilespmem:s31+$0x28F0] =	vst.add.f32.msk $0xffff, v0  }
0x84: {  	[tilespmem:s31+$0x2930] =	vst.add.f32.msk $0xffff, v0  }
0x85: {  	[tilespmem:s31+$0x2970] =	vst.add.f32.msk $0xffff, v0  }
0x86: {  	[tilespmem:s31+$0x29B0] =	vst.add.f32.msk $0xffff, v0  }
0x87: {  	[tilespmem:s31+$0x29F0] =	vst.add.f32.msk $0xffff, v0  }
0x88: {  	[tilespmem:s31+$0x2A30] =	vst.add.f32.msk $0xffff, v0  }
0x89: {  	[tilespmem:s31+$0x2A70] =	vst.add.f32.msk $0xffff, v0  }
0x8a: {  	p1 =	sne.s32 s25, $0xF000;
	[tilespmem:s31+$0x2AB0] =	vst.add.f32.msk $0xffff, v0  }
.Ltmp1:
0x8b: {  	[tilespmem:s31+$0x2AF0] =	vst.add.f32.msk $0xffff, v0;
	(pc) =	sbr.rel @p1 .LBB2_4-.Ltmp1, $4  }
0x8c: {  	[tilespmem:s31+$0x2B30] =	vst.add.f32.msk $0xffff, v0  }
0x8d: {  	[tilespmem:s31+$0x2B70] =	vst.add.f32.msk $0xffff, v0  }
0x8e: {  	[tilespmem:s31+$0x2BB0] =	vst.add.f32.msk $0xffff, v0  }
0x8f: {  	s25 =	sadd.s32 $0x1000, s25;
	s30 =	sadd.s32 $0x40, s30;
	[tilespmem:s31+$0x2BF0] =	vst.add.f32.msk $0xffff, v0  }
0x90: {  	s25 =	simm.s32 $0x0  }
0x91: {  	[hbm4b:s8+s25] =	stream.linear.scatter [tilespmem:s19], [sflag:$0x3], $0x4000, $0x38;
	[tilespmem:$0xE900] =	vst v63  }
0x92: {  	s1 =	simm.s32 $0x100  }
0x93: {  	[tilespmem:s24], [sflag:$0x2] =	stream.indirect.gather [hbm4b:s4+s18], $0x40, s1, s18, $0xb8;
	[tilespmem:$0xE900] =	vst v63  }
0x94: {  	s31 =	simm.s32 $0x180  }
0x95: {  	[tilespmem:s26], [sflag:$0x2] =	stream.indirect.gather [hbm4b:s4+s18], $0x40, s31, s18, $0xb8;
	[tilespmem:$0xE900] =	vst v63  }
0x96: {  	_ =	swait.ge [sflag:s28], $0x2000  }
0x97: {  	[sflag:s28] =	ssyncset.done $0x0  }
0x98: {  	[sflag:s28] =	ssyncadd.s32 $0xFFFFE000  }
0x99: {  	_ =	swait.ge [sflag:s28], $0x2000  }
0x9a: {  	[sflag:s28] =	ssyncset.done $0x0  }
0x9b: {  	s30 =	simm.s32 $0xC30;
	[sflag:s28] =	ssyncadd.s32 $0xFFFFE000  }
.LBB2_6:
0x9c: {  	v0 =	vld [tilespmem:s30+$0xFFFFFFD0];
	_ =	sdelay $0x3  }
0x9d: {  	s31 =	sshra.s32 s25, $0x2  }
0x9e: {  	[tilespmem:s31+$0x6800] =	vst.add.f32.msk $0xffff, v0  }
0x9f: {  	[tilespmem:s31+$0x6840] =	vst.add.f32.msk $0xffff, v0  }
0xa0: {  	[tilespmem:s31+$0x6880] =	vst.add.f32.msk $0xffff, v0  }
0xa1: {  	[tilespmem:s31+$0x68C0] =	vst.add.f32.msk $0xffff, v0  }
0xa2: {  	[tilespmem:s31+$0x6900] =	vst.add.f32.msk $0xffff, v0  }
0xa3: {  	[tilespmem:s31+$0x6940] =	vst.add.f32.msk $0xffff, v0  }
0xa4: {  	[tilespmem:s31+$0x6980] =	vst.add.f32.msk $0xffff, v0  }
0xa5: {  	[tilespmem:s31+$0x69C0] =	vst.add.f32.msk $0xffff, v0  }
0xa6: {  	[tilespmem:s31+$0x6A00] =	vst.add.f32.msk $0xffff, v0  }
0xa7: {  	[tilespmem:s31+$0x6A40] =	vst.add.f32.msk $0xffff, v0  }
0xa8: {  	[tilespmem:s31+$0x6A80] =	vst.add.f32.msk $0xffff, v0  }
0xa9: {  	[tilespmem:s31+$0x6AC0] =	vst.add.f32.msk $0xffff, v0  }
0xaa: {  	[tilespmem:s31+$0x6B00] =	vst.add.f32.msk $0xffff, v0  }
0xab: {  	[tilespmem:s31+$0x6B40] =	vst.add.f32.msk $0xffff, v0  }
0xac: {  	[tilespmem:s31+$0x6B80] =	vst.add.f32.msk $0xffff, v0  }
0xad: {  	[tilespmem:s31+$0x6BC0] =	vst.add.f32.msk $0xffff, v0  }
0xae: {  	v0 =	vld [tilespmem:s30+$0xFFFFFFE0];
	_ =	sdelay $0x4  }
0xaf: {  	[tilespmem:s31+$0x6810] =	vst.add.f32.msk $0xffff, v0  }
0xb0: {  	[tilespmem:s31+$0x6850] =	vst.add.f32.msk $0xffff, v0  }
0xb1: {  	[tilespmem:s31+$0x6890] =	vst.add.f32.msk $0xffff, v0  }
0xb2: {  	[tilespmem:s31+$0x68D0] =	vst.add.f32.msk $0xffff, v0  }
0xb3: {  	[tilespmem:s31+$0x6910] =	vst.add.f32.msk $0xffff, v0  }
0xb4: {  	[tilespmem:s31+$0x6950] =	vst.add.f32.msk $0xffff, v0  }
0xb5: {  	[tilespmem:s31+$0x6990] =	vst.add.f32.msk $0xffff, v0  }
0xb6: {  	[tilespmem:s31+$0x69D0] =	vst.add.f32.msk $0xffff, v0  }
0xb7: {  	[tilespmem:s31+$0x6A10] =	vst.add.f32.msk $0xffff, v0  }
0xb8: {  	[tilespmem:s31+$0x6A50] =	vst.add.f32.msk $0xffff, v0  }
0xb9: {  	[tilespmem:s31+$0x6A90] =	vst.add.f32.msk $0xffff, v0  }
0xba: {  	[tilespmem:s31+$0x6AD0] =	vst.add.f32.msk $0xffff, v0  }
0xbb: {  	[tilespmem:s31+$0x6B10] =	vst.add.f32.msk $0xffff, v0  }
0xbc: {  	[tilespmem:s31+$0x6B50] =	vst.add.f32.msk $0xffff, v0  }
0xbd: {  	[tilespmem:s31+$0x6B90] =	vst.add.f32.msk $0xffff, v0  }
0xbe: {  	[tilespmem:s31+$0x6BD0] =	vst.add.f32.msk $0xffff, v0  }
0xbf: {  	v0 =	vld [tilespmem:s30+$0xFFFFFFF0];
	_ =	sdelay $0x4  }
0xc0: {  	[tilespmem:s31+$0x6820] =	vst.add.f32.msk $0xffff, v0  }
0xc1: {  	[tilespmem:s31+$0x6860] =	vst.add.f32.msk $0xffff, v0  }
0xc2: {  	[tilespmem:s31+$0x68A0] =	vst.add.f32.msk $0xffff, v0  }
0xc3: {  	[tilespmem:s31+$0x68E0] =	vst.add.f32.msk $0xffff, v0  }
0xc4: {  	[tilespmem:s31+$0x6920] =	vst.add.f32.msk $0xffff, v0  }
0xc5: {  	[tilespmem:s31+$0x6960] =	vst.add.f32.msk $0xffff, v0  }
0xc6: {  	[tilespmem:s31+$0x69A0] =	vst.add.f32.msk $0xffff, v0  }
0xc7: {  	[tilespmem:s31+$0x69E0] =	vst.add.f32.msk $0xffff, v0  }
0xc8: {  	[tilespmem:s31+$0x6A20] =	vst.add.f32.msk $0xffff, v0  }
0xc9: {  	[tilespmem:s31+$0x6A60] =	vst.add.f32.msk $0xffff, v0  }
0xca: {  	[tilespmem:s31+$0x6AA0] =	vst.add.f32.msk $0xffff, v0  }
0xcb: {  	[tilespmem:s31+$0x6AE0] =	vst.add.f32.msk $0xffff, v0  }
0xcc: {  	[tilespmem:s31+$0x6B20] =	vst.add.f32.msk $0xffff, v0  }
0xcd: {  	[tilespmem:s31+$0x6B60] =	vst.add.f32.msk $0xffff, v0  }
0xce: {  	[tilespmem:s31+$0x6BA0] =	vst.add.f32.msk $0xffff, v0  }
0xcf: {  	[tilespmem:s31+$0x6BE0] =	vst.add.f32.msk $0xffff, v0  }
0xd0: {  	v0 =	vld [tilespmem:s30+$0x0];
	_ =	sdelay $0x4  }
0xd1: {  	[tilespmem:s31+$0x6830] =	vst.add.f32.msk $0xffff, v0  }
0xd2: {  	[tilespmem:s31+$0x6870] =	vst.add.f32.msk $0xffff, v0  }
0xd3: {  	[tilespmem:s31+$0x68B0] =	vst.add.f32.msk $0xffff, v0  }
0xd4: {  	[tilespmem:s31+$0x68F0] =	vst.add.f32.msk $0xffff, v0  }
0xd5: {  	[tilespmem:s31+$0x6930] =	vst.add.f32.msk $0xffff, v0  }
0xd6: {  	[tilespmem:s31+$0x6970] =	vst.add.f32.msk $0xffff, v0  }
0xd7: {  	[tilespmem:s31+$0x69B0] =	vst.add.f32.msk $0xffff, v0  }
0xd8: {  	[tilespmem:s31+$0x69F0] =	vst.add.f32.msk $0xffff, v0  }
0xd9: {  	[tilespmem:s31+$0x6A30] =	vst.add.f32.msk $0xffff, v0  }
0xda: {  	[tilespmem:s31+$0x6A70] =	vst.add.f32.msk $0xffff, v0  }
0xdb: {  	p1 =	sne.s32 s25, $0xF000;
	[tilespmem:s31+$0x6AB0] =	vst.add.f32.msk $0xffff, v0  }
.Ltmp2:
0xdc: {  	[tilespmem:s31+$0x6AF0] =	vst.add.f32.msk $0xffff, v0;
	(pc) =	sbr.rel @p1 .LBB2_6-.Ltmp2, $4  }
0xdd: {  	[tilespmem:s31+$0x6B30] =	vst.add.f32.msk $0xffff, v0  }
0xde: {  	[tilespmem:s31+$0x6B70] =	vst.add.f32.msk $0xffff, v0  }
0xdf: {  	[tilespmem:s31+$0x6BB0] =	vst.add.f32.msk $0xffff, v0  }
0xe0: {  	s25 =	sadd.s32 $0x1000, s25;
	s30 =	sadd.s32 $0x40, s30;
	[tilespmem:s31+$0x6BF0] =	vst.add.f32.msk $0xffff, v0  }
0xe1: {  	s25 =	simm.s32 $0x0  }
0xe2: {  	[hbm4b:s9+s25] =	stream.linear.scatter [tilespmem:s24], [sflag:$0x4], $0x4000, $0x38;
	[tilespmem:$0xE900] =	vst v63  }
0xe3: {  	_ =	swait.ge [sflag:s29], $0x4000  }
0xe4: {  	[sflag:s29] =	ssyncset.done $0x0  }
0xe5: {  	s1 =	simm.s32 $0x200;
	[sflag:s29] =	ssyncadd.s32 $0xFFFFC000  }
0xe6: {  	[tilespmem:s19], [sflag:$0x1] =	stream.indirect.gather [hbm4b:s4+s18], $0x40, s1, s18, $0xb8;
	[tilespmem:$0xE900] =	vst v63  }
0xe7: {  	s31 =	simm.s32 $0x280  }
0xe8: {  	[tilespmem:s20], [sflag:$0x1] =	stream.indirect.gather [hbm4b:s4+s18], $0x40, s31, s18, $0xb8;
	[tilespmem:$0xE900] =	vst v63  }
0xe9: {  	_ =	swait.ge [sflag:s22], $0x2000  }
0xea: {  	[sflag:s22] =	ssyncset.done $0x0  }
0xeb: {  	[sflag:s22] =	ssyncadd.s32 $0xFFFFE000  }
0xec: {  	_ =	swait.ge [sflag:s22], $0x2000  }
0xed: {  	[sflag:s22] =	ssyncset.done $0x0  }
0xee: {  	s30 =	simm.s32 $0x1030;
	[sflag:s22] =	ssyncadd.s32 $0xFFFFE000  }
.LBB2_8:
0xef: {  	v0 =	vld [tilespmem:s30+$0xFFFFFFD0];
	_ =	sdelay $0x3  }
0xf0: {  	s31 =	sshra.s32 s25, $0x2  }
0xf1: {  	[tilespmem:s31+$0x2800] =	vst.add.f32.msk $0xffff, v0  }
0xf2: {  	[tilespmem:s31+$0x2840] =	vst.add.f32.msk $0xffff, v0  }
0xf3: {  	[tilespmem:s31+$0x2880] =	vst.add.f32.msk $0xffff, v0  }
0xf4: {  	[tilespmem:s31+$0x28C0] =	vst.add.f32.msk $0xffff, v0  }
0xf5: {  	[tilespmem:s31+$0x2900] =	vst.add.f32.msk $0xffff, v0  }
0xf6: {  	[tilespmem:s31+$0x2940] =	vst.add.f32.msk $0xffff, v0  }
0xf7: {  	[tilespmem:s31+$0x2980] =	vst.add.f32.msk $0xffff, v0  }
0xf8: {  	[tilespmem:s31+$0x29C0] =	vst.add.f32.msk $0xffff, v0  }
0xf9: {  	[tilespmem:s31+$0x2A00] =	vst.add.f32.msk $0xffff, v0  }
0xfa: {  	[tilespmem:s31+$0x2A40] =	vst.add.f32.msk $0xffff, v0  }
0xfb: {  	[tilespmem:s31+$0x2A80] =	vst.add.f32.msk $0xffff, v0  }
0xfc: {  	[tilespmem:s31+$0x2AC0] =	vst.add.f32.msk $0xffff, v0  }
0xfd: {  	[tilespmem:s31+$0x2B00] =	vst.add.f32.msk $0xffff, v0  }
0xfe: {  	[tilespmem:s31+$0x2B40] =	vst.add.f32.msk $0xffff, v0  }
0xff: {  	[tilespmem:s31+$0x2B80] =	vst.add.f32.msk $0xffff, v0  }
0x100: {  	[tilespmem:s31+$0x2BC0] =	vst.add.f32.msk $0xffff, v0  }
0x101: {  	v0 =	vld [tilespmem:s30+$0xFFFFFFE0];
	_ =	sdelay $0x4  }
0x102: {  	[tilespmem:s31+$0x2810] =	vst.add.f32.msk $0xffff, v0  }
0x103: {  	[tilespmem:s31+$0x2850] =	vst.add.f32.msk $0xffff, v0  }
0x104: {  	[tilespmem:s31+$0x2890] =	vst.add.f32.msk $0xffff, v0  }
0x105: {  	[tilespmem:s31+$0x28D0] =	vst.add.f32.msk $0xffff, v0  }
0x106: {  	[tilespmem:s31+$0x2910] =	vst.add.f32.msk $0xffff, v0  }
0x107: {  	[tilespmem:s31+$0x2950] =	vst.add.f32.msk $0xffff, v0  }
0x108: {  	[tilespmem:s31+$0x2990] =	vst.add.f32.msk $0xffff, v0  }
0x109: {  	[tilespmem:s31+$0x29D0] =	vst.add.f32.msk $0xffff, v0  }
0x10a: {  	[tilespmem:s31+$0x2A10] =	vst.add.f32.msk $0xffff, v0  }
0x10b: {  	[tilespmem:s31+$0x2A50] =	vst.add.f32.msk $0xffff, v0  }
0x10c: {  	[tilespmem:s31+$0x2A90] =	vst.add.f32.msk $0xffff, v0  }
0x10d: {  	[tilespmem:s31+$0x2AD0] =	vst.add.f32.msk $0xffff, v0  }
0x10e: {  	[tilespmem:s31+$0x2B10] =	vst.add.f32.msk $0xffff, v0  }
0x10f: {  	[tilespmem:s31+$0x2B50] =	vst.add.f32.msk $0xffff, v0  }
0x110: {  	[tilespmem:s31+$0x2B90] =	vst.add.f32.msk $0xffff, v0  }
0x111: {  	[tilespmem:s31+$0x2BD0] =	vst.add.f32.msk $0xffff, v0  }
0x112: {  	v0 =	vld [tilespmem:s30+$0xFFFFFFF0];
	_ =	sdelay $0x4  }
0x113: {  	[tilespmem:s31+$0x2820] =	vst.add.f32.msk $0xffff, v0  }
0x114: {  	[tilespmem:s31+$0x2860] =	vst.add.f32.msk $0xffff, v0  }
0x115: {  	[tilespmem:s31+$0x28A0] =	vst.add.f32.msk $0xffff, v0  }
0x116: {  	[tilespmem:s31+$0x28E0] =	vst.add.f32.msk $0xffff, v0  }
0x117: {  	[tilespmem:s31+$0x2920] =	vst.add.f32.msk $0xffff, v0  }
0x118: {  	[tilespmem:s31+$0x2960] =	vst.add.f32.msk $0xffff, v0  }
0x119: {  	[tilespmem:s31+$0x29A0] =	vst.add.f32.msk $0xffff, v0  }
0x11a: {  	[tilespmem:s31+$0x29E0] =	vst.add.f32.msk $0xffff, v0  }
0x11b: {  	[tilespmem:s31+$0x2A20] =	vst.add.f32.msk $0xffff, v0  }
0x11c: {  	[tilespmem:s31+$0x2A60] =	vst.add.f32.msk $0xffff, v0  }
0x11d: {  	[tilespmem:s31+$0x2AA0] =	vst.add.f32.msk $0xffff, v0  }
0x11e: {  	[tilespmem:s31+$0x2AE0] =	vst.add.f32.msk $0xffff, v0  }
0x11f: {  	[tilespmem:s31+$0x2B20] =	vst.add.f32.msk $0xffff, v0  }
0x120: {  	[tilespmem:s31+$0x2B60] =	vst.add.f32.msk $0xffff, v0  }
0x121: {  	[tilespmem:s31+$0x2BA0] =	vst.add.f32.msk $0xffff, v0  }
0x122: {  	[tilespmem:s31+$0x2BE0] =	vst.add.f32.msk $0xffff, v0  }
0x123: {  	v0 =	vld [tilespmem:s30+$0x0];
	_ =	sdelay $0x4  }
0x124: {  	[tilespmem:s31+$0x2830] =	vst.add.f32.msk $0xffff, v0  }
0x125: {  	[tilespmem:s31+$0x2870] =	vst.add.f32.msk $0xffff, v0  }
0x126: {  	[tilespmem:s31+$0x28B0] =	vst.add.f32.msk $0xffff, v0  }
0x127: {  	[tilespmem:s31+$0x28F0] =	vst.add.f32.msk $0xffff, v0  }
0x128: {  	[tilespmem:s31+$0x2930] =	vst.add.f32.msk $0xffff, v0  }
0x129: {  	[tilespmem:s31+$0x2970] =	vst.add.f32.msk $0xffff, v0  }
0x12a: {  	[tilespmem:s31+$0x29B0] =	vst.add.f32.msk $0xffff, v0  }
0x12b: {  	[tilespmem:s31+$0x29F0] =	vst.add.f32.msk $0xffff, v0  }
0x12c: {  	[tilespmem:s31+$0x2A30] =	vst.add.f32.msk $0xffff, v0  }
0x12d: {  	[tilespmem:s31+$0x2A70] =	vst.add.f32.msk $0xffff, v0  }
0x12e: {  	p1 =	sne.s32 s25, $0xF000;
	[tilespmem:s31+$0x2AB0] =	vst.add.f32.msk $0xffff, v0  }
.Ltmp3:
0x12f: {  	[tilespmem:s31+$0x2AF0] =	vst.add.f32.msk $0xffff, v0;
	(pc) =	sbr.rel @p1 .LBB2_8-.Ltmp3, $4  }
0x130: {  	[tilespmem:s31+$0x2B30] =	vst.add.f32.msk $0xffff, v0  }
0x131: {  	[tilespmem:s31+$0x2B70] =	vst.add.f32.msk $0xffff, v0  }
0x132: {  	[tilespmem:s31+$0x2BB0] =	vst.add.f32.msk $0xffff, v0  }
0x133: {  	s25 =	sadd.s32 $0x1000, s25;
	s30 =	sadd.s32 $0x40, s30;
	[tilespmem:s31+$0x2BF0] =	vst.add.f32.msk $0xffff, v0  }
0x134: {  	s25 =	simm.s32 $0x0  }
0x135: {  	[hbm4b:s10+s25] =	stream.linear.scatter [tilespmem:s19], [sflag:$0x3], $0x4000, $0x38;
	[tilespmem:$0xE900] =	vst v63  }
0x136: {  	_ =	swait.ge [sflag:s0], $0x4000  }
0x137: {  	[sflag:s0] =	ssyncset.done $0x0  }
0x138: {  	s1 =	simm.s32 $0x300;
	[sflag:s0] =	ssyncadd.s32 $0xFFFFC000  }
0x139: {  	[tilespmem:s24], [sflag:$0x2] =	stream.indirect.gather [hbm4b:s4+s18], $0x40, s1, s18, $0xb8;
	[tilespmem:$0xE900] =	vst v63  }
0x13a: {  	s31 =	simm.s32 $0x380  }
0x13b: {  	[tilespmem:s26], [sflag:$0x2] =	stream.indirect.gather [hbm4b:s4+s18], $0x40, s31, s18, $0xb8;
	[tilespmem:$0xE900] =	vst v63  }
0x13c: {  	_ =	swait.ge [sflag:s28], $0x2000  }
0x13d: {  	[sflag:s28] =	ssyncset.done $0x0  }
0x13e: {  	[sflag:s28] =	ssyncadd.s32 $0xFFFFE000  }
0x13f: {  	_ =	swait.ge [sflag:s28], $0x2000  }
0x140: {  	[sflag:s28] =	ssyncset.done $0x0  }
0x141: {  	s30 =	simm.s32 $0x1430;
	[sflag:s28] =	ssyncadd.s32 $0xFFFFE000  }
.LBB2_10:
0x142: {  	v0 =	vld [tilespmem:s30+$0xFFFFFFD0];
	_ =	sdelay $0x3  }
0x143: {  	s31 =	sshra.s32 s25, $0x2  }
0x144: {  	[tilespmem:s31+$0x6800] =	vst.add.f32.msk $0xffff, v0  }
0x145: {  	[tilespmem:s31+$0x6840] =	vst.add.f32.msk $0xffff, v0  }
0x146: {  	[tilespmem:s31+$0x6880] =	vst.add.f32.msk $0xffff, v0  }
0x147: {  	[tilespmem:s31+$0x68C0] =	vst.add.f32.msk $0xffff, v0  }
0x148: {  	[tilespmem:s31+$0x6900] =	vst.add.f32.msk $0xffff, v0  }
0x149: {  	[tilespmem:s31+$0x6940] =	vst.add.f32.msk $0xffff, v0  }
0x14a: {  	[tilespmem:s31+$0x6980] =	vst.add.f32.msk $0xffff, v0  }
0x14b: {  	[tilespmem:s31+$0x69C0] =	vst.add.f32.msk $0xffff, v0  }
0x14c: {  	[tilespmem:s31+$0x6A00] =	vst.add.f32.msk $0xffff, v0  }
0x14d: {  	[tilespmem:s31+$0x6A40] =	vst.add.f32.msk $0xffff, v0  }
0x14e: {  	[tilespmem:s31+$0x6A80] =	vst.add.f32.msk $0xffff, v0  }
0x14f: {  	[tilespmem:s31+$0x6AC0] =	vst.add.f32.msk $0xffff, v0  }
0x150: {  	[tilespmem:s31+$0x6B00] =	vst.add.f32.msk $0xffff, v0  }
0x151: {  	[tilespmem:s31+$0x6B40] =	vst.add.f32.msk $0xffff, v0  }
0x152: {  	[tilespmem:s31+$0x6B80] =	vst.add.f32.msk $0xffff, v0  }
0x153: {  	[tilespmem:s31+$0x6BC0] =	vst.add.f32.msk $0xffff, v0  }
0x154: {  	v0 =	vld [tilespmem:s30+$0xFFFFFFE0];
	_ =	sdelay $0x4  }
0x155: {  	[tilespmem:s31+$0x6810] =	vst.add.f32.msk $0xffff, v0  }
0x156: {  	[tilespmem:s31+$0x6850] =	vst.add.f32.msk $0xffff, v0  }
0x157: {  	[tilespmem:s31+$0x6890] =	vst.add.f32.msk $0xffff, v0  }
0x158: {  	[tilespmem:s31+$0x68D0] =	vst.add.f32.msk $0xffff, v0  }
0x159: {  	[tilespmem:s31+$0x6910] =	vst.add.f32.msk $0xffff, v0  }
0x15a: {  	[tilespmem:s31+$0x6950] =	vst.add.f32.msk $0xffff, v0  }
0x15b: {  	[tilespmem:s31+$0x6990] =	vst.add.f32.msk $0xffff, v0  }
0x15c: {  	[tilespmem:s31+$0x69D0] =	vst.add.f32.msk $0xffff, v0  }
0x15d: {  	[tilespmem:s31+$0x6A10] =	vst.add.f32.msk $0xffff, v0  }
0x15e: {  	[tilespmem:s31+$0x6A50] =	vst.add.f32.msk $0xffff, v0  }
0x15f: {  	[tilespmem:s31+$0x6A90] =	vst.add.f32.msk $0xffff, v0  }
0x160: {  	[tilespmem:s31+$0x6AD0] =	vst.add.f32.msk $0xffff, v0  }
0x161: {  	[tilespmem:s31+$0x6B10] =	vst.add.f32.msk $0xffff, v0  }
0x162: {  	[tilespmem:s31+$0x6B50] =	vst.add.f32.msk $0xffff, v0  }
0x163: {  	[tilespmem:s31+$0x6B90] =	vst.add.f32.msk $0xffff, v0  }
0x164: {  	[tilespmem:s31+$0x6BD0] =	vst.add.f32.msk $0xffff, v0  }
0x165: {  	v0 =	vld [tilespmem:s30+$0xFFFFFFF0];
	_ =	sdelay $0x4  }
0x166: {  	[tilespmem:s31+$0x6820] =	vst.add.f32.msk $0xffff, v0  }
0x167: {  	[tilespmem:s31+$0x6860] =	vst.add.f32.msk $0xffff, v0  }
0x168: {  	[tilespmem:s31+$0x68A0] =	vst.add.f32.msk $0xffff, v0  }
0x169: {  	[tilespmem:s31+$0x68E0] =	vst.add.f32.msk $0xffff, v0  }
0x16a: {  	[tilespmem:s31+$0x6920] =	vst.add.f32.msk $0xffff, v0  }
0x16b: {  	[tilespmem:s31+$0x6960] =	vst.add.f32.msk $0xffff, v0  }
0x16c: {  	[tilespmem:s31+$0x69A0] =	vst.add.f32.msk $0xffff, v0  }
0x16d: {  	[tilespmem:s31+$0x69E0] =	vst.add.f32.msk $0xffff, v0  }
0x16e: {  	[tilespmem:s31+$0x6A20] =	vst.add.f32.msk $0xffff, v0  }
0x16f: {  	[tilespmem:s31+$0x6A60] =	vst.add.f32.msk $0xffff, v0  }
0x170: {  	[tilespmem:s31+$0x6AA0] =	vst.add.f32.msk $0xffff, v0  }
0x171: {  	[tilespmem:s31+$0x6AE0] =	vst.add.f32.msk $0xffff, v0  }
0x172: {  	[tilespmem:s31+$0x6B20] =	vst.add.f32.msk $0xffff, v0  }
0x173: {  	[tilespmem:s31+$0x6B60] =	vst.add.f32.msk $0xffff, v0  }
0x174: {  	[tilespmem:s31+$0x6BA0] =	vst.add.f32.msk $0xffff, v0  }
0x175: {  	[tilespmem:s31+$0x6BE0] =	vst.add.f32.msk $0xffff, v0  }
0x176: {  	v0 =	vld [tilespmem:s30+$0x0];
	_ =	sdelay $0x4  }
0x177: {  	[tilespmem:s31+$0x6830] =	vst.add.f32.msk $0xffff, v0  }
0x178: {  	[tilespmem:s31+$0x6870] =	vst.add.f32.msk $0xffff, v0  }
0x179: {  	[tilespmem:s31+$0x68B0] =	vst.add.f32.msk $0xffff, v0  }
0x17a: {  	[tilespmem:s31+$0x68F0] =	vst.add.f32.msk $0xffff, v0  }
0x17b: {  	[tilespmem:s31+$0x6930] =	vst.add.f32.msk $0xffff, v0  }
0x17c: {  	[tilespmem:s31+$0x6970] =	vst.add.f32.msk $0xffff, v0  }
0x17d: {  	[tilespmem:s31+$0x69B0] =	vst.add.f32.msk $0xffff, v0  }
0x17e: {  	[tilespmem:s31+$0x69F0] =	vst.add.f32.msk $0xffff, v0  }
0x17f: {  	[tilespmem:s31+$0x6A30] =	vst.add.f32.msk $0xffff, v0  }
0x180: {  	[tilespmem:s31+$0x6A70] =	vst.add.f32.msk $0xffff, v0  }
0x181: {  	p1 =	sne.s32 s25, $0xF000;
	[tilespmem:s31+$0x6AB0] =	vst.add.f32.msk $0xffff, v0  }
.Ltmp4:
0x182: {  	[tilespmem:s31+$0x6AF0] =	vst.add.f32.msk $0xffff, v0;
	(pc) =	sbr.rel @p1 .LBB2_10-.Ltmp4, $4  }
0x183: {  	[tilespmem:s31+$0x6B30] =	vst.add.f32.msk $0xffff, v0  }
0x184: {  	[tilespmem:s31+$0x6B70] =	vst.add.f32.msk $0xffff, v0  }
0x185: {  	[tilespmem:s31+$0x6BB0] =	vst.add.f32.msk $0xffff, v0  }
0x186: {  	s25 =	sadd.s32 $0x1000, s25;
	s30 =	sadd.s32 $0x40, s30;
	[tilespmem:s31+$0x6BF0] =	vst.add.f32.msk $0xffff, v0  }
0x187: {  	s25 =	simm.s32 $0x0  }
0x188: {  	[hbm4b:s11+s25] =	stream.linear.scatter [tilespmem:s24], [sflag:$0x4], $0x4000, $0x38;
	[tilespmem:$0xE900] =	vst v63  }
0x189: {  	_ =	swait.ge [sflag:s29], $0x4000  }
0x18a: {  	[sflag:s29] =	ssyncset.done $0x0  }
0x18b: {  	s1 =	simm.s32 $0x400;
	[sflag:s29] =	ssyncadd.s32 $0xFFFFC000  }
0x18c: {  	[tilespmem:s19], [sflag:$0x1] =	stream.indirect.gather [hbm4b:s4+s18], $0x40, s1, s18, $0xb8;
	[tilespmem:$0xE900] =	vst v63  }
0x18d: {  	s31 =	simm.s32 $0x480  }
0x18e: {  	[tilespmem:s20], [sflag:$0x1] =	stream.indirect.gather [hbm4b:s4+s18], $0x40, s31, s18, $0xb8;
	[tilespmem:$0xE900] =	vst v63  }
0x18f: {  	_ =	swait.ge [sflag:s22], $0x2000  }
0x190: {  	[sflag:s22] =	ssyncset.done $0x0  }
0x191: {  	[sflag:s22] =	ssyncadd.s32 $0xFFFFE000  }
0x192: {  	_ =	swait.ge [sflag:s22], $0x2000  }
0x193: {  	[sflag:s22] =	ssyncset.done $0x0  }
0x194: {  	s30 =	simm.s32 $0x1830;
	[sflag:s22] =	ssyncadd.s32 $0xFFFFE000  }
.LBB2_12:
0x195: {  	v0 =	vld [tilespmem:s30+$0xFFFFFFD0];
	_ =	sdelay $0x3  }
0x196: {  	s31 =	sshra.s32 s25, $0x2  }
0x197: {  	[tilespmem:s31+$0x2800] =	vst.add.f32.msk $0xffff, v0  }
0x198: {  	[tilespmem:s31+$0x2840] =	vst.add.f32.msk $0xffff, v0  }
0x199: {  	[tilespmem:s31+$0x2880] =	vst.add.f32.msk $0xffff, v0  }
0x19a: {  	[tilespmem:s31+$0x28C0] =	vst.add.f32.msk $0xffff, v0  }
0x19b: {  	[tilespmem:s31+$0x2900] =	vst.add.f32.msk $0xffff, v0  }
0x19c: {  	[tilespmem:s31+$0x2940] =	vst.add.f32.msk $0xffff, v0  }
0x19d: {  	[tilespmem:s31+$0x2980] =	vst.add.f32.msk $0xffff, v0  }
0x19e: {  	[tilespmem:s31+$0x29C0] =	vst.add.f32.msk $0xffff, v0  }
0x19f: {  	[tilespmem:s31+$0x2A00] =	vst.add.f32.msk $0xffff, v0  }
0x1a0: {  	[tilespmem:s31+$0x2A40] =	vst.add.f32.msk $0xffff, v0  }
0x1a1: {  	[tilespmem:s31+$0x2A80] =	vst.add.f32.msk $0xffff, v0  }
0x1a2: {  	[tilespmem:s31+$0x2AC0] =	vst.add.f32.msk $0xffff, v0  }
0x1a3: {  	[tilespmem:s31+$0x2B00] =	vst.add.f32.msk $0xffff, v0  }
0x1a4: {  	[tilespmem:s31+$0x2B40] =	vst.add.f32.msk $0xffff, v0  }
0x1a5: {  	[tilespmem:s31+$0x2B80] =	vst.add.f32.msk $0xffff, v0  }
0x1a6: {  	[tilespmem:s31+$0x2BC0] =	vst.add.f32.msk $0xffff, v0  }
0x1a7: {  	v0 =	vld [tilespmem:s30+$0xFFFFFFE0];
	_ =	sdelay $0x4  }
0x1a8: {  	[tilespmem:s31+$0x2810] =	vst.add.f32.msk $0xffff, v0  }
0x1a9: {  	[tilespmem:s31+$0x2850] =	vst.add.f32.msk $0xffff, v0  }
0x1aa: {  	[tilespmem:s31+$0x2890] =	vst.add.f32.msk $0xffff, v0  }
0x1ab: {  	[tilespmem:s31+$0x28D0] =	vst.add.f32.msk $0xffff, v0  }
0x1ac: {  	[tilespmem:s31+$0x2910] =	vst.add.f32.msk $0xffff, v0  }
0x1ad: {  	[tilespmem:s31+$0x2950] =	vst.add.f32.msk $0xffff, v0  }
0x1ae: {  	[tilespmem:s31+$0x2990] =	vst.add.f32.msk $0xffff, v0  }
0x1af: {  	[tilespmem:s31+$0x29D0] =	vst.add.f32.msk $0xffff, v0  }
0x1b0: {  	[tilespmem:s31+$0x2A10] =	vst.add.f32.msk $0xffff, v0  }
0x1b1: {  	[tilespmem:s31+$0x2A50] =	vst.add.f32.msk $0xffff, v0  }
0x1b2: {  	[tilespmem:s31+$0x2A90] =	vst.add.f32.msk $0xffff, v0  }
0x1b3: {  	[tilespmem:s31+$0x2AD0] =	vst.add.f32.msk $0xffff, v0  }
0x1b4: {  	[tilespmem:s31+$0x2B10] =	vst.add.f32.msk $0xffff, v0  }
0x1b5: {  	[tilespmem:s31+$0x2B50] =	vst.add.f32.msk $0xffff, v0  }
0x1b6: {  	[tilespmem:s31+$0x2B90] =	vst.add.f32.msk $0xffff, v0  }
0x1b7: {  	[tilespmem:s31+$0x2BD0] =	vst.add.f32.msk $0xffff, v0  }
0x1b8: {  	v0 =	vld [tilespmem:s30+$0xFFFFFFF0];
	_ =	sdelay $0x4  }
0x1b9: {  	[tilespmem:s31+$0x2820] =	vst.add.f32.msk $0xffff, v0  }
0x1ba: {  	[tilespmem:s31+$0x2860] =	vst.add.f32.msk $0xffff, v0  }
0x1bb: {  	[tilespmem:s31+$0x28A0] =	vst.add.f32.msk $0xffff, v0  }
0x1bc: {  	[tilespmem:s31+$0x28E0] =	vst.add.f32.msk $0xffff, v0  }
0x1bd: {  	[tilespmem:s31+$0x2920] =	vst.add.f32.msk $0xffff, v0  }
0x1be: {  	[tilespmem:s31+$0x2960] =	vst.add.f32.msk $0xffff, v0  }
0x1bf: {  	[tilespmem:s31+$0x29A0] =	vst.add.f32.msk $0xffff, v0  }
0x1c0: {  	[tilespmem:s31+$0x29E0] =	vst.add.f32.msk $0xffff, v0  }
0x1c1: {  	[tilespmem:s31+$0x2A20] =	vst.add.f32.msk $0xffff, v0  }
0x1c2: {  	[tilespmem:s31+$0x2A60] =	vst.add.f32.msk $0xffff, v0  }
0x1c3: {  	[tilespmem:s31+$0x2AA0] =	vst.add.f32.msk $0xffff, v0  }
0x1c4: {  	[tilespmem:s31+$0x2AE0] =	vst.add.f32.msk $0xffff, v0  }
0x1c5: {  	[tilespmem:s31+$0x2B20] =	vst.add.f32.msk $0xffff, v0  }
0x1c6: {  	[tilespmem:s31+$0x2B60] =	vst.add.f32.msk $0xffff, v0  }
0x1c7: {  	[tilespmem:s31+$0x2BA0] =	vst.add.f32.msk $0xffff, v0  }
0x1c8: {  	[tilespmem:s31+$0x2BE0] =	vst.add.f32.msk $0xffff, v0  }
0x1c9: {  	v0 =	vld [tilespmem:s30+$0x0];
	_ =	sdelay $0x4  }
0x1ca: {  	[tilespmem:s31+$0x2830] =	vst.add.f32.msk $0xffff, v0  }
0x1cb: {  	[tilespmem:s31+$0x2870] =	vst.add.f32.msk $0xffff, v0  }
0x1cc: {  	[tilespmem:s31+$0x28B0] =	vst.add.f32.msk $0xffff, v0  }
0x1cd: {  	[tilespmem:s31+$0x28F0] =	vst.add.f32.msk $0xffff, v0  }
0x1ce: {  	[tilespmem:s31+$0x2930] =	vst.add.f32.msk $0xffff, v0  }
0x1cf: {  	[tilespmem:s31+$0x2970] =	vst.add.f32.msk $0xffff, v0  }
0x1d0: {  	[tilespmem:s31+$0x29B0] =	vst.add.f32.msk $0xffff, v0  }
0x1d1: {  	[tilespmem:s31+$0x29F0] =	vst.add.f32.msk $0xffff, v0  }
0x1d2: {  	[tilespmem:s31+$0x2A30] =	vst.add.f32.msk $0xffff, v0  }
0x1d3: {  	[tilespmem:s31+$0x2A70] =	vst.add.f32.msk $0xffff, v0  }
0x1d4: {  	p1 =	sne.s32 s25, $0xF000;
	[tilespmem:s31+$0x2AB0] =	vst.add.f32.msk $0xffff, v0  }
.Ltmp5:
0x1d5: {  	[tilespmem:s31+$0x2AF0] =	vst.add.f32.msk $0xffff, v0;
	(pc) =	sbr.rel @p1 .LBB2_12-.Ltmp5, $4  }
0x1d6: {  	[tilespmem:s31+$0x2B30] =	vst.add.f32.msk $0xffff, v0  }
0x1d7: {  	[tilespmem:s31+$0x2B70] =	vst.add.f32.msk $0xffff, v0  }
0x1d8: {  	[tilespmem:s31+$0x2BB0] =	vst.add.f32.msk $0xffff, v0  }
0x1d9: {  	s25 =	sadd.s32 $0x1000, s25;
	s30 =	sadd.s32 $0x40, s30;
	[tilespmem:s31+$0x2BF0] =	vst.add.f32.msk $0xffff, v0  }
0x1da: {  	s25 =	simm.s32 $0x0  }
0x1db: {  	[hbm4b:s12+s25] =	stream.linear.scatter [tilespmem:s19], [sflag:$0x3], $0x4000, $0x38;
	[tilespmem:$0xE900] =	vst v63  }
0x1dc: {  	_ =	swait.ge [sflag:s0], $0x4000  }
0x1dd: {  	[sflag:s0] =	ssyncset.done $0x0  }
0x1de: {  	s1 =	simm.s32 $0x500;
	[sflag:s0] =	ssyncadd.s32 $0xFFFFC000  }
0x1df: {  	[tilespmem:s24], [sflag:$0x2] =	stream.indirect.gather [hbm4b:s4+s18], $0x40, s1, s18, $0xb8;
	[tilespmem:$0xE900] =	vst v63  }
0x1e0: {  	s31 =	simm.s32 $0x580  }
0x1e1: {  	[tilespmem:s26], [sflag:$0x2] =	stream.indirect.gather [hbm4b:s4+s18], $0x40, s31, s18, $0xb8;
	[tilespmem:$0xE900] =	vst v63  }
0x1e2: {  	_ =	swait.ge [sflag:s28], $0x2000  }
0x1e3: {  	[sflag:s28] =	ssyncset.done $0x0  }
0x1e4: {  	[sflag:s28] =	ssyncadd.s32 $0xFFFFE000  }
0x1e5: {  	_ =	swait.ge [sflag:s28], $0x2000  }
0x1e6: {  	[sflag:s28] =	ssyncset.done $0x0  }
0x1e7: {  	s30 =	simm.s32 $0x1C30;
	[sflag:s28] =	ssyncadd.s32 $0xFFFFE000  }
.LBB2_14:
0x1e8: {  	v0 =	vld [tilespmem:s30+$0xFFFFFFD0];
	_ =	sdelay $0x3  }
0x1e9: {  	s31 =	sshra.s32 s25, $0x2  }
0x1ea: {  	[tilespmem:s31+$0x6800] =	vst.add.f32.msk $0xffff, v0  }
0x1eb: {  	[tilespmem:s31+$0x6840] =	vst.add.f32.msk $0xffff, v0  }
0x1ec: {  	[tilespmem:s31+$0x6880] =	vst.add.f32.msk $0xffff, v0  }
0x1ed: {  	[tilespmem:s31+$0x68C0] =	vst.add.f32.msk $0xffff, v0  }
0x1ee: {  	[tilespmem:s31+$0x6900] =	vst.add.f32.msk $0xffff, v0  }
0x1ef: {  	[tilespmem:s31+$0x6940] =	vst.add.f32.msk $0xffff, v0  }
0x1f0: {  	[tilespmem:s31+$0x6980] =	vst.add.f32.msk $0xffff, v0  }
0x1f1: {  	[tilespmem:s31+$0x69C0] =	vst.add.f32.msk $0xffff, v0  }
0x1f2: {  	[tilespmem:s31+$0x6A00] =	vst.add.f32.msk $0xffff, v0  }
0x1f3: {  	[tilespmem:s31+$0x6A40] =	vst.add.f32.msk $0xffff, v0  }
0x1f4: {  	[tilespmem:s31+$0x6A80] =	vst.add.f32.msk $0xffff, v0  }
0x1f5: {  	[tilespmem:s31+$0x6AC0] =	vst.add.f32.msk $0xffff, v0  }
0x1f6: {  	[tilespmem:s31+$0x6B00] =	vst.add.f32.msk $0xffff, v0  }
0x1f7: {  	[tilespmem:s31+$0x6B40] =	vst.add.f32.msk $0xffff, v0  }
0x1f8: {  	[tilespmem:s31+$0x6B80] =	vst.add.f32.msk $0xffff, v0  }
0x1f9: {  	[tilespmem:s31+$0x6BC0] =	vst.add.f32.msk $0xffff, v0  }
0x1fa: {  	v0 =	vld [tilespmem:s30+$0xFFFFFFE0];
	_ =	sdelay $0x4  }
0x1fb: {  	[tilespmem:s31+$0x6810] =	vst.add.f32.msk $0xffff, v0  }
0x1fc: {  	[tilespmem:s31+$0x6850] =	vst.add.f32.msk $0xffff, v0  }
0x1fd: {  	[tilespmem:s31+$0x6890] =	vst.add.f32.msk $0xffff, v0  }
0x1fe: {  	[tilespmem:s31+$0x68D0] =	vst.add.f32.msk $0xffff, v0  }
0x1ff: {  	[tilespmem:s31+$0x6910] =	vst.add.f32.msk $0xffff, v0  }
0x200: {  	[tilespmem:s31+$0x6950] =	vst.add.f32.msk $0xffff, v0  }
0x201: {  	[tilespmem:s31+$0x6990] =	vst.add.f32.msk $0xffff, v0  }
0x202: {  	[tilespmem:s31+$0x69D0] =	vst.add.f32.msk $0xffff, v0  }
0x203: {  	[tilespmem:s31+$0x6A10] =	vst.add.f32.msk $0xffff, v0  }
0x204: {  	[tilespmem:s31+$0x6A50] =	vst.add.f32.msk $0xffff, v0  }
0x205: {  	[tilespmem:s31+$0x6A90] =	vst.add.f32.msk $0xffff, v0  }
0x206: {  	[tilespmem:s31+$0x6AD0] =	vst.add.f32.msk $0xffff, v0  }
0x207: {  	[tilespmem:s31+$0x6B10] =	vst.add.f32.msk $0xffff, v0  }
0x208: {  	[tilespmem:s31+$0x6B50] =	vst.add.f32.msk $0xffff, v0  }
0x209: {  	[tilespmem:s31+$0x6B90] =	vst.add.f32.msk $0xffff, v0  }
0x20a: {  	[tilespmem:s31+$0x6BD0] =	vst.add.f32.msk $0xffff, v0  }
0x20b: {  	v0 =	vld [tilespmem:s30+$0xFFFFFFF0];
	_ =	sdelay $0x4  }
0x20c: {  	[tilespmem:s31+$0x6820] =	vst.add.f32.msk $0xffff, v0  }
0x20d: {  	[tilespmem:s31+$0x6860] =	vst.add.f32.msk $0xffff, v0  }
0x20e: {  	[tilespmem:s31+$0x68A0] =	vst.add.f32.msk $0xffff, v0  }
0x20f: {  	[tilespmem:s31+$0x68E0] =	vst.add.f32.msk $0xffff, v0  }
0x210: {  	[tilespmem:s31+$0x6920] =	vst.add.f32.msk $0xffff, v0  }
0x211: {  	[tilespmem:s31+$0x6960] =	vst.add.f32.msk $0xffff, v0  }
0x212: {  	[tilespmem:s31+$0x69A0] =	vst.add.f32.msk $0xffff, v0  }
0x213: {  	[tilespmem:s31+$0x69E0] =	vst.add.f32.msk $0xffff, v0  }
0x214: {  	[tilespmem:s31+$0x6A20] =	vst.add.f32.msk $0xffff, v0  }
0x215: {  	[tilespmem:s31+$0x6A60] =	vst.add.f32.msk $0xffff, v0  }
0x216: {  	[tilespmem:s31+$0x6AA0] =	vst.add.f32.msk $0xffff, v0  }
0x217: {  	[tilespmem:s31+$0x6AE0] =	vst.add.f32.msk $0xffff, v0  }
0x218: {  	[tilespmem:s31+$0x6B20] =	vst.add.f32.msk $0xffff, v0  }
0x219: {  	[tilespmem:s31+$0x6B60] =	vst.add.f32.msk $0xffff, v0  }
0x21a: {  	[tilespmem:s31+$0x6BA0] =	vst.add.f32.msk $0xffff, v0  }
0x21b: {  	[tilespmem:s31+$0x6BE0] =	vst.add.f32.msk $0xffff, v0  }
0x21c: {  	v0 =	vld [tilespmem:s30+$0x0];
	_ =	sdelay $0x4  }
0x21d: {  	[tilespmem:s31+$0x6830] =	vst.add.f32.msk $0xffff, v0  }
0x21e: {  	[tilespmem:s31+$0x6870] =	vst.add.f32.msk $0xffff, v0  }
0x21f: {  	[tilespmem:s31+$0x68B0] =	vst.add.f32.msk $0xffff, v0  }
0x220: {  	[tilespmem:s31+$0x68F0] =	vst.add.f32.msk $0xffff, v0  }
0x221: {  	[tilespmem:s31+$0x6930] =	vst.add.f32.msk $0xffff, v0  }
0x222: {  	[tilespmem:s31+$0x6970] =	vst.add.f32.msk $0xffff, v0  }
0x223: {  	[tilespmem:s31+$0x69B0] =	vst.add.f32.msk $0xffff, v0  }
0x224: {  	[tilespmem:s31+$0x69F0] =	vst.add.f32.msk $0xffff, v0  }
0x225: {  	[tilespmem:s31+$0x6A30] =	vst.add.f32.msk $0xffff, v0  }
0x226: {  	[tilespmem:s31+$0x6A70] =	vst.add.f32.msk $0xffff, v0  }
0x227: {  	p1 =	sne.s32 s25, $0xF000;
	[tilespmem:s31+$0x6AB0] =	vst.add.f32.msk $0xffff, v0  }
.Ltmp6:
0x228: {  	[tilespmem:s31+$0x6AF0] =	vst.add.f32.msk $0xffff, v0;
	(pc) =	sbr.rel @p1 .LBB2_14-.Ltmp6, $4  }
0x229: {  	[tilespmem:s31+$0x6B30] =	vst.add.f32.msk $0xffff, v0  }
0x22a: {  	[tilespmem:s31+$0x6B70] =	vst.add.f32.msk $0xffff, v0  }
0x22b: {  	[tilespmem:s31+$0x6BB0] =	vst.add.f32.msk $0xffff, v0  }
0x22c: {  	s25 =	sadd.s32 $0x1000, s25;
	s30 =	sadd.s32 $0x40, s30;
	[tilespmem:s31+$0x6BF0] =	vst.add.f32.msk $0xffff, v0  }
0x22d: {  	s25 =	simm.s32 $0x0  }
0x22e: {  	[hbm4b:s13+s25] =	stream.linear.scatter [tilespmem:s24], [sflag:$0x4], $0x4000, $0x38;
	[tilespmem:$0xE900] =	vst v63  }
0x22f: {  	_ =	swait.ge [sflag:s29], $0x4000  }
0x230: {  	[sflag:s29] =	ssyncset.done $0x0  }
0x231: {  	s1 =	simm.s32 $0x600;
	[sflag:s29] =	ssyncadd.s32 $0xFFFFC000  }
0x232: {  	[tilespmem:s19], [sflag:$0x1] =	stream.indirect.gather [hbm4b:s4+s18], $0x40, s1, s18, $0xb8;
	[tilespmem:$0xE900] =	vst v63  }
0x233: {  	s31 =	simm.s32 $0x680  }
0x234: {  	[tilespmem:s20], [sflag:$0x1] =	stream.indirect.gather [hbm4b:s4+s18], $0x40, s31, s18, $0xb8;
	[tilespmem:$0xE900] =	vst v63  }
0x235: {  	_ =	swait.ge [sflag:s22], $0x2000  }
0x236: {  	[sflag:s22] =	ssyncset.done $0x0  }
0x237: {  	[sflag:s22] =	ssyncadd.s32 $0xFFFFE000  }
0x238: {  	_ =	swait.ge [sflag:s22], $0x2000  }
0x239: {  	[sflag:s22] =	ssyncset.done $0x0  }
0x23a: {  	s30 =	simm.s32 $0x2030;
	[sflag:s22] =	ssyncadd.s32 $0xFFFFE000  }
.LBB2_16:
0x23b: {  	v0 =	vld [tilespmem:s30+$0xFFFFFFD0];
	_ =	sdelay $0x3  }
0x23c: {  	s31 =	sshra.s32 s25, $0x2  }
0x23d: {  	[tilespmem:s31+$0x2800] =	vst.add.f32.msk $0xffff, v0  }
0x23e: {  	[tilespmem:s31+$0x2840] =	vst.add.f32.msk $0xffff, v0  }
0x23f: {  	[tilespmem:s31+$0x2880] =	vst.add.f32.msk $0xffff, v0  }
0x240: {  	[tilespmem:s31+$0x28C0] =	vst.add.f32.msk $0xffff, v0  }
0x241: {  	[tilespmem:s31+$0x2900] =	vst.add.f32.msk $0xffff, v0  }
0x242: {  	[tilespmem:s31+$0x2940] =	vst.add.f32.msk $0xffff, v0  }
0x243: {  	[tilespmem:s31+$0x2980] =	vst.add.f32.msk $0xffff, v0  }
0x244: {  	[tilespmem:s31+$0x29C0] =	vst.add.f32.msk $0xffff, v0  }
0x245: {  	[tilespmem:s31+$0x2A00] =	vst.add.f32.msk $0xffff, v0  }
0x246: {  	[tilespmem:s31+$0x2A40] =	vst.add.f32.msk $0xffff, v0  }
0x247: {  	[tilespmem:s31+$0x2A80] =	vst.add.f32.msk $0xffff, v0  }
0x248: {  	[tilespmem:s31+$0x2AC0] =	vst.add.f32.msk $0xffff, v0  }
0x249: {  	[tilespmem:s31+$0x2B00] =	vst.add.f32.msk $0xffff, v0  }
0x24a: {  	[tilespmem:s31+$0x2B40] =	vst.add.f32.msk $0xffff, v0  }
0x24b: {  	[tilespmem:s31+$0x2B80] =	vst.add.f32.msk $0xffff, v0  }
0x24c: {  	[tilespmem:s31+$0x2BC0] =	vst.add.f32.msk $0xffff, v0  }
0x24d: {  	v0 =	vld [tilespmem:s30+$0xFFFFFFE0];
	_ =	sdelay $0x4  }
0x24e: {  	[tilespmem:s31+$0x2810] =	vst.add.f32.msk $0xffff, v0  }
0x24f: {  	[tilespmem:s31+$0x2850] =	vst.add.f32.msk $0xffff, v0  }
0x250: {  	[tilespmem:s31+$0x2890] =	vst.add.f32.msk $0xffff, v0  }
0x251: {  	[tilespmem:s31+$0x28D0] =	vst.add.f32.msk $0xffff, v0  }
0x252: {  	[tilespmem:s31+$0x2910] =	vst.add.f32.msk $0xffff, v0  }
0x253: {  	[tilespmem:s31+$0x2950] =	vst.add.f32.msk $0xffff, v0  }
0x254: {  	[tilespmem:s31+$0x2990] =	vst.add.f32.msk $0xffff, v0  }
0x255: {  	[tilespmem:s31+$0x29D0] =	vst.add.f32.msk $0xffff, v0  }
0x256: {  	[tilespmem:s31+$0x2A10] =	vst.add.f32.msk $0xffff, v0  }
0x257: {  	[tilespmem:s31+$0x2A50] =	vst.add.f32.msk $0xffff, v0  }
0x258: {  	[tilespmem:s31+$0x2A90] =	vst.add.f32.msk $0xffff, v0  }
0x259: {  	[tilespmem:s31+$0x2AD0] =	vst.add.f32.msk $0xffff, v0  }
0x25a: {  	[tilespmem:s31+$0x2B10] =	vst.add.f32.msk $0xffff, v0  }
0x25b: {  	[tilespmem:s31+$0x2B50] =	vst.add.f32.msk $0xffff, v0  }
0x25c: {  	[tilespmem:s31+$0x2B90] =	vst.add.f32.msk $0xffff, v0  }
0x25d: {  	[tilespmem:s31+$0x2BD0] =	vst.add.f32.msk $0xffff, v0  }
0x25e: {  	v0 =	vld [tilespmem:s30+$0xFFFFFFF0];
	_ =	sdelay $0x4  }
0x25f: {  	[tilespmem:s31+$0x2820] =	vst.add.f32.msk $0xffff, v0  }
0x260: {  	[tilespmem:s31+$0x2860] =	vst.add.f32.msk $0xffff, v0  }
0x261: {  	[tilespmem:s31+$0x28A0] =	vst.add.f32.msk $0xffff, v0  }
0x262: {  	[tilespmem:s31+$0x28E0] =	vst.add.f32.msk $0xffff, v0  }
0x263: {  	[tilespmem:s31+$0x2920] =	vst.add.f32.msk $0xffff, v0  }
0x264: {  	[tilespmem:s31+$0x2960] =	vst.add.f32.msk $0xffff, v0  }
0x265: {  	[tilespmem:s31+$0x29A0] =	vst.add.f32.msk $0xffff, v0  }
0x266: {  	[tilespmem:s31+$0x29E0] =	vst.add.f32.msk $0xffff, v0  }
0x267: {  	[tilespmem:s31+$0x2A20] =	vst.add.f32.msk $0xffff, v0  }
0x268: {  	[tilespmem:s31+$0x2A60] =	vst.add.f32.msk $0xffff, v0  }
0x269: {  	[tilespmem:s31+$0x2AA0] =	vst.add.f32.msk $0xffff, v0  }
0x26a: {  	[tilespmem:s31+$0x2AE0] =	vst.add.f32.msk $0xffff, v0  }
0x26b: {  	[tilespmem:s31+$0x2B20] =	vst.add.f32.msk $0xffff, v0  }
0x26c: {  	[tilespmem:s31+$0x2B60] =	vst.add.f32.msk $0xffff, v0  }
0x26d: {  	[tilespmem:s31+$0x2BA0] =	vst.add.f32.msk $0xffff, v0  }
0x26e: {  	[tilespmem:s31+$0x2BE0] =	vst.add.f32.msk $0xffff, v0  }
0x26f: {  	v0 =	vld [tilespmem:s30+$0x0];
	_ =	sdelay $0x4  }
0x270: {  	[tilespmem:s31+$0x2830] =	vst.add.f32.msk $0xffff, v0  }
0x271: {  	[tilespmem:s31+$0x2870] =	vst.add.f32.msk $0xffff, v0  }
0x272: {  	[tilespmem:s31+$0x28B0] =	vst.add.f32.msk $0xffff, v0  }
0x273: {  	[tilespmem:s31+$0x28F0] =	vst.add.f32.msk $0xffff, v0  }
0x274: {  	[tilespmem:s31+$0x2930] =	vst.add.f32.msk $0xffff, v0  }
0x275: {  	[tilespmem:s31+$0x2970] =	vst.add.f32.msk $0xffff, v0  }
0x276: {  	[tilespmem:s31+$0x29B0] =	vst.add.f32.msk $0xffff, v0  }
0x277: {  	[tilespmem:s31+$0x29F0] =	vst.add.f32.msk $0xffff, v0  }
0x278: {  	[tilespmem:s31+$0x2A30] =	vst.add.f32.msk $0xffff, v0  }
0x279: {  	[tilespmem:s31+$0x2A70] =	vst.add.f32.msk $0xffff, v0  }
0x27a: {  	p1 =	sne.s32 s25, $0xF000;
	[tilespmem:s31+$0x2AB0] =	vst.add.f32.msk $0xffff, v0  }
.Ltmp7:
0x27b: {  	[tilespmem:s31+$0x2AF0] =	vst.add.f32.msk $0xffff, v0;
	(pc) =	sbr.rel @p1 .LBB2_16-.Ltmp7, $4  }
0x27c: {  	[tilespmem:s31+$0x2B30] =	vst.add.f32.msk $0xffff, v0  }
0x27d: {  	[tilespmem:s31+$0x2B70] =	vst.add.f32.msk $0xffff, v0  }
0x27e: {  	[tilespmem:s31+$0x2BB0] =	vst.add.f32.msk $0xffff, v0  }
0x27f: {  	s25 =	sadd.s32 $0x1000, s25;
	s30 =	sadd.s32 $0x40, s30;
	[tilespmem:s31+$0x2BF0] =	vst.add.f32.msk $0xffff, v0  }
0x280: {  	s25 =	simm.s32 $0x0  }
0x281: {  	[hbm4b:s14+s25] =	stream.linear.scatter [tilespmem:s19], [sflag:$0x3], $0x4000, $0x38;
	[tilespmem:$0xE900] =	vst v63  }
0x282: {  	_ =	swait.ge [sflag:s0], $0x4000  }
0x283: {  	[sflag:s0] =	ssyncset.done $0x0  }
0x284: {  	[sflag:s0] =	ssyncadd.s32 $0xFFFFC000  }
0x285: {  	[tilespmem:s24], [sflag:$0x2] =	stream.indirect.gather [hbm4b:s4+s18], $0x40, s2, s18, $0xb8;
	[tilespmem:$0xE900] =	vst v63  }
0x286: {  	_ = 	snop  }
0x287: {  	[tilespmem:s26], [sflag:$0x2] =	stream.indirect.gather [hbm4b:s4+s18], $0x40, s21, s18, $0xb8;
	[tilespmem:$0xE900] =	vst v63  }
0x288: {  	_ =	swait.ge [sflag:s28], $0x2000  }
0x289: {  	[sflag:s28] =	ssyncset.done $0x0  }
0x28a: {  	[sflag:s28] =	ssyncadd.s32 $0xFFFFE000  }
0x28b: {  	_ =	swait.ge [sflag:s28], $0x2000  }
0x28c: {  	[sflag:s28] =	ssyncset.done $0x0  }
0x28d: {  	s30 =	simm.s32 $0x2430;
	[sflag:s28] =	ssyncadd.s32 $0xFFFFE000  }
.LBB2_18:
0x28e: {  	v0 =	vld [tilespmem:s30+$0xFFFFFFD0];
	_ =	sdelay $0x3  }
0x28f: {  	s31 =	sshra.s32 s25, $0x2  }
0x290: {  	[tilespmem:s31+$0x6800] =	vst.add.f32.msk $0xffff, v0  }
0x291: {  	[tilespmem:s31+$0x6840] =	vst.add.f32.msk $0xffff, v0  }
0x292: {  	[tilespmem:s31+$0x6880] =	vst.add.f32.msk $0xffff, v0  }
0x293: {  	[tilespmem:s31+$0x68C0] =	vst.add.f32.msk $0xffff, v0  }
0x294: {  	[tilespmem:s31+$0x6900] =	vst.add.f32.msk $0xffff, v0  }
0x295: {  	[tilespmem:s31+$0x6940] =	vst.add.f32.msk $0xffff, v0  }
0x296: {  	[tilespmem:s31+$0x6980] =	vst.add.f32.msk $0xffff, v0  }
0x297: {  	[tilespmem:s31+$0x69C0] =	vst.add.f32.msk $0xffff, v0  }
0x298: {  	[tilespmem:s31+$0x6A00] =	vst.add.f32.msk $0xffff, v0  }
0x299: {  	[tilespmem:s31+$0x6A40] =	vst.add.f32.msk $0xffff, v0  }
0x29a: {  	[tilespmem:s31+$0x6A80] =	vst.add.f32.msk $0xffff, v0  }
0x29b: {  	[tilespmem:s31+$0x6AC0] =	vst.add.f32.msk $0xffff, v0  }
0x29c: {  	[tilespmem:s31+$0x6B00] =	vst.add.f32.msk $0xffff, v0  }
0x29d: {  	[tilespmem:s31+$0x6B40] =	vst.add.f32.msk $0xffff, v0  }
0x29e: {  	[tilespmem:s31+$0x6B80] =	vst.add.f32.msk $0xffff, v0  }
0x29f: {  	[tilespmem:s31+$0x6BC0] =	vst.add.f32.msk $0xffff, v0  }
0x2a0: {  	v0 =	vld [tilespmem:s30+$0xFFFFFFE0];
	_ =	sdelay $0x4  }
0x2a1: {  	[tilespmem:s31+$0x6810] =	vst.add.f32.msk $0xffff, v0  }
0x2a2: {  	[tilespmem:s31+$0x6850] =	vst.add.f32.msk $0xffff, v0  }
0x2a3: {  	[tilespmem:s31+$0x6890] =	vst.add.f32.msk $0xffff, v0  }
0x2a4: {  	[tilespmem:s31+$0x68D0] =	vst.add.f32.msk $0xffff, v0  }
0x2a5: {  	[tilespmem:s31+$0x6910] =	vst.add.f32.msk $0xffff, v0  }
0x2a6: {  	[tilespmem:s31+$0x6950] =	vst.add.f32.msk $0xffff, v0  }
0x2a7: {  	[tilespmem:s31+$0x6990] =	vst.add.f32.msk $0xffff, v0  }
0x2a8: {  	[tilespmem:s31+$0x69D0] =	vst.add.f32.msk $0xffff, v0  }
0x2a9: {  	[tilespmem:s31+$0x6A10] =	vst.add.f32.msk $0xffff, v0  }
0x2aa: {  	[tilespmem:s31+$0x6A50] =	vst.add.f32.msk $0xffff, v0  }
0x2ab: {  	[tilespmem:s31+$0x6A90] =	vst.add.f32.msk $0xffff, v0  }
0x2ac: {  	[tilespmem:s31+$0x6AD0] =	vst.add.f32.msk $0xffff, v0  }
0x2ad: {  	[tilespmem:s31+$0x6B10] =	vst.add.f32.msk $0xffff, v0  }
0x2ae: {  	[tilespmem:s31+$0x6B50] =	vst.add.f32.msk $0xffff, v0  }
0x2af: {  	[tilespmem:s31+$0x6B90] =	vst.add.f32.msk $0xffff, v0  }
0x2b0: {  	[tilespmem:s31+$0x6BD0] =	vst.add.f32.msk $0xffff, v0  }
0x2b1: {  	v0 =	vld [tilespmem:s30+$0xFFFFFFF0];
	_ =	sdelay $0x4  }
0x2b2: {  	[tilespmem:s31+$0x6820] =	vst.add.f32.msk $0xffff, v0  }
0x2b3: {  	[tilespmem:s31+$0x6860] =	vst.add.f32.msk $0xffff, v0  }
0x2b4: {  	[tilespmem:s31+$0x68A0] =	vst.add.f32.msk $0xffff, v0  }
0x2b5: {  	[tilespmem:s31+$0x68E0] =	vst.add.f32.msk $0xffff, v0  }
0x2b6: {  	[tilespmem:s31+$0x6920] =	vst.add.f32.msk $0xffff, v0  }
0x2b7: {  	[tilespmem:s31+$0x6960] =	vst.add.f32.msk $0xffff, v0  }
0x2b8: {  	[tilespmem:s31+$0x69A0] =	vst.add.f32.msk $0xffff, v0  }
0x2b9: {  	[tilespmem:s31+$0x69E0] =	vst.add.f32.msk $0xffff, v0  }
0x2ba: {  	[tilespmem:s31+$0x6A20] =	vst.add.f32.msk $0xffff, v0  }
0x2bb: {  	[tilespmem:s31+$0x6A60] =	vst.add.f32.msk $0xffff, v0  }
0x2bc: {  	[tilespmem:s31+$0x6AA0] =	vst.add.f32.msk $0xffff, v0  }
0x2bd: {  	[tilespmem:s31+$0x6AE0] =	vst.add.f32.msk $0xffff, v0  }
0x2be: {  	[tilespmem:s31+$0x6B20] =	vst.add.f32.msk $0xffff, v0  }
0x2bf: {  	[tilespmem:s31+$0x6B60] =	vst.add.f32.msk $0xffff, v0  }
0x2c0: {  	[tilespmem:s31+$0x6BA0] =	vst.add.f32.msk $0xffff, v0  }
0x2c1: {  	[tilespmem:s31+$0x6BE0] =	vst.add.f32.msk $0xffff, v0  }
0x2c2: {  	v0 =	vld [tilespmem:s30+$0x0];
	_ =	sdelay $0x4  }
0x2c3: {  	[tilespmem:s31+$0x6830] =	vst.add.f32.msk $0xffff, v0  }
0x2c4: {  	[tilespmem:s31+$0x6870] =	vst.add.f32.msk $0xffff, v0  }
0x2c5: {  	[tilespmem:s31+$0x68B0] =	vst.add.f32.msk $0xffff, v0  }
0x2c6: {  	[tilespmem:s31+$0x68F0] =	vst.add.f32.msk $0xffff, v0  }
0x2c7: {  	[tilespmem:s31+$0x6930] =	vst.add.f32.msk $0xffff, v0  }
0x2c8: {  	[tilespmem:s31+$0x6970] =	vst.add.f32.msk $0xffff, v0  }
0x2c9: {  	[tilespmem:s31+$0x69B0] =	vst.add.f32.msk $0xffff, v0  }
0x2ca: {  	[tilespmem:s31+$0x69F0] =	vst.add.f32.msk $0xffff, v0  }
0x2cb: {  	[tilespmem:s31+$0x6A30] =	vst.add.f32.msk $0xffff, v0  }
0x2cc: {  	[tilespmem:s31+$0x6A70] =	vst.add.f32.msk $0xffff, v0  }
0x2cd: {  	p1 =	sne.s32 s25, $0xF000;
	[tilespmem:s31+$0x6AB0] =	vst.add.f32.msk $0xffff, v0  }
.Ltmp8:
0x2ce: {  	[tilespmem:s31+$0x6AF0] =	vst.add.f32.msk $0xffff, v0;
	(pc) =	sbr.rel @p1 .LBB2_18-.Ltmp8, $4  }
0x2cf: {  	[tilespmem:s31+$0x6B30] =	vst.add.f32.msk $0xffff, v0  }
0x2d0: {  	[tilespmem:s31+$0x6B70] =	vst.add.f32.msk $0xffff, v0  }
0x2d1: {  	[tilespmem:s31+$0x6BB0] =	vst.add.f32.msk $0xffff, v0  }
0x2d2: {  	s25 =	sadd.s32 $0x1000, s25;
	s30 =	sadd.s32 $0x40, s30;
	[tilespmem:s31+$0x6BF0] =	vst.add.f32.msk $0xffff, v0  }
0x2d3: {  	[hbm4b:s15+s3] =	stream.linear.scatter [tilespmem:s24], [sflag:$0x4], $0x4000, $0x38;
	[tilespmem:$0xE900] =	vst v63  }
0x2d4: {  	s23 =	sadd.s32 $0x1, s23  }
0x2d5: {  	_ =	swait.ge [sflag:s29], $0x4000;
	p1 =	sne.s32 s23, s16  }
.Ltmp9:
0x2d6: {  	[sflag:s29] =	ssyncset.done $0x0;
	(pc) =	sbr.rel @p1 .LBB2_1-.Ltmp9, $4  }
0x2d7: {  	[sflag:s29] =	ssyncadd.s32 $0xFFFFC000  }
0x2d8: {  	_ =	swait.ge [sflag:s0], $0x4000  }
0x2d9: {  	[sflag:s0] =	ssyncset.done $0x0  }
0x2da: {  	[sflag:s0] =	ssyncadd.s32 $0xFFFFC000  }
0x2db: {  	_ =	sfence.sel $0x180000  }
0x2dc: {  	[bflag:$0x0] =	sbarrier.arrive $0xFFFF  }
0x2dd: {  	_ =	strace $0x90000047  }
0x2de: {  	s0 =	stileid.u32;
	[bflag:$0x2] =	sbarrier.arrive $0xFFFF  }
0x2df: {  	p0 =	sne.s32 s0, $0x0;
	s0 =	rddreg [dreg:$0x3]  }
0x2e0: {  	s0 =	sadd.s32 @!p0 $0x100000, s0  }
0x2e1: {  	[sflag:s0] =	ssyncadd.tile.s32 @!p0 $0x1;
	_ =	shalt  }
.Lfunc_end2:
_tile_overlayer_lowered:
.L_overlay_start_2:
0x2e2: {  	(tag) =	ssettag $0x2  }
0x2e3: {  	s0 =	rddreg [dreg:$0x0];
	s2 =	stileid.u32  }
0x2e4: {  	s1 =	rddreg [dreg:$0x1];
	p0 =	sne.s32 s2, $0x0  }
0x2e5: {  	s3 =	rddreg [dreg:$0x2];
	[bflag:$0x3] =	sbarrier.arrive $0xFFFF;
	s2 =	simm.s32 @!p0 $0x1C06  }
0x2e6: {  	[timem:s3], [sflag:s2] =	dma.local @!p0 [hbm:s0], s1  }
0x2e7: {  	s0 =	simm.s32 @!p0 $0x6  }
0x2e8: {  	_ =	swait.ge @!p0 [sflag:s0], s1  }
0x2e9: {  	s1 =	ssub.s32 @!p0 $0x0, s1;
	[sflag:s0] =	ssyncset.done @!p0 $0x0  }
0x2ea: {  	[sflag:s0] =	ssyncadd.s32 @!p0 s1  }
0x2eb: {  	[bflag:$0x3] =	sbarrier.arrive $0xFFFF  }
0x2ec: {  	_ =	shalt  }

</sc_bundles>
